<compile_context>
chip_gen: v7x
topology: tpu7x:2x2x1
jax: 0.10.2.dev20260603
libtpu: 0.0.44.dev20260713+nightly
codegen_flags: <defaults>
</compile_context>

<pallas_src>
import jax
import jax.numpy as jnp
import numpy as np
from jax import lax
from jax.experimental import pallas as pl
from jax.experimental.pallas import tpu as pltpu
from jax.experimental.pallas import tpu_sc as plsc

_PHI = float((1.0 + np.sqrt(5.0)) / 2.0)
_EPS = 1e-10
_GRID = 64
_ELL_MAX = 10.0
_TAU = float(2.0 * np.pi)
_PI = float(np.pi)

_BI = 1024
_N = 4096
_NSUB = 16
_PPT = _N // _NSUB
_HR, _HC = 128, 32


def _cells(v, period):
    return jnp.clip(jnp.floor(v / period * _GRID).astype(jnp.int32),
                    0, _GRID - 1)


def _hash_body(ell_r, th_r, h_o):
    ce = _cells(jnp.clip(ell_r[:], 0.0, _ELL_MAX), _ELL_MAX)
    ct = _cells(jnp.mod(th_r[:], _TAU), _TAU)
    h_o[:] = ce * _GRID + ct


_NB = _N // _BI


def _tc_body(ell_l, th_l, fs_l, act_l, m_l, ell_c, th_c, fs_c, m_c, act_c,
             fell_o, fth_o, fellt_o, ftht_o, cs_ell, cs_th):
    ib = pl.program_id(0)
    ei = ell_c[:]
    ti = th_c[:]
    fi = fs_c[:] * act_c[:]
    mi = m_c[:]

    @pl.when(ib == 0)
    def _():
        cs_ell[:] = jnp.zeros((1, _N), jnp.float32)
        cs_th[:] = jnp.zeros((1, _N), jnp.float32)

    def step(jb, _):
        cols = pl.ds(jb * _BI, _BI)
        ej = ell_l[cols]
        tj = th_l[cols]
        fj = fs_l[cols] * act_l[cols]

        d_ell = ej[None, :] - ei
        d0 = tj[None, :] - ti
        d_th = jnp.where(d0 < -_PI, d0 + _TAU,
                         jnp.where(d0 >= _PI, d0 - _TAU, d0))

        a = jnp.abs(d_ell) + 1e-12
        b = jnp.abs(d_th) + 1e-12
        s = jnp.exp2(jnp.log2(a) * _PHI) + jnp.exp2(jnp.log2(b) * _PHI)
        q = jnp.exp2(jnp.log2(s) * (1.0 / _PHI))
        c1 = (s * q) * q
        epsq = _EPS * q
        num = fi * fj[None, :]

        @pl.when(jb == ib)
        def _():
            w_i = num / (c1 * mi + epsq)
            fell_o[:] = jnp.sum(w_i * d_ell, axis=1, keepdims=True)
            fth_o[:] = jnp.sum(w_i * d_th, axis=1, keepdims=True)

        @pl.when(jb > ib)
        def _():
            den_i = c1 * mi + epsq
            mj = m_l[cols]
            den_j = c1 * mj[None, :] + epsq
            rcp = num / (den_i * den_j)
            w_i = rcp * den_j
            w_j = rcp * den_i
            fell_o[:] = fell_o[:] + jnp.sum(w_i * d_ell, axis=1,
                                            keepdims=True)
            fth_o[:] = fth_o[:] + jnp.sum(w_i * d_th, axis=1,
                                          keepdims=True)
            ce = jnp.sum(w_j * d_ell, axis=0)
            ct = jnp.sum(w_j * d_th, axis=0)
            cs_ell[0, cols] = cs_ell[0, cols] - ce
            cs_th[0, cols] = cs_th[0, cols] - ct

        return 0

    lax.fori_loop(ib, _NB, step, 0)

    @pl.when(ib == _NB - 1)
    def _():
        fellt_o[:] = cs_ell[:]
        ftht_o[:] = cs_th[:]


def _sc_hist_body(h_hbm, out_hbm, idx_v, hist_v, part_v, acc_v, shared_hist):
    sid = lax.axis_index("s")
    zeros16 = jnp.zeros((16,), jnp.int32)
    lane = lax.iota(jnp.int32, 16)
    ones = jnp.ones((16,), jnp.int32)

    for c in range(_N // 16):
        hist_v[pl.ds(c * 16, 16)] = zeros16

    pltpu.sync_copy(h_hbm.at[pl.ds(sid * _PPT, _PPT)], idx_v)
    for c in range(_PPT // 16):
        chunk = idx_v[pl.ds(c * 16, 16)]
        for l in range(16):
            plsc.addupdate_scatter(hist_v, [chunk], ones, mask=(lane == l))

    pltpu.sync_copy(hist_v, shared_hist.at[sid])
    plsc.subcore_barrier()

    base = sid * _PPT
    pltpu.sync_copy(shared_hist.at[:, pl.ds(base, _PPT)], part_v)
    for c in range(_PPT // 16):
        acc = part_v[0, pl.ds(c * 16, 16)]
        for p in range(1, _NSUB):
            acc = acc + part_v[p, pl.ds(c * 16, 16)]
        acc_v[pl.ds(c * 16, 16)] = acc
    pltpu.sync_copy(acc_v, out_hbm.at[pl.ds(base, _PPT)])


def _sc_hist(h):
    mesh = plsc.VectorSubcoreMesh(core_axis_name="c", subcore_axis_name="s",
                                  num_cores=1, num_subcores=_NSUB)
    f = pl.kernel(
        _sc_hist_body,
        out_type=jax.ShapeDtypeStruct((_N,), jnp.int32),
        mesh=mesh,
        scratch_types=[
            pltpu.VMEM((_PPT,), jnp.int32),
            pltpu.VMEM((_N,), jnp.int32),
            pltpu.VMEM((_NSUB, _PPT), jnp.int32),
            pltpu.VMEM((_PPT,), jnp.int32),
            pltpu.VMEM_SHARED((_NSUB, _N), jnp.int32),
        ],
        compiler_params=pltpu.CompilerParams(needs_layout_passes=False),
    )
    return f(h)


def kernel(ell, theta, field_strengths, masses, frozen):
    n = ell.shape[0]
    act = (~frozen).astype(jnp.float32)
    col = lambda v: v.reshape(n, 1)
    full = pl.BlockSpec((n,), lambda i: (0,))
    blk = pl.BlockSpec((_BI, 1), lambda i: (i, 0))
    h = pl.pallas_call(
        _hash_body,
        out_shape=jax.ShapeDtypeStruct((n,), jnp.int32),
    )(ell, theta)
    row = pl.BlockSpec((1, n), lambda i: (0, 0))
    fell, fth, fellt, ftht = pl.pallas_call(
        _tc_body,
        grid=(n // _BI,),
        in_specs=[full, full, full, full, full, blk, blk, blk, blk, blk],
        out_specs=(blk, blk, row, row),
        out_shape=(
            jax.ShapeDtypeStruct((n, 1), jnp.float32),
            jax.ShapeDtypeStruct((n, 1), jnp.float32),
            jax.ShapeDtypeStruct((1, n), jnp.float32),
            jax.ShapeDtypeStruct((1, n), jnp.float32),
        ),
        scratch_shapes=[
            pltpu.VMEM((1, n), jnp.float32),
            pltpu.VMEM((1, n), jnp.float32),
        ],
        compiler_params=pltpu.CompilerParams(
            vmem_limit_bytes=128 * 1024 * 1024),
    )(ell, theta, field_strengths, act, masses,
      col(ell), col(theta), col(field_strengths), col(masses), col(act))
    cnt = _sc_hist(h)
    forces = jnp.stack([fell[:, 0] + fellt[0, :], fth[:, 0] + ftht[0, :]],
                       axis=0)
    return forces, cnt

# --- scband reference (transcript-rebuilt; emitter-appended) ---
"""Pipeline reference for scband-gwave-field-gpu-47236050321967 (READ-ONLY COPY).

The authoritative reference and input builder live on the scoring server;
editing this copy changes nothing except your own understanding.
"""

import jax, jax.numpy as jnp
import numpy as np

PHI = float((1.0 + np.sqrt(5.0)) / 2.0)
EPS = 1e-10
GRID = 64
ELL_MAX = 10.0
TAU = float(2.0 * np.pi)


def setup_inputs(seed: int = 0) -> dict:
    key = jax.random.key(seed)
    k1, k2, k3, k4 = jax.random.split(key, 4)
    N = 4096
    ell = jax.random.uniform(k1, (N,), dtype=jnp.float32) * 2.0
    theta = jax.random.uniform(k2, (N,), dtype=jnp.float32) * TAU
    field_strengths = jax.random.uniform(k3, (N,), dtype=jnp.float32) + 0.5
    masses = jax.random.uniform(k4, (N,), dtype=jnp.float32) + 0.5
    frozen = jnp.zeros((N,), dtype=bool)
    return {"ell": ell, "theta": theta, "field_strengths": field_strengths, "masses": masses, "frozen": frozen}


def reference(ell, theta, field_strengths, masses, frozen):
    N = ell.shape[0]
    active = ~frozen
    # --- spatial hash / histogram binning (the spatial_hash step) ---
    cell_ell = jnp.clip(jnp.floor(jnp.clip(ell, 0.0, ELL_MAX) / ELL_MAX * GRID).astype(jnp.int32), 0, GRID - 1)
    cell_theta = jnp.clip(jnp.floor(jnp.mod(theta, TAU) / TAU * GRID).astype(jnp.int32), 0, GRID - 1)
    hash_idx = cell_ell * GRID + cell_theta
    counts = jnp.bincount(hash_idx, length=GRID * GRID)
    # --- pairwise phi-norm force kernel (compute_parallel_forces inner math) ---
    d_ell = ell[None, :] - ell[:, None]
    d_theta = jnp.remainder(theta[None, :] - theta[:, None] + np.pi, TAU) - np.pi
    d_L = jnp.power(jnp.power(jnp.abs(d_ell) + 1e-12, PHI) + jnp.power(jnp.abs(d_theta) + 1e-12, PHI), 1.0 / PHI) + EPS
    F_mag = field_strengths[None, :] * field_strengths[:, None] / (jnp.power(d_L, 1.0 + PHI) * masses[:, None] + EPS)
    mask = (active[None, :] & active[:, None]) & (~jnp.eye(N, dtype=bool))
    F_mag = F_mag * mask.astype(F_mag.dtype)
    unit_ell = d_ell / d_L
    unit_theta = d_theta / d_L
    F_ell = jnp.sum(F_mag * unit_ell, axis=1)
    F_theta = jnp.sum(F_mag * unit_theta, axis=1)
    forces = jnp.stack([F_ell, F_theta], axis=0)
    return forces, counts

if __name__ == "__main__":
    import jax
    _d = setup_inputs()
    print(jax.jit(kernel)(*tuple(_d.values())))

</pallas_src>

<mosaic_0001>
#map = affine_map<(d0, d1) -> (0)>
module attributes {stable_mosaic.version = 14 : i64} {
  func.func @_sc_hist_body(%arg0: i32, %arg1: i32, %arg2: memref<4096xi32, #tpu.memory_space<hbm>>, %arg3: memref<4096xi32, #tpu.memory_space<hbm>>, %arg4: memref<256xi32, #tpu.memory_space<vmem>>, %arg5: memref<4096xi32, #tpu.memory_space<vmem>>, %arg6: memref<16x256xi32, #tpu.memory_space<vmem>>, %arg7: memref<256xi32, #tpu.memory_space<vmem>>, %arg8: memref<16x4096xi32, #tpu.memory_space<vmem_shared>>) attributes {dimension_semantics = [#tpu.dimension_semantics<core_parallel>, #tpu.dimension_semantics<subcore_parallel>], iteration_bounds = array<i64: 1, 16>, scalar_prefetch = 0 : i64, scratch_operands = 5 : i64, tpu.core_type = #tpu.core_type<sc_vector_subcore>, window_params = [{transform_indices = #map}, {transform_indices = #map}]} {
    %broadcast_in_dim3A = arith.constant 0 : i32
    %broadcast_in_dim3A_0 = vector.broadcast %broadcast_in_dim3A : i32 to vector<16xi32>
    %iota3A = tpu.iota {dimensions = array<i32: 0>} : vector<16xi32>
    %broadcast_in_dim3A_1 = arith.constant 1 : i32
    %broadcast_in_dim3A_2 = vector.broadcast %broadcast_in_dim3A_1 : i32 to vector<16xi32>
    %swap3A = arith.constant 0 : index
    %swap3A_3 = tpu.vector_load %arg5[%swap3A] {strides = array<i32>} : memref<4096xi32, #tpu.memory_space<vmem>>, vector<16xi32>,
    tpu.vector_store %arg5[%swap3A], %broadcast_in_dim3A_0 {strides = array<i32>} : memref<4096xi32, #tpu.memory_space<vmem>>, vector<16xi32>,
    %swap3A_4 = arith.constant 16 : index
    %swap3A_5 = tpu.vector_load %arg5[%swap3A_4] {strides = array<i32>} : memref<4096xi32, #tpu.memory_space<vmem>>, vector<16xi32>,
    tpu.vector_store %arg5[%swap3A_4], %broadcast_in_dim3A_0 {strides = array<i32>} : memref<4096xi32, #tpu.memory_space<vmem>>, vector<16xi32>,
    %swap3A_6 = arith.constant 32 : index
    %swap3A_7 = tpu.vector_load %arg5[%swap3A_6] {strides = array<i32>} : memref<4096xi32, #tpu.memory_space<vmem>>, vector<16xi32>,
    tpu.vector_store %arg5[%swap3A_6], %broadcast_in_dim3A_0 {strides = array<i32>} : memref<4096xi32, #tpu.memory_space<vmem>>, vector<16xi32>,
    %swap3A_8 = arith.constant 48 : index
    %swap3A_9 = tpu.vector_load %arg5[%swap3A_8] {strides = array<i32>} : memref<4096xi32, #tpu.memory_space<vmem>>, vector<16xi32>,
    tpu.vector_store %arg5[%swap3A_8], %broadcast_in_dim3A_0 {strides = array<i32>} : memref<4096xi32, #tpu.memory_space<vmem>>, vector<16xi32>,
    %swap3A_10 = arith.constant 64 : index
    %swap3A_11 = tpu.vector_load %arg5[%swap3A_10] {strides = array<i32>} : memref<4096xi32, #tpu.memory_space<vmem>>, vector<16xi32>,
    tpu.vector_store %arg5[%swap3A_10], %broadcast_in_dim3A_0 {strides = array<i32>} : memref<4096xi32, #tpu.memory_space<vmem>>, vector<16xi32>,
    %swap3A_12 = arith.constant 80 : index
    %swap3A_13 = tpu.vector_load %arg5[%swap3A_12] {strides = array<i32>} : memref<4096xi32, #tpu.memory_space<vmem>>, vector<16xi32>,
    tpu.vector_store %arg5[%swap3A_12], %broadcast_in_dim3A_0 {strides = array<i32>} : memref<4096xi32, #tpu.memory_space<vmem>>, vector<16xi32>,
    %swap3A_14 = arith.constant 96 : index
    %swap3A_15 = tpu.vector_load %arg5[%swap3A_14] {strides = array<i32>} : memref<4096xi32, #tpu.memory_space<vmem>>, vector<16xi32>,
    tpu.vector_store %arg5[%swap3A_14], %broadcast_in_dim3A_0 {strides = array<i32>} : memref<4096xi32, #tpu.memory_space<vmem>>, vector<16xi32>,
    %swap3A_16 = arith.constant 112 : index
    %swap3A_17 = tpu.vector_load %arg5[%swap3A_16] {strides = array<i32>} : memref<4096xi32, #tpu.memory_space<vmem>>, vector<16xi32>,
    tpu.vector_store %arg5[%swap3A_16], %broadcast_in_dim3A_0 {strides = array<i32>} : memref<4096xi32, #tpu.memory_space<vmem>>, vector<16xi32>,
    %swap3A_18 = arith.constant 128 : index
    %swap3A_19 = tpu.vector_load %arg5[%swap3A_18] {strides = array<i32>} : memref<4096xi32, #tpu.memory_space<vmem>>, vector<16xi32>,
    tpu.vector_store %arg5[%swap3A_18], %broadcast_in_dim3A_0 {strides = array<i32>} : memref<4096xi32, #tpu.memory_space<vmem>>, vector<16xi32>,
    %swap3A_20 = arith.constant 144 : index
    %swap3A_21 = tpu.vector_load %arg5[%swap3A_20] {strides = array<i32>} : memref<4096xi32, #tpu.memory_space<vmem>>, vector<16xi32>,
    tpu.vector_store %arg5[%swap3A_20], %broadcast_in_dim3A_0 {strides = array<i32>} : memref<4096xi32, #tpu.memory_space<vmem>>, vector<16xi32>,
    %swap3A_22 = arith.constant 160 : index
    %swap3A_23 = tpu.vector_load %arg5[%swap3A_22] {strides = array<i32>} : memref<4096xi32, #tpu.memory_space<vmem>>, vector<16xi32>,
    tpu.vector_store %arg5[%swap3A_22], %broadcast_in_dim3A_0 {strides = array<i32>} : memref<4096xi32, #tpu.memory_space<vmem>>, vector<16xi32>,
    %swap3A_24 = arith.constant 176 : index
    %swap3A_25 = tpu.vector_load %arg5[%swap3A_24] {strides = array<i32>} : memref<4096xi32, #tpu.memory_space<vmem>>, vector<16xi32>,
    tpu.vector_store %arg5[%swap3A_24], %broadcast_in_dim3A_0 {strides = array<i32>} : memref<4096xi32, #tpu.memory_space<vmem>>, vector<16xi32>,
    %swap3A_26 = arith.constant 192 : index
    %swap3A_27 = tpu.vector_load %arg5[%swap3A_26] {strides = array<i32>} : memref<4096xi32, #tpu.memory_space<vmem>>, vector<16xi32>,
    tpu.vector_store %arg5[%swap3A_26], %broadcast_in_dim3A_0 {strides = array<i32>} : memref<4096xi32, #tpu.memory_space<vmem>>, vector<16xi32>,
    %swap3A_28 = arith.constant 208 : index
    %swap3A_29 = tpu.vector_load %arg5[%swap3A_28] {strides = array<i32>} : memref<4096xi32, #tpu.memory_space<vmem>>, vector<16xi32>,
    tpu.vector_store %arg5[%swap3A_28], %broadcast_in_dim3A_0 {strides = array<i32>} : memref<4096xi32, #tpu.memory_space<vmem>>, vector<16xi32>,
    %swap3A_30 = arith.constant 224 : index
    %swap3A_31 = tpu.vector_load %arg5[%swap3A_30] {strides = array<i32>} : memref<4096xi32, #tpu.memory_space<vmem>>, vector<16xi32>,
    tpu.vector_store %arg5[%swap3A_30], %broadcast_in_dim3A_0 {strides = array<i32>} : memref<4096xi32, #tpu.memory_space<vmem>>, vector<16xi32>,
    %swap3A_32 = arith.constant 240 : index
    %swap3A_33 = tpu.vector_load %arg5[%swap3A_32] {strides = array<i32>} : memref<4096xi32, #tpu.memory_space<vmem>>, vector<16xi32>,
    tpu.vector_store %arg5[%swap3A_32], %broadcast_in_dim3A_0 {strides = array<i32>} : memref<4096xi32, #tpu.memory_space<vmem>>, vector<16xi32>,
    %swap3A_34 = arith.constant 256 : index
    %swap3A_35 = tpu.vector_load %arg5[%swap3A_34] {strides = array<i32>} : memref<4096xi32, #tpu.memory_space<vmem>>, vector<16xi32>,
    tpu.vector_store %arg5[%swap3A_34], %broadcast_in_dim3A_0 {strides = array<i32>} : memref<4096xi32, #tpu.memory_space<vmem>>, vector<16xi32>,
    %swap3A_36 = arith.constant 272 : index
    %swap3A_37 = tpu.vector_load %arg5[%swap3A_36] {strides = array<i32>} : memref<4096xi32, #tpu.memory_space<vmem>>, vector<16xi32>,
    tpu.vector_store %arg5[%swap3A_36], %broadcast_in_dim3A_0 {strides = array<i32>} : memref<4096xi32, #tpu.memory_space<vmem>>, vector<16xi32>,
    %swap3A_38 = arith.constant 288 : index
    %swap3A_39 = tpu.vector_load %arg5[%swap3A_38] {strides = array<i32>} : memref<4096xi32, #tpu.memory_space<vmem>>, vector<16xi32>,
    tpu.vector_store %arg5[%swap3A_38], %broadcast_in_dim3A_0 {strides = array<i32>} : memref<4096xi32, #tpu.memory_space<vmem>>, vector<16xi32>,
    %swap3A_40 = arith.constant 304 : index
    %swap3A_41 = tpu.vector_load %arg5[%swap3A_40] {strides = array<i32>} : memref<4096xi32, #tpu.memory_space<vmem>>, vector<16xi32>,
    tpu.vector_store %arg5[%swap3A_40], %broadcast_in_dim3A_0 {strides = array<i32>} : memref<4096xi32, #tpu.memory_space<vmem>>, vector<16xi32>,
    %swap3A_42 = arith.constant 320 : index
    %swap3A_43 = tpu.vector_load %arg5[%swap3A_42] {strides = array<i32>} : memref<4096xi32, #tpu.memory_space<vmem>>, vector<16xi32>,
    tpu.vector_store %arg5[%swap3A_42], %broadcast_in_dim3A_0 {strides = array<i32>} : memref<4096xi32, #tpu.memory_space<vmem>>, vector<16xi32>,
    %swap3A_44 = arith.constant 336 : index
    %swap3A_45 = tpu.vector_load %arg5[%swap3A_44] {strides = array<i32>} : memref<4096xi32, #tpu.memory_space<vmem>>, vector<16xi32>,
    tpu.vector_store %arg5[%swap3A_44], %broadcast_in_dim3A_0 {strides = array<i32>} : memref<4096xi32, #tpu.memory_space<vmem>>, vector<16xi32>,
    %swap3A_46 = arith.constant 352 : index
    %swap3A_47 = tpu.vector_load %arg5[%swap3A_46] {strides = array<i32>} : memref<4096xi32, #tpu.memory_space<vmem>>, vector<16xi32>,
    tpu.vector_store %arg5[%swap3A_46], %broadcast_in_dim3A_0 {strides = array<i32>} : memref<4096xi32, #tpu.memory_space<vmem>>, vector<16xi32>,
    %swap3A_48 = arith.constant 368 : index
    %swap3A_49 = tpu.vector_load %arg5[%swap3A_48] {strides = array<i32>} : memref<4096xi32, #tpu.memory_space<vmem>>, vector<16xi32>,
    tpu.vector_store %arg5[%swap3A_48], %broadcast_in_dim3A_0 {strides = array<i32>} : memref<4096xi32, #tpu.memory_space<vmem>>, vector<16xi32>,
    %swap3A_50 = arith.constant 384 : index
    %swap3A_51 = tpu.vector_load %arg5[%swap3A_50] {strides = array<i32>} : memref<4096xi32, #tpu.memory_space<vmem>>, vector<16xi32>,
    tpu.vector_store %arg5[%swap3A_50], %broadcast_in_dim3A_0 {strides = array<i32>} : memref<4096xi32, #tpu.memory_space<vmem>>, vector<16xi32>,
    %swap3A_52 = arith.constant 400 : index
    %swap3A_53 = tpu.vector_load %arg5[%swap3A_52] {strides = array<i32>} : memref<4096xi32, #tpu.memory_space<vmem>>, vector<16xi32>,
    tpu.vector_store %arg5[%swap3A_52], %broadcast_in_dim3A_0 {strides = array<i32>} : memref<4096xi32, #tpu.memory_space<vmem>>, vector<16xi32>,
    %swap3A_54 = arith.constant 416 : index
    %swap3A_55 = tpu.vector_load %arg5[%swap3A_54] {strides = array<i32>} : memref<4096xi32, #tpu.memory_space<vmem>>, vector<16xi32>,
    tpu.vector_store %arg5[%swap3A_54], %broadcast_in_dim3A_0 {strides = array<i32>} : memref<4096xi32, #tpu.memory_space<vmem>>, vector<16xi32>,
    %swap3A_56 = arith.constant 432 : index
    %swap3A_57 = tpu.vector_load %arg5[%swap3A_56] {strides = array<i32>} : memref<4096xi32, #tpu.memory_space<vmem>>, vector<16xi32>,
    tpu.vector_store %arg5[%swap3A_56], %broadcast_in_dim3A_0 {strides = array<i32>} : memref<4096xi32, #tpu.memory_space<vmem>>, vector<16xi32>,
    %swap3A_58 = arith.constant 448 : index
    %swap3A_59 = tpu.vector_load %arg5[%swap3A_58] {strides = array<i32>} : memref<4096xi32, #tpu.memory_space<vmem>>, vector<16xi32>,
    tpu.vector_store %arg5[%swap3A_58], %broadcast_in_dim3A_0 {strides = array<i32>} : memref<4096xi32, #tpu.memory_space<vmem>>, vector<16xi32>,
    %swap3A_60 = arith.constant 464 : index
    %swap3A_61 = tpu.vector_load %arg5[%swap3A_60] {strides = array<i32>} : memref<4096xi32, #tpu.memory_space<vmem>>, vector<16xi32>,
    tpu.vector_store %arg5[%swap3A_60], %broadcast_in_dim3A_0 {strides = array<i32>} : memref<4096xi32, #tpu.memory_space<vmem>>, vector<16xi32>,
    %swap3A_62 = arith.constant 480 : index
    %swap3A_63 = tpu.vector_load %arg5[%swap3A_62] {strides = array<i32>} : memref<4096xi32, #tpu.memory_space<vmem>>, vector<16xi32>,
    tpu.vector_store %arg5[%swap3A_62], %broadcast_in_dim3A_0 {strides = array<i32>} : memref<4096xi32, #tpu.memory_space<vmem>>, vector<16xi32>,
    %swap3A_64 = arith.constant 496 : index
    %swap3A_65 = tpu.vector_load %arg5[%swap3A_64] {strides = array<i32>} : memref<4096xi32, #tpu.memory_space<vmem>>, vector<16xi32>,
    tpu.vector_store %arg5[%swap3A_64], %broadcast_in_dim3A_0 {strides = array<i32>} : memref<4096xi32, #tpu.memory_space<vmem>>, vector<16xi32>,
    %swap3A_66 = arith.constant 512 : index
    %swap3A_67 = tpu.vector_load %arg5[%swap3A_66] {strides = array<i32>} : memref<4096xi32, #tpu.memory_space<vmem>>, vector<16xi32>,
    tpu.vector_store %arg5[%swap3A_66], %broadcast_in_dim3A_0 {strides = array<i32>} : memref<4096xi32, #tpu.memory_space<vmem>>, vector<16xi32>,
    %swap3A_68 = arith.constant 528 : index
    %swap3A_69 = tpu.vector_load %arg5[%swap3A_68] {strides = array<i32>} : memref<4096xi32, #tpu.memory_space<vmem>>, vector<16xi32>,
    tpu.vector_store %arg5[%swap3A_68], %broadcast_in_dim3A_0 {strides = array<i32>} : memref<4096xi32, #tpu.memory_space<vmem>>, vector<16xi32>,
    %swap3A_70 = arith.constant 544 : index
    %swap3A_71 = tpu.vector_load %arg5[%swap3A_70] {strides = array<i32>} : memref<4096xi32, #tpu.memory_space<vmem>>, vector<16xi32>,
    tpu.vector_store %arg5[%swap3A_70], %broadcast_in_dim3A_0 {strides = array<i32>} : memref<4096xi32, #tpu.memory_space<vmem>>, vector<16xi32>,
    %swap3A_72 = arith.constant 560 : index
    %swap3A_73 = tpu.vector_load %arg5[%swap3A_72] {strides = array<i32>} : memref<4096xi32, #tpu.memory_space<vmem>>, vector<16xi32>,
    tpu.vector_store %arg5[%swap3A_72], %broadcast_in_dim3A_0 {strides = array<i32>} : memref<4096xi32, #tpu.memory_space<vmem>>, vector<16xi32>,
    %swap3A_74 = arith.constant 576 : index
    %swap3A_75 = tpu.vector_load %arg5[%swap3A_74] {strides = array<i32>} : memref<4096xi32, #tpu.memory_space<vmem>>, vector<16xi32>,
    tpu.vector_store %arg5[%swap3A_74], %broadcast_in_dim3A_0 {strides = array<i32>} : memref<4096xi32, #tpu.memory_space<vmem>>, vector<16xi32>,
    %swap3A_76 = arith.constant 592 : index
    %swap3A_77 = tpu.vector_load %arg5[%swap3A_76] {strides = array<i32>} : memref<4096xi32, #tpu.memory_space<vmem>>, vector<16xi32>,
    tpu.vector_store %arg5[%swap3A_76], %broadcast_in_dim3A_0 {strides = array<i32>} : memref<4096xi32, #tpu.memory_space<vmem>>, vector<16xi32>,
    %swap3A_78 = arith.constant 608 : index
    %swap3A_79 = tpu.vector_load %arg5[%swap3A_78] {strides = array<i32>} : memref<4096xi32, #tpu.memory_space<vmem>>, vector<16xi32>,
    tpu.vector_store %arg5[%swap3A_78], %broadcast_in_dim3A_0 {strides = array<i32>} : memref<4096xi32, #tpu.memory_space<vmem>>, vector<16xi32>,
    %swap3A_80 = arith.constant 624 : index
    %swap3A_81 = tpu.vector_load %arg5[%swap3A_80] {strides = array<i32>} : memref<4096xi32, #tpu.memory_space<vmem>>, vector<16xi32>,
    tpu.vector_store %arg5[%swap3A_80], %broadcast_in_dim3A_0 {strides = array<i32>} : memref<4096xi32, #tpu.memory_space<vmem>>, vector<16xi32>,
    %swap3A_82 = arith.constant 640 : index
    %swap3A_83 = tpu.vector_load %arg5[%swap3A_82] {strides = array<i32>} : memref<4096xi32, #tpu.memory_space<vmem>>, vector<16xi32>,
    tpu.vector_store %arg5[%swap3A_82], %broadcast_in_dim3A_0 {strides = array<i32>} : memref<4096xi32, #tpu.memory_space<vmem>>, vector<16xi32>,
    %swap3A_84 = arith.constant 656 : index
    %swap3A_85 = tpu.vector_load %arg5[%swap3A_84] {strides = array<i32>} : memref<4096xi32, #tpu.memory_space<vmem>>, vector<16xi32>,
    tpu.vector_store %arg5[%swap3A_84], %broadcast_in_dim3A_0 {strides = array<i32>} : memref<4096xi32, #tpu.memory_space<vmem>>, vector<16xi32>,
    %swap3A_86 = arith.constant 672 : index
    %swap3A_87 = tpu.vector_load %arg5[%swap3A_86] {strides = array<i32>} : memref<4096xi32, #tpu.memory_space<vmem>>, vector<16xi32>,
    tpu.vector_store %arg5[%swap3A_86], %broadcast_in_dim3A_0 {strides = array<i32>} : memref<4096xi32, #tpu.memory_space<vmem>>, vector<16xi32>,
    %swap3A_88 = arith.constant 688 : index
    %swap3A_89 = tpu.vector_load %arg5[%swap3A_88] {strides = array<i32>} : memref<4096xi32, #tpu.memory_space<vmem>>, vector<16xi32>,
    tpu.vector_store %arg5[%swap3A_88], %broadcast_in_dim3A_0 {strides = array<i32>} : memref<4096xi32, #tpu.memory_space<vmem>>, vector<16xi32>,
    %swap3A_90 = arith.constant 704 : index
    %swap3A_91 = tpu.vector_load %arg5[%swap3A_90] {strides = array<i32>} : memref<4096xi32, #tpu.memory_space<vmem>>, vector<16xi32>,
    tpu.vector_store %arg5[%swap3A_90], %broadcast_in_dim3A_0 {strides = array<i32>} : memref<4096xi32, #tpu.memory_space<vmem>>, vector<16xi32>,
    %swap3A_92 = arith.constant 720 : index
    %swap3A_93 = tpu.vector_load %arg5[%swap3A_92] {strides = array<i32>} : memref<4096xi32, #tpu.memory_space<vmem>>, vector<16xi32>,
    tpu.vector_store %arg5[%swap3A_92], %broadcast_in_dim3A_0 {strides = array<i32>} : memref<4096xi32, #tpu.memory_space<vmem>>, vector<16xi32>,
    %swap3A_94 = arith.constant 736 : index
    %swap3A_95 = tpu.vector_load %arg5[%swap3A_94] {strides = array<i32>} : memref<4096xi32, #tpu.memory_space<vmem>>, vector<16xi32>,
    tpu.vector_store %arg5[%swap3A_94], %broadcast_in_dim3A_0 {strides = array<i32>} : memref<4096xi32, #tpu.memory_space<vmem>>, vector<16xi32>,
    %swap3A_96 = arith.constant 752 : index
    %swap3A_97 = tpu.vector_load %arg5[%swap3A_96] {strides = array<i32>} : memref<4096xi32, #tpu.memory_space<vmem>>, vector<16xi32>,
    tpu.vector_store %arg5[%swap3A_96], %broadcast_in_dim3A_0 {strides = array<i32>} : memref<4096xi32, #tpu.memory_space<vmem>>, vector<16xi32>,
    %swap3A_98 = arith.constant 768 : index
    %swap3A_99 = tpu.vector_load %arg5[%swap3A_98] {strides = array<i32>} : memref<4096xi32, #tpu.memory_space<vmem>>, vector<16xi32>,
    tpu.vector_store %arg5[%swap3A_98], %broadcast_in_dim3A_0 {strides = array<i32>} : memref<4096xi32, #tpu.memory_space<vmem>>, vector<16xi32>,
    %swap3A_100 = arith.constant 784 : index
    %swap3A_101 = tpu.vector_load %arg5[%swap3A_100] {strides = array<i32>} : memref<4096xi32, #tpu.memory_space<vmem>>, vector<16xi32>,
    tpu.vector_store %arg5[%swap3A_100], %broadcast_in_dim3A_0 {strides = array<i32>} : memref<4096xi32, #tpu.memory_space<vmem>>, vector<16xi32>,
    %swap3A_102 = arith.constant 800 : index
    %swap3A_103 = tpu.vector_load %arg5[%swap3A_102] {strides = array<i32>} : memref<4096xi32, #tpu.memory_space<vmem>>, vector<16xi32>,
    tpu.vector_store %arg5[%swap3A_102], %broadcast_in_dim3A_0 {strides = array<i32>} : memref<4096xi32, #tpu.memory_space<vmem>>, vector<16xi32>,
    %swap3A_104 = arith.constant 816 : index
    %swap3A_105 = tpu.vector_load %arg5[%swap3A_104] {strides = array<i32>} : memref<4096xi32, #tpu.memory_space<vmem>>, vector<16xi32>,
    tpu.vector_store %arg5[%swap3A_104], %broadcast_in_dim3A_0 {strides = array<i32>} : memref<4096xi32, #tpu.memory_space<vmem>>, vector<16xi32>,
    %swap3A_106 = arith.constant 832 : index
    %swap3A_107 = tpu.vector_load %arg5[%swap3A_106] {strides = array<i32>} : memref<4096xi32, #tpu.memory_space<vmem>>, vector<16xi32>,
    tpu.vector_store %arg5[%swap3A_106], %broadcast_in_dim3A_0 {strides = array<i32>} : memref<4096xi32, #tpu.memory_space<vmem>>, vector<16xi32>,
    %swap3A_108 = arith.constant 848 : index
    %swap3A_109 = tpu.vector_load %arg5[%swap3A_108] {strides = array<i32>} : memref<4096xi32, #tpu.memory_space<vmem>>, vector<16xi32>,
    tpu.vector_store %arg5[%swap3A_108], %broadcast_in_dim3A_0 {strides = array<i32>} : memref<4096xi32, #tpu.memory_space<vmem>>, vector<16xi32>,
    %swap3A_110 = arith.constant 864 : index
    %swap3A_111 = tpu.vector_load %arg5[%swap3A_110] {strides = array<i32>} : memref<4096xi32, #tpu.memory_space<vmem>>, vector<16xi32>,
    tpu.vector_store %arg5[%swap3A_110], %broadcast_in_dim3A_0 {strides = array<i32>} : memref<4096xi32, #tpu.memory_space<vmem>>, vector<16xi32>,
    %swap3A_112 = arith.constant 880 : index
    %swap3A_113 = tpu.vector_load %arg5[%swap3A_112] {strides = array<i32>} : memref<4096xi32, #tpu.memory_space<vmem>>, vector<16xi32>,
    tpu.vector_store %arg5[%swap3A_112], %broadcast_in_dim3A_0 {strides = array<i32>} : memref<4096xi32, #tpu.memory_space<vmem>>, vector<16xi32>,
    %swap3A_114 = arith.constant 896 : index
    %swap3A_115 = tpu.vector_load %arg5[%swap3A_114] {strides = array<i32>} : memref<4096xi32, #tpu.memory_space<vmem>>, vector<16xi32>,
    tpu.vector_store %arg5[%swap3A_114], %broadcast_in_dim3A_0 {strides = array<i32>} : memref<4096xi32, #tpu.memory_space<vmem>>, vector<16xi32>,
    %swap3A_116 = arith.constant 912 : index
    %swap3A_117 = tpu.vector_load %arg5[%swap3A_116] {strides = array<i32>} : memref<4096xi32, #tpu.memory_space<vmem>>, vector<16xi32>,
    tpu.vector_store %arg5[%swap3A_116], %broadcast_in_dim3A_0 {strides = array<i32>} : memref<4096xi32, #tpu.memory_space<vmem>>, vector<16xi32>,
    %swap3A_118 = arith.constant 928 : index
    %swap3A_119 = tpu.vector_load %arg5[%swap3A_118] {strides = array<i32>} : memref<4096xi32, #tpu.memory_space<vmem>>, vector<16xi32>,
    tpu.vector_store %arg5[%swap3A_118], %broadcast_in_dim3A_0 {strides = array<i32>} : memref<4096xi32, #tpu.memory_space<vmem>>, vector<16xi32>,
    %swap3A_120 = arith.constant 944 : index
    %swap3A_121 = tpu.vector_load %arg5[%swap3A_120] {strides = array<i32>} : memref<4096xi32, #tpu.memory_space<vmem>>, vector<16xi32>,
    tpu.vector_store %arg5[%swap3A_120], %broadcast_in_dim3A_0 {strides = array<i32>} : memref<4096xi32, #tpu.memory_space<vmem>>, vector<16xi32>,
    %swap3A_122 = arith.constant 960 : index
    %swap3A_123 = tpu.vector_load %arg5[%swap3A_122] {strides = array<i32>} : memref<4096xi32, #tpu.memory_space<vmem>>, vector<16xi32>,
    tpu.vector_store %arg5[%swap3A_122], %broadcast_in_dim3A_0 {strides = array<i32>} : memref<4096xi32, #tpu.memory_space<vmem>>, vector<16xi32>,
    %swap3A_124 = arith.constant 976 : index
    %swap3A_125 = tpu.vector_load %arg5[%swap3A_124] {strides = array<i32>} : memref<4096xi32, #tpu.memory_space<vmem>>, vector<16xi32>,
    tpu.vector_store %arg5[%swap3A_124], %broadcast_in_dim3A_0 {strides = array<i32>} : memref<4096xi32, #tpu.memory_space<vmem>>, vector<16xi32>,
    %swap3A_126 = arith.constant 992 : index
    %swap3A_127 = tpu.vector_load %arg5[%swap3A_126] {strides = array<i32>} : memref<4096xi32, #tpu.memory_space<vmem>>, vector<16xi32>,
    tpu.vector_store %arg5[%swap3A_126], %broadcast_in_dim3A_0 {strides = array<i32>} : memref<4096xi32, #tpu.memory_space<vmem>>, vector<16xi32>,
    %swap3A_128 = arith.constant 1008 : index
    %swap3A_129 = tpu.vector_load %arg5[%swap3A_128] {strides = array<i32>} : memref<4096xi32, #tpu.memory_space<vmem>>, vector<16xi32>,
    tpu.vector_store %arg5[%swap3A_128], %broadcast_in_dim3A_0 {strides = array<i32>} : memref<4096xi32, #tpu.memory_space<vmem>>, vector<16xi32>,
    %swap3A_130 = arith.constant 1024 : index
    %swap3A_131 = tpu.vector_load %arg5[%swap3A_130] {strides = array<i32>} : memref<4096xi32, #tpu.memory_space<vmem>>, vector<16xi32>,
    tpu.vector_store %arg5[%swap3A_130], %broadcast_in_dim3A_0 {strides = array<i32>} : memref<4096xi32, #tpu.memory_space<vmem>>, vector<16xi32>,
    %swap3A_132 = arith.constant 1040 : index
    %swap3A_133 = tpu.vector_load %arg5[%swap3A_132] {strides = array<i32>} : memref<4096xi32, #tpu.memory_space<vmem>>, vector<16xi32>,
    tpu.vector_store %arg5[%swap3A_132], %broadcast_in_dim3A_0 {strides = array<i32>} : memref<4096xi32, #tpu.memory_space<vmem>>, vector<16xi32>,
    %swap3A_134 = arith.constant 1056 : index
    %swap3A_135 = tpu.vector_load %arg5[%swap3A_134] {strides = array<i32>} : memref<4096xi32, #tpu.memory_space<vmem>>, vector<16xi32>,
    tpu.vector_store %arg5[%swap3A_134], %broadcast_in_dim3A_0 {strides = array<i32>} : memref<4096xi32, #tpu.memory_space<vmem>>, vector<16xi32>,
    %swap3A_136 = arith.constant 1072 : index
    %swap3A_137 = tpu.vector_load %arg5[%swap3A_136] {strides = array<i32>} : memref<4096xi32, #tpu.memory_space<vmem>>, vector<16xi32>,
    tpu.vector_store %arg5[%swap3A_136], %broadcast_in_dim3A_0 {strides = array<i32>} : memref<4096xi32, #tpu.memory_space<vmem>>, vector<16xi32>,
    %swap3A_138 = arith.constant 1088 : index
    %swap3A_139 = tpu.vector_load %arg5[%swap3A_138] {strides = array<i32>} : memref<4096xi32, #tpu.memory_space<vmem>>, vector<16xi32>,
    tpu.vector_store %arg5[%swap3A_138], %broadcast_in_dim3A_0 {strides = array<i32>} : memref<4096xi32, #tpu.memory_space<vmem>>, vector<16xi32>,
    %swap3A_140 = arith.constant 1104 : index
    %swap3A_141 = tpu.vector_load %arg5[%swap3A_140] {strides = array<i32>} : memref<4096xi32, #tpu.memory_space<vmem>>, vector<16xi32>,
    tpu.vector_store %arg5[%swap3A_140], %broadcast_in_dim3A_0 {strides = array<i32>} : memref<4096xi32, #tpu.memory_space<vmem>>, vector<16xi32>,
    %swap3A_142 = arith.constant 1120 : index
    %swap3A_143 = tpu.vector_load %arg5[%swap3A_142] {strides = array<i32>} : memref<4096xi32, #tpu.memory_space<vmem>>, vector<16xi32>,
    tpu.vector_store %arg5[%swap3A_142], %broadcast_in_dim3A_0 {strides = array<i32>} : memref<4096xi32, #tpu.memory_space<vmem>>, vector<16xi32>,
    %swap3A_144 = arith.constant 1136 : index
    %swap3A_145 = tpu.vector_load %arg5[%swap3A_144] {strides = array<i32>} : memref<4096xi32, #tpu.memory_space<vmem>>, vector<16xi32>,
    tpu.vector_store %arg5[%swap3A_144], %broadcast_in_dim3A_0 {strides = array<i32>} : memref<4096xi32, #tpu.memory_space<vmem>>, vector<16xi32>,
    %swap3A_146 = arith.constant 1152 : index
    %swap3A_147 = tpu.vector_load %arg5[%swap3A_146] {strides = array<i32>} : memref<4096xi32, #tpu.memory_space<vmem>>, vector<16xi32>,
    tpu.vector_store %arg5[%swap3A_146], %broadcast_in_dim3A_0 {strides = array<i32>} : memref<4096xi32, #tpu.memory_space<vmem>>, vector<16xi32>,
    %swap3A_148 = arith.constant 1168 : index
    %swap3A_149 = tpu.vector_load %arg5[%swap3A_148] {strides = array<i32>} : memref<4096xi32, #tpu.memory_space<vmem>>, vector<16xi32>,
    tpu.vector_store %arg5[%swap3A_148], %broadcast_in_dim3A_0 {strides = array<i32>} : memref<4096xi32, #tpu.memory_space<vmem>>, vector<16xi32>,
    %swap3A_150 = arith.constant 1184 : index
    %swap3A_151 = tpu.vector_load %arg5[%swap3A_150] {strides = array<i32>} : memref<4096xi32, #tpu.memory_space<vmem>>, vector<16xi32>,
    tpu.vector_store %arg5[%swap3A_150], %broadcast_in_dim3A_0 {strides = array<i32>} : memref<4096xi32, #tpu.memory_space<vmem>>, vector<16xi32>,
    %swap3A_152 = arith.constant 1200 : index
    %swap3A_153 = tpu.vector_load %arg5[%swap3A_152] {strides = array<i32>} : memref<4096xi32, #tpu.memory_space<vmem>>, vector<16xi32>,
    tpu.vector_store %arg5[%swap3A_152], %broadcast_in_dim3A_0 {strides = array<i32>} : memref<4096xi32, #tpu.memory_space<vmem>>, vector<16xi32>,
    %swap3A_154 = arith.constant 1216 : index
    %swap3A_155 = tpu.vector_load %arg5[%swap3A_154] {strides = array<i32>} : memref<4096xi32, #tpu.memory_space<vmem>>, vector<16xi32>,
    tpu.vector_store %arg5[%swap3A_154], %broadcast_in_dim3A_0 {strides = array<i32>} : memref<4096xi32, #tpu.memory_space<vmem>>, vector<16xi32>,
    %swap3A_156 = arith.constant 1232 : index
    %swap3A_157 = tpu.vector_load %arg5[%swap3A_156] {strides = array<i32>} : memref<4096xi32, #tpu.memory_space<vmem>>, vector<16xi32>,
    tpu.vector_store %arg5[%swap3A_156], %broadcast_in_dim3A_0 {strides = array<i32>} : memref<4096xi32, #tpu.memory_space<vmem>>, vector<16xi32>,
    %swap3A_158 = arith.constant 1248 : index
    %swap3A_159 = tpu.vector_load %arg5[%swap3A_158] {strides = array<i32>} : memref<4096xi32, #tpu.memory_space<vmem>>, vector<16xi32>,
    tpu.vector_store %arg5[%swap3A_158], %broadcast_in_dim3A_0 {strides = array<i32>} : memref<4096xi32, #tpu.memory_space<vmem>>, vector<16xi32>,
    %swap3A_160 = arith.constant 1264 : index
    %swap3A_161 = tpu.vector_load %arg5[%swap3A_160] {strides = array<i32>} : memref<4096xi32, #tpu.memory_space<vmem>>, vector<16xi32>,
    tpu.vector_store %arg5[%swap3A_160], %broadcast_in_dim3A_0 {strides = array<i32>} : memref<4096xi32, #tpu.memory_space<vmem>>, vector<16xi32>,
    %swap3A_162 = arith.constant 1280 : index
    %swap3A_163 = tpu.vector_load %arg5[%swap3A_162] {strides = array<i32>} : memref<4096xi32, #tpu.memory_space<vmem>>, vector<16xi32>,
    tpu.vector_store %arg5[%swap3A_162], %broadcast_in_dim3A_0 {strides = array<i32>} : memref<4096xi32, #tpu.memory_space<vmem>>, vector<16xi32>,
    %swap3A_164 = arith.constant 1296 : index
    %swap3A_165 = tpu.vector_load %arg5[%swap3A_164] {strides = array<i32>} : memref<4096xi32, #tpu.memory_space<vmem>>, vector<16xi32>,
    tpu.vector_store %arg5[%swap3A_164], %broadcast_in_dim3A_0 {strides = array<i32>} : memref<4096xi32, #tpu.memory_space<vmem>>, vector<16xi32>,
    %swap3A_166 = arith.constant 1312 : index
    %swap3A_167 = tpu.vector_load %arg5[%swap3A_166] {strides = array<i32>} : memref<4096xi32, #tpu.memory_space<vmem>>, vector<16xi32>,
    tpu.vector_store %arg5[%swap3A_166], %broadcast_in_dim3A_0 {strides = array<i32>} : memref<4096xi32, #tpu.memory_space<vmem>>, vector<16xi32>,
    %swap3A_168 = arith.constant 1328 : index
    %swap3A_169 = tpu.vector_load %arg5[%swap3A_168] {strides = array<i32>} : memref<4096xi32, #tpu.memory_space<vmem>>, vector<16xi32>,
    tpu.vector_store %arg5[%swap3A_168], %broadcast_in_dim3A_0 {strides = array<i32>} : memref<4096xi32, #tpu.memory_space<vmem>>, vector<16xi32>,
    %swap3A_170 = arith.constant 1344 : index
    %swap3A_171 = tpu.vector_load %arg5[%swap3A_170] {strides = array<i32>} : memref<4096xi32, #tpu.memory_space<vmem>>, vector<16xi32>,
    tpu.vector_store %arg5[%swap3A_170], %broadcast_in_dim3A_0 {strides = array<i32>} : memref<4096xi32, #tpu.memory_space<vmem>>, vector<16xi32>,
    %swap3A_172 = arith.constant 1360 : index
    %swap3A_173 = tpu.vector_load %arg5[%swap3A_172] {strides = array<i32>} : memref<4096xi32, #tpu.memory_space<vmem>>, vector<16xi32>,
    tpu.vector_store %arg5[%swap3A_172], %broadcast_in_dim3A_0 {strides = array<i32>} : memref<4096xi32, #tpu.memory_space<vmem>>, vector<16xi32>,
    %swap3A_174 = arith.constant 1376 : index
    %swap3A_175 = tpu.vector_load %arg5[%swap3A_174] {strides = array<i32>} : memref<4096xi32, #tpu.memory_space<vmem>>, vector<16xi32>,
    tpu.vector_store %arg5[%swap3A_174], %broadcast_in_dim3A_0 {strides = array<i32>} : memref<4096xi32, #tpu.memory_space<vmem>>, vector<16xi32>,
    %swap3A_176 = arith.constant 1392 : index
    %swap3A_177 = tpu.vector_load %arg5[%swap3A_176] {strides = array<i32>} : memref<4096xi32, #tpu.memory_space<vmem>>, vector<16xi32>,
    tpu.vector_store %arg5[%swap3A_176], %broadcast_in_dim3A_0 {strides = array<i32>} : memref<4096xi32, #tpu.memory_space<vmem>>, vector<16xi32>,
    %swap3A_178 = arith.constant 1408 : index
    %swap3A_179 = tpu.vector_load %arg5[%swap3A_178] {strides = array<i32>} : memref<4096xi32, #tpu.memory_space<vmem>>, vector<16xi32>,
    tpu.vector_store %arg5[%swap3A_178], %broadcast_in_dim3A_0 {strides = array<i32>} : memref<4096xi32, #tpu.memory_space<vmem>>, vector<16xi32>,
    %swap3A_180 = arith.constant 1424 : index
    %swap3A_181 = tpu.vector_load %arg5[%swap3A_180] {strides = array<i32>} : memref<4096xi32, #tpu.memory_space<vmem>>, vector<16xi32>,
    tpu.vector_store %arg5[%swap3A_180], %broadcast_in_dim3A_0 {strides = array<i32>} : memref<4096xi32, #tpu.memory_space<vmem>>, vector<16xi32>,
    %swap3A_182 = arith.constant 1440 : index
    %swap3A_183 = tpu.vector_load %arg5[%swap3A_182] {strides = array<i32>} : memref<4096xi32, #tpu.memory_space<vmem>>, vector<16xi32>,
    tpu.vector_store %arg5[%swap3A_182], %broadcast_in_dim3A_0 {strides = array<i32>} : memref<4096xi32, #tpu.memory_space<vmem>>, vector<16xi32>,
    %swap3A_184 = arith.constant 1456 : index
    %swap3A_185 = tpu.vector_load %arg5[%swap3A_184] {strides = array<i32>} : memref<4096xi32, #tpu.memory_space<vmem>>, vector<16xi32>,
    tpu.vector_store %arg5[%swap3A_184], %broadcast_in_dim3A_0 {strides = array<i32>} : memref<4096xi32, #tpu.memory_space<vmem>>, vector<16xi32>,
    %swap3A_186 = arith.constant 1472 : index
    %swap3A_187 = tpu.vector_load %arg5[%swap3A_186] {strides = array<i32>} : memref<4096xi32, #tpu.memory_space<vmem>>, vector<16xi32>,
    tpu.vector_store %arg5[%swap3A_186], %broadcast_in_dim3A_0 {strides = array<i32>} : memref<4096xi32, #tpu.memory_space<vmem>>, vector<16xi32>,
    %swap3A_188 = arith.constant 1488 : index
    %swap3A_189 = tpu.vector_load %arg5[%swap3A_188] {strides = array<i32>} : memref<4096xi32, #tpu.memory_space<vmem>>, vector<16xi32>,
    tpu.vector_store %arg5[%swap3A_188], %broadcast_in_dim3A_0 {strides = array<i32>} : memref<4096xi32, #tpu.memory_space<vmem>>, vector<16xi32>,
    %swap3A_190 = arith.constant 1504 : index
    %swap3A_191 = tpu.vector_load %arg5[%swap3A_190] {strides = array<i32>} : memref<4096xi32, #tpu.memory_space<vmem>>, vector<16xi32>,
    tpu.vector_store %arg5[%swap3A_190], %broadcast_in_dim3A_0 {strides = array<i32>} : memref<4096xi32, #tpu.memory_space<vmem>>, vector<16xi32>,
    %swap3A_192 = arith.constant 1520 : index
    %swap3A_193 = tpu.vector_load %arg5[%swap3A_192] {strides = array<i32>} : memref<4096xi32, #tpu.memory_space<vmem>>, vector<16xi32>,
    tpu.vector_store %arg5[%swap3A_192], %broadcast_in_dim3A_0 {strides = array<i32>} : memref<4096xi32, #tpu.memory_space<vmem>>, vector<16xi32>,
    %swap3A_194 = arith.constant 1536 : index
    %swap3A_195 = tpu.vector_load %arg5[%swap3A_194] {strides = array<i32>} : memref<4096xi32, #tpu.memory_space<vmem>>, vector<16xi32>,
    tpu.vector_store %arg5[%swap3A_194], %broadcast_in_dim3A_0 {strides = array<i32>} : memref<4096xi32, #tpu.memory_space<vmem>>, vector<16xi32>,
    %swap3A_196 = arith.constant 1552 : index
    %swap3A_197 = tpu.vector_load %arg5[%swap3A_196] {strides = array<i32>} : memref<4096xi32, #tpu.memory_space<vmem>>, vector<16xi32>,
    tpu.vector_store %arg5[%swap3A_196], %broadcast_in_dim3A_0 {strides = array<i32>} : memref<4096xi32, #tpu.memory_space<vmem>>, vector<16xi32>,
    %swap3A_198 = arith.constant 1568 : index
    %swap3A_199 = tpu.vector_load %arg5[%swap3A_198] {strides = array<i32>} : memref<4096xi32, #tpu.memory_space<vmem>>, vector<16xi32>,
    tpu.vector_store %arg5[%swap3A_198], %broadcast_in_dim3A_0 {strides = array<i32>} : memref<4096xi32, #tpu.memory_space<vmem>>, vector<16xi32>,
    %swap3A_200 = arith.constant 1584 : index
    %swap3A_201 = tpu.vector_load %arg5[%swap3A_200] {strides = array<i32>} : memref<4096xi32, #tpu.memory_space<vmem>>, vector<16xi32>,
    tpu.vector_store %arg5[%swap3A_200], %broadcast_in_dim3A_0 {strides = array<i32>} : memref<4096xi32, #tpu.memory_space<vmem>>, vector<16xi32>,
    %swap3A_202 = arith.constant 1600 : index
    %swap3A_203 = tpu.vector_load %arg5[%swap3A_202] {strides = array<i32>} : memref<4096xi32, #tpu.memory_space<vmem>>, vector<16xi32>,
    tpu.vector_store %arg5[%swap3A_202], %broadcast_in_dim3A_0 {strides = array<i32>} : memref<4096xi32, #tpu.memory_space<vmem>>, vector<16xi32>,
    %swap3A_204 = arith.constant 1616 : index
    %swap3A_205 = tpu.vector_load %arg5[%swap3A_204] {strides = array<i32>} : memref<4096xi32, #tpu.memory_space<vmem>>, vector<16xi32>,
    tpu.vector_store %arg5[%swap3A_204], %broadcast_in_dim3A_0 {strides = array<i32>} : memref<4096xi32, #tpu.memory_space<vmem>>, vector<16xi32>,
    %swap3A_206 = arith.constant 1632 : index
    %swap3A_207 = tpu.vector_load %arg5[%swap3A_206] {strides = array<i32>} : memref<4096xi32, #tpu.memory_space<vmem>>, vector<16xi32>,
    tpu.vector_store %arg5[%swap3A_206], %broadcast_in_dim3A_0 {strides = array<i32>} : memref<4096xi32, #tpu.memory_space<vmem>>, vector<16xi32>,
    %swap3A_208 = arith.constant 1648 : index
    %swap3A_209 = tpu.vector_load %arg5[%swap3A_208] {strides = array<i32>} : memref<4096xi32, #tpu.memory_space<vmem>>, vector<16xi32>,
    tpu.vector_store %arg5[%swap3A_208], %broadcast_in_dim3A_0 {strides = array<i32>} : memref<4096xi32, #tpu.memory_space<vmem>>, vector<16xi32>,
    %swap3A_210 = arith.constant 1664 : index
    %swap3A_211 = tpu.vector_load %arg5[%swap3A_210] {strides = array<i32>} : memref<4096xi32, #tpu.memory_space<vmem>>, vector<16xi32>,
    tpu.vector_store %arg5[%swap3A_210], %broadcast_in_dim3A_0 {strides = array<i32>} : memref<4096xi32, #tpu.memory_space<vmem>>, vector<16xi32>,
    %swap3A_212 = arith.constant 1680 : index
    %swap3A_213 = tpu.vector_load %arg5[%swap3A_212] {strides = array<i32>} : memref<4096xi32, #tpu.memory_space<vmem>>, vector<16xi32>,
    tpu.vector_store %arg5[%swap3A_212], %broadcast_in_dim3A_0 {strides = array<i32>} : memref<4096xi32, #tpu.memory_space<vmem>>, vector<16xi32>,
    %swap3A_214 = arith.constant 1696 : index
    %swap3A_215 = tpu.vector_load %arg5[%swap3A_214] {strides = array<i32>} : memref<4096xi32, #tpu.memory_space<vmem>>, vector<16xi32>,
    tpu.vector_store %arg5[%swap3A_214], %broadcast_in_dim3A_0 {strides = array<i32>} : memref<4096xi32, #tpu.memory_space<vmem>>, vector<16xi32>,
    %swap3A_216 = arith.constant 1712 : index
    %swap3A_217 = tpu.vector_load %arg5[%swap3A_216] {strides = array<i32>} : memref<4096xi32, #tpu.memory_space<vmem>>, vector<16xi32>,
    tpu.vector_store %arg5[%swap3A_216], %broadcast_in_dim3A_0 {strides = array<i32>} : memref<4096xi32, #tpu.memory_space<vmem>>, vector<16xi32>,
    %swap3A_218 = arith.constant 1728 : index
    %swap3A_219 = tpu.vector_load %arg5[%swap3A_218] {strides = array<i32>} : memref<4096xi32, #tpu.memory_space<vmem>>, vector<16xi32>,
    tpu.vector_store %arg5[%swap3A_218], %broadcast_in_dim3A_0 {strides = array<i32>} : memref<4096xi32, #tpu.memory_space<vmem>>, vector<16xi32>,
    %swap3A_220 = arith.constant 1744 : index
    %swap3A_221 = tpu.vector_load %arg5[%swap3A_220] {strides = array<i32>} : memref<4096xi32, #tpu.memory_space<vmem>>, vector<16xi32>,
    tpu.vector_store %arg5[%swap3A_220], %broadcast_in_dim3A_0 {strides = array<i32>} : memref<4096xi32, #tpu.memory_space<vmem>>, vector<16xi32>,
    %swap3A_222 = arith.constant 1760 : index
    %swap3A_223 = tpu.vector_load %arg5[%swap3A_222] {strides = array<i32>} : memref<4096xi32, #tpu.memory_space<vmem>>, vector<16xi32>,
    tpu.vector_store %arg5[%swap3A_222], %broadcast_in_dim3A_0 {strides = array<i32>} : memref<4096xi32, #tpu.memory_space<vmem>>, vector<16xi32>,
    %swap3A_224 = arith.constant 1776 : index
    %swap3A_225 = tpu.vector_load %arg5[%swap3A_224] {strides = array<i32>} : memref<4096xi32, #tpu.memory_space<vmem>>, vector<16xi32>,
    tpu.vector_store %arg5[%swap3A_224], %broadcast_in_dim3A_0 {strides = array<i32>} : memref<4096xi32, #tpu.memory_space<vmem>>, vector<16xi32>,
    %swap3A_226 = arith.constant 1792 : index
    %swap3A_227 = tpu.vector_load %arg5[%swap3A_226] {strides = array<i32>} : memref<4096xi32, #tpu.memory_space<vmem>>, vector<16xi32>,
    tpu.vector_store %arg5[%swap3A_226], %broadcast_in_dim3A_0 {strides = array<i32>} : memref<4096xi32, #tpu.memory_space<vmem>>, vector<16xi32>,
    %swap3A_228 = arith.constant 1808 : index
    %swap3A_229 = tpu.vector_load %arg5[%swap3A_228] {strides = array<i32>} : memref<4096xi32, #tpu.memory_space<vmem>>, vector<16xi32>,
    tpu.vector_store %arg5[%swap3A_228], %broadcast_in_dim3A_0 {strides = array<i32>} : memref<4096xi32, #tpu.memory_space<vmem>>, vector<16xi32>,
    %swap3A_230 = arith.constant 1824 : index
    %swap3A_231 = tpu.vector_load %arg5[%swap3A_230] {strides = array<i32>} : memref<4096xi32, #tpu.memory_space<vmem>>, vector<16xi32>,
    tpu.vector_store %arg5[%swap3A_230], %broadcast_in_dim3A_0 {strides = array<i32>} : memref<4096xi32, #tpu.memory_space<vmem>>, vector<16xi32>,
    %swap3A_232 = arith.constant 1840 : index
    %swap3A_233 = tpu.vector_load %arg5[%swap3A_232] {strides = array<i32>} : memref<4096xi32, #tpu.memory_space<vmem>>, vector<16xi32>,
    tpu.vector_store %arg5[%swap3A_232], %broadcast_in_dim3A_0 {strides = array<i32>} : memref<4096xi32, #tpu.memory_space<vmem>>, vector<16xi32>,
    %swap3A_234 = arith.constant 1856 : index
    %swap3A_235 = tpu.vector_load %arg5[%swap3A_234] {strides = array<i32>} : memref<4096xi32, #tpu.memory_space<vmem>>, vector<16xi32>,
    tpu.vector_store %arg5[%swap3A_234], %broadcast_in_dim3A_0 {strides = array<i32>} : memref<4096xi32, #tpu.memory_space<vmem>>, vector<16xi32>,
    %swap3A_236 = arith.constant 1872 : index
    %swap3A_237 = tpu.vector_load %arg5[%swap3A_236] {strides = array<i32>} : memref<4096xi32, #tpu.memory_space<vmem>>, vector<16xi32>,
    tpu.vector_store %arg5[%swap3A_236], %broadcast_in_dim3A_0 {strides = array<i32>} : memref<4096xi32, #tpu.memory_space<vmem>>, vector<16xi32>,
    %swap3A_238 = arith.constant 1888 : index
    %swap3A_239 = tpu.vector_load %arg5[%swap3A_238] {strides = array<i32>} : memref<4096xi32, #tpu.memory_space<vmem>>, vector<16xi32>,
    tpu.vector_store %arg5[%swap3A_238], %broadcast_in_dim3A_0 {strides = array<i32>} : memref<4096xi32, #tpu.memory_space<vmem>>, vector<16xi32>,
    %swap3A_240 = arith.constant 1904 : index
    %swap3A_241 = tpu.vector_load %arg5[%swap3A_240] {strides = array<i32>} : memref<4096xi32, #tpu.memory_space<vmem>>, vector<16xi32>,
    tpu.vector_store %arg5[%swap3A_240], %broadcast_in_dim3A_0 {strides = array<i32>} : memref<4096xi32, #tpu.memory_space<vmem>>, vector<16xi32>,
    %swap3A_242 = arith.constant 1920 : index
    %swap3A_243 = tpu.vector_load %arg5[%swap3A_242] {strides = array<i32>} : memref<4096xi32, #tpu.memory_space<vmem>>, vector<16xi32>,
    tpu.vector_store %arg5[%swap3A_242], %broadcast_in_dim3A_0 {strides = array<i32>} : memref<4096xi32, #tpu.memory_space<vmem>>, vector<16xi32>,
    %swap3A_244 = arith.constant 1936 : index
    %swap3A_245 = tpu.vector_load %arg5[%swap3A_244] {strides = array<i32>} : memref<4096xi32, #tpu.memory_space<vmem>>, vector<16xi32>,
    tpu.vector_store %arg5[%swap3A_244], %broadcast_in_dim3A_0 {strides = array<i32>} : memref<4096xi32, #tpu.memory_space<vmem>>, vector<16xi32>,
    %swap3A_246 = arith.constant 1952 : index
    %swap3A_247 = tpu.vector_load %arg5[%swap3A_246] {strides = array<i32>} : memref<4096xi32, #tpu.memory_space<vmem>>, vector<16xi32>,
    tpu.vector_store %arg5[%swap3A_246], %broadcast_in_dim3A_0 {strides = array<i32>} : memref<4096xi32, #tpu.memory_space<vmem>>, vector<16xi32>,
    %swap3A_248 = arith.constant 1968 : index
    %swap3A_249 = tpu.vector_load %arg5[%swap3A_248] {strides = array<i32>} : memref<4096xi32, #tpu.memory_space<vmem>>, vector<16xi32>,
    tpu.vector_store %arg5[%swap3A_248], %broadcast_in_dim3A_0 {strides = array<i32>} : memref<4096xi32, #tpu.memory_space<vmem>>, vector<16xi32>,
    %swap3A_250 = arith.constant 1984 : index
    %swap3A_251 = tpu.vector_load %arg5[%swap3A_250] {strides = array<i32>} : memref<4096xi32, #tpu.memory_space<vmem>>, vector<16xi32>,
    tpu.vector_store %arg5[%swap3A_250], %broadcast_in_dim3A_0 {strides = array<i32>} : memref<4096xi32, #tpu.memory_space<vmem>>, vector<16xi32>,
    %swap3A_252 = arith.constant 2000 : index
    %swap3A_253 = tpu.vector_load %arg5[%swap3A_252] {strides = array<i32>} : memref<4096xi32, #tpu.memory_space<vmem>>, vector<16xi32>,
    tpu.vector_store %arg5[%swap3A_252], %broadcast_in_dim3A_0 {strides = array<i32>} : memref<4096xi32, #tpu.memory_space<vmem>>, vector<16xi32>,
    %swap3A_254 = arith.constant 2016 : index
    %swap3A_255 = tpu.vector_load %arg5[%swap3A_254] {strides = array<i32>} : memref<4096xi32, #tpu.memory_space<vmem>>, vector<16xi32>,
    tpu.vector_store %arg5[%swap3A_254], %broadcast_in_dim3A_0 {strides = array<i32>} : memref<4096xi32, #tpu.memory_space<vmem>>, vector<16xi32>,
    %swap3A_256 = arith.constant 2032 : index
    %swap3A_257 = tpu.vector_load %arg5[%swap3A_256] {strides = array<i32>} : memref<4096xi32, #tpu.memory_space<vmem>>, vector<16xi32>,
    tpu.vector_store %arg5[%swap3A_256], %broadcast_in_dim3A_0 {strides = array<i32>} : memref<4096xi32, #tpu.memory_space<vmem>>, vector<16xi32>,
    %swap3A_258 = arith.constant 2048 : index
    %swap3A_259 = tpu.vector_load %arg5[%swap3A_258] {strides = array<i32>} : memref<4096xi32, #tpu.memory_space<vmem>>, vector<16xi32>,
    tpu.vector_store %arg5[%swap3A_258], %broadcast_in_dim3A_0 {strides = array<i32>} : memref<4096xi32, #tpu.memory_space<vmem>>, vector<16xi32>,
    %swap3A_260 = arith.constant 2064 : index
    %swap3A_261 = tpu.vector_load %arg5[%swap3A_260] {strides = array<i32>} : memref<4096xi32, #tpu.memory_space<vmem>>, vector<16xi32>,
    tpu.vector_store %arg5[%swap3A_260], %broadcast_in_dim3A_0 {strides = array<i32>} : memref<4096xi32, #tpu.memory_space<vmem>>, vector<16xi32>,
    %swap3A_262 = arith.constant 2080 : index
    %swap3A_263 = tpu.vector_load %arg5[%swap3A_262] {strides = array<i32>} : memref<4096xi32, #tpu.memory_space<vmem>>, vector<16xi32>,
    tpu.vector_store %arg5[%swap3A_262], %broadcast_in_dim3A_0 {strides = array<i32>} : memref<4096xi32, #tpu.memory_space<vmem>>, vector<16xi32>,
    %swap3A_264 = arith.constant 2096 : index
    %swap3A_265 = tpu.vector_load %arg5[%swap3A_264] {strides = array<i32>} : memref<4096xi32, #tpu.memory_space<vmem>>, vector<16xi32>,
    tpu.vector_store %arg5[%swap3A_264], %broadcast_in_dim3A_0 {strides = array<i32>} : memref<4096xi32, #tpu.memory_space<vmem>>, vector<16xi32>,
    %swap3A_266 = arith.constant 2112 : index
    %swap3A_267 = tpu.vector_load %arg5[%swap3A_266] {strides = array<i32>} : memref<4096xi32, #tpu.memory_space<vmem>>, vector<16xi32>,
    tpu.vector_store %arg5[%swap3A_266], %broadcast_in_dim3A_0 {strides = array<i32>} : memref<4096xi32, #tpu.memory_space<vmem>>, vector<16xi32>,
    %swap3A_268 = arith.constant 2128 : index
    %swap3A_269 = tpu.vector_load %arg5[%swap3A_268] {strides = array<i32>} : memref<4096xi32, #tpu.memory_space<vmem>>, vector<16xi32>,
    tpu.vector_store %arg5[%swap3A_268], %broadcast_in_dim3A_0 {strides = array<i32>} : memref<4096xi32, #tpu.memory_space<vmem>>, vector<16xi32>,
    %swap3A_270 = arith.constant 2144 : index
    %swap3A_271 = tpu.vector_load %arg5[%swap3A_270] {strides = array<i32>} : memref<4096xi32, #tpu.memory_space<vmem>>, vector<16xi32>,
    tpu.vector_store %arg5[%swap3A_270], %broadcast_in_dim3A_0 {strides = array<i32>} : memref<4096xi32, #tpu.memory_space<vmem>>, vector<16xi32>,
    %swap3A_272 = arith.constant 2160 : index
    %swap3A_273 = tpu.vector_load %arg5[%swap3A_272] {strides = array<i32>} : memref<4096xi32, #tpu.memory_space<vmem>>, vector<16xi32>,
    tpu.vector_store %arg5[%swap3A_272], %broadcast_in_dim3A_0 {strides = array<i32>} : memref<4096xi32, #tpu.memory_space<vmem>>, vector<16xi32>,
    %swap3A_274 = arith.constant 2176 : index
    %swap3A_275 = tpu.vector_load %arg5[%swap3A_274] {strides = array<i32>} : memref<4096xi32, #tpu.memory_space<vmem>>, vector<16xi32>,
    tpu.vector_store %arg5[%swap3A_274], %broadcast_in_dim3A_0 {strides = array<i32>} : memref<4096xi32, #tpu.memory_space<vmem>>, vector<16xi32>,
    %swap3A_276 = arith.constant 2192 : index
    %swap3A_277 = tpu.vector_load %arg5[%swap3A_276] {strides = array<i32>} : memref<4096xi32, #tpu.memory_space<vmem>>, vector<16xi32>,
    tpu.vector_store %arg5[%swap3A_276], %broadcast_in_dim3A_0 {strides = array<i32>} : memref<4096xi32, #tpu.memory_space<vmem>>, vector<16xi32>,
    %swap3A_278 = arith.constant 2208 : index
    %swap3A_279 = tpu.vector_load %arg5[%swap3A_278] {strides = array<i32>} : memref<4096xi32, #tpu.memory_space<vmem>>, vector<16xi32>,
    tpu.vector_store %arg5[%swap3A_278], %broadcast_in_dim3A_0 {strides = array<i32>} : memref<4096xi32, #tpu.memory_space<vmem>>, vector<16xi32>,
    %swap3A_280 = arith.constant 2224 : index
    %swap3A_281 = tpu.vector_load %arg5[%swap3A_280] {strides = array<i32>} : memref<4096xi32, #tpu.memory_space<vmem>>, vector<16xi32>,
    tpu.vector_store %arg5[%swap3A_280], %broadcast_in_dim3A_0 {strides = array<i32>} : memref<4096xi32, #tpu.memory_space<vmem>>, vector<16xi32>,
    %swap3A_282 = arith.constant 2240 : index
    %swap3A_283 = tpu.vector_load %arg5[%swap3A_282] {strides = array<i32>} : memref<4096xi32, #tpu.memory_space<vmem>>, vector<16xi32>,
    tpu.vector_store %arg5[%swap3A_282], %broadcast_in_dim3A_0 {strides = array<i32>} : memref<4096xi32, #tpu.memory_space<vmem>>, vector<16xi32>,
    %swap3A_284 = arith.constant 2256 : index
    %swap3A_285 = tpu.vector_load %arg5[%swap3A_284] {strides = array<i32>} : memref<4096xi32, #tpu.memory_space<vmem>>, vector<16xi32>,
    tpu.vector_store %arg5[%swap3A_284], %broadcast_in_dim3A_0 {strides = array<i32>} : memref<4096xi32, #tpu.memory_space<vmem>>, vector<16xi32>,
    %swap3A_286 = arith.constant 2272 : index
    %swap3A_287 = tpu.vector_load %arg5[%swap3A_286] {strides = array<i32>} : memref<4096xi32, #tpu.memory_space<vmem>>, vector<16xi32>,
    tpu.vector_store %arg5[%swap3A_286], %broadcast_in_dim3A_0 {strides = array<i32>} : memref<4096xi32, #tpu.memory_space<vmem>>, vector<16xi32>,
    %swap3A_288 = arith.constant 2288 : index
    %swap3A_289 = tpu.vector_load %arg5[%swap3A_288] {strides = array<i32>} : memref<4096xi32, #tpu.memory_space<vmem>>, vector<16xi32>,
    tpu.vector_store %arg5[%swap3A_288], %broadcast_in_dim3A_0 {strides = array<i32>} : memref<4096xi32, #tpu.memory_space<vmem>>, vector<16xi32>,
    %swap3A_290 = arith.constant 2304 : index
    %swap3A_291 = tpu.vector_load %arg5[%swap3A_290] {strides = array<i32>} : memref<4096xi32, #tpu.memory_space<vmem>>, vector<16xi32>,
    tpu.vector_store %arg5[%swap3A_290], %broadcast_in_dim3A_0 {strides = array<i32>} : memref<4096xi32, #tpu.memory_space<vmem>>, vector<16xi32>,
    %swap3A_292 = arith.constant 2320 : index
    %swap3A_293 = tpu.vector_load %arg5[%swap3A_292] {strides = array<i32>} : memref<4096xi32, #tpu.memory_space<vmem>>, vector<16xi32>,
    tpu.vector_store %arg5[%swap3A_292], %broadcast_in_dim3A_0 {strides = array<i32>} : memref<4096xi32, #tpu.memory_space<vmem>>, vector<16xi32>,
    %swap3A_294 = arith.constant 2336 : index
    %swap3A_295 = tpu.vector_load %arg5[%swap3A_294] {strides = array<i32>} : memref<4096xi32, #tpu.memory_space<vmem>>, vector<16xi32>,
    tpu.vector_store %arg5[%swap3A_294], %broadcast_in_dim3A_0 {strides = array<i32>} : memref<4096xi32, #tpu.memory_space<vmem>>, vector<16xi32>,
    %swap3A_296 = arith.constant 2352 : index
    %swap3A_297 = tpu.vector_load %arg5[%swap3A_296] {strides = array<i32>} : memref<4096xi32, #tpu.memory_space<vmem>>, vector<16xi32>,
    tpu.vector_store %arg5[%swap3A_296], %broadcast_in_dim3A_0 {strides = array<i32>} : memref<4096xi32, #tpu.memory_space<vmem>>, vector<16xi32>,
    %swap3A_298 = arith.constant 2368 : index
    %swap3A_299 = tpu.vector_load %arg5[%swap3A_298] {strides = array<i32>} : memref<4096xi32, #tpu.memory_space<vmem>>, vector<16xi32>,
    tpu.vector_store %arg5[%swap3A_298], %broadcast_in_dim3A_0 {strides = array<i32>} : memref<4096xi32, #tpu.memory_space<vmem>>, vector<16xi32>,
    %swap3A_300 = arith.constant 2384 : index
    %swap3A_301 = tpu.vector_load %arg5[%swap3A_300] {strides = array<i32>} : memref<4096xi32, #tpu.memory_space<vmem>>, vector<16xi32>,
    tpu.vector_store %arg5[%swap3A_300], %broadcast_in_dim3A_0 {strides = array<i32>} : memref<4096xi32, #tpu.memory_space<vmem>>, vector<16xi32>,
    %swap3A_302 = arith.constant 2400 : index
    %swap3A_303 = tpu.vector_load %arg5[%swap3A_302] {strides = array<i32>} : memref<4096xi32, #tpu.memory_space<vmem>>, vector<16xi32>,
    tpu.vector_store %arg5[%swap3A_302], %broadcast_in_dim3A_0 {strides = array<i32>} : memref<4096xi32, #tpu.memory_space<vmem>>, vector<16xi32>,
    %swap3A_304 = arith.constant 2416 : index
    %swap3A_305 = tpu.vector_load %arg5[%swap3A_304] {strides = array<i32>} : memref<4096xi32, #tpu.memory_space<vmem>>, vector<16xi32>,
    tpu.vector_store %arg5[%swap3A_304], %broadcast_in_dim3A_0 {strides = array<i32>} : memref<4096xi32, #tpu.memory_space<vmem>>, vector<16xi32>,
    %swap3A_306 = arith.constant 2432 : index
    %swap3A_307 = tpu.vector_load %arg5[%swap3A_306] {strides = array<i32>} : memref<4096xi32, #tpu.memory_space<vmem>>, vector<16xi32>,
    tpu.vector_store %arg5[%swap3A_306], %broadcast_in_dim3A_0 {strides = array<i32>} : memref<4096xi32, #tpu.memory_space<vmem>>, vector<16xi32>,
    %swap3A_308 = arith.constant 2448 : index
    %swap3A_309 = tpu.vector_load %arg5[%swap3A_308] {strides = array<i32>} : memref<4096xi32, #tpu.memory_space<vmem>>, vector<16xi32>,
    tpu.vector_store %arg5[%swap3A_308], %broadcast_in_dim3A_0 {strides = array<i32>} : memref<4096xi32, #tpu.memory_space<vmem>>, vector<16xi32>,
    %swap3A_310 = arith.constant 2464 : index
    %swap3A_311 = tpu.vector_load %arg5[%swap3A_310] {strides = array<i32>} : memref<4096xi32, #tpu.memory_space<vmem>>, vector<16xi32>,
    tpu.vector_store %arg5[%swap3A_310], %broadcast_in_dim3A_0 {strides = array<i32>} : memref<4096xi32, #tpu.memory_space<vmem>>, vector<16xi32>,
    %swap3A_312 = arith.constant 2480 : index
    %swap3A_313 = tpu.vector_load %arg5[%swap3A_312] {strides = array<i32>} : memref<4096xi32, #tpu.memory_space<vmem>>, vector<16xi32>,
    tpu.vector_store %arg5[%swap3A_312], %broadcast_in_dim3A_0 {strides = array<i32>} : memref<4096xi32, #tpu.memory_space<vmem>>, vector<16xi32>,
    %swap3A_314 = arith.constant 2496 : index
    %swap3A_315 = tpu.vector_load %arg5[%swap3A_314] {strides = array<i32>} : memref<4096xi32, #tpu.memory_space<vmem>>, vector<16xi32>,
    tpu.vector_store %arg5[%swap3A_314], %broadcast_in_dim3A_0 {strides = array<i32>} : memref<4096xi32, #tpu.memory_space<vmem>>, vector<16xi32>,
    %swap3A_316 = arith.constant 2512 : index
    %swap3A_317 = tpu.vector_load %arg5[%swap3A_316] {strides = array<i32>} : memref<4096xi32, #tpu.memory_space<vmem>>, vector<16xi32>,
    tpu.vector_store %arg5[%swap3A_316], %broadcast_in_dim3A_0 {strides = array<i32>} : memref<4096xi32, #tpu.memory_space<vmem>>, vector<16xi32>,
    %swap3A_318 = arith.constant 2528 : index
    %swap3A_319 = tpu.vector_load %arg5[%swap3A_318] {strides = array<i32>} : memref<4096xi32, #tpu.memory_space<vmem>>, vector<16xi32>,
    tpu.vector_store %arg5[%swap3A_318], %broadcast_in_dim3A_0 {strides = array<i32>} : memref<4096xi32, #tpu.memory_space<vmem>>, vector<16xi32>,
    %swap3A_320 = arith.constant 2544 : index
    %swap3A_321 = tpu.vector_load %arg5[%swap3A_320] {strides = array<i32>} : memref<4096xi32, #tpu.memory_space<vmem>>, vector<16xi32>,
    tpu.vector_store %arg5[%swap3A_320], %broadcast_in_dim3A_0 {strides = array<i32>} : memref<4096xi32, #tpu.memory_space<vmem>>, vector<16xi32>,
    %swap3A_322 = arith.constant 2560 : index
    %swap3A_323 = tpu.vector_load %arg5[%swap3A_322] {strides = array<i32>} : memref<4096xi32, #tpu.memory_space<vmem>>, vector<16xi32>,
    tpu.vector_store %arg5[%swap3A_322], %broadcast_in_dim3A_0 {strides = array<i32>} : memref<4096xi32, #tpu.memory_space<vmem>>, vector<16xi32>,
    %swap3A_324 = arith.constant 2576 : index
    %swap3A_325 = tpu.vector_load %arg5[%swap3A_324] {strides = array<i32>} : memref<4096xi32, #tpu.memory_space<vmem>>, vector<16xi32>,
    tpu.vector_store %arg5[%swap3A_324], %broadcast_in_dim3A_0 {strides = array<i32>} : memref<4096xi32, #tpu.memory_space<vmem>>, vector<16xi32>,
    %swap3A_326 = arith.constant 2592 : index
    %swap3A_327 = tpu.vector_load %arg5[%swap3A_326] {strides = array<i32>} : memref<4096xi32, #tpu.memory_space<vmem>>, vector<16xi32>,
    tpu.vector_store %arg5[%swap3A_326], %broadcast_in_dim3A_0 {strides = array<i32>} : memref<4096xi32, #tpu.memory_space<vmem>>, vector<16xi32>,
    %swap3A_328 = arith.constant 2608 : index
    %swap3A_329 = tpu.vector_load %arg5[%swap3A_328] {strides = array<i32>} : memref<4096xi32, #tpu.memory_space<vmem>>, vector<16xi32>,
    tpu.vector_store %arg5[%swap3A_328], %broadcast_in_dim3A_0 {strides = array<i32>} : memref<4096xi32, #tpu.memory_space<vmem>>, vector<16xi32>,
    %swap3A_330 = arith.constant 2624 : index
    %swap3A_331 = tpu.vector_load %arg5[%swap3A_330] {strides = array<i32>} : memref<4096xi32, #tpu.memory_space<vmem>>, vector<16xi32>,
    tpu.vector_store %arg5[%swap3A_330], %broadcast_in_dim3A_0 {strides = array<i32>} : memref<4096xi32, #tpu.memory_space<vmem>>, vector<16xi32>,
    %swap3A_332 = arith.constant 2640 : index
    %swap3A_333 = tpu.vector_load %arg5[%swap3A_332] {strides = array<i32>} : memref<4096xi32, #tpu.memory_space<vmem>>, vector<16xi32>,
    tpu.vector_store %arg5[%swap3A_332], %broadcast_in_dim3A_0 {strides = array<i32>} : memref<4096xi32, #tpu.memory_space<vmem>>, vector<16xi32>,
    %swap3A_334 = arith.constant 2656 : index
    %swap3A_335 = tpu.vector_load %arg5[%swap3A_334] {strides = array<i32>} : memref<4096xi32, #tpu.memory_space<vmem>>, vector<16xi32>,
    tpu.vector_store %arg5[%swap3A_334], %broadcast_in_dim3A_0 {strides = array<i32>} : memref<4096xi32, #tpu.memory_space<vmem>>, vector<16xi32>,
    %swap3A_336 = arith.constant 2672 : index
    %swap3A_337 = tpu.vector_load %arg5[%swap3A_336] {strides = array<i32>} : memref<4096xi32, #tpu.memory_space<vmem>>, vector<16xi32>,
    tpu.vector_store %arg5[%swap3A_336], %broadcast_in_dim3A_0 {strides = array<i32>} : memref<4096xi32, #tpu.memory_space<vmem>>, vector<16xi32>,
    %swap3A_338 = arith.constant 2688 : index
    %swap3A_339 = tpu.vector_load %arg5[%swap3A_338] {strides = array<i32>} : memref<4096xi32, #tpu.memory_space<vmem>>, vector<16xi32>,
    tpu.vector_store %arg5[%swap3A_338], %broadcast_in_dim3A_0 {strides = array<i32>} : memref<4096xi32, #tpu.memory_space<vmem>>, vector<16xi32>,
    %swap3A_340 = arith.constant 2704 : index
    %swap3A_341 = tpu.vector_load %arg5[%swap3A_340] {strides = array<i32>} : memref<4096xi32, #tpu.memory_space<vmem>>, vector<16xi32>,
    tpu.vector_store %arg5[%swap3A_340], %broadcast_in_dim3A_0 {strides = array<i32>} : memref<4096xi32, #tpu.memory_space<vmem>>, vector<16xi32>,
    %swap3A_342 = arith.constant 2720 : index
    %swap3A_343 = tpu.vector_load %arg5[%swap3A_342] {strides = array<i32>} : memref<4096xi32, #tpu.memory_space<vmem>>, vector<16xi32>,
    tpu.vector_store %arg5[%swap3A_342], %broadcast_in_dim3A_0 {strides = array<i32>} : memref<4096xi32, #tpu.memory_space<vmem>>, vector<16xi32>,
    %swap3A_344 = arith.constant 2736 : index
    %swap3A_345 = tpu.vector_load %arg5[%swap3A_344] {strides = array<i32>} : memref<4096xi32, #tpu.memory_space<vmem>>, vector<16xi32>,
    tpu.vector_store %arg5[%swap3A_344], %broadcast_in_dim3A_0 {strides = array<i32>} : memref<4096xi32, #tpu.memory_space<vmem>>, vector<16xi32>,
    %swap3A_346 = arith.constant 2752 : index
    %swap3A_347 = tpu.vector_load %arg5[%swap3A_346] {strides = array<i32>} : memref<4096xi32, #tpu.memory_space<vmem>>, vector<16xi32>,
    tpu.vector_store %arg5[%swap3A_346], %broadcast_in_dim3A_0 {strides = array<i32>} : memref<4096xi32, #tpu.memory_space<vmem>>, vector<16xi32>,
    %swap3A_348 = arith.constant 2768 : index
    %swap3A_349 = tpu.vector_load %arg5[%swap3A_348] {strides = array<i32>} : memref<4096xi32, #tpu.memory_space<vmem>>, vector<16xi32>,
    tpu.vector_store %arg5[%swap3A_348], %broadcast_in_dim3A_0 {strides = array<i32>} : memref<4096xi32, #tpu.memory_space<vmem>>, vector<16xi32>,
    %swap3A_350 = arith.constant 2784 : index
    %swap3A_351 = tpu.vector_load %arg5[%swap3A_350] {strides = array<i32>} : memref<4096xi32, #tpu.memory_space<vmem>>, vector<16xi32>,
    tpu.vector_store %arg5[%swap3A_350], %broadcast_in_dim3A_0 {strides = array<i32>} : memref<4096xi32, #tpu.memory_space<vmem>>, vector<16xi32>,
    %swap3A_352 = arith.constant 2800 : index
    %swap3A_353 = tpu.vector_load %arg5[%swap3A_352] {strides = array<i32>} : memref<4096xi32, #tpu.memory_space<vmem>>, vector<16xi32>,
    tpu.vector_store %arg5[%swap3A_352], %broadcast_in_dim3A_0 {strides = array<i32>} : memref<4096xi32, #tpu.memory_space<vmem>>, vector<16xi32>,
    %swap3A_354 = arith.constant 2816 : index
    %swap3A_355 = tpu.vector_load %arg5[%swap3A_354] {strides = array<i32>} : memref<4096xi32, #tpu.memory_space<vmem>>, vector<16xi32>,
    tpu.vector_store %arg5[%swap3A_354], %broadcast_in_dim3A_0 {strides = array<i32>} : memref<4096xi32, #tpu.memory_space<vmem>>, vector<16xi32>,
    %swap3A_356 = arith.constant 2832 : index
    %swap3A_357 = tpu.vector_load %arg5[%swap3A_356] {strides = array<i32>} : memref<4096xi32, #tpu.memory_space<vmem>>, vector<16xi32>,
    tpu.vector_store %arg5[%swap3A_356], %broadcast_in_dim3A_0 {strides = array<i32>} : memref<4096xi32, #tpu.memory_space<vmem>>, vector<16xi32>,
    %swap3A_358 = arith.constant 2848 : index
    %swap3A_359 = tpu.vector_load %arg5[%swap3A_358] {strides = array<i32>} : memref<4096xi32, #tpu.memory_space<vmem>>, vector<16xi32>,
    tpu.vector_store %arg5[%swap3A_358], %broadcast_in_dim3A_0 {strides = array<i32>} : memref<4096xi32, #tpu.memory_space<vmem>>, vector<16xi32>,
    %swap3A_360 = arith.constant 2864 : index
    %swap3A_361 = tpu.vector_load %arg5[%swap3A_360] {strides = array<i32>} : memref<4096xi32, #tpu.memory_space<vmem>>, vector<16xi32>,
    tpu.vector_store %arg5[%swap3A_360], %broadcast_in_dim3A_0 {strides = array<i32>} : memref<4096xi32, #tpu.memory_space<vmem>>, vector<16xi32>,
    %swap3A_362 = arith.constant 2880 : index
    %swap3A_363 = tpu.vector_load %arg5[%swap3A_362] {strides = array<i32>} : memref<4096xi32, #tpu.memory_space<vmem>>, vector<16xi32>,
    tpu.vector_store %arg5[%swap3A_362], %broadcast_in_dim3A_0 {strides = array<i32>} : memref<4096xi32, #tpu.memory_space<vmem>>, vector<16xi32>,
    %swap3A_364 = arith.constant 2896 : index
    %swap3A_365 = tpu.vector_load %arg5[%swap3A_364] {strides = array<i32>} : memref<4096xi32, #tpu.memory_space<vmem>>, vector<16xi32>,
    tpu.vector_store %arg5[%swap3A_364], %broadcast_in_dim3A_0 {strides = array<i32>} : memref<4096xi32, #tpu.memory_space<vmem>>, vector<16xi32>,
    %swap3A_366 = arith.constant 2912 : index
    %swap3A_367 = tpu.vector_load %arg5[%swap3A_366] {strides = array<i32>} : memref<4096xi32, #tpu.memory_space<vmem>>, vector<16xi32>,
    tpu.vector_store %arg5[%swap3A_366], %broadcast_in_dim3A_0 {strides = array<i32>} : memref<4096xi32, #tpu.memory_space<vmem>>, vector<16xi32>,
    %swap3A_368 = arith.constant 2928 : index
    %swap3A_369 = tpu.vector_load %arg5[%swap3A_368] {strides = array<i32>} : memref<4096xi32, #tpu.memory_space<vmem>>, vector<16xi32>,
    tpu.vector_store %arg5[%swap3A_368], %broadcast_in_dim3A_0 {strides = array<i32>} : memref<4096xi32, #tpu.memory_space<vmem>>, vector<16xi32>,
    %swap3A_370 = arith.constant 2944 : index
    %swap3A_371 = tpu.vector_load %arg5[%swap3A_370] {strides = array<i32>} : memref<4096xi32, #tpu.memory_space<vmem>>, vector<16xi32>,
    tpu.vector_store %arg5[%swap3A_370], %broadcast_in_dim3A_0 {strides = array<i32>} : memref<4096xi32, #tpu.memory_space<vmem>>, vector<16xi32>,
    %swap3A_372 = arith.constant 2960 : index
    %swap3A_373 = tpu.vector_load %arg5[%swap3A_372] {strides = array<i32>} : memref<4096xi32, #tpu.memory_space<vmem>>, vector<16xi32>,
    tpu.vector_store %arg5[%swap3A_372], %broadcast_in_dim3A_0 {strides = array<i32>} : memref<4096xi32, #tpu.memory_space<vmem>>, vector<16xi32>,
    %swap3A_374 = arith.constant 2976 : index
    %swap3A_375 = tpu.vector_load %arg5[%swap3A_374] {strides = array<i32>} : memref<4096xi32, #tpu.memory_space<vmem>>, vector<16xi32>,
    tpu.vector_store %arg5[%swap3A_374], %broadcast_in_dim3A_0 {strides = array<i32>} : memref<4096xi32, #tpu.memory_space<vmem>>, vector<16xi32>,
    %swap3A_376 = arith.constant 2992 : index
    %swap3A_377 = tpu.vector_load %arg5[%swap3A_376] {strides = array<i32>} : memref<4096xi32, #tpu.memory_space<vmem>>, vector<16xi32>,
    tpu.vector_store %arg5[%swap3A_376], %broadcast_in_dim3A_0 {strides = array<i32>} : memref<4096xi32, #tpu.memory_space<vmem>>, vector<16xi32>,
    %swap3A_378 = arith.constant 3008 : index
    %swap3A_379 = tpu.vector_load %arg5[%swap3A_378] {strides = array<i32>} : memref<4096xi32, #tpu.memory_space<vmem>>, vector<16xi32>,
    tpu.vector_store %arg5[%swap3A_378], %broadcast_in_dim3A_0 {strides = array<i32>} : memref<4096xi32, #tpu.memory_space<vmem>>, vector<16xi32>,
    %swap3A_380 = arith.constant 3024 : index
    %swap3A_381 = tpu.vector_load %arg5[%swap3A_380] {strides = array<i32>} : memref<4096xi32, #tpu.memory_space<vmem>>, vector<16xi32>,
    tpu.vector_store %arg5[%swap3A_380], %broadcast_in_dim3A_0 {strides = array<i32>} : memref<4096xi32, #tpu.memory_space<vmem>>, vector<16xi32>,
    %swap3A_382 = arith.constant 3040 : index
    %swap3A_383 = tpu.vector_load %arg5[%swap3A_382] {strides = array<i32>} : memref<4096xi32, #tpu.memory_space<vmem>>, vector<16xi32>,
    tpu.vector_store %arg5[%swap3A_382], %broadcast_in_dim3A_0 {strides = array<i32>} : memref<4096xi32, #tpu.memory_space<vmem>>, vector<16xi32>,
    %swap3A_384 = arith.constant 3056 : index
    %swap3A_385 = tpu.vector_load %arg5[%swap3A_384] {strides = array<i32>} : memref<4096xi32, #tpu.memory_space<vmem>>, vector<16xi32>,
    tpu.vector_store %arg5[%swap3A_384], %broadcast_in_dim3A_0 {strides = array<i32>} : memref<4096xi32, #tpu.memory_space<vmem>>, vector<16xi32>,
    %swap3A_386 = arith.constant 3072 : index
    %swap3A_387 = tpu.vector_load %arg5[%swap3A_386] {strides = array<i32>} : memref<4096xi32, #tpu.memory_space<vmem>>, vector<16xi32>,
    tpu.vector_store %arg5[%swap3A_386], %broadcast_in_dim3A_0 {strides = array<i32>} : memref<4096xi32, #tpu.memory_space<vmem>>, vector<16xi32>,
    %swap3A_388 = arith.constant 3088 : index
    %swap3A_389 = tpu.vector_load %arg5[%swap3A_388] {strides = array<i32>} : memref<4096xi32, #tpu.memory_space<vmem>>, vector<16xi32>,
    tpu.vector_store %arg5[%swap3A_388], %broadcast_in_dim3A_0 {strides = array<i32>} : memref<4096xi32, #tpu.memory_space<vmem>>, vector<16xi32>,
    %swap3A_390 = arith.constant 3104 : index
    %swap3A_391 = tpu.vector_load %arg5[%swap3A_390] {strides = array<i32>} : memref<4096xi32, #tpu.memory_space<vmem>>, vector<16xi32>,
    tpu.vector_store %arg5[%swap3A_390], %broadcast_in_dim3A_0 {strides = array<i32>} : memref<4096xi32, #tpu.memory_space<vmem>>, vector<16xi32>,
    %swap3A_392 = arith.constant 3120 : index
    %swap3A_393 = tpu.vector_load %arg5[%swap3A_392] {strides = array<i32>} : memref<4096xi32, #tpu.memory_space<vmem>>, vector<16xi32>,
    tpu.vector_store %arg5[%swap3A_392], %broadcast_in_dim3A_0 {strides = array<i32>} : memref<4096xi32, #tpu.memory_space<vmem>>, vector<16xi32>,
    %swap3A_394 = arith.constant 3136 : index
    %swap3A_395 = tpu.vector_load %arg5[%swap3A_394] {strides = array<i32>} : memref<4096xi32, #tpu.memory_space<vmem>>, vector<16xi32>,
    tpu.vector_store %arg5[%swap3A_394], %broadcast_in_dim3A_0 {strides = array<i32>} : memref<4096xi32, #tpu.memory_space<vmem>>, vector<16xi32>,
    %swap3A_396 = arith.constant 3152 : index
    %swap3A_397 = tpu.vector_load %arg5[%swap3A_396] {strides = array<i32>} : memref<4096xi32, #tpu.memory_space<vmem>>, vector<16xi32>,
    tpu.vector_store %arg5[%swap3A_396], %broadcast_in_dim3A_0 {strides = array<i32>} : memref<4096xi32, #tpu.memory_space<vmem>>, vector<16xi32>,
    %swap3A_398 = arith.constant 3168 : index
    %swap3A_399 = tpu.vector_load %arg5[%swap3A_398] {strides = array<i32>} : memref<4096xi32, #tpu.memory_space<vmem>>, vector<16xi32>,
    tpu.vector_store %arg5[%swap3A_398], %broadcast_in_dim3A_0 {strides = array<i32>} : memref<4096xi32, #tpu.memory_space<vmem>>, vector<16xi32>,
    %swap3A_400 = arith.constant 3184 : index
    %swap3A_401 = tpu.vector_load %arg5[%swap3A_400] {strides = array<i32>} : memref<4096xi32, #tpu.memory_space<vmem>>, vector<16xi32>,
    tpu.vector_store %arg5[%swap3A_400], %broadcast_in_dim3A_0 {strides = array<i32>} : memref<4096xi32, #tpu.memory_space<vmem>>, vector<16xi32>,
    %swap3A_402 = arith.constant 3200 : index
    %swap3A_403 = tpu.vector_load %arg5[%swap3A_402] {strides = array<i32>} : memref<4096xi32, #tpu.memory_space<vmem>>, vector<16xi32>,
    tpu.vector_store %arg5[%swap3A_402], %broadcast_in_dim3A_0 {strides = array<i32>} : memref<4096xi32, #tpu.memory_space<vmem>>, vector<16xi32>,
    %swap3A_404 = arith.constant 3216 : index
    %swap3A_405 = tpu.vector_load %arg5[%swap3A_404] {strides = array<i32>} : memref<4096xi32, #tpu.memory_space<vmem>>, vector<16xi32>,
    tpu.vector_store %arg5[%swap3A_404], %broadcast_in_dim3A_0 {strides = array<i32>} : memref<4096xi32, #tpu.memory_space<vmem>>, vector<16xi32>,
    %swap3A_406 = arith.constant 3232 : index
    %swap3A_407 = tpu.vector_load %arg5[%swap3A_406] {strides = array<i32>} : memref<4096xi32, #tpu.memory_space<vmem>>, vector<16xi32>,
    tpu.vector_store %arg5[%swap3A_406], %broadcast_in_dim3A_0 {strides = array<i32>} : memref<4096xi32, #tpu.memory_space<vmem>>, vector<16xi32>,
    %swap3A_408 = arith.constant 3248 : index
    %swap3A_409 = tpu.vector_load %arg5[%swap3A_408] {strides = array<i32>} : memref<4096xi32, #tpu.memory_space<vmem>>, vector<16xi32>,
    tpu.vector_store %arg5[%swap3A_408], %broadcast_in_dim3A_0 {strides = array<i32>} : memref<4096xi32, #tpu.memory_space<vmem>>, vector<16xi32>,
    %swap3A_410 = arith.constant 3264 : index
    %swap3A_411 = tpu.vector_load %arg5[%swap3A_410] {strides = array<i32>} : memref<4096xi32, #tpu.memory_space<vmem>>, vector<16xi32>,
    tpu.vector_store %arg5[%swap3A_410], %broadcast_in_dim3A_0 {strides = array<i32>} : memref<4096xi32, #tpu.memory_space<vmem>>, vector<16xi32>,
    %swap3A_412 = arith.constant 3280 : index
    %swap3A_413 = tpu.vector_load %arg5[%swap3A_412] {strides = array<i32>} : memref<4096xi32, #tpu.memory_space<vmem>>, vector<16xi32>,
    tpu.vector_store %arg5[%swap3A_412], %broadcast_in_dim3A_0 {strides = array<i32>} : memref<4096xi32, #tpu.memory_space<vmem>>, vector<16xi32>,
    %swap3A_414 = arith.constant 3296 : index
    %swap3A_415 = tpu.vector_load %arg5[%swap3A_414] {strides = array<i32>} : memref<4096xi32, #tpu.memory_space<vmem>>, vector<16xi32>,
    tpu.vector_store %arg5[%swap3A_414], %broadcast_in_dim3A_0 {strides = array<i32>} : memref<4096xi32, #tpu.memory_space<vmem>>, vector<16xi32>,
    %swap3A_416 = arith.constant 3312 : index
    %swap3A_417 = tpu.vector_load %arg5[%swap3A_416] {strides = array<i32>} : memref<4096xi32, #tpu.memory_space<vmem>>, vector<16xi32>,
    tpu.vector_store %arg5[%swap3A_416], %broadcast_in_dim3A_0 {strides = array<i32>} : memref<4096xi32, #tpu.memory_space<vmem>>, vector<16xi32>,
    %swap3A_418 = arith.constant 3328 : index
    %swap3A_419 = tpu.vector_load %arg5[%swap3A_418] {strides = array<i32>} : memref<4096xi32, #tpu.memory_space<vmem>>, vector<16xi32>,
    tpu.vector_store %arg5[%swap3A_418], %broadcast_in_dim3A_0 {strides = array<i32>} : memref<4096xi32, #tpu.memory_space<vmem>>, vector<16xi32>,
    %swap3A_420 = arith.constant 3344 : index
    %swap3A_421 = tpu.vector_load %arg5[%swap3A_420] {strides = array<i32>} : memref<4096xi32, #tpu.memory_space<vmem>>, vector<16xi32>,
    tpu.vector_store %arg5[%swap3A_420], %broadcast_in_dim3A_0 {strides = array<i32>} : memref<4096xi32, #tpu.memory_space<vmem>>, vector<16xi32>,
    %swap3A_422 = arith.constant 3360 : index
    %swap3A_423 = tpu.vector_load %arg5[%swap3A_422] {strides = array<i32>} : memref<4096xi32, #tpu.memory_space<vmem>>, vector<16xi32>,
    tpu.vector_store %arg5[%swap3A_422], %broadcast_in_dim3A_0 {strides = array<i32>} : memref<4096xi32, #tpu.memory_space<vmem>>, vector<16xi32>,
    %swap3A_424 = arith.constant 3376 : index
    %swap3A_425 = tpu.vector_load %arg5[%swap3A_424] {strides = array<i32>} : memref<4096xi32, #tpu.memory_space<vmem>>, vector<16xi32>,
    tpu.vector_store %arg5[%swap3A_424], %broadcast_in_dim3A_0 {strides = array<i32>} : memref<4096xi32, #tpu.memory_space<vmem>>, vector<16xi32>,
    %swap3A_426 = arith.constant 3392 : index
    %swap3A_427 = tpu.vector_load %arg5[%swap3A_426] {strides = array<i32>} : memref<4096xi32, #tpu.memory_space<vmem>>, vector<16xi32>,
    tpu.vector_store %arg5[%swap3A_426], %broadcast_in_dim3A_0 {strides = array<i32>} : memref<4096xi32, #tpu.memory_space<vmem>>, vector<16xi32>,
    %swap3A_428 = arith.constant 3408 : index
    %swap3A_429 = tpu.vector_load %arg5[%swap3A_428] {strides = array<i32>} : memref<4096xi32, #tpu.memory_space<vmem>>, vector<16xi32>,
    tpu.vector_store %arg5[%swap3A_428], %broadcast_in_dim3A_0 {strides = array<i32>} : memref<4096xi32, #tpu.memory_space<vmem>>, vector<16xi32>,
    %swap3A_430 = arith.constant 3424 : index
    %swap3A_431 = tpu.vector_load %arg5[%swap3A_430] {strides = array<i32>} : memref<4096xi32, #tpu.memory_space<vmem>>, vector<16xi32>,
    tpu.vector_store %arg5[%swap3A_430], %broadcast_in_dim3A_0 {strides = array<i32>} : memref<4096xi32, #tpu.memory_space<vmem>>, vector<16xi32>,
    %swap3A_432 = arith.constant 3440 : index
    %swap3A_433 = tpu.vector_load %arg5[%swap3A_432] {strides = array<i32>} : memref<4096xi32, #tpu.memory_space<vmem>>, vector<16xi32>,
    tpu.vector_store %arg5[%swap3A_432], %broadcast_in_dim3A_0 {strides = array<i32>} : memref<4096xi32, #tpu.memory_space<vmem>>, vector<16xi32>,
    %swap3A_434 = arith.constant 3456 : index
    %swap3A_435 = tpu.vector_load %arg5[%swap3A_434] {strides = array<i32>} : memref<4096xi32, #tpu.memory_space<vmem>>, vector<16xi32>,
    tpu.vector_store %arg5[%swap3A_434], %broadcast_in_dim3A_0 {strides = array<i32>} : memref<4096xi32, #tpu.memory_space<vmem>>, vector<16xi32>,
    %swap3A_436 = arith.constant 3472 : index
    %swap3A_437 = tpu.vector_load %arg5[%swap3A_436] {strides = array<i32>} : memref<4096xi32, #tpu.memory_space<vmem>>, vector<16xi32>,
    tpu.vector_store %arg5[%swap3A_436], %broadcast_in_dim3A_0 {strides = array<i32>} : memref<4096xi32, #tpu.memory_space<vmem>>, vector<16xi32>,
    %swap3A_438 = arith.constant 3488 : index
    %swap3A_439 = tpu.vector_load %arg5[%swap3A_438] {strides = array<i32>} : memref<4096xi32, #tpu.memory_space<vmem>>, vector<16xi32>,
    tpu.vector_store %arg5[%swap3A_438], %broadcast_in_dim3A_0 {strides = array<i32>} : memref<4096xi32, #tpu.memory_space<vmem>>, vector<16xi32>,
    %swap3A_440 = arith.constant 3504 : index
    %swap3A_441 = tpu.vector_load %arg5[%swap3A_440] {strides = array<i32>} : memref<4096xi32, #tpu.memory_space<vmem>>, vector<16xi32>,
    tpu.vector_store %arg5[%swap3A_440], %broadcast_in_dim3A_0 {strides = array<i32>} : memref<4096xi32, #tpu.memory_space<vmem>>, vector<16xi32>,
    %swap3A_442 = arith.constant 3520 : index
    %swap3A_443 = tpu.vector_load %arg5[%swap3A_442] {strides = array<i32>} : memref<4096xi32, #tpu.memory_space<vmem>>, vector<16xi32>,
    tpu.vector_store %arg5[%swap3A_442], %broadcast_in_dim3A_0 {strides = array<i32>} : memref<4096xi32, #tpu.memory_space<vmem>>, vector<16xi32>,
    %swap3A_444 = arith.constant 3536 : index
    %swap3A_445 = tpu.vector_load %arg5[%swap3A_444] {strides = array<i32>} : memref<4096xi32, #tpu.memory_space<vmem>>, vector<16xi32>,
    tpu.vector_store %arg5[%swap3A_444], %broadcast_in_dim3A_0 {strides = array<i32>} : memref<4096xi32, #tpu.memory_space<vmem>>, vector<16xi32>,
    %swap3A_446 = arith.constant 3552 : index
    %swap3A_447 = tpu.vector_load %arg5[%swap3A_446] {strides = array<i32>} : memref<4096xi32, #tpu.memory_space<vmem>>, vector<16xi32>,
    tpu.vector_store %arg5[%swap3A_446], %broadcast_in_dim3A_0 {strides = array<i32>} : memref<4096xi32, #tpu.memory_space<vmem>>, vector<16xi32>,
    %swap3A_448 = arith.constant 3568 : index
    %swap3A_449 = tpu.vector_load %arg5[%swap3A_448] {strides = array<i32>} : memref<4096xi32, #tpu.memory_space<vmem>>, vector<16xi32>,
    tpu.vector_store %arg5[%swap3A_448], %broadcast_in_dim3A_0 {strides = array<i32>} : memref<4096xi32, #tpu.memory_space<vmem>>, vector<16xi32>,
    %swap3A_450 = arith.constant 3584 : index
    %swap3A_451 = tpu.vector_load %arg5[%swap3A_450] {strides = array<i32>} : memref<4096xi32, #tpu.memory_space<vmem>>, vector<16xi32>,
    tpu.vector_store %arg5[%swap3A_450], %broadcast_in_dim3A_0 {strides = array<i32>} : memref<4096xi32, #tpu.memory_space<vmem>>, vector<16xi32>,
    %swap3A_452 = arith.constant 3600 : index
    %swap3A_453 = tpu.vector_load %arg5[%swap3A_452] {strides = array<i32>} : memref<4096xi32, #tpu.memory_space<vmem>>, vector<16xi32>,
    tpu.vector_store %arg5[%swap3A_452], %broadcast_in_dim3A_0 {strides = array<i32>} : memref<4096xi32, #tpu.memory_space<vmem>>, vector<16xi32>,
    %swap3A_454 = arith.constant 3616 : index
    %swap3A_455 = tpu.vector_load %arg5[%swap3A_454] {strides = array<i32>} : memref<4096xi32, #tpu.memory_space<vmem>>, vector<16xi32>,
    tpu.vector_store %arg5[%swap3A_454], %broadcast_in_dim3A_0 {strides = array<i32>} : memref<4096xi32, #tpu.memory_space<vmem>>, vector<16xi32>,
    %swap3A_456 = arith.constant 3632 : index
    %swap3A_457 = tpu.vector_load %arg5[%swap3A_456] {strides = array<i32>} : memref<4096xi32, #tpu.memory_space<vmem>>, vector<16xi32>,
    tpu.vector_store %arg5[%swap3A_456], %broadcast_in_dim3A_0 {strides = array<i32>} : memref<4096xi32, #tpu.memory_space<vmem>>, vector<16xi32>,
    %swap3A_458 = arith.constant 3648 : index
    %swap3A_459 = tpu.vector_load %arg5[%swap3A_458] {strides = array<i32>} : memref<4096xi32, #tpu.memory_space<vmem>>, vector<16xi32>,
    tpu.vector_store %arg5[%swap3A_458], %broadcast_in_dim3A_0 {strides = array<i32>} : memref<4096xi32, #tpu.memory_space<vmem>>, vector<16xi32>,
    %swap3A_460 = arith.constant 3664 : index
    %swap3A_461 = tpu.vector_load %arg5[%swap3A_460] {strides = array<i32>} : memref<4096xi32, #tpu.memory_space<vmem>>, vector<16xi32>,
    tpu.vector_store %arg5[%swap3A_460], %broadcast_in_dim3A_0 {strides = array<i32>} : memref<4096xi32, #tpu.memory_space<vmem>>, vector<16xi32>,
    %swap3A_462 = arith.constant 3680 : index
    %swap3A_463 = tpu.vector_load %arg5[%swap3A_462] {strides = array<i32>} : memref<4096xi32, #tpu.memory_space<vmem>>, vector<16xi32>,
    tpu.vector_store %arg5[%swap3A_462], %broadcast_in_dim3A_0 {strides = array<i32>} : memref<4096xi32, #tpu.memory_space<vmem>>, vector<16xi32>,
    %swap3A_464 = arith.constant 3696 : index
    %swap3A_465 = tpu.vector_load %arg5[%swap3A_464] {strides = array<i32>} : memref<4096xi32, #tpu.memory_space<vmem>>, vector<16xi32>,
    tpu.vector_store %arg5[%swap3A_464], %broadcast_in_dim3A_0 {strides = array<i32>} : memref<4096xi32, #tpu.memory_space<vmem>>, vector<16xi32>,
    %swap3A_466 = arith.constant 3712 : index
    %swap3A_467 = tpu.vector_load %arg5[%swap3A_466] {strides = array<i32>} : memref<4096xi32, #tpu.memory_space<vmem>>, vector<16xi32>,
    tpu.vector_store %arg5[%swap3A_466], %broadcast_in_dim3A_0 {strides = array<i32>} : memref<4096xi32, #tpu.memory_space<vmem>>, vector<16xi32>,
    %swap3A_468 = arith.constant 3728 : index
    %swap3A_469 = tpu.vector_load %arg5[%swap3A_468] {strides = array<i32>} : memref<4096xi32, #tpu.memory_space<vmem>>, vector<16xi32>,
    tpu.vector_store %arg5[%swap3A_468], %broadcast_in_dim3A_0 {strides = array<i32>} : memref<4096xi32, #tpu.memory_space<vmem>>, vector<16xi32>,
    %swap3A_470 = arith.constant 3744 : index
    %swap3A_471 = tpu.vector_load %arg5[%swap3A_470] {strides = array<i32>} : memref<4096xi32, #tpu.memory_space<vmem>>, vector<16xi32>,
    tpu.vector_store %arg5[%swap3A_470], %broadcast_in_dim3A_0 {strides = array<i32>} : memref<4096xi32, #tpu.memory_space<vmem>>, vector<16xi32>,
    %swap3A_472 = arith.constant 3760 : index
    %swap3A_473 = tpu.vector_load %arg5[%swap3A_472] {strides = array<i32>} : memref<4096xi32, #tpu.memory_space<vmem>>, vector<16xi32>,
    tpu.vector_store %arg5[%swap3A_472], %broadcast_in_dim3A_0 {strides = array<i32>} : memref<4096xi32, #tpu.memory_space<vmem>>, vector<16xi32>,
    %swap3A_474 = arith.constant 3776 : index
    %swap3A_475 = tpu.vector_load %arg5[%swap3A_474] {strides = array<i32>} : memref<4096xi32, #tpu.memory_space<vmem>>, vector<16xi32>,
    tpu.vector_store %arg5[%swap3A_474], %broadcast_in_dim3A_0 {strides = array<i32>} : memref<4096xi32, #tpu.memory_space<vmem>>, vector<16xi32>,
    %swap3A_476 = arith.constant 3792 : index
    %swap3A_477 = tpu.vector_load %arg5[%swap3A_476] {strides = array<i32>} : memref<4096xi32, #tpu.memory_space<vmem>>, vector<16xi32>,
    tpu.vector_store %arg5[%swap3A_476], %broadcast_in_dim3A_0 {strides = array<i32>} : memref<4096xi32, #tpu.memory_space<vmem>>, vector<16xi32>,
    %swap3A_478 = arith.constant 3808 : index
    %swap3A_479 = tpu.vector_load %arg5[%swap3A_478] {strides = array<i32>} : memref<4096xi32, #tpu.memory_space<vmem>>, vector<16xi32>,
    tpu.vector_store %arg5[%swap3A_478], %broadcast_in_dim3A_0 {strides = array<i32>} : memref<4096xi32, #tpu.memory_space<vmem>>, vector<16xi32>,
    %swap3A_480 = arith.constant 3824 : index
    %swap3A_481 = tpu.vector_load %arg5[%swap3A_480] {strides = array<i32>} : memref<4096xi32, #tpu.memory_space<vmem>>, vector<16xi32>,
    tpu.vector_store %arg5[%swap3A_480], %broadcast_in_dim3A_0 {strides = array<i32>} : memref<4096xi32, #tpu.memory_space<vmem>>, vector<16xi32>,
    %swap3A_482 = arith.constant 3840 : index
    %swap3A_483 = tpu.vector_load %arg5[%swap3A_482] {strides = array<i32>} : memref<4096xi32, #tpu.memory_space<vmem>>, vector<16xi32>,
    tpu.vector_store %arg5[%swap3A_482], %broadcast_in_dim3A_0 {strides = array<i32>} : memref<4096xi32, #tpu.memory_space<vmem>>, vector<16xi32>,
    %swap3A_484 = arith.constant 3856 : index
    %swap3A_485 = tpu.vector_load %arg5[%swap3A_484] {strides = array<i32>} : memref<4096xi32, #tpu.memory_space<vmem>>, vector<16xi32>,
    tpu.vector_store %arg5[%swap3A_484], %broadcast_in_dim3A_0 {strides = array<i32>} : memref<4096xi32, #tpu.memory_space<vmem>>, vector<16xi32>,
    %swap3A_486 = arith.constant 3872 : index
    %swap3A_487 = tpu.vector_load %arg5[%swap3A_486] {strides = array<i32>} : memref<4096xi32, #tpu.memory_space<vmem>>, vector<16xi32>,
    tpu.vector_store %arg5[%swap3A_486], %broadcast_in_dim3A_0 {strides = array<i32>} : memref<4096xi32, #tpu.memory_space<vmem>>, vector<16xi32>,
    %swap3A_488 = arith.constant 3888 : index
    %swap3A_489 = tpu.vector_load %arg5[%swap3A_488] {strides = array<i32>} : memref<4096xi32, #tpu.memory_space<vmem>>, vector<16xi32>,
    tpu.vector_store %arg5[%swap3A_488], %broadcast_in_dim3A_0 {strides = array<i32>} : memref<4096xi32, #tpu.memory_space<vmem>>, vector<16xi32>,
    %swap3A_490 = arith.constant 3904 : index
    %swap3A_491 = tpu.vector_load %arg5[%swap3A_490] {strides = array<i32>} : memref<4096xi32, #tpu.memory_space<vmem>>, vector<16xi32>,
    tpu.vector_store %arg5[%swap3A_490], %broadcast_in_dim3A_0 {strides = array<i32>} : memref<4096xi32, #tpu.memory_space<vmem>>, vector<16xi32>,
    %swap3A_492 = arith.constant 3920 : index
    %swap3A_493 = tpu.vector_load %arg5[%swap3A_492] {strides = array<i32>} : memref<4096xi32, #tpu.memory_space<vmem>>, vector<16xi32>,
    tpu.vector_store %arg5[%swap3A_492], %broadcast_in_dim3A_0 {strides = array<i32>} : memref<4096xi32, #tpu.memory_space<vmem>>, vector<16xi32>,
    %swap3A_494 = arith.constant 3936 : index
    %swap3A_495 = tpu.vector_load %arg5[%swap3A_494] {strides = array<i32>} : memref<4096xi32, #tpu.memory_space<vmem>>, vector<16xi32>,
    tpu.vector_store %arg5[%swap3A_494], %broadcast_in_dim3A_0 {strides = array<i32>} : memref<4096xi32, #tpu.memory_space<vmem>>, vector<16xi32>,
    %swap3A_496 = arith.constant 3952 : index
    %swap3A_497 = tpu.vector_load %arg5[%swap3A_496] {strides = array<i32>} : memref<4096xi32, #tpu.memory_space<vmem>>, vector<16xi32>,
    tpu.vector_store %arg5[%swap3A_496], %broadcast_in_dim3A_0 {strides = array<i32>} : memref<4096xi32, #tpu.memory_space<vmem>>, vector<16xi32>,
    %swap3A_498 = arith.constant 3968 : index
    %swap3A_499 = tpu.vector_load %arg5[%swap3A_498] {strides = array<i32>} : memref<4096xi32, #tpu.memory_space<vmem>>, vector<16xi32>,
    tpu.vector_store %arg5[%swap3A_498], %broadcast_in_dim3A_0 {strides = array<i32>} : memref<4096xi32, #tpu.memory_space<vmem>>, vector<16xi32>,
    %swap3A_500 = arith.constant 3984 : index
    %swap3A_501 = tpu.vector_load %arg5[%swap3A_500] {strides = array<i32>} : memref<4096xi32, #tpu.memory_space<vmem>>, vector<16xi32>,
    tpu.vector_store %arg5[%swap3A_500], %broadcast_in_dim3A_0 {strides = array<i32>} : memref<4096xi32, #tpu.memory_space<vmem>>, vector<16xi32>,
    %swap3A_502 = arith.constant 4000 : index
    %swap3A_503 = tpu.vector_load %arg5[%swap3A_502] {strides = array<i32>} : memref<4096xi32, #tpu.memory_space<vmem>>, vector<16xi32>,
    tpu.vector_store %arg5[%swap3A_502], %broadcast_in_dim3A_0 {strides = array<i32>} : memref<4096xi32, #tpu.memory_space<vmem>>, vector<16xi32>,
    %swap3A_504 = arith.constant 4016 : index
    %swap3A_505 = tpu.vector_load %arg5[%swap3A_504] {strides = array<i32>} : memref<4096xi32, #tpu.memory_space<vmem>>, vector<16xi32>,
    tpu.vector_store %arg5[%swap3A_504], %broadcast_in_dim3A_0 {strides = array<i32>} : memref<4096xi32, #tpu.memory_space<vmem>>, vector<16xi32>,
    %swap3A_506 = arith.constant 4032 : index
    %swap3A_507 = tpu.vector_load %arg5[%swap3A_506] {strides = array<i32>} : memref<4096xi32, #tpu.memory_space<vmem>>, vector<16xi32>,
    tpu.vector_store %arg5[%swap3A_506], %broadcast_in_dim3A_0 {strides = array<i32>} : memref<4096xi32, #tpu.memory_space<vmem>>, vector<16xi32>,
    %swap3A_508 = arith.constant 4048 : index
    %swap3A_509 = tpu.vector_load %arg5[%swap3A_508] {strides = array<i32>} : memref<4096xi32, #tpu.memory_space<vmem>>, vector<16xi32>,
    tpu.vector_store %arg5[%swap3A_508], %broadcast_in_dim3A_0 {strides = array<i32>} : memref<4096xi32, #tpu.memory_space<vmem>>, vector<16xi32>,
    %swap3A_510 = arith.constant 4064 : index
    %swap3A_511 = tpu.vector_load %arg5[%swap3A_510] {strides = array<i32>} : memref<4096xi32, #tpu.memory_space<vmem>>, vector<16xi32>,
    tpu.vector_store %arg5[%swap3A_510], %broadcast_in_dim3A_0 {strides = array<i32>} : memref<4096xi32, #tpu.memory_space<vmem>>, vector<16xi32>,
    %swap3A_512 = arith.constant 4080 : index
    %swap3A_513 = tpu.vector_load %arg5[%swap3A_512] {strides = array<i32>} : memref<4096xi32, #tpu.memory_space<vmem>>, vector<16xi32>,
    tpu.vector_store %arg5[%swap3A_512], %broadcast_in_dim3A_0 {strides = array<i32>} : memref<4096xi32, #tpu.memory_space<vmem>>, vector<16xi32>,
    %mul3A = arith.constant 256 : i32
    %mul3A_514 = arith.muli %arg1, %mul3A : i32
    "tpu.region"() ({
      %run_scoped3A = tpu.sem_alloc : memref<!tpu.dma_semaphore, #tpu.memory_space<semaphore_mem>>
      %dma_start3A = tpu.memref_slice %arg2[%mul3A_514] : memref<4096xi32, #tpu.memory_space<hbm>> -> memref<256xi32, #tpu.memory_space<hbm>>
      %dma_start3A_2610 = tpu.memref_slice %arg2[%mul3A_514] : memref<4096xi32, #tpu.memory_space<hbm>> -> memref<256xi32, #tpu.memory_space<hbm>>
      tpu.enqueue_dma source(%dma_start3A_2610 : memref<256xi32, #tpu.memory_space<hbm>>) target(%arg4 : memref<256xi32, #tpu.memory_space<vmem>>) target_semaphore(%run_scoped3A : memref<!tpu.dma_semaphore, #tpu.memory_space<semaphore_mem>>)
      %dma_wait3A = tpu.memref_slice %arg2[%mul3A_514] : memref<4096xi32, #tpu.memory_space<hbm>> -> memref<256xi32, #tpu.memory_space<hbm>>
      %dma_wait3A_2611 = tpu.memref_slice %arg2[%mul3A_514] : memref<4096xi32, #tpu.memory_space<hbm>> -> memref<256xi32, #tpu.memory_space<hbm>>
      tpu.wait_dma2 semaphore(%run_scoped3A : memref<!tpu.dma_semaphore, #tpu.memory_space<semaphore_mem>>) src(%dma_wait3A_2611 : memref<256xi32, #tpu.memory_space<hbm>>) dst(%arg4 : memref<256xi32, #tpu.memory_space<vmem>>)
      tpu.yield
    }) : () -> ()
    %get3A = arith.constant 0 : index
    %get3A_515 = tpu.vector_load %arg4[%get3A] {strides = array<i32>} : memref<256xi32, #tpu.memory_space<vmem>>, vector<16xi32>,
    %eq3A = arith.constant 0 : i32
    %eq3A_516 = vector.broadcast %eq3A : i32 to vector<16xi32>
    %eq3A_517 = arith.cmpi eq, %iota3A, %eq3A_516 : vector<16xi32>
    tpu.vector_store_idx %arg5[%get3A_515], %broadcast_in_dim3A_2 masked %eq3A_517 {add = true} : memref<4096xi32, #tpu.memory_space<vmem>>[vector<16xi32>], vector<16xi32>, vector<16xi1>
    %eq3A_518 = arith.constant 1 : i32
    %eq3A_519 = vector.broadcast %eq3A_518 : i32 to vector<16xi32>
    %eq3A_520 = arith.cmpi eq, %iota3A, %eq3A_519 : vector<16xi32>
    tpu.vector_store_idx %arg5[%get3A_515], %broadcast_in_dim3A_2 masked %eq3A_520 {add = true} : memref<4096xi32, #tpu.memory_space<vmem>>[vector<16xi32>], vector<16xi32>, vector<16xi1>
    %eq3A_521 = arith.constant 2 : i32
    %eq3A_522 = vector.broadcast %eq3A_521 : i32 to vector<16xi32>
    %eq3A_523 = arith.cmpi eq, %iota3A, %eq3A_522 : vector<16xi32>
    tpu.vector_store_idx %arg5[%get3A_515], %broadcast_in_dim3A_2 masked %eq3A_523 {add = true} : memref<4096xi32, #tpu.memory_space<vmem>>[vector<16xi32>], vector<16xi32>, vector<16xi1>
    %eq3A_524 = arith.constant 3 : i32
    %eq3A_525 = vector.broadcast %eq3A_524 : i32 to vector<16xi32>
    %eq3A_526 = arith.cmpi eq, %iota3A, %eq3A_525 : vector<16xi32>
    tpu.vector_store_idx %arg5[%get3A_515], %broadcast_in_dim3A_2 masked %eq3A_526 {add = true} : memref<4096xi32, #tpu.memory_space<vmem>>[vector<16xi32>], vector<16xi32>, vector<16xi1>
    %eq3A_527 = arith.constant 4 : i32
    %eq3A_528 = vector.broadcast %eq3A_527 : i32 to vector<16xi32>
    %eq3A_529 = arith.cmpi eq, %iota3A, %eq3A_528 : vector<16xi32>
    tpu.vector_store_idx %arg5[%get3A_515], %broadcast_in_dim3A_2 masked %eq3A_529 {add = true} : memref<4096xi32, #tpu.memory_space<vmem>>[vector<16xi32>], vector<16xi32>, vector<16xi1>
    %eq3A_530 = arith.constant 5 : i32
    %eq3A_531 = vector.broadcast %eq3A_530 : i32 to vector<16xi32>
    %eq3A_532 = arith.cmpi eq, %iota3A, %eq3A_531 : vector<16xi32>
    tpu.vector_store_idx %arg5[%get3A_515], %broadcast_in_dim3A_2 masked %eq3A_532 {add = true} : memref<4096xi32, #tpu.memory_space<vmem>>[vector<16xi32>], vector<16xi32>, vector<16xi1>
    %eq3A_533 = arith.constant 6 : i32
    %eq3A_534 = vector.broadcast %eq3A_533 : i32 to vector<16xi32>
    %eq3A_535 = arith.cmpi eq, %iota3A, %eq3A_534 : vector<16xi32>
    tpu.vector_store_idx %arg5[%get3A_515], %broadcast_in_dim3A_2 masked %eq3A_535 {add = true} : memref<4096xi32, #tpu.memory_space<vmem>>[vector<16xi32>], vector<16xi32>, vector<16xi1>
    %eq3A_536 = arith.constant 7 : i32
    %eq3A_537 = vector.broadcast %eq3A_536 : i32 to vector<16xi32>
    %eq3A_538 = arith.cmpi eq, %iota3A, %eq3A_537 : vector<16xi32>
    tpu.vector_store_idx %arg5[%get3A_515], %broadcast_in_dim3A_2 masked %eq3A_538 {add = true} : memref<4096xi32, #tpu.memory_space<vmem>>[vector<16xi32>], vector<16xi32>, vector<16xi1>
    %eq3A_539 = arith.constant 8 : i32
    %eq3A_540 = vector.broadcast %eq3A_539 : i32 to vector<16xi32>
    %eq3A_541 = arith.cmpi eq, %iota3A, %eq3A_540 : vector<16xi32>
    tpu.vector_store_idx %arg5[%get3A_515], %broadcast_in_dim3A_2 masked %eq3A_541 {add = true} : memref<4096xi32, #tpu.memory_space<vmem>>[vector<16xi32>], vector<16xi32>, vector<16xi1>
    %eq3A_542 = arith.constant 9 : i32
    %eq3A_543 = vector.broadcast %eq3A_542 : i32 to vector<16xi32>
    %eq3A_544 = arith.cmpi eq, %iota3A, %eq3A_543 : vector<16xi32>
    tpu.vector_store_idx %arg5[%get3A_515], %broadcast_in_dim3A_2 masked %eq3A_544 {add = true} : memref<4096xi32, #tpu.memory_space<vmem>>[vector<16xi32>], vector<16xi32>, vector<16xi1>
    %eq3A_545 = arith.constant 10 : i32
    %eq3A_546 = vector.broadcast %eq3A_545 : i32 to vector<16xi32>
    %eq3A_547 = arith.cmpi eq, %iota3A, %eq3A_546 : vector<16xi32>
    tpu.vector_store_idx %arg5[%get3A_515], %broadcast_in_dim3A_2 masked %eq3A_547 {add = true} : memref<4096xi32, #tpu.memory_space<vmem>>[vector<16xi32>], vector<16xi32>, vector<16xi1>
    %eq3A_548 = arith.constant 11 : i32
    %eq3A_549 = vector.broadcast %eq3A_548 : i32 to vector<16xi32>
    %eq3A_550 = arith.cmpi eq, %iota3A, %eq3A_549 : vector<16xi32>
    tpu.vector_store_idx %arg5[%get3A_515], %broadcast_in_dim3A_2 masked %eq3A_550 {add = true} : memref<4096xi32, #tpu.memory_space<vmem>>[vector<16xi32>], vector<16xi32>, vector<16xi1>
    %eq3A_551 = arith.constant 12 : i32
    %eq3A_552 = vector.broadcast %eq3A_551 : i32 to vector<16xi32>
    %eq3A_553 = arith.cmpi eq, %iota3A, %eq3A_552 : vector<16xi32>
    tpu.vector_store_idx %arg5[%get3A_515], %broadcast_in_dim3A_2 masked %eq3A_553 {add = true} : memref<4096xi32, #tpu.memory_space<vmem>>[vector<16xi32>], vector<16xi32>, vector<16xi1>
    %eq3A_554 = arith.constant 13 : i32
    %eq3A_555 = vector.broadcast %eq3A_554 : i32 to vector<16xi32>
    %eq3A_556 = arith.cmpi eq, %iota3A, %eq3A_555 : vector<16xi32>
    tpu.vector_store_idx %arg5[%get3A_515], %broadcast_in_dim3A_2 masked %eq3A_556 {add = true} : memref<4096xi32, #tpu.memory_space<vmem>>[vector<16xi32>], vector<16xi32>, vector<16xi1>
    %eq3A_557 = arith.constant 14 : i32
    %eq3A_558 = vector.broadcast %eq3A_557 : i32 to vector<16xi32>
    %eq3A_559 = arith.cmpi eq, %iota3A, %eq3A_558 : vector<16xi32>
    tpu.vector_store_idx %arg5[%get3A_515], %broadcast_in_dim3A_2 masked %eq3A_559 {add = true} : memref<4096xi32, #tpu.memory_space<vmem>>[vector<16xi32>], vector<16xi32>, vector<16xi1>
    %eq3A_560 = arith.constant 15 : i32
    %eq3A_561 = vector.broadcast %eq3A_560 : i32 to vector<16xi32>
    %eq3A_562 = arith.cmpi eq, %iota3A, %eq3A_561 : vector<16xi32>
    tpu.vector_store_idx %arg5[%get3A_515], %broadcast_in_dim3A_2 masked %eq3A_562 {add = true} : memref<4096xi32, #tpu.memory_space<vmem>>[vector<16xi32>], vector<16xi32>, vector<16xi1>
    %get3A_563 = arith.constant 16 : index
    %get3A_564 = tpu.vector_load %arg4[%get3A_563] {strides = array<i32>} : memref<256xi32, #tpu.memory_space<vmem>>, vector<16xi32>,
    %eq3A_565 = arith.constant 0 : i32
    %eq3A_566 = vector.broadcast %eq3A_565 : i32 to vector<16xi32>
    %eq3A_567 = arith.cmpi eq, %iota3A, %eq3A_566 : vector<16xi32>
    tpu.vector_store_idx %arg5[%get3A_564], %broadcast_in_dim3A_2 masked %eq3A_567 {add = true} : memref<4096xi32, #tpu.memory_space<vmem>>[vector<16xi32>], vector<16xi32>, vector<16xi1>
    %eq3A_568 = arith.constant 1 : i32
    %eq3A_569 = vector.broadcast %eq3A_568 : i32 to vector<16xi32>
    %eq3A_570 = arith.cmpi eq, %iota3A, %eq3A_569 : vector<16xi32>
    tpu.vector_store_idx %arg5[%get3A_564], %broadcast_in_dim3A_2 masked %eq3A_570 {add = true} : memref<4096xi32, #tpu.memory_space<vmem>>[vector<16xi32>], vector<16xi32>, vector<16xi1>
    %eq3A_571 = arith.constant 2 : i32
    %eq3A_572 = vector.broadcast %eq3A_571 : i32 to vector<16xi32>
    %eq3A_573 = arith.cmpi eq, %iota3A, %eq3A_572 : vector<16xi32>
    tpu.vector_store_idx %arg5[%get3A_564], %broadcast_in_dim3A_2 masked %eq3A_573 {add = true} : memref<4096xi32, #tpu.memory_space<vmem>>[vector<16xi32>], vector<16xi32>, vector<16xi1>
    %eq3A_574 = arith.constant 3 : i32
    %eq3A_575 = vector.broadcast %eq3A_574 : i32 to vector<16xi32>
    %eq3A_576 = arith.cmpi eq, %iota3A, %eq3A_575 : vector<16xi32>
    tpu.vector_store_idx %arg5[%get3A_564], %broadcast_in_dim3A_2 masked %eq3A_576 {add = true} : memref<4096xi32, #tpu.memory_space<vmem>>[vector<16xi32>], vector<16xi32>, vector<16xi1>
    %eq3A_577 = arith.constant 4 : i32
    %eq3A_578 = vector.broadcast %eq3A_577 : i32 to vector<16xi32>
    %eq3A_579 = arith.cmpi eq, %iota3A, %eq3A_578 : vector<16xi32>
    tpu.vector_store_idx %arg5[%get3A_564], %broadcast_in_dim3A_2 masked %eq3A_579 {add = true} : memref<4096xi32, #tpu.memory_space<vmem>>[vector<16xi32>], vector<16xi32>, vector<16xi1>
    %eq3A_580 = arith.constant 5 : i32
    %eq3A_581 = vector.broadcast %eq3A_580 : i32 to vector<16xi32>
    %eq3A_582 = arith.cmpi eq, %iota3A, %eq3A_581 : vector<16xi32>
    tpu.vector_store_idx %arg5[%get3A_564], %broadcast_in_dim3A_2 masked %eq3A_582 {add = true} : memref<4096xi32, #tpu.memory_space<vmem>>[vector<16xi32>], vector<16xi32>, vector<16xi1>
    %eq3A_583 = arith.constant 6 : i32
    %eq3A_584 = vector.broadcast %eq3A_583 : i32 to vector<16xi32>
    %eq3A_585 = arith.cmpi eq, %iota3A, %eq3A_584 : vector<16xi32>
    tpu.vector_store_idx %arg5[%get3A_564], %broadcast_in_dim3A_2 masked %eq3A_585 {add = true} : memref<4096xi32, #tpu.memory_space<vmem>>[vector<16xi32>], vector<16xi32>, vector<16xi1>
    %eq3A_586 = arith.constant 7 : i32
    %eq3A_587 = vector.broadcast %eq3A_586 : i32 to vector<16xi32>
    %eq3A_588 = arith.cmpi eq, %iota3A, %eq3A_587 : vector<16xi32>
    tpu.vector_store_idx %arg5[%get3A_564], %broadcast_in_dim3A_2 masked %eq3A_588 {add = true} : memref<4096xi32, #tpu.memory_space<vmem>>[vector<16xi32>], vector<16xi32>, vector<16xi1>
    %eq3A_589 = arith.constant 8 : i32
    %eq3A_590 = vector.broadcast %eq3A_589 : i32 to vector<16xi32>
    %eq3A_591 = arith.cmpi eq, %iota3A, %eq3A_590 : vector<16xi32>
    tpu.vector_store_idx %arg5[%get3A_564], %broadcast_in_dim3A_2 masked %eq3A_591 {add = true} : memref<4096xi32, #tpu.memory_space<vmem>>[vector<16xi32>], vector<16xi32>, vector<16xi1>
    %eq3A_592 = arith.constant 9 : i32
    %eq3A_593 = vector.broadcast %eq3A_592 : i32 to vector<16xi32>
    %eq3A_594 = arith.cmpi eq, %iota3A, %eq3A_593 : vector<16xi32>
    tpu.vector_store_idx %arg5[%get3A_564], %broadcast_in_dim3A_2 masked %eq3A_594 {add = true} : memref<4096xi32, #tpu.memory_space<vmem>>[vector<16xi32>], vector<16xi32>, vector<16xi1>
    %eq3A_595 = arith.constant 10 : i32
    %eq3A_596 = vector.broadcast %eq3A_595 : i32 to vector<16xi32>
    %eq3A_597 = arith.cmpi eq, %iota3A, %eq3A_596 : vector<16xi32>
    tpu.vector_store_idx %arg5[%get3A_564], %broadcast_in_dim3A_2 masked %eq3A_597 {add = true} : memref<4096xi32, #tpu.memory_space<vmem>>[vector<16xi32>], vector<16xi32>, vector<16xi1>
    %eq3A_598 = arith.constant 11 : i32
    %eq3A_599 = vector.broadcast %eq3A_598 : i32 to vector<16xi32>
    %eq3A_600 = arith.cmpi eq, %iota3A, %eq3A_599 : vector<16xi32>
    tpu.vector_store_idx %arg5[%get3A_564], %broadcast_in_dim3A_2 masked %eq3A_600 {add = true} : memref<4096xi32, #tpu.memory_space<vmem>>[vector<16xi32>], vector<16xi32>, vector<16xi1>
    %eq3A_601 = arith.constant 12 : i32
    %eq3A_602 = vector.broadcast %eq3A_601 : i32 to vector<16xi32>
    %eq3A_603 = arith.cmpi eq, %iota3A, %eq3A_602 : vector<16xi32>
    tpu.vector_store_idx %arg5[%get3A_564], %broadcast_in_dim3A_2 masked %eq3A_603 {add = true} : memref<4096xi32, #tpu.memory_space<vmem>>[vector<16xi32>], vector<16xi32>, vector<16xi1>
    %eq3A_604 = arith.constant 13 : i32
    %eq3A_605 = vector.broadcast %eq3A_604 : i32 to vector<16xi32>
    %eq3A_606 = arith.cmpi eq, %iota3A, %eq3A_605 : vector<16xi32>
    tpu.vector_store_idx %arg5[%get3A_564], %broadcast_in_dim3A_2 masked %eq3A_606 {add = true} : memref<4096xi32, #tpu.memory_space<vmem>>[vector<16xi32>], vector<16xi32>, vector<16xi1>
    %eq3A_607 = arith.constant 14 : i32
    %eq3A_608 = vector.broadcast %eq3A_607 : i32 to vector<16xi32>
    %eq3A_609 = arith.cmpi eq, %iota3A, %eq3A_608 : vector<16xi32>
    tpu.vector_store_idx %arg5[%get3A_564], %broadcast_in_dim3A_2 masked %eq3A_609 {add = true} : memref<4096xi32, #tpu.memory_space<vmem>>[vector<16xi32>], vector<16xi32>, vector<16xi1>
    %eq3A_610 = arith.constant 15 : i32
    %eq3A_611 = vector.broadcast %eq3A_610 : i32 to vector<16xi32>
    %eq3A_612 = arith.cmpi eq, %iota3A, %eq3A_611 : vector<16xi32>
    tpu.vector_store_idx %arg5[%get3A_564], %broadcast_in_dim3A_2 masked %eq3A_612 {add = true} : memref<4096xi32, #tpu.memory_space<vmem>>[vector<16xi32>], vector<16xi32>, vector<16xi1>
    %get3A_613 = arith.constant 32 : index
    %get3A_614 = tpu.vector_load %arg4[%get3A_613] {strides = array<i32>} : memref<256xi32, #tpu.memory_space<vmem>>, vector<16xi32>,
    %eq3A_615 = arith.constant 0 : i32
    %eq3A_616 = vector.broadcast %eq3A_615 : i32 to vector<16xi32>
    %eq3A_617 = arith.cmpi eq, %iota3A, %eq3A_616 : vector<16xi32>
    tpu.vector_store_idx %arg5[%get3A_614], %broadcast_in_dim3A_2 masked %eq3A_617 {add = true} : memref<4096xi32, #tpu.memory_space<vmem>>[vector<16xi32>], vector<16xi32>, vector<16xi1>
    %eq3A_618 = arith.constant 1 : i32
    %eq3A_619 = vector.broadcast %eq3A_618 : i32 to vector<16xi32>
    %eq3A_620 = arith.cmpi eq, %iota3A, %eq3A_619 : vector<16xi32>
    tpu.vector_store_idx %arg5[%get3A_614], %broadcast_in_dim3A_2 masked %eq3A_620 {add = true} : memref<4096xi32, #tpu.memory_space<vmem>>[vector<16xi32>], vector<16xi32>, vector<16xi1>
    %eq3A_621 = arith.constant 2 : i32
    %eq3A_622 = vector.broadcast %eq3A_621 : i32 to vector<16xi32>
    %eq3A_623 = arith.cmpi eq, %iota3A, %eq3A_622 : vector<16xi32>
    tpu.vector_store_idx %arg5[%get3A_614], %broadcast_in_dim3A_2 masked %eq3A_623 {add = true} : memref<4096xi32, #tpu.memory_space<vmem>>[vector<16xi32>], vector<16xi32>, vector<16xi1>
    %eq3A_624 = arith.constant 3 : i32
    %eq3A_625 = vector.broadcast %eq3A_624 : i32 to vector<16xi32>
    %eq3A_626 = arith.cmpi eq, %iota3A, %eq3A_625 : vector<16xi32>
    tpu.vector_store_idx %arg5[%get3A_614], %broadcast_in_dim3A_2 masked %eq3A_626 {add = true} : memref<4096xi32, #tpu.memory_space<vmem>>[vector<16xi32>], vector<16xi32>, vector<16xi1>
    %eq3A_627 = arith.constant 4 : i32
    %eq3A_628 = vector.broadcast %eq3A_627 : i32 to vector<16xi32>
    %eq3A_629 = arith.cmpi eq, %iota3A, %eq3A_628 : vector<16xi32>
    tpu.vector_store_idx %arg5[%get3A_614], %broadcast_in_dim3A_2 masked %eq3A_629 {add = true} : memref<4096xi32, #tpu.memory_space<vmem>>[vector<16xi32>], vector<16xi32>, vector<16xi1>
    %eq3A_630 = arith.constant 5 : i32
    %eq3A_631 = vector.broadcast %eq3A_630 : i32 to vector<16xi32>
    %eq3A_632 = arith.cmpi eq, %iota3A, %eq3A_631 : vector<16xi32>
    tpu.vector_store_idx %arg5[%get3A_614], %broadcast_in_dim3A_2 masked %eq3A_632 {add = true} : memref<4096xi32, #tpu.memory_space<vmem>>[vector<16xi32>], vector<16xi32>, vector<16xi1>
    %eq3A_633 = arith.constant 6 : i32
    %eq3A_634 = vector.broadcast %eq3A_633 : i32 to vector<16xi32>
    %eq3A_635 = arith.cmpi eq, %iota3A, %eq3A_634 : vector<16xi32>
    tpu.vector_store_idx %arg5[%get3A_614], %broadcast_in_dim3A_2 masked %eq3A_635 {add = true} : memref<4096xi32, #tpu.memory_space<vmem>>[vector<16xi32>], vector<16xi32>, vector<16xi1>
    %eq3A_636 = arith.constant 7 : i32
    %eq3A_637 = vector.broadcast %eq3A_636 : i32 to vector<16xi32>
    %eq3A_638 = arith.cmpi eq, %iota3A, %eq3A_637 : vector<16xi32>
    tpu.vector_store_idx %arg5[%get3A_614], %broadcast_in_dim3A_2 masked %eq3A_638 {add = true} : memref<4096xi32, #tpu.memory_space<vmem>>[vector<16xi32>], vector<16xi32>, vector<16xi1>
    %eq3A_639 = arith.constant 8 : i32
    %eq3A_640 = vector.broadcast %eq3A_639 : i32 to vector<16xi32>
    %eq3A_641 = arith.cmpi eq, %iota3A, %eq3A_640 : vector<16xi32>
    tpu.vector_store_idx %arg5[%get3A_614], %broadcast_in_dim3A_2 masked %eq3A_641 {add = true} : memref<4096xi32, #tpu.memory_space<vmem>>[vector<16xi32>], vector<16xi32>, vector<16xi1>
    %eq3A_642 = arith.constant 9 : i32
    %eq3A_643 = vector.broadcast %eq3A_642 : i32 to vector<16xi32>
    %eq3A_644 = arith.cmpi eq, %iota3A, %eq3A_643 : vector<16xi32>
    tpu.vector_store_idx %arg5[%get3A_614], %broadcast_in_dim3A_2 masked %eq3A_644 {add = true} : memref<4096xi32, #tpu.memory_space<vmem>>[vector<16xi32>], vector<16xi32>, vector<16xi1>
    %eq3A_645 = arith.constant 10 : i32
    %eq3A_646 = vector.broadcast %eq3A_645 : i32 to vector<16xi32>
    %eq3A_647 = arith.cmpi eq, %iota3A, %eq3A_646 : vector<16xi32>
    tpu.vector_store_idx %arg5[%get3A_614], %broadcast_in_dim3A_2 masked %eq3A_647 {add = true} : memref<4096xi32, #tpu.memory_space<vmem>>[vector<16xi32>], vector<16xi32>, vector<16xi1>
    %eq3A_648 = arith.constant 11 : i32
    %eq3A_649 = vector.broadcast %eq3A_648 : i32 to vector<16xi32>
    %eq3A_650 = arith.cmpi eq, %iota3A, %eq3A_649 : vector<16xi32>
    tpu.vector_store_idx %arg5[%get3A_614], %broadcast_in_dim3A_2 masked %eq3A_650 {add = true} : memref<4096xi32, #tpu.memory_space<vmem>>[vector<16xi32>], vector<16xi32>, vector<16xi1>
    %eq3A_651 = arith.constant 12 : i32
    %eq3A_652 = vector.broadcast %eq3A_651 : i32 to vector<16xi32>
    %eq3A_653 = arith.cmpi eq, %iota3A, %eq3A_652 : vector<16xi32>
    tpu.vector_store_idx %arg5[%get3A_614], %broadcast_in_dim3A_2 masked %eq3A_653 {add = true} : memref<4096xi32, #tpu.memory_space<vmem>>[vector<16xi32>], vector<16xi32>, vector<16xi1>
    %eq3A_654 = arith.constant 13 : i32
    %eq3A_655 = vector.broadcast %eq3A_654 : i32 to vector<16xi32>
    %eq3A_656 = arith.cmpi eq, %iota3A, %eq3A_655 : vector<16xi32>
    tpu.vector_store_idx %arg5[%get3A_614], %broadcast_in_dim3A_2 masked %eq3A_656 {add = true} : memref<4096xi32, #tpu.memory_space<vmem>>[vector<16xi32>], vector<16xi32>, vector<16xi1>
    %eq3A_657 = arith.constant 14 : i32
    %eq3A_658 = vector.broadcast %eq3A_657 : i32 to vector<16xi32>
    %eq3A_659 = arith.cmpi eq, %iota3A, %eq3A_658 : vector<16xi32>
    tpu.vector_store_idx %arg5[%get3A_614], %broadcast_in_dim3A_2 masked %eq3A_659 {add = true} : memref<4096xi32, #tpu.memory_space<vmem>>[vector<16xi32>], vector<16xi32>, vector<16xi1>
    %eq3A_660 = arith.constant 15 : i32
    %eq3A_661 = vector.broadcast %eq3A_660 : i32 to vector<16xi32>
    %eq3A_662 = arith.cmpi eq, %iota3A, %eq3A_661 : vector<16xi32>
    tpu.vector_store_idx %arg5[%get3A_614], %broadcast_in_dim3A_2 masked %eq3A_662 {add = true} : memref<4096xi32, #tpu.memory_space<vmem>>[vector<16xi32>], vector<16xi32>, vector<16xi1>
    %get3A_663 = arith.constant 48 : index
    %get3A_664 = tpu.vector_load %arg4[%get3A_663] {strides = array<i32>} : memref<256xi32, #tpu.memory_space<vmem>>, vector<16xi32>,
    %eq3A_665 = arith.constant 0 : i32
    %eq3A_666 = vector.broadcast %eq3A_665 : i32 to vector<16xi32>
    %eq3A_667 = arith.cmpi eq, %iota3A, %eq3A_666 : vector<16xi32>
    tpu.vector_store_idx %arg5[%get3A_664], %broadcast_in_dim3A_2 masked %eq3A_667 {add = true} : memref<4096xi32, #tpu.memory_space<vmem>>[vector<16xi32>], vector<16xi32>, vector<16xi1>
    %eq3A_668 = arith.constant 1 : i32
    %eq3A_669 = vector.broadcast %eq3A_668 : i32 to vector<16xi32>
    %eq3A_670 = arith.cmpi eq, %iota3A, %eq3A_669 : vector<16xi32>
    tpu.vector_store_idx %arg5[%get3A_664], %broadcast_in_dim3A_2 masked %eq3A_670 {add = true} : memref<4096xi32, #tpu.memory_space<vmem>>[vector<16xi32>], vector<16xi32>, vector<16xi1>
    %eq3A_671 = arith.constant 2 : i32
    %eq3A_672 = vector.broadcast %eq3A_671 : i32 to vector<16xi32>
    %eq3A_673 = arith.cmpi eq, %iota3A, %eq3A_672 : vector<16xi32>
    tpu.vector_store_idx %arg5[%get3A_664], %broadcast_in_dim3A_2 masked %eq3A_673 {add = true} : memref<4096xi32, #tpu.memory_space<vmem>>[vector<16xi32>], vector<16xi32>, vector<16xi1>
    %eq3A_674 = arith.constant 3 : i32
    %eq3A_675 = vector.broadcast %eq3A_674 : i32 to vector<16xi32>
    %eq3A_676 = arith.cmpi eq, %iota3A, %eq3A_675 : vector<16xi32>
    tpu.vector_store_idx %arg5[%get3A_664], %broadcast_in_dim3A_2 masked %eq3A_676 {add = true} : memref<4096xi32, #tpu.memory_space<vmem>>[vector<16xi32>], vector<16xi32>, vector<16xi1>
    %eq3A_677 = arith.constant 4 : i32
    %eq3A_678 = vector.broadcast %eq3A_677 : i32 to vector<16xi32>
    %eq3A_679 = arith.cmpi eq, %iota3A, %eq3A_678 : vector<16xi32>
    tpu.vector_store_idx %arg5[%get3A_664], %broadcast_in_dim3A_2 masked %eq3A_679 {add = true} : memref<4096xi32, #tpu.memory_space<vmem>>[vector<16xi32>], vector<16xi32>, vector<16xi1>
    %eq3A_680 = arith.constant 5 : i32
    %eq3A_681 = vector.broadcast %eq3A_680 : i32 to vector<16xi32>
    %eq3A_682 = arith.cmpi eq, %iota3A, %eq3A_681 : vector<16xi32>
    tpu.vector_store_idx %arg5[%get3A_664], %broadcast_in_dim3A_2 masked %eq3A_682 {add = true} : memref<4096xi32, #tpu.memory_space<vmem>>[vector<16xi32>], vector<16xi32>, vector<16xi1>
    %eq3A_683 = arith.constant 6 : i32
    %eq3A_684 = vector.broadcast %eq3A_683 : i32 to vector<16xi32>
    %eq3A_685 = arith.cmpi eq, %iota3A, %eq3A_684 : vector<16xi32>
    tpu.vector_store_idx %arg5[%get3A_664], %broadcast_in_dim3A_2 masked %eq3A_685 {add = true} : memref<4096xi32, #tpu.memory_space<vmem>>[vector<16xi32>], vector<16xi32>, vector<16xi1>
    %eq3A_686 = arith.constant 7 : i32
    %eq3A_687 = vector.broadcast %eq3A_686 : i32 to vector<16xi32>
    %eq3A_688 = arith.cmpi eq, %iota3A, %eq3A_687 : vector<16xi32>
    tpu.vector_store_idx %arg5[%get3A_664], %broadcast_in_dim3A_2 masked %eq3A_688 {add = true} : memref<4096xi32, #tpu.memory_space<vmem>>[vector<16xi32>], vector<16xi32>, vector<16xi1>
    %eq3A_689 = arith.constant 8 : i32
    %eq3A_690 = vector.broadcast %eq3A_689 : i32 to vector<16xi32>
    %eq3A_691 = arith.cmpi eq, %iota3A, %eq3A_690 : vector<16xi32>
    tpu.vector_store_idx %arg5[%get3A_664], %broadcast_in_dim3A_2 masked %eq3A_691 {add = true} : memref<4096xi32, #tpu.memory_space<vmem>>[vector<16xi32>], vector<16xi32>, vector<16xi1>
    %eq3A_692 = arith.constant 9 : i32
    %eq3A_693 = vector.broadcast %eq3A_692 : i32 to vector<16xi32>
    %eq3A_694 = arith.cmpi eq, %iota3A, %eq3A_693 : vector<16xi32>
    tpu.vector_store_idx %arg5[%get3A_664], %broadcast_in_dim3A_2 masked %eq3A_694 {add = true} : memref<4096xi32, #tpu.memory_space<vmem>>[vector<16xi32>], vector<16xi32>, vector<16xi1>
    %eq3A_695 = arith.constant 10 : i32
    %eq3A_696 = vector.broadcast %eq3A_695 : i32 to vector<16xi32>
    %eq3A_697 = arith.cmpi eq, %iota3A, %eq3A_696 : vector<16xi32>
    tpu.vector_store_idx %arg5[%get3A_664], %broadcast_in_dim3A_2 masked %eq3A_697 {add = true} : memref<4096xi32, #tpu.memory_space<vmem>>[vector<16xi32>], vector<16xi32>, vector<16xi1>
    %eq3A_698 = arith.constant 11 : i32
    %eq3A_699 = vector.broadcast %eq3A_698 : i32 to vector<16xi32>
    %eq3A_700 = arith.cmpi eq, %iota3A, %eq3A_699 : vector<16xi32>
    tpu.vector_store_idx %arg5[%get3A_664], %broadcast_in_dim3A_2 masked %eq3A_700 {add = true} : memref<4096xi32, #tpu.memory_space<vmem>>[vector<16xi32>], vector<16xi32>, vector<16xi1>
    %eq3A_701 = arith.constant 12 : i32
    %eq3A_702 = vector.broadcast %eq3A_701 : i32 to vector<16xi32>
    %eq3A_703 = arith.cmpi eq, %iota3A, %eq3A_702 : vector<16xi32>
    tpu.vector_store_idx %arg5[%get3A_664], %broadcast_in_dim3A_2 masked %eq3A_703 {add = true} : memref<4096xi32, #tpu.memory_space<vmem>>[vector<16xi32>], vector<16xi32>, vector<16xi1>
    %eq3A_704 = arith.constant 13 : i32
    %eq3A_705 = vector.broadcast %eq3A_704 : i32 to vector<16xi32>
    %eq3A_706 = arith.cmpi eq, %iota3A, %eq3A_705 : vector<16xi32>
    tpu.vector_store_idx %arg5[%get3A_664], %broadcast_in_dim3A_2 masked %eq3A_706 {add = true} : memref<4096xi32, #tpu.memory_space<vmem>>[vector<16xi32>], vector<16xi32>, vector<16xi1>
    %eq3A_707 = arith.constant 14 : i32
    %eq3A_708 = vector.broadcast %eq3A_707 : i32 to vector<16xi32>
    %eq3A_709 = arith.cmpi eq, %iota3A, %eq3A_708 : vector<16xi32>
    tpu.vector_store_idx %arg5[%get3A_664], %broadcast_in_dim3A_2 masked %eq3A_709 {add = true} : memref<4096xi32, #tpu.memory_space<vmem>>[vector<16xi32>], vector<16xi32>, vector<16xi1>
    %eq3A_710 = arith.constant 15 : i32
    %eq3A_711 = vector.broadcast %eq3A_710 : i32 to vector<16xi32>
    %eq3A_712 = arith.cmpi eq, %iota3A, %eq3A_711 : vector<16xi32>
    tpu.vector_store_idx %arg5[%get3A_664], %broadcast_in_dim3A_2 masked %eq3A_712 {add = true} : memref<4096xi32, #tpu.memory_space<vmem>>[vector<16xi32>], vector<16xi32>, vector<16xi1>
    %get3A_713 = arith.constant 64 : index
    %get3A_714 = tpu.vector_load %arg4[%get3A_713] {strides = array<i32>} : memref<256xi32, #tpu.memory_space<vmem>>, vector<16xi32>,
    %eq3A_715 = arith.constant 0 : i32
    %eq3A_716 = vector.broadcast %eq3A_715 : i32 to vector<16xi32>
    %eq3A_717 = arith.cmpi eq, %iota3A, %eq3A_716 : vector<16xi32>
    tpu.vector_store_idx %arg5[%get3A_714], %broadcast_in_dim3A_2 masked %eq3A_717 {add = true} : memref<4096xi32, #tpu.memory_space<vmem>>[vector<16xi32>], vector<16xi32>, vector<16xi1>
    %eq3A_718 = arith.constant 1 : i32
    %eq3A_719 = vector.broadcast %eq3A_718 : i32 to vector<16xi32>
    %eq3A_720 = arith.cmpi eq, %iota3A, %eq3A_719 : vector<16xi32>
    tpu.vector_store_idx %arg5[%get3A_714], %broadcast_in_dim3A_2 masked %eq3A_720 {add = true} : memref<4096xi32, #tpu.memory_space<vmem>>[vector<16xi32>], vector<16xi32>, vector<16xi1>
    %eq3A_721 = arith.constant 2 : i32
    %eq3A_722 = vector.broadcast %eq3A_721 : i32 to vector<16xi32>
    %eq3A_723 = arith.cmpi eq, %iota3A, %eq3A_722 : vector<16xi32>
    tpu.vector_store_idx %arg5[%get3A_714], %broadcast_in_dim3A_2 masked %eq3A_723 {add = true} : memref<4096xi32, #tpu.memory_space<vmem>>[vector<16xi32>], vector<16xi32>, vector<16xi1>
    %eq3A_724 = arith.constant 3 : i32
    %eq3A_725 = vector.broadcast %eq3A_724 : i32 to vector<16xi32>
    %eq3A_726 = arith.cmpi eq, %iota3A, %eq3A_725 : vector<16xi32>
    tpu.vector_store_idx %arg5[%get3A_714], %broadcast_in_dim3A_2 masked %eq3A_726 {add = true} : memref<4096xi32, #tpu.memory_space<vmem>>[vector<16xi32>], vector<16xi32>, vector<16xi1>
    %eq3A_727 = arith.constant 4 : i32
    %eq3A_728 = vector.broadcast %eq3A_727 : i32 to vector<16xi32>
    %eq3A_729 = arith.cmpi eq, %iota3A, %eq3A_728 : vector<16xi32>
    tpu.vector_store_idx %arg5[%get3A_714], %broadcast_in_dim3A_2 masked %eq3A_729 {add = true} : memref<4096xi32, #tpu.memory_space<vmem>>[vector<16xi32>], vector<16xi32>, vector<16xi1>
    %eq3A_730 = arith.constant 5 : i32
    %eq3A_731 = vector.broadcast %eq3A_730 : i32 to vector<16xi32>
    %eq3A_732 = arith.cmpi eq, %iota3A, %eq3A_731 : vector<16xi32>
    tpu.vector_store_idx %arg5[%get3A_714], %broadcast_in_dim3A_2 masked %eq3A_732 {add = true} : memref<4096xi32, #tpu.memory_space<vmem>>[vector<16xi32>], vector<16xi32>, vector<16xi1>
    %eq3A_733 = arith.constant 6 : i32
    %eq3A_734 = vector.broadcast %eq3A_733 : i32 to vector<16xi32>
    %eq3A_735 = arith.cmpi eq, %iota3A, %eq3A_734 : vector<16xi32>
    tpu.vector_store_idx %arg5[%get3A_714], %broadcast_in_dim3A_2 masked %eq3A_735 {add = true} : memref<4096xi32, #tpu.memory_space<vmem>>[vector<16xi32>], vector<16xi32>, vector<16xi1>
    %eq3A_736 = arith.constant 7 : i32
    %eq3A_737 = vector.broadcast %eq3A_736 : i32 to vector<16xi32>
    %eq3A_738 = arith.cmpi eq, %iota3A, %eq3A_737 : vector<16xi32>
    tpu.vector_store_idx %arg5[%get3A_714], %broadcast_in_dim3A_2 masked %eq3A_738 {add = true} : memref<4096xi32, #tpu.memory_space<vmem>>[vector<16xi32>], vector<16xi32>, vector<16xi1>
    %eq3A_739 = arith.constant 8 : i32
    %eq3A_740 = vector.broadcast %eq3A_739 : i32 to vector<16xi32>
    %eq3A_741 = arith.cmpi eq, %iota3A, %eq3A_740 : vector<16xi32>
    tpu.vector_store_idx %arg5[%get3A_714], %broadcast_in_dim3A_2 masked %eq3A_741 {add = true} : memref<4096xi32, #tpu.memory_space<vmem>>[vector<16xi32>], vector<16xi32>, vector<16xi1>
    %eq3A_742 = arith.constant 9 : i32
    %eq3A_743 = vector.broadcast %eq3A_742 : i32 to vector<16xi32>
    %eq3A_744 = arith.cmpi eq, %iota3A, %eq3A_743 : vector<16xi32>
    tpu.vector_store_idx %arg5[%get3A_714], %broadcast_in_dim3A_2 masked %eq3A_744 {add = true} : memref<4096xi32, #tpu.memory_space<vmem>>[vector<16xi32>], vector<16xi32>, vector<16xi1>
    %eq3A_745 = arith.constant 10 : i32
    %eq3A_746 = vector.broadcast %eq3A_745 : i32 to vector<16xi32>
    %eq3A_747 = arith.cmpi eq, %iota3A, %eq3A_746 : vector<16xi32>
    tpu.vector_store_idx %arg5[%get3A_714], %broadcast_in_dim3A_2 masked %eq3A_747 {add = true} : memref<4096xi32, #tpu.memory_space<vmem>>[vector<16xi32>], vector<16xi32>, vector<16xi1>
    %eq3A_748 = arith.constant 11 : i32
    %eq3A_749 = vector.broadcast %eq3A_748 : i32 to vector<16xi32>
    %eq3A_750 = arith.cmpi eq, %iota3A, %eq3A_749 : vector<16xi32>
    tpu.vector_store_idx %arg5[%get3A_714], %broadcast_in_dim3A_2 masked %eq3A_750 {add = true} : memref<4096xi32, #tpu.memory_space<vmem>>[vector<16xi32>], vector<16xi32>, vector<16xi1>
    %eq3A_751 = arith.constant 12 : i32
    %eq3A_752 = vector.broadcast %eq3A_751 : i32 to vector<16xi32>
    %eq3A_753 = arith.cmpi eq, %iota3A, %eq3A_752 : vector<16xi32>
    tpu.vector_store_idx %arg5[%get3A_714], %broadcast_in_dim3A_2 masked %eq3A_753 {add = true} : memref<4096xi32, #tpu.memory_space<vmem>>[vector<16xi32>], vector<16xi32>, vector<16xi1>
    %eq3A_754 = arith.constant 13 : i32
    %eq3A_755 = vector.broadcast %eq3A_754 : i32 to vector<16xi32>
    %eq3A_756 = arith.cmpi eq, %iota3A, %eq3A_755 : vector<16xi32>
    tpu.vector_store_idx %arg5[%get3A_714], %broadcast_in_dim3A_2 masked %eq3A_756 {add = true} : memref<4096xi32, #tpu.memory_space<vmem>>[vector<16xi32>], vector<16xi32>, vector<16xi1>
    %eq3A_757 = arith.constant 14 : i32
    %eq3A_758 = vector.broadcast %eq3A_757 : i32 to vector<16xi32>
    %eq3A_759 = arith.cmpi eq, %iota3A, %eq3A_758 : vector<16xi32>
    tpu.vector_store_idx %arg5[%get3A_714], %broadcast_in_dim3A_2 masked %eq3A_759 {add = true} : memref<4096xi32, #tpu.memory_space<vmem>>[vector<16xi32>], vector<16xi32>, vector<16xi1>
    %eq3A_760 = arith.constant 15 : i32
    %eq3A_761 = vector.broadcast %eq3A_760 : i32 to vector<16xi32>
    %eq3A_762 = arith.cmpi eq, %iota3A, %eq3A_761 : vector<16xi32>
    tpu.vector_store_idx %arg5[%get3A_714], %broadcast_in_dim3A_2 masked %eq3A_762 {add = true} : memref<4096xi32, #tpu.memory_space<vmem>>[vector<16xi32>], vector<16xi32>, vector<16xi1>
    %get3A_763 = arith.constant 80 : index
    %get3A_764 = tpu.vector_load %arg4[%get3A_763] {strides = array<i32>} : memref<256xi32, #tpu.memory_space<vmem>>, vector<16xi32>,
    %eq3A_765 = arith.constant 0 : i32
    %eq3A_766 = vector.broadcast %eq3A_765 : i32 to vector<16xi32>
    %eq3A_767 = arith.cmpi eq, %iota3A, %eq3A_766 : vector<16xi32>
    tpu.vector_store_idx %arg5[%get3A_764], %broadcast_in_dim3A_2 masked %eq3A_767 {add = true} : memref<4096xi32, #tpu.memory_space<vmem>>[vector<16xi32>], vector<16xi32>, vector<16xi1>
    %eq3A_768 = arith.constant 1 : i32
    %eq3A_769 = vector.broadcast %eq3A_768 : i32 to vector<16xi32>
    %eq3A_770 = arith.cmpi eq, %iota3A, %eq3A_769 : vector<16xi32>
    tpu.vector_store_idx %arg5[%get3A_764], %broadcast_in_dim3A_2 masked %eq3A_770 {add = true} : memref<4096xi32, #tpu.memory_space<vmem>>[vector<16xi32>], vector<16xi32>, vector<16xi1>
    %eq3A_771 = arith.constant 2 : i32
    %eq3A_772 = vector.broadcast %eq3A_771 : i32 to vector<16xi32>
    %eq3A_773 = arith.cmpi eq, %iota3A, %eq3A_772 : vector<16xi32>
    tpu.vector_store_idx %arg5[%get3A_764], %broadcast_in_dim3A_2 masked %eq3A_773 {add = true} : memref<4096xi32, #tpu.memory_space<vmem>>[vector<16xi32>], vector<16xi32>, vector<16xi1>
    %eq3A_774 = arith.constant 3 : i32
    %eq3A_775 = vector.broadcast %eq3A_774 : i32 to vector<16xi32>
    %eq3A_776 = arith.cmpi eq, %iota3A, %eq3A_775 : vector<16xi32>
    tpu.vector_store_idx %arg5[%get3A_764], %broadcast_in_dim3A_2 masked %eq3A_776 {add = true} : memref<4096xi32, #tpu.memory_space<vmem>>[vector<16xi32>], vector<16xi32>, vector<16xi1>
    %eq3A_777 = arith.constant 4 : i32
    %eq3A_778 = vector.broadcast %eq3A_777 : i32 to vector<16xi32>
    %eq3A_779 = arith.cmpi eq, %iota3A, %eq3A_778 : vector<16xi32>
    tpu.vector_store_idx %arg5[%get3A_764], %broadcast_in_dim3A_2 masked %eq3A_779 {add = true} : memref<4096xi32, #tpu.memory_space<vmem>>[vector<16xi32>], vector<16xi32>, vector<16xi1>
    %eq3A_780 = arith.constant 5 : i32
    %eq3A_781 = vector.broadcast %eq3A_780 : i32 to vector<16xi32>
    %eq3A_782 = arith.cmpi eq, %iota3A, %eq3A_781 : vector<16xi32>
    tpu.vector_store_idx %arg5[%get3A_764], %broadcast_in_dim3A_2 masked %eq3A_782 {add = true} : memref<4096xi32, #tpu.memory_space<vmem>>[vector<16xi32>], vector<16xi32>, vector<16xi1>
    %eq3A_783 = arith.constant 6 : i32
    %eq3A_784 = vector.broadcast %eq3A_783 : i32 to vector<16xi32>
    %eq3A_785 = arith.cmpi eq, %iota3A, %eq3A_784 : vector<16xi32>
    tpu.vector_store_idx %arg5[%get3A_764], %broadcast_in_dim3A_2 masked %eq3A_785 {add = true} : memref<4096xi32, #tpu.memory_space<vmem>>[vector<16xi32>], vector<16xi32>, vector<16xi1>
    %eq3A_786 = arith.constant 7 : i32
    %eq3A_787 = vector.broadcast %eq3A_786 : i32 to vector<16xi32>
    %eq3A_788 = arith.cmpi eq, %iota3A, %eq3A_787 : vector<16xi32>
    tpu.vector_store_idx %arg5[%get3A_764], %broadcast_in_dim3A_2 masked %eq3A_788 {add = true} : memref<4096xi32, #tpu.memory_space<vmem>>[vector<16xi32>], vector<16xi32>, vector<16xi1>
    %eq3A_789 = arith.constant 8 : i32
    %eq3A_790 = vector.broadcast %eq3A_789 : i32 to vector<16xi32>
    %eq3A_791 = arith.cmpi eq, %iota3A, %eq3A_790 : vector<16xi32>
    tpu.vector_store_idx %arg5[%get3A_764], %broadcast_in_dim3A_2 masked %eq3A_791 {add = true} : memref<4096xi32, #tpu.memory_space<vmem>>[vector<16xi32>], vector<16xi32>, vector<16xi1>
    %eq3A_792 = arith.constant 9 : i32
    %eq3A_793 = vector.broadcast %eq3A_792 : i32 to vector<16xi32>
    %eq3A_794 = arith.cmpi eq, %iota3A, %eq3A_793 : vector<16xi32>
    tpu.vector_store_idx %arg5[%get3A_764], %broadcast_in_dim3A_2 masked %eq3A_794 {add = true} : memref<4096xi32, #tpu.memory_space<vmem>>[vector<16xi32>], vector<16xi32>, vector<16xi1>
    %eq3A_795 = arith.constant 10 : i32
    %eq3A_796 = vector.broadcast %eq3A_795 : i32 to vector<16xi32>
    %eq3A_797 = arith.cmpi eq, %iota3A, %eq3A_796 : vector<16xi32>
    tpu.vector_store_idx %arg5[%get3A_764], %broadcast_in_dim3A_2 masked %eq3A_797 {add = true} : memref<4096xi32, #tpu.memory_space<vmem>>[vector<16xi32>], vector<16xi32>, vector<16xi1>
    %eq3A_798 = arith.constant 11 : i32
    %eq3A_799 = vector.broadcast %eq3A_798 : i32 to vector<16xi32>
    %eq3A_800 = arith.cmpi eq, %iota3A, %eq3A_799 : vector<16xi32>
    tpu.vector_store_idx %arg5[%get3A_764], %broadcast_in_dim3A_2 masked %eq3A_800 {add = true} : memref<4096xi32, #tpu.memory_space<vmem>>[vector<16xi32>], vector<16xi32>, vector<16xi1>
    %eq3A_801 = arith.constant 12 : i32
    %eq3A_802 = vector.broadcast %eq3A_801 : i32 to vector<16xi32>
    %eq3A_803 = arith.cmpi eq, %iota3A, %eq3A_802 : vector<16xi32>
    tpu.vector_store_idx %arg5[%get3A_764], %broadcast_in_dim3A_2 masked %eq3A_803 {add = true} : memref<4096xi32, #tpu.memory_space<vmem>>[vector<16xi32>], vector<16xi32>, vector<16xi1>
    %eq3A_804 = arith.constant 13 : i32
    %eq3A_805 = vector.broadcast %eq3A_804 : i32 to vector<16xi32>
    %eq3A_806 = arith.cmpi eq, %iota3A, %eq3A_805 : vector<16xi32>
    tpu.vector_store_idx %arg5[%get3A_764], %broadcast_in_dim3A_2 masked %eq3A_806 {add = true} : memref<4096xi32, #tpu.memory_space<vmem>>[vector<16xi32>], vector<16xi32>, vector<16xi1>
    %eq3A_807 = arith.constant 14 : i32
    %eq3A_808 = vector.broadcast %eq3A_807 : i32 to vector<16xi32>
    %eq3A_809 = arith.cmpi eq, %iota3A, %eq3A_808 : vector<16xi32>
    tpu.vector_store_idx %arg5[%get3A_764], %broadcast_in_dim3A_2 masked %eq3A_809 {add = true} : memref<4096xi32, #tpu.memory_space<vmem>>[vector<16xi32>], vector<16xi32>, vector<16xi1>
    %eq3A_810 = arith.constant 15 : i32
    %eq3A_811 = vector.broadcast %eq3A_810 : i32 to vector<16xi32>
    %eq3A_812 = arith.cmpi eq, %iota3A, %eq3A_811 : vector<16xi32>
    tpu.vector_store_idx %arg5[%get3A_764], %broadcast_in_dim3A_2 masked %eq3A_812 {add = true} : memref<4096xi32, #tpu.memory_space<vmem>>[vector<16xi32>], vector<16xi32>, vector<16xi1>
    %get3A_813 = arith.constant 96 : index
    %get3A_814 = tpu.vector_load %arg4[%get3A_813] {strides = array<i32>} : memref<256xi32, #tpu.memory_space<vmem>>, vector<16xi32>,
    %eq3A_815 = arith.constant 0 : i32
    %eq3A_816 = vector.broadcast %eq3A_815 : i32 to vector<16xi32>
    %eq3A_817 = arith.cmpi eq, %iota3A, %eq3A_816 : vector<16xi32>
    tpu.vector_store_idx %arg5[%get3A_814], %broadcast_in_dim3A_2 masked %eq3A_817 {add = true} : memref<4096xi32, #tpu.memory_space<vmem>>[vector<16xi32>], vector<16xi32>, vector<16xi1>
    %eq3A_818 = arith.constant 1 : i32
    %eq3A_819 = vector.broadcast %eq3A_818 : i32 to vector<16xi32>
    %eq3A_820 = arith.cmpi eq, %iota3A, %eq3A_819 : vector<16xi32>
    tpu.vector_store_idx %arg5[%get3A_814], %broadcast_in_dim3A_2 masked %eq3A_820 {add = true} : memref<4096xi32, #tpu.memory_space<vmem>>[vector<16xi32>], vector<16xi32>, vector<16xi1>
    %eq3A_821 = arith.constant 2 : i32
    %eq3A_822 = vector.broadcast %eq3A_821 : i32 to vector<16xi32>
    %eq3A_823 = arith.cmpi eq, %iota3A, %eq3A_822 : vector<16xi32>
    tpu.vector_store_idx %arg5[%get3A_814], %broadcast_in_dim3A_2 masked %eq3A_823 {add = true} : memref<4096xi32, #tpu.memory_space<vmem>>[vector<16xi32>], vector<16xi32>, vector<16xi1>
    %eq3A_824 = arith.constant 3 : i32
    %eq3A_825 = vector.broadcast %eq3A_824 : i32 to vector<16xi32>
    %eq3A_826 = arith.cmpi eq, %iota3A, %eq3A_825 : vector<16xi32>
    tpu.vector_store_idx %arg5[%get3A_814], %broadcast_in_dim3A_2 masked %eq3A_826 {add = true} : memref<4096xi32, #tpu.memory_space<vmem>>[vector<16xi32>], vector<16xi32>, vector<16xi1>
    %eq3A_827 = arith.constant 4 : i32
    %eq3A_828 = vector.broadcast %eq3A_827 : i32 to vector<16xi32>
    %eq3A_829 = arith.cmpi eq, %iota3A, %eq3A_828 : vector<16xi32>
    tpu.vector_store_idx %arg5[%get3A_814], %broadcast_in_dim3A_2 masked %eq3A_829 {add = true} : memref<4096xi32, #tpu.memory_space<vmem>>[vector<16xi32>], vector<16xi32>, vector<16xi1>
    %eq3A_830 = arith.constant 5 : i32
    %eq3A_831 = vector.broadcast %eq3A_830 : i32 to vector<16xi32>
    %eq3A_832 = arith.cmpi eq, %iota3A, %eq3A_831 : vector<16xi32>
    tpu.vector_store_idx %arg5[%get3A_814], %broadcast_in_dim3A_2 masked %eq3A_832 {add = true} : memref<4096xi32, #tpu.memory_space<vmem>>[vector<16xi32>], vector<16xi32>, vector<16xi1>
    %eq3A_833 = arith.constant 6 : i32
    %eq3A_834 = vector.broadcast %eq3A_833 : i32 to vector<16xi32>
    %eq3A_835 = arith.cmpi eq, %iota3A, %eq3A_834 : vector<16xi32>
    tpu.vector_store_idx %arg5[%get3A_814], %broadcast_in_dim3A_2 masked %eq3A_835 {add = true} : memref<4096xi32, #tpu.memory_space<vmem>>[vector<16xi32>], vector<16xi32>, vector<16xi1>
    %eq3A_836 = arith.constant 7 : i32
    %eq3A_837 = vector.broadcast %eq3A_836 : i32 to vector<16xi32>
    %eq3A_838 = arith.cmpi eq, %iota3A, %eq3A_837 : vector<16xi32>
    tpu.vector_store_idx %arg5[%get3A_814], %broadcast_in_dim3A_2 masked %eq3A_838 {add = true} : memref<4096xi32, #tpu.memory_space<vmem>>[vector<16xi32>], vector<16xi32>, vector<16xi1>
    %eq3A_839 = arith.constant 8 : i32
    %eq3A_840 = vector.broadcast %eq3A_839 : i32 to vector<16xi32>
    %eq3A_841 = arith.cmpi eq, %iota3A, %eq3A_840 : vector<16xi32>
    tpu.vector_store_idx %arg5[%get3A_814], %broadcast_in_dim3A_2 masked %eq3A_841 {add = true} : memref<4096xi32, #tpu.memory_space<vmem>>[vector<16xi32>], vector<16xi32>, vector<16xi1>
    %eq3A_842 = arith.constant 9 : i32
    %eq3A_843 = vector.broadcast %eq3A_842 : i32 to vector<16xi32>
    %eq3A_844 = arith.cmpi eq, %iota3A, %eq3A_843 : vector<16xi32>
    tpu.vector_store_idx %arg5[%get3A_814], %broadcast_in_dim3A_2 masked %eq3A_844 {add = true} : memref<4096xi32, #tpu.memory_space<vmem>>[vector<16xi32>], vector<16xi32>, vector<16xi1>
    %eq3A_845 = arith.constant 10 : i32
    %eq3A_846 = vector.broadcast %eq3A_845 : i32 to vector<16xi32>
    %eq3A_847 = arith.cmpi eq, %iota3A, %eq3A_846 : vector<16xi32>
    tpu.vector_store_idx %arg5[%get3A_814], %broadcast_in_dim3A_2 masked %eq3A_847 {add = true} : memref<4096xi32, #tpu.memory_space<vmem>>[vector<16xi32>], vector<16xi32>, vector<16xi1>
    %eq3A_848 = arith.constant 11 : i32
    %eq3A_849 = vector.broadcast %eq3A_848 : i32 to vector<16xi32>
    %eq3A_850 = arith.cmpi eq, %iota3A, %eq3A_849 : vector<16xi32>
    tpu.vector_store_idx %arg5[%get3A_814], %broadcast_in_dim3A_2 masked %eq3A_850 {add = true} : memref<4096xi32, #tpu.memory_space<vmem>>[vector<16xi32>], vector<16xi32>, vector<16xi1>
    %eq3A_851 = arith.constant 12 : i32
    %eq3A_852 = vector.broadcast %eq3A_851 : i32 to vector<16xi32>
    %eq3A_853 = arith.cmpi eq, %iota3A, %eq3A_852 : vector<16xi32>
    tpu.vector_store_idx %arg5[%get3A_814], %broadcast_in_dim3A_2 masked %eq3A_853 {add = true} : memref<4096xi32, #tpu.memory_space<vmem>>[vector<16xi32>], vector<16xi32>, vector<16xi1>
    %eq3A_854 = arith.constant 13 : i32
    %eq3A_855 = vector.broadcast %eq3A_854 : i32 to vector<16xi32>
    %eq3A_856 = arith.cmpi eq, %iota3A, %eq3A_855 : vector<16xi32>
    tpu.vector_store_idx %arg5[%get3A_814], %broadcast_in_dim3A_2 masked %eq3A_856 {add = true} : memref<4096xi32, #tpu.memory_space<vmem>>[vector<16xi32>], vector<16xi32>, vector<16xi1>
    %eq3A_857 = arith.constant 14 : i32
    %eq3A_858 = vector.broadcast %eq3A_857 : i32 to vector<16xi32>
    %eq3A_859 = arith.cmpi eq, %iota3A, %eq3A_858 : vector<16xi32>
    tpu.vector_store_idx %arg5[%get3A_814], %broadcast_in_dim3A_2 masked %eq3A_859 {add = true} : memref<4096xi32, #tpu.memory_space<vmem>>[vector<16xi32>], vector<16xi32>, vector<16xi1>
    %eq3A_860 = arith.constant 15 : i32
    %eq3A_861 = vector.broadcast %eq3A_860 : i32 to vector<16xi32>
    %eq3A_862 = arith.cmpi eq, %iota3A, %eq3A_861 : vector<16xi32>
    tpu.vector_store_idx %arg5[%get3A_814], %broadcast_in_dim3A_2 masked %eq3A_862 {add = true} : memref<4096xi32, #tpu.memory_space<vmem>>[vector<16xi32>], vector<16xi32>, vector<16xi1>
    %get3A_863 = arith.constant 112 : index
    %get3A_864 = tpu.vector_load %arg4[%get3A_863] {strides = array<i32>} : memref<256xi32, #tpu.memory_space<vmem>>, vector<16xi32>,
    %eq3A_865 = arith.constant 0 : i32
    %eq3A_866 = vector.broadcast %eq3A_865 : i32 to vector<16xi32>
    %eq3A_867 = arith.cmpi eq, %iota3A, %eq3A_866 : vector<16xi32>
    tpu.vector_store_idx %arg5[%get3A_864], %broadcast_in_dim3A_2 masked %eq3A_867 {add = true} : memref<4096xi32, #tpu.memory_space<vmem>>[vector<16xi32>], vector<16xi32>, vector<16xi1>
    %eq3A_868 = arith.constant 1 : i32
    %eq3A_869 = vector.broadcast %eq3A_868 : i32 to vector<16xi32>
    %eq3A_870 = arith.cmpi eq, %iota3A, %eq3A_869 : vector<16xi32>
    tpu.vector_store_idx %arg5[%get3A_864], %broadcast_in_dim3A_2 masked %eq3A_870 {add = true} : memref<4096xi32, #tpu.memory_space<vmem>>[vector<16xi32>], vector<16xi32>, vector<16xi1>
    %eq3A_871 = arith.constant 2 : i32
    %eq3A_872 = vector.broadcast %eq3A_871 : i32 to vector<16xi32>
    %eq3A_873 = arith.cmpi eq, %iota3A, %eq3A_872 : vector<16xi32>
    tpu.vector_store_idx %arg5[%get3A_864], %broadcast_in_dim3A_2 masked %eq3A_873 {add = true} : memref<4096xi32, #tpu.memory_space<vmem>>[vector<16xi32>], vector<16xi32>, vector<16xi1>
    %eq3A_874 = arith.constant 3 : i32
    %eq3A_875 = vector.broadcast %eq3A_874 : i32 to vector<16xi32>
    %eq3A_876 = arith.cmpi eq, %iota3A, %eq3A_875 : vector<16xi32>
    tpu.vector_store_idx %arg5[%get3A_864], %broadcast_in_dim3A_2 masked %eq3A_876 {add = true} : memref<4096xi32, #tpu.memory_space<vmem>>[vector<16xi32>], vector<16xi32>, vector<16xi1>
    %eq3A_877 = arith.constant 4 : i32
    %eq3A_878 = vector.broadcast %eq3A_877 : i32 to vector<16xi32>
    %eq3A_879 = arith.cmpi eq, %iota3A, %eq3A_878 : vector<16xi32>
    tpu.vector_store_idx %arg5[%get3A_864], %broadcast_in_dim3A_2 masked %eq3A_879 {add = true} : memref<4096xi32, #tpu.memory_space<vmem>>[vector<16xi32>], vector<16xi32>, vector<16xi1>
    %eq3A_880 = arith.constant 5 : i32
    %eq3A_881 = vector.broadcast %eq3A_880 : i32 to vector<16xi32>
    %eq3A_882 = arith.cmpi eq, %iota3A, %eq3A_881 : vector<16xi32>
    tpu.vector_store_idx %arg5[%get3A_864], %broadcast_in_dim3A_2 masked %eq3A_882 {add = true} : memref<4096xi32, #tpu.memory_space<vmem>>[vector<16xi32>], vector<16xi32>, vector<16xi1>
    %eq3A_883 = arith.constant 6 : i32
    %eq3A_884 = vector.broadcast %eq3A_883 : i32 to vector<16xi32>
    %eq3A_885 = arith.cmpi eq, %iota3A, %eq3A_884 : vector<16xi32>
    tpu.vector_store_idx %arg5[%get3A_864], %broadcast_in_dim3A_2 masked %eq3A_885 {add = true} : memref<4096xi32, #tpu.memory_space<vmem>>[vector<16xi32>], vector<16xi32>, vector<16xi1>
    %eq3A_886 = arith.constant 7 : i32
    %eq3A_887 = vector.broadcast %eq3A_886 : i32 to vector<16xi32>
    %eq3A_888 = arith.cmpi eq, %iota3A, %eq3A_887 : vector<16xi32>
    tpu.vector_store_idx %arg5[%get3A_864], %broadcast_in_dim3A_2 masked %eq3A_888 {add = true} : memref<4096xi32, #tpu.memory_space<vmem>>[vector<16xi32>], vector<16xi32>, vector<16xi1>
    %eq3A_889 = arith.constant 8 : i32
    %eq3A_890 = vector.broadcast %eq3A_889 : i32 to vector<16xi32>
    %eq3A_891 = arith.cmpi eq, %iota3A, %eq3A_890 : vector<16xi32>
    tpu.vector_store_idx %arg5[%get3A_864], %broadcast_in_dim3A_2 masked %eq3A_891 {add = true} : memref<4096xi32, #tpu.memory_space<vmem>>[vector<16xi32>], vector<16xi32>, vector<16xi1>
    %eq3A_892 = arith.constant 9 : i32
    %eq3A_893 = vector.broadcast %eq3A_892 : i32 to vector<16xi32>
    %eq3A_894 = arith.cmpi eq, %iota3A, %eq3A_893 : vector<16xi32>
    tpu.vector_store_idx %arg5[%get3A_864], %broadcast_in_dim3A_2 masked %eq3A_894 {add = true} : memref<4096xi32, #tpu.memory_space<vmem>>[vector<16xi32>], vector<16xi32>, vector<16xi1>
    %eq3A_895 = arith.constant 10 : i32
    %eq3A_896 = vector.broadcast %eq3A_895 : i32 to vector<16xi32>
    %eq3A_897 = arith.cmpi eq, %iota3A, %eq3A_896 : vector<16xi32>
    tpu.vector_store_idx %arg5[%get3A_864], %broadcast_in_dim3A_2 masked %eq3A_897 {add = true} : memref<4096xi32, #tpu.memory_space<vmem>>[vector<16xi32>], vector<16xi32>, vector<16xi1>
    %eq3A_898 = arith.constant 11 : i32
    %eq3A_899 = vector.broadcast %eq3A_898 : i32 to vector<16xi32>
    %eq3A_900 = arith.cmpi eq, %iota3A, %eq3A_899 : vector<16xi32>
    tpu.vector_store_idx %arg5[%get3A_864], %broadcast_in_dim3A_2 masked %eq3A_900 {add = true} : memref<4096xi32, #tpu.memory_space<vmem>>[vector<16xi32>], vector<16xi32>, vector<16xi1>
    %eq3A_901 = arith.constant 12 : i32
    %eq3A_902 = vector.broadcast %eq3A_901 : i32 to vector<16xi32>
    %eq3A_903 = arith.cmpi eq, %iota3A, %eq3A_902 : vector<16xi32>
    tpu.vector_store_idx %arg5[%get3A_864], %broadcast_in_dim3A_2 masked %eq3A_903 {add = true} : memref<4096xi32, #tpu.memory_space<vmem>>[vector<16xi32>], vector<16xi32>, vector<16xi1>
    %eq3A_904 = arith.constant 13 : i32
    %eq3A_905 = vector.broadcast %eq3A_904 : i32 to vector<16xi32>
    %eq3A_906 = arith.cmpi eq, %iota3A, %eq3A_905 : vector<16xi32>
    tpu.vector_store_idx %arg5[%get3A_864], %broadcast_in_dim3A_2 masked %eq3A_906 {add = true} : memref<4096xi32, #tpu.memory_space<vmem>>[vector<16xi32>], vector<16xi32>, vector<16xi1>
    %eq3A_907 = arith.constant 14 : i32
    %eq3A_908 = vector.broadcast %eq3A_907 : i32 to vector<16xi32>
    %eq3A_909 = arith.cmpi eq, %iota3A, %eq3A_908 : vector<16xi32>
    tpu.vector_store_idx %arg5[%get3A_864], %broadcast_in_dim3A_2 masked %eq3A_909 {add = true} : memref<4096xi32, #tpu.memory_space<vmem>>[vector<16xi32>], vector<16xi32>, vector<16xi1>
    %eq3A_910 = arith.constant 15 : i32
    %eq3A_911 = vector.broadcast %eq3A_910 : i32 to vector<16xi32>
    %eq3A_912 = arith.cmpi eq, %iota3A, %eq3A_911 : vector<16xi32>
    tpu.vector_store_idx %arg5[%get3A_864], %broadcast_in_dim3A_2 masked %eq3A_912 {add = true} : memref<4096xi32, #tpu.memory_space<vmem>>[vector<16xi32>], vector<16xi32>, vector<16xi1>
    %get3A_913 = arith.constant 128 : index
    %get3A_914 = tpu.vector_load %arg4[%get3A_913] {strides = array<i32>} : memref<256xi32, #tpu.memory_space<vmem>>, vector<16xi32>,
    %eq3A_915 = arith.constant 0 : i32
    %eq3A_916 = vector.broadcast %eq3A_915 : i32 to vector<16xi32>
    %eq3A_917 = arith.cmpi eq, %iota3A, %eq3A_916 : vector<16xi32>
    tpu.vector_store_idx %arg5[%get3A_914], %broadcast_in_dim3A_2 masked %eq3A_917 {add = true} : memref<4096xi32, #tpu.memory_space<vmem>>[vector<16xi32>], vector<16xi32>, vector<16xi1>
    %eq3A_918 = arith.constant 1 : i32
    %eq3A_919 = vector.broadcast %eq3A_918 : i32 to vector<16xi32>
    %eq3A_920 = arith.cmpi eq, %iota3A, %eq3A_919 : vector<16xi32>
    tpu.vector_store_idx %arg5[%get3A_914], %broadcast_in_dim3A_2 masked %eq3A_920 {add = true} : memref<4096xi32, #tpu.memory_space<vmem>>[vector<16xi32>], vector<16xi32>, vector<16xi1>
    %eq3A_921 = arith.constant 2 : i32
    %eq3A_922 = vector.broadcast %eq3A_921 : i32 to vector<16xi32>
    %eq3A_923 = arith.cmpi eq, %iota3A, %eq3A_922 : vector<16xi32>
    tpu.vector_store_idx %arg5[%get3A_914], %broadcast_in_dim3A_2 masked %eq3A_923 {add = true} : memref<4096xi32, #tpu.memory_space<vmem>>[vector<16xi32>], vector<16xi32>, vector<16xi1>
    %eq3A_924 = arith.constant 3 : i32
    %eq3A_925 = vector.broadcast %eq3A_924 : i32 to vector<16xi32>
    %eq3A_926 = arith.cmpi eq, %iota3A, %eq3A_925 : vector<16xi32>
    tpu.vector_store_idx %arg5[%get3A_914], %broadcast_in_dim3A_2 masked %eq3A_926 {add = true} : memref<4096xi32, #tpu.memory_space<vmem>>[vector<16xi32>], vector<16xi32>, vector<16xi1>
    %eq3A_927 = arith.constant 4 : i32
    %eq3A_928 = vector.broadcast %eq3A_927 : i32 to vector<16xi32>
    %eq3A_929 = arith.cmpi eq, %iota3A, %eq3A_928 : vector<16xi32>
    tpu.vector_store_idx %arg5[%get3A_914], %broadcast_in_dim3A_2 masked %eq3A_929 {add = true} : memref<4096xi32, #tpu.memory_space<vmem>>[vector<16xi32>], vector<16xi32>, vector<16xi1>
    %eq3A_930 = arith.constant 5 : i32
    %eq3A_931 = vector.broadcast %eq3A_930 : i32 to vector<16xi32>
    %eq3A_932 = arith.cmpi eq, %iota3A, %eq3A_931 : vector<16xi32>
    tpu.vector_store_idx %arg5[%get3A_914], %broadcast_in_dim3A_2 masked %eq3A_932 {add = true} : memref<4096xi32, #tpu.memory_space<vmem>>[vector<16xi32>], vector<16xi32>, vector<16xi1>
    %eq3A_933 = arith.constant 6 : i32
    %eq3A_934 = vector.broadcast %eq3A_933 : i32 to vector<16xi32>
    %eq3A_935 = arith.cmpi eq, %iota3A, %eq3A_934 : vector<16xi32>
    tpu.vector_store_idx %arg5[%get3A_914], %broadcast_in_dim3A_2 masked %eq3A_935 {add = true} : memref<4096xi32, #tpu.memory_space<vmem>>[vector<16xi32>], vector<16xi32>, vector<16xi1>
    %eq3A_936 = arith.constant 7 : i32
    %eq3A_937 = vector.broadcast %eq3A_936 : i32 to vector<16xi32>
    %eq3A_938 = arith.cmpi eq, %iota3A, %eq3A_937 : vector<16xi32>
    tpu.vector_store_idx %arg5[%get3A_914], %broadcast_in_dim3A_2 masked %eq3A_938 {add = true} : memref<4096xi32, #tpu.memory_space<vmem>>[vector<16xi32>], vector<16xi32>, vector<16xi1>
    %eq3A_939 = arith.constant 8 : i32
    %eq3A_940 = vector.broadcast %eq3A_939 : i32 to vector<16xi32>
    %eq3A_941 = arith.cmpi eq, %iota3A, %eq3A_940 : vector<16xi32>
    tpu.vector_store_idx %arg5[%get3A_914], %broadcast_in_dim3A_2 masked %eq3A_941 {add = true} : memref<4096xi32, #tpu.memory_space<vmem>>[vector<16xi32>], vector<16xi32>, vector<16xi1>
    %eq3A_942 = arith.constant 9 : i32
    %eq3A_943 = vector.broadcast %eq3A_942 : i32 to vector<16xi32>
    %eq3A_944 = arith.cmpi eq, %iota3A, %eq3A_943 : vector<16xi32>
    tpu.vector_store_idx %arg5[%get3A_914], %broadcast_in_dim3A_2 masked %eq3A_944 {add = true} : memref<4096xi32, #tpu.memory_space<vmem>>[vector<16xi32>], vector<16xi32>, vector<16xi1>
    %eq3A_945 = arith.constant 10 : i32
    %eq3A_946 = vector.broadcast %eq3A_945 : i32 to vector<16xi32>
    %eq3A_947 = arith.cmpi eq, %iota3A, %eq3A_946 : vector<16xi32>
    tpu.vector_store_idx %arg5[%get3A_914], %broadcast_in_dim3A_2 masked %eq3A_947 {add = true} : memref<4096xi32, #tpu.memory_space<vmem>>[vector<16xi32>], vector<16xi32>, vector<16xi1>
    %eq3A_948 = arith.constant 11 : i32
    %eq3A_949 = vector.broadcast %eq3A_948 : i32 to vector<16xi32>
    %eq3A_950 = arith.cmpi eq, %iota3A, %eq3A_949 : vector<16xi32>
    tpu.vector_store_idx %arg5[%get3A_914], %broadcast_in_dim3A_2 masked %eq3A_950 {add = true} : memref<4096xi32, #tpu.memory_space<vmem>>[vector<16xi32>], vector<16xi32>, vector<16xi1>
    %eq3A_951 = arith.constant 12 : i32
    %eq3A_952 = vector.broadcast %eq3A_951 : i32 to vector<16xi32>
    %eq3A_953 = arith.cmpi eq, %iota3A, %eq3A_952 : vector<16xi32>
    tpu.vector_store_idx %arg5[%get3A_914], %broadcast_in_dim3A_2 masked %eq3A_953 {add = true} : memref<4096xi32, #tpu.memory_space<vmem>>[vector<16xi32>], vector<16xi32>, vector<16xi1>
    %eq3A_954 = arith.constant 13 : i32
    %eq3A_955 = vector.broadcast %eq3A_954 : i32 to vector<16xi32>
    %eq3A_956 = arith.cmpi eq, %iota3A, %eq3A_955 : vector<16xi32>
    tpu.vector_store_idx %arg5[%get3A_914], %broadcast_in_dim3A_2 masked %eq3A_956 {add = true} : memref<4096xi32, #tpu.memory_space<vmem>>[vector<16xi32>], vector<16xi32>, vector<16xi1>
    %eq3A_957 = arith.constant 14 : i32
    %eq3A_958 = vector.broadcast %eq3A_957 : i32 to vector<16xi32>
    %eq3A_959 = arith.cmpi eq, %iota3A, %eq3A_958 : vector<16xi32>
    tpu.vector_store_idx %arg5[%get3A_914], %broadcast_in_dim3A_2 masked %eq3A_959 {add = true} : memref<4096xi32, #tpu.memory_space<vmem>>[vector<16xi32>], vector<16xi32>, vector<16xi1>
    %eq3A_960 = arith.constant 15 : i32
    %eq3A_961 = vector.broadcast %eq3A_960 : i32 to vector<16xi32>
    %eq3A_962 = arith.cmpi eq, %iota3A, %eq3A_961 : vector<16xi32>
    tpu.vector_store_idx %arg5[%get3A_914], %broadcast_in_dim3A_2 masked %eq3A_962 {add = true} : memref<4096xi32, #tpu.memory_space<vmem>>[vector<16xi32>], vector<16xi32>, vector<16xi1>
    %get3A_963 = arith.constant 144 : index
    %get3A_964 = tpu.vector_load %arg4[%get3A_963] {strides = array<i32>} : memref<256xi32, #tpu.memory_space<vmem>>, vector<16xi32>,
    %eq3A_965 = arith.constant 0 : i32
    %eq3A_966 = vector.broadcast %eq3A_965 : i32 to vector<16xi32>
    %eq3A_967 = arith.cmpi eq, %iota3A, %eq3A_966 : vector<16xi32>
    tpu.vector_store_idx %arg5[%get3A_964], %broadcast_in_dim3A_2 masked %eq3A_967 {add = true} : memref<4096xi32, #tpu.memory_space<vmem>>[vector<16xi32>], vector<16xi32>, vector<16xi1>
    %eq3A_968 = arith.constant 1 : i32
    %eq3A_969 = vector.broadcast %eq3A_968 : i32 to vector<16xi32>
    %eq3A_970 = arith.cmpi eq, %iota3A, %eq3A_969 : vector<16xi32>
    tpu.vector_store_idx %arg5[%get3A_964], %broadcast_in_dim3A_2 masked %eq3A_970 {add = true} : memref<4096xi32, #tpu.memory_space<vmem>>[vector<16xi32>], vector<16xi32>, vector<16xi1>
    %eq3A_971 = arith.constant 2 : i32
    %eq3A_972 = vector.broadcast %eq3A_971 : i32 to vector<16xi32>
    %eq3A_973 = arith.cmpi eq, %iota3A, %eq3A_972 : vector<16xi32>
    tpu.vector_store_idx %arg5[%get3A_964], %broadcast_in_dim3A_2 masked %eq3A_973 {add = true} : memref<4096xi32, #tpu.memory_space<vmem>>[vector<16xi32>], vector<16xi32>, vector<16xi1>
    %eq3A_974 = arith.constant 3 : i32
    %eq3A_975 = vector.broadcast %eq3A_974 : i32 to vector<16xi32>
    %eq3A_976 = arith.cmpi eq, %iota3A, %eq3A_975 : vector<16xi32>
    tpu.vector_store_idx %arg5[%get3A_964], %broadcast_in_dim3A_2 masked %eq3A_976 {add = true} : memref<4096xi32, #tpu.memory_space<vmem>>[vector<16xi32>], vector<16xi32>, vector<16xi1>
    %eq3A_977 = arith.constant 4 : i32
    %eq3A_978 = vector.broadcast %eq3A_977 : i32 to vector<16xi32>
    %eq3A_979 = arith.cmpi eq, %iota3A, %eq3A_978 : vector<16xi32>
    tpu.vector_store_idx %arg5[%get3A_964], %broadcast_in_dim3A_2 masked %eq3A_979 {add = true} : memref<4096xi32, #tpu.memory_space<vmem>>[vector<16xi32>], vector<16xi32>, vector<16xi1>
    %eq3A_980 = arith.constant 5 : i32
    %eq3A_981 = vector.broadcast %eq3A_980 : i32 to vector<16xi32>
    %eq3A_982 = arith.cmpi eq, %iota3A, %eq3A_981 : vector<16xi32>
    tpu.vector_store_idx %arg5[%get3A_964], %broadcast_in_dim3A_2 masked %eq3A_982 {add = true} : memref<4096xi32, #tpu.memory_space<vmem>>[vector<16xi32>], vector<16xi32>, vector<16xi1>
    %eq3A_983 = arith.constant 6 : i32
    %eq3A_984 = vector.broadcast %eq3A_983 : i32 to vector<16xi32>
    %eq3A_985 = arith.cmpi eq, %iota3A, %eq3A_984 : vector<16xi32>
    tpu.vector_store_idx %arg5[%get3A_964], %broadcast_in_dim3A_2 masked %eq3A_985 {add = true} : memref<4096xi32, #tpu.memory_space<vmem>>[vector<16xi32>], vector<16xi32>, vector<16xi1>
    %eq3A_986 = arith.constant 7 : i32
    %eq3A_987 = vector.broadcast %eq3A_986 : i32 to vector<16xi32>
    %eq3A_988 = arith.cmpi eq, %iota3A, %eq3A_987 : vector<16xi32>
    tpu.vector_store_idx %arg5[%get3A_964], %broadcast_in_dim3A_2 masked %eq3A_988 {add = true} : memref<4096xi32, #tpu.memory_space<vmem>>[vector<16xi32>], vector<16xi32>, vector<16xi1>
    %eq3A_989 = arith.constant 8 : i32
    %eq3A_990 = vector.broadcast %eq3A_989 : i32 to vector<16xi32>
    %eq3A_991 = arith.cmpi eq, %iota3A, %eq3A_990 : vector<16xi32>
    tpu.vector_store_idx %arg5[%get3A_964], %broadcast_in_dim3A_2 masked %eq3A_991 {add = true} : memref<4096xi32, #tpu.memory_space<vmem>>[vector<16xi32>], vector<16xi32>, vector<16xi1>
    %eq3A_992 = arith.constant 9 : i32
    %eq3A_993 = vector.broadcast %eq3A_992 : i32 to vector<16xi32>
    %eq3A_994 = arith.cmpi eq, %iota3A, %eq3A_993 : vector<16xi32>
    tpu.vector_store_idx %arg5[%get3A_964], %broadcast_in_dim3A_2 masked %eq3A_994 {add = true} : memref<4096xi32, #tpu.memory_space<vmem>>[vector<16xi32>], vector<16xi32>, vector<16xi1>
    %eq3A_995 = arith.constant 10 : i32
    %eq3A_996 = vector.broadcast %eq3A_995 : i32 to vector<16xi32>
    %eq3A_997 = arith.cmpi eq, %iota3A, %eq3A_996 : vector<16xi32>
    tpu.vector_store_idx %arg5[%get3A_964], %broadcast_in_dim3A_2 masked %eq3A_997 {add = true} : memref<4096xi32, #tpu.memory_space<vmem>>[vector<16xi32>], vector<16xi32>, vector<16xi1>
    %eq3A_998 = arith.constant 11 : i32
    %eq3A_999 = vector.broadcast %eq3A_998 : i32 to vector<16xi32>
    %eq3A_1000 = arith.cmpi eq, %iota3A, %eq3A_999 : vector<16xi32>
    tpu.vector_store_idx %arg5[%get3A_964], %broadcast_in_dim3A_2 masked %eq3A_1000 {add = true} : memref<4096xi32, #tpu.memory_space<vmem>>[vector<16xi32>], vector<16xi32>, vector<16xi1>
    %eq3A_1001 = arith.constant 12 : i32
    %eq3A_1002 = vector.broadcast %eq3A_1001 : i32 to vector<16xi32>
    %eq3A_1003 = arith.cmpi eq, %iota3A, %eq3A_1002 : vector<16xi32>
    tpu.vector_store_idx %arg5[%get3A_964], %broadcast_in_dim3A_2 masked %eq3A_1003 {add = true} : memref<4096xi32, #tpu.memory_space<vmem>>[vector<16xi32>], vector<16xi32>, vector<16xi1>
    %eq3A_1004 = arith.constant 13 : i32
    %eq3A_1005 = vector.broadcast %eq3A_1004 : i32 to vector<16xi32>
    %eq3A_1006 = arith.cmpi eq, %iota3A, %eq3A_1005 : vector<16xi32>
    tpu.vector_store_idx %arg5[%get3A_964], %broadcast_in_dim3A_2 masked %eq3A_1006 {add = true} : memref<4096xi32, #tpu.memory_space<vmem>>[vector<16xi32>], vector<16xi32>, vector<16xi1>
    %eq3A_1007 = arith.constant 14 : i32
    %eq3A_1008 = vector.broadcast %eq3A_1007 : i32 to vector<16xi32>
    %eq3A_1009 = arith.cmpi eq, %iota3A, %eq3A_1008 : vector<16xi32>
    tpu.vector_store_idx %arg5[%get3A_964], %broadcast_in_dim3A_2 masked %eq3A_1009 {add = true} : memref<4096xi32, #tpu.memory_space<vmem>>[vector<16xi32>], vector<16xi32>, vector<16xi1>
    %eq3A_1010 = arith.constant 15 : i32
    %eq3A_1011 = vector.broadcast %eq3A_1010 : i32 to vector<16xi32>
    %eq3A_1012 = arith.cmpi eq, %iota3A, %eq3A_1011 : vector<16xi32>
    tpu.vector_store_idx %arg5[%get3A_964], %broadcast_in_dim3A_2 masked %eq3A_1012 {add = true} : memref<4096xi32, #tpu.memory_space<vmem>>[vector<16xi32>], vector<16xi32>, vector<16xi1>
    %get3A_1013 = arith.constant 160 : index
    %get3A_1014 = tpu.vector_load %arg4[%get3A_1013] {strides = array<i32>} : memref<256xi32, #tpu.memory_space<vmem>>, vector<16xi32>,
    %eq3A_1015 = arith.constant 0 : i32
    %eq3A_1016 = vector.broadcast %eq3A_1015 : i32 to vector<16xi32>
    %eq3A_1017 = arith.cmpi eq, %iota3A, %eq3A_1016 : vector<16xi32>
    tpu.vector_store_idx %arg5[%get3A_1014], %broadcast_in_dim3A_2 masked %eq3A_1017 {add = true} : memref<4096xi32, #tpu.memory_space<vmem>>[vector<16xi32>], vector<16xi32>, vector<16xi1>
    %eq3A_1018 = arith.constant 1 : i32
    %eq3A_1019 = vector.broadcast %eq3A_1018 : i32 to vector<16xi32>
    %eq3A_1020 = arith.cmpi eq, %iota3A, %eq3A_1019 : vector<16xi32>
    tpu.vector_store_idx %arg5[%get3A_1014], %broadcast_in_dim3A_2 masked %eq3A_1020 {add = true} : memref<4096xi32, #tpu.memory_space<vmem>>[vector<16xi32>], vector<16xi32>, vector<16xi1>
    %eq3A_1021 = arith.constant 2 : i32
    %eq3A_1022 = vector.broadcast %eq3A_1021 : i32 to vector<16xi32>
    %eq3A_1023 = arith.cmpi eq, %iota3A, %eq3A_1022 : vector<16xi32>
    tpu.vector_store_idx %arg5[%get3A_1014], %broadcast_in_dim3A_2 masked %eq3A_1023 {add = true} : memref<4096xi32, #tpu.memory_space<vmem>>[vector<16xi32>], vector<16xi32>, vector<16xi1>
    %eq3A_1024 = arith.constant 3 : i32
    %eq3A_1025 = vector.broadcast %eq3A_1024 : i32 to vector<16xi32>
    %eq3A_1026 = arith.cmpi eq, %iota3A, %eq3A_1025 : vector<16xi32>
    tpu.vector_store_idx %arg5[%get3A_1014], %broadcast_in_dim3A_2 masked %eq3A_1026 {add = true} : memref<4096xi32, #tpu.memory_space<vmem>>[vector<16xi32>], vector<16xi32>, vector<16xi1>
    %eq3A_1027 = arith.constant 4 : i32
    %eq3A_1028 = vector.broadcast %eq3A_1027 : i32 to vector<16xi32>
    %eq3A_1029 = arith.cmpi eq, %iota3A, %eq3A_1028 : vector<16xi32>
    tpu.vector_store_idx %arg5[%get3A_1014], %broadcast_in_dim3A_2 masked %eq3A_1029 {add = true} : memref<4096xi32, #tpu.memory_space<vmem>>[vector<16xi32>], vector<16xi32>, vector<16xi1>
    %eq3A_1030 = arith.constant 5 : i32
    %eq3A_1031 = vector.broadcast %eq3A_1030 : i32 to vector<16xi32>
    %eq3A_1032 = arith.cmpi eq, %iota3A, %eq3A_1031 : vector<16xi32>
    tpu.vector_store_idx %arg5[%get3A_1014], %broadcast_in_dim3A_2 masked %eq3A_1032 {add = true} : memref<4096xi32, #tpu.memory_space<vmem>>[vector<16xi32>], vector<16xi32>, vector<16xi1>
    %eq3A_1033 = arith.constant 6 : i32
    %eq3A_1034 = vector.broadcast %eq3A_1033 : i32 to vector<16xi32>
    %eq3A_1035 = arith.cmpi eq, %iota3A, %eq3A_1034 : vector<16xi32>
    tpu.vector_store_idx %arg5[%get3A_1014], %broadcast_in_dim3A_2 masked %eq3A_1035 {add = true} : memref<4096xi32, #tpu.memory_space<vmem>>[vector<16xi32>], vector<16xi32>, vector<16xi1>
    %eq3A_1036 = arith.constant 7 : i32
    %eq3A_1037 = vector.broadcast %eq3A_1036 : i32 to vector<16xi32>
    %eq3A_1038 = arith.cmpi eq, %iota3A, %eq3A_1037 : vector<16xi32>
    tpu.vector_store_idx %arg5[%get3A_1014], %broadcast_in_dim3A_2 masked %eq3A_1038 {add = true} : memref<4096xi32, #tpu.memory_space<vmem>>[vector<16xi32>], vector<16xi32>, vector<16xi1>
    %eq3A_1039 = arith.constant 8 : i32
    %eq3A_1040 = vector.broadcast %eq3A_1039 : i32 to vector<16xi32>
    %eq3A_1041 = arith.cmpi eq, %iota3A, %eq3A_1040 : vector<16xi32>
    tpu.vector_store_idx %arg5[%get3A_1014], %broadcast_in_dim3A_2 masked %eq3A_1041 {add = true} : memref<4096xi32, #tpu.memory_space<vmem>>[vector<16xi32>], vector<16xi32>, vector<16xi1>
    %eq3A_1042 = arith.constant 9 : i32
    %eq3A_1043 = vector.broadcast %eq3A_1042 : i32 to vector<16xi32>
    %eq3A_1044 = arith.cmpi eq, %iota3A, %eq3A_1043 : vector<16xi32>
    tpu.vector_store_idx %arg5[%get3A_1014], %broadcast_in_dim3A_2 masked %eq3A_1044 {add = true} : memref<4096xi32, #tpu.memory_space<vmem>>[vector<16xi32>], vector<16xi32>, vector<16xi1>
    %eq3A_1045 = arith.constant 10 : i32
    %eq3A_1046 = vector.broadcast %eq3A_1045 : i32 to vector<16xi32>
    %eq3A_1047 = arith.cmpi eq, %iota3A, %eq3A_1046 : vector<16xi32>
    tpu.vector_store_idx %arg5[%get3A_1014], %broadcast_in_dim3A_2 masked %eq3A_1047 {add = true} : memref<4096xi32, #tpu.memory_space<vmem>>[vector<16xi32>], vector<16xi32>, vector<16xi1>
    %eq3A_1048 = arith.constant 11 : i32
    %eq3A_1049 = vector.broadcast %eq3A_1048 : i32 to vector<16xi32>
    %eq3A_1050 = arith.cmpi eq, %iota3A, %eq3A_1049 : vector<16xi32>
    tpu.vector_store_idx %arg5[%get3A_1014], %broadcast_in_dim3A_2 masked %eq3A_1050 {add = true} : memref<4096xi32, #tpu.memory_space<vmem>>[vector<16xi32>], vector<16xi32>, vector<16xi1>
    %eq3A_1051 = arith.constant 12 : i32
    %eq3A_1052 = vector.broadcast %eq3A_1051 : i32 to vector<16xi32>
    %eq3A_1053 = arith.cmpi eq, %iota3A, %eq3A_1052 : vector<16xi32>
    tpu.vector_store_idx %arg5[%get3A_1014], %broadcast_in_dim3A_2 masked %eq3A_1053 {add = true} : memref<4096xi32, #tpu.memory_space<vmem>>[vector<16xi32>], vector<16xi32>, vector<16xi1>
    %eq3A_1054 = arith.constant 13 : i32
    %eq3A_1055 = vector.broadcast %eq3A_1054 : i32 to vector<16xi32>
    %eq3A_1056 = arith.cmpi eq, %iota3A, %eq3A_1055 : vector<16xi32>
    tpu.vector_store_idx %arg5[%get3A_1014], %broadcast_in_dim3A_2 masked %eq3A_1056 {add = true} : memref<4096xi32, #tpu.memory_space<vmem>>[vector<16xi32>], vector<16xi32>, vector<16xi1>
    %eq3A_1057 = arith.constant 14 : i32
    %eq3A_1058 = vector.broadcast %eq3A_1057 : i32 to vector<16xi32>
    %eq3A_1059 = arith.cmpi eq, %iota3A, %eq3A_1058 : vector<16xi32>
    tpu.vector_store_idx %arg5[%get3A_1014], %broadcast_in_dim3A_2 masked %eq3A_1059 {add = true} : memref<4096xi32, #tpu.memory_space<vmem>>[vector<16xi32>], vector<16xi32>, vector<16xi1>
    %eq3A_1060 = arith.constant 15 : i32
    %eq3A_1061 = vector.broadcast %eq3A_1060 : i32 to vector<16xi32>
    %eq3A_1062 = arith.cmpi eq, %iota3A, %eq3A_1061 : vector<16xi32>
    tpu.vector_store_idx %arg5[%get3A_1014], %broadcast_in_dim3A_2 masked %eq3A_1062 {add = true} : memref<4096xi32, #tpu.memory_space<vmem>>[vector<16xi32>], vector<16xi32>, vector<16xi1>
    %get3A_1063 = arith.constant 176 : index
    %get3A_1064 = tpu.vector_load %arg4[%get3A_1063] {strides = array<i32>} : memref<256xi32, #tpu.memory_space<vmem>>, vector<16xi32>,
    %eq3A_1065 = arith.constant 0 : i32
    %eq3A_1066 = vector.broadcast %eq3A_1065 : i32 to vector<16xi32>
    %eq3A_1067 = arith.cmpi eq, %iota3A, %eq3A_1066 : vector<16xi32>
    tpu.vector_store_idx %arg5[%get3A_1064], %broadcast_in_dim3A_2 masked %eq3A_1067 {add = true} : memref<4096xi32, #tpu.memory_space<vmem>>[vector<16xi32>], vector<16xi32>, vector<16xi1>
    %eq3A_1068 = arith.constant 1 : i32
    %eq3A_1069 = vector.broadcast %eq3A_1068 : i32 to vector<16xi32>
    %eq3A_1070 = arith.cmpi eq, %iota3A, %eq3A_1069 : vector<16xi32>
    tpu.vector_store_idx %arg5[%get3A_1064], %broadcast_in_dim3A_2 masked %eq3A_1070 {add = true} : memref<4096xi32, #tpu.memory_space<vmem>>[vector<16xi32>], vector<16xi32>, vector<16xi1>
    %eq3A_1071 = arith.constant 2 : i32
    %eq3A_1072 = vector.broadcast %eq3A_1071 : i32 to vector<16xi32>
    %eq3A_1073 = arith.cmpi eq, %iota3A, %eq3A_1072 : vector<16xi32>
    tpu.vector_store_idx %arg5[%get3A_1064], %broadcast_in_dim3A_2 masked %eq3A_1073 {add = true} : memref<4096xi32, #tpu.memory_space<vmem>>[vector<16xi32>], vector<16xi32>, vector<16xi1>
    %eq3A_1074 = arith.constant 3 : i32
    %eq3A_1075 = vector.broadcast %eq3A_1074 : i32 to vector<16xi32>
    %eq3A_1076 = arith.cmpi eq, %iota3A, %eq3A_1075 : vector<16xi32>
    tpu.vector_store_idx %arg5[%get3A_1064], %broadcast_in_dim3A_2 masked %eq3A_1076 {add = true} : memref<4096xi32, #tpu.memory_space<vmem>>[vector<16xi32>], vector<16xi32>, vector<16xi1>
    %eq3A_1077 = arith.constant 4 : i32
    %eq3A_1078 = vector.broadcast %eq3A_1077 : i32 to vector<16xi32>
    %eq3A_1079 = arith.cmpi eq, %iota3A, %eq3A_1078 : vector<16xi32>
    tpu.vector_store_idx %arg5[%get3A_1064], %broadcast_in_dim3A_2 masked %eq3A_1079 {add = true} : memref<4096xi32, #tpu.memory_space<vmem>>[vector<16xi32>], vector<16xi32>, vector<16xi1>
    %eq3A_1080 = arith.constant 5 : i32
    %eq3A_1081 = vector.broadcast %eq3A_1080 : i32 to vector<16xi32>
    %eq3A_1082 = arith.cmpi eq, %iota3A, %eq3A_1081 : vector<16xi32>
    tpu.vector_store_idx %arg5[%get3A_1064], %broadcast_in_dim3A_2 masked %eq3A_1082 {add = true} : memref<4096xi32, #tpu.memory_space<vmem>>[vector<16xi32>], vector<16xi32>, vector<16xi1>
    %eq3A_1083 = arith.constant 6 : i32
    %eq3A_1084 = vector.broadcast %eq3A_1083 : i32 to vector<16xi32>
    %eq3A_1085 = arith.cmpi eq, %iota3A, %eq3A_1084 : vector<16xi32>
    tpu.vector_store_idx %arg5[%get3A_1064], %broadcast_in_dim3A_2 masked %eq3A_1085 {add = true} : memref<4096xi32, #tpu.memory_space<vmem>>[vector<16xi32>], vector<16xi32>, vector<16xi1>
    %eq3A_1086 = arith.constant 7 : i32
    %eq3A_1087 = vector.broadcast %eq3A_1086 : i32 to vector<16xi32>
    %eq3A_1088 = arith.cmpi eq, %iota3A, %eq3A_1087 : vector<16xi32>
    tpu.vector_store_idx %arg5[%get3A_1064], %broadcast_in_dim3A_2 masked %eq3A_1088 {add = true} : memref<4096xi32, #tpu.memory_space<vmem>>[vector<16xi32>], vector<16xi32>, vector<16xi1>
    %eq3A_1089 = arith.constant 8 : i32
    %eq3A_1090 = vector.broadcast %eq3A_1089 : i32 to vector<16xi32>
    %eq3A_1091 = arith.cmpi eq, %iota3A, %eq3A_1090 : vector<16xi32>
    tpu.vector_store_idx %arg5[%get3A_1064], %broadcast_in_dim3A_2 masked %eq3A_1091 {add = true} : memref<4096xi32, #tpu.memory_space<vmem>>[vector<16xi32>], vector<16xi32>, vector<16xi1>
    %eq3A_1092 = arith.constant 9 : i32
    %eq3A_1093 = vector.broadcast %eq3A_1092 : i32 to vector<16xi32>
    %eq3A_1094 = arith.cmpi eq, %iota3A, %eq3A_1093 : vector<16xi32>
    tpu.vector_store_idx %arg5[%get3A_1064], %broadcast_in_dim3A_2 masked %eq3A_1094 {add = true} : memref<4096xi32, #tpu.memory_space<vmem>>[vector<16xi32>], vector<16xi32>, vector<16xi1>
    %eq3A_1095 = arith.constant 10 : i32
    %eq3A_1096 = vector.broadcast %eq3A_1095 : i32 to vector<16xi32>
    %eq3A_1097 = arith.cmpi eq, %iota3A, %eq3A_1096 : vector<16xi32>
    tpu.vector_store_idx %arg5[%get3A_1064], %broadcast_in_dim3A_2 masked %eq3A_1097 {add = true} : memref<4096xi32, #tpu.memory_space<vmem>>[vector<16xi32>], vector<16xi32>, vector<16xi1>
    %eq3A_1098 = arith.constant 11 : i32
    %eq3A_1099 = vector.broadcast %eq3A_1098 : i32 to vector<16xi32>
    %eq3A_1100 = arith.cmpi eq, %iota3A, %eq3A_1099 : vector<16xi32>
    tpu.vector_store_idx %arg5[%get3A_1064], %broadcast_in_dim3A_2 masked %eq3A_1100 {add = true} : memref<4096xi32, #tpu.memory_space<vmem>>[vector<16xi32>], vector<16xi32>, vector<16xi1>
    %eq3A_1101 = arith.constant 12 : i32
    %eq3A_1102 = vector.broadcast %eq3A_1101 : i32 to vector<16xi32>
    %eq3A_1103 = arith.cmpi eq, %iota3A, %eq3A_1102 : vector<16xi32>
    tpu.vector_store_idx %arg5[%get3A_1064], %broadcast_in_dim3A_2 masked %eq3A_1103 {add = true} : memref<4096xi32, #tpu.memory_space<vmem>>[vector<16xi32>], vector<16xi32>, vector<16xi1>
    %eq3A_1104 = arith.constant 13 : i32
    %eq3A_1105 = vector.broadcast %eq3A_1104 : i32 to vector<16xi32>
    %eq3A_1106 = arith.cmpi eq, %iota3A, %eq3A_1105 : vector<16xi32>
    tpu.vector_store_idx %arg5[%get3A_1064], %broadcast_in_dim3A_2 masked %eq3A_1106 {add = true} : memref<4096xi32, #tpu.memory_space<vmem>>[vector<16xi32>], vector<16xi32>, vector<16xi1>
    %eq3A_1107 = arith.constant 14 : i32
    %eq3A_1108 = vector.broadcast %eq3A_1107 : i32 to vector<16xi32>
    %eq3A_1109 = arith.cmpi eq, %iota3A, %eq3A_1108 : vector<16xi32>
    tpu.vector_store_idx %arg5[%get3A_1064], %broadcast_in_dim3A_2 masked %eq3A_1109 {add = true} : memref<4096xi32, #tpu.memory_space<vmem>>[vector<16xi32>], vector<16xi32>, vector<16xi1>
    %eq3A_1110 = arith.constant 15 : i32
    %eq3A_1111 = vector.broadcast %eq3A_1110 : i32 to vector<16xi32>
    %eq3A_1112 = arith.cmpi eq, %iota3A, %eq3A_1111 : vector<16xi32>
    tpu.vector_store_idx %arg5[%get3A_1064], %broadcast_in_dim3A_2 masked %eq3A_1112 {add = true} : memref<4096xi32, #tpu.memory_space<vmem>>[vector<16xi32>], vector<16xi32>, vector<16xi1>
    %get3A_1113 = arith.constant 192 : index
    %get3A_1114 = tpu.vector_load %arg4[%get3A_1113] {strides = array<i32>} : memref<256xi32, #tpu.memory_space<vmem>>, vector<16xi32>,
    %eq3A_1115 = arith.constant 0 : i32
    %eq3A_1116 = vector.broadcast %eq3A_1115 : i32 to vector<16xi32>
    %eq3A_1117 = arith.cmpi eq, %iota3A, %eq3A_1116 : vector<16xi32>
    tpu.vector_store_idx %arg5[%get3A_1114], %broadcast_in_dim3A_2 masked %eq3A_1117 {add = true} : memref<4096xi32, #tpu.memory_space<vmem>>[vector<16xi32>], vector<16xi32>, vector<16xi1>
    %eq3A_1118 = arith.constant 1 : i32
    %eq3A_1119 = vector.broadcast %eq3A_1118 : i32 to vector<16xi32>
    %eq3A_1120 = arith.cmpi eq, %iota3A, %eq3A_1119 : vector<16xi32>
    tpu.vector_store_idx %arg5[%get3A_1114], %broadcast_in_dim3A_2 masked %eq3A_1120 {add = true} : memref<4096xi32, #tpu.memory_space<vmem>>[vector<16xi32>], vector<16xi32>, vector<16xi1>
    %eq3A_1121 = arith.constant 2 : i32
    %eq3A_1122 = vector.broadcast %eq3A_1121 : i32 to vector<16xi32>
    %eq3A_1123 = arith.cmpi eq, %iota3A, %eq3A_1122 : vector<16xi32>
    tpu.vector_store_idx %arg5[%get3A_1114], %broadcast_in_dim3A_2 masked %eq3A_1123 {add = true} : memref<4096xi32, #tpu.memory_space<vmem>>[vector<16xi32>], vector<16xi32>, vector<16xi1>
    %eq3A_1124 = arith.constant 3 : i32
    %eq3A_1125 = vector.broadcast %eq3A_1124 : i32 to vector<16xi32>
    %eq3A_1126 = arith.cmpi eq, %iota3A, %eq3A_1125 : vector<16xi32>
    tpu.vector_store_idx %arg5[%get3A_1114], %broadcast_in_dim3A_2 masked %eq3A_1126 {add = true} : memref<4096xi32, #tpu.memory_space<vmem>>[vector<16xi32>], vector<16xi32>, vector<16xi1>
    %eq3A_1127 = arith.constant 4 : i32
    %eq3A_1128 = vector.broadcast %eq3A_1127 : i32 to vector<16xi32>
    %eq3A_1129 = arith.cmpi eq, %iota3A, %eq3A_1128 : vector<16xi32>
    tpu.vector_store_idx %arg5[%get3A_1114], %broadcast_in_dim3A_2 masked %eq3A_1129 {add = true} : memref<4096xi32, #tpu.memory_space<vmem>>[vector<16xi32>], vector<16xi32>, vector<16xi1>
    %eq3A_1130 = arith.constant 5 : i32
    %eq3A_1131 = vector.broadcast %eq3A_1130 : i32 to vector<16xi32>
    %eq3A_1132 = arith.cmpi eq, %iota3A, %eq3A_1131 : vector<16xi32>
    tpu.vector_store_idx %arg5[%get3A_1114], %broadcast_in_dim3A_2 masked %eq3A_1132 {add = true} : memref<4096xi32, #tpu.memory_space<vmem>>[vector<16xi32>], vector<16xi32>, vector<16xi1>
    %eq3A_1133 = arith.constant 6 : i32
    %eq3A_1134 = vector.broadcast %eq3A_1133 : i32 to vector<16xi32>
    %eq3A_1135 = arith.cmpi eq, %iota3A, %eq3A_1134 : vector<16xi32>
    tpu.vector_store_idx %arg5[%get3A_1114], %broadcast_in_dim3A_2 masked %eq3A_1135 {add = true} : memref<4096xi32, #tpu.memory_space<vmem>>[vector<16xi32>], vector<16xi32>, vector<16xi1>
    %eq3A_1136 = arith.constant 7 : i32
    %eq3A_1137 = vector.broadcast %eq3A_1136 : i32 to vector<16xi32>
    %eq3A_1138 = arith.cmpi eq, %iota3A, %eq3A_1137 : vector<16xi32>
    tpu.vector_store_idx %arg5[%get3A_1114], %broadcast_in_dim3A_2 masked %eq3A_1138 {add = true} : memref<4096xi32, #tpu.memory_space<vmem>>[vector<16xi32>], vector<16xi32>, vector<16xi1>
    %eq3A_1139 = arith.constant 8 : i32
    %eq3A_1140 = vector.broadcast %eq3A_1139 : i32 to vector<16xi32>
    %eq3A_1141 = arith.cmpi eq, %iota3A, %eq3A_1140 : vector<16xi32>
    tpu.vector_store_idx %arg5[%get3A_1114], %broadcast_in_dim3A_2 masked %eq3A_1141 {add = true} : memref<4096xi32, #tpu.memory_space<vmem>>[vector<16xi32>], vector<16xi32>, vector<16xi1>
    %eq3A_1142 = arith.constant 9 : i32
    %eq3A_1143 = vector.broadcast %eq3A_1142 : i32 to vector<16xi32>
    %eq3A_1144 = arith.cmpi eq, %iota3A, %eq3A_1143 : vector<16xi32>
    tpu.vector_store_idx %arg5[%get3A_1114], %broadcast_in_dim3A_2 masked %eq3A_1144 {add = true} : memref<4096xi32, #tpu.memory_space<vmem>>[vector<16xi32>], vector<16xi32>, vector<16xi1>
    %eq3A_1145 = arith.constant 10 : i32
    %eq3A_1146 = vector.broadcast %eq3A_1145 : i32 to vector<16xi32>
    %eq3A_1147 = arith.cmpi eq, %iota3A, %eq3A_1146 : vector<16xi32>
    tpu.vector_store_idx %arg5[%get3A_1114], %broadcast_in_dim3A_2 masked %eq3A_1147 {add = true} : memref<4096xi32, #tpu.memory_space<vmem>>[vector<16xi32>], vector<16xi32>, vector<16xi1>
    %eq3A_1148 = arith.constant 11 : i32
    %eq3A_1149 = vector.broadcast %eq3A_1148 : i32 to vector<16xi32>
    %eq3A_1150 = arith.cmpi eq, %iota3A, %eq3A_1149 : vector<16xi32>
    tpu.vector_store_idx %arg5[%get3A_1114], %broadcast_in_dim3A_2 masked %eq3A_1150 {add = true} : memref<4096xi32, #tpu.memory_space<vmem>>[vector<16xi32>], vector<16xi32>, vector<16xi1>
    %eq3A_1151 = arith.constant 12 : i32
    %eq3A_1152 = vector.broadcast %eq3A_1151 : i32 to vector<16xi32>
    %eq3A_1153 = arith.cmpi eq, %iota3A, %eq3A_1152 : vector<16xi32>
    tpu.vector_store_idx %arg5[%get3A_1114], %broadcast_in_dim3A_2 masked %eq3A_1153 {add = true} : memref<4096xi32, #tpu.memory_space<vmem>>[vector<16xi32>], vector<16xi32>, vector<16xi1>
    %eq3A_1154 = arith.constant 13 : i32
    %eq3A_1155 = vector.broadcast %eq3A_1154 : i32 to vector<16xi32>
    %eq3A_1156 = arith.cmpi eq, %iota3A, %eq3A_1155 : vector<16xi32>
    tpu.vector_store_idx %arg5[%get3A_1114], %broadcast_in_dim3A_2 masked %eq3A_1156 {add = true} : memref<4096xi32, #tpu.memory_space<vmem>>[vector<16xi32>], vector<16xi32>, vector<16xi1>
    %eq3A_1157 = arith.constant 14 : i32
    %eq3A_1158 = vector.broadcast %eq3A_1157 : i32 to vector<16xi32>
    %eq3A_1159 = arith.cmpi eq, %iota3A, %eq3A_1158 : vector<16xi32>
    tpu.vector_store_idx %arg5[%get3A_1114], %broadcast_in_dim3A_2 masked %eq3A_1159 {add = true} : memref<4096xi32, #tpu.memory_space<vmem>>[vector<16xi32>], vector<16xi32>, vector<16xi1>
    %eq3A_1160 = arith.constant 15 : i32
    %eq3A_1161 = vector.broadcast %eq3A_1160 : i32 to vector<16xi32>
    %eq3A_1162 = arith.cmpi eq, %iota3A, %eq3A_1161 : vector<16xi32>
    tpu.vector_store_idx %arg5[%get3A_1114], %broadcast_in_dim3A_2 masked %eq3A_1162 {add = true} : memref<4096xi32, #tpu.memory_space<vmem>>[vector<16xi32>], vector<16xi32>, vector<16xi1>
    %get3A_1163 = arith.constant 208 : index
    %get3A_1164 = tpu.vector_load %arg4[%get3A_1163] {strides = array<i32>} : memref<256xi32, #tpu.memory_space<vmem>>, vector<16xi32>,
    %eq3A_1165 = arith.constant 0 : i32
    %eq3A_1166 = vector.broadcast %eq3A_1165 : i32 to vector<16xi32>
    %eq3A_1167 = arith.cmpi eq, %iota3A, %eq3A_1166 : vector<16xi32>
    tpu.vector_store_idx %arg5[%get3A_1164], %broadcast_in_dim3A_2 masked %eq3A_1167 {add = true} : memref<4096xi32, #tpu.memory_space<vmem>>[vector<16xi32>], vector<16xi32>, vector<16xi1>
    %eq3A_1168 = arith.constant 1 : i32
    %eq3A_1169 = vector.broadcast %eq3A_1168 : i32 to vector<16xi32>
    %eq3A_1170 = arith.cmpi eq, %iota3A, %eq3A_1169 : vector<16xi32>
    tpu.vector_store_idx %arg5[%get3A_1164], %broadcast_in_dim3A_2 masked %eq3A_1170 {add = true} : memref<4096xi32, #tpu.memory_space<vmem>>[vector<16xi32>], vector<16xi32>, vector<16xi1>
    %eq3A_1171 = arith.constant 2 : i32
    %eq3A_1172 = vector.broadcast %eq3A_1171 : i32 to vector<16xi32>
    %eq3A_1173 = arith.cmpi eq, %iota3A, %eq3A_1172 : vector<16xi32>
    tpu.vector_store_idx %arg5[%get3A_1164], %broadcast_in_dim3A_2 masked %eq3A_1173 {add = true} : memref<4096xi32, #tpu.memory_space<vmem>>[vector<16xi32>], vector<16xi32>, vector<16xi1>
    %eq3A_1174 = arith.constant 3 : i32
    %eq3A_1175 = vector.broadcast %eq3A_1174 : i32 to vector<16xi32>
    %eq3A_1176 = arith.cmpi eq, %iota3A, %eq3A_1175 : vector<16xi32>
    tpu.vector_store_idx %arg5[%get3A_1164], %broadcast_in_dim3A_2 masked %eq3A_1176 {add = true} : memref<4096xi32, #tpu.memory_space<vmem>>[vector<16xi32>], vector<16xi32>, vector<16xi1>
    %eq3A_1177 = arith.constant 4 : i32
    %eq3A_1178 = vector.broadcast %eq3A_1177 : i32 to vector<16xi32>
    %eq3A_1179 = arith.cmpi eq, %iota3A, %eq3A_1178 : vector<16xi32>
    tpu.vector_store_idx %arg5[%get3A_1164], %broadcast_in_dim3A_2 masked %eq3A_1179 {add = true} : memref<4096xi32, #tpu.memory_space<vmem>>[vector<16xi32>], vector<16xi32>, vector<16xi1>
    %eq3A_1180 = arith.constant 5 : i32
    %eq3A_1181 = vector.broadcast %eq3A_1180 : i32 to vector<16xi32>
    %eq3A_1182 = arith.cmpi eq, %iota3A, %eq3A_1181 : vector<16xi32>
    tpu.vector_store_idx %arg5[%get3A_1164], %broadcast_in_dim3A_2 masked %eq3A_1182 {add = true} : memref<4096xi32, #tpu.memory_space<vmem>>[vector<16xi32>], vector<16xi32>, vector<16xi1>
    %eq3A_1183 = arith.constant 6 : i32
    %eq3A_1184 = vector.broadcast %eq3A_1183 : i32 to vector<16xi32>
    %eq3A_1185 = arith.cmpi eq, %iota3A, %eq3A_1184 : vector<16xi32>
    tpu.vector_store_idx %arg5[%get3A_1164], %broadcast_in_dim3A_2 masked %eq3A_1185 {add = true} : memref<4096xi32, #tpu.memory_space<vmem>>[vector<16xi32>], vector<16xi32>, vector<16xi1>
    %eq3A_1186 = arith.constant 7 : i32
    %eq3A_1187 = vector.broadcast %eq3A_1186 : i32 to vector<16xi32>
    %eq3A_1188 = arith.cmpi eq, %iota3A, %eq3A_1187 : vector<16xi32>
    tpu.vector_store_idx %arg5[%get3A_1164], %broadcast_in_dim3A_2 masked %eq3A_1188 {add = true} : memref<4096xi32, #tpu.memory_space<vmem>>[vector<16xi32>], vector<16xi32>, vector<16xi1>
    %eq3A_1189 = arith.constant 8 : i32
    %eq3A_1190 = vector.broadcast %eq3A_1189 : i32 to vector<16xi32>
    %eq3A_1191 = arith.cmpi eq, %iota3A, %eq3A_1190 : vector<16xi32>
    tpu.vector_store_idx %arg5[%get3A_1164], %broadcast_in_dim3A_2 masked %eq3A_1191 {add = true} : memref<4096xi32, #tpu.memory_space<vmem>>[vector<16xi32>], vector<16xi32>, vector<16xi1>
    %eq3A_1192 = arith.constant 9 : i32
    %eq3A_1193 = vector.broadcast %eq3A_1192 : i32 to vector<16xi32>
    %eq3A_1194 = arith.cmpi eq, %iota3A, %eq3A_1193 : vector<16xi32>
    tpu.vector_store_idx %arg5[%get3A_1164], %broadcast_in_dim3A_2 masked %eq3A_1194 {add = true} : memref<4096xi32, #tpu.memory_space<vmem>>[vector<16xi32>], vector<16xi32>, vector<16xi1>
    %eq3A_1195 = arith.constant 10 : i32
    %eq3A_1196 = vector.broadcast %eq3A_1195 : i32 to vector<16xi32>
    %eq3A_1197 = arith.cmpi eq, %iota3A, %eq3A_1196 : vector<16xi32>
    tpu.vector_store_idx %arg5[%get3A_1164], %broadcast_in_dim3A_2 masked %eq3A_1197 {add = true} : memref<4096xi32, #tpu.memory_space<vmem>>[vector<16xi32>], vector<16xi32>, vector<16xi1>
    %eq3A_1198 = arith.constant 11 : i32
    %eq3A_1199 = vector.broadcast %eq3A_1198 : i32 to vector<16xi32>
    %eq3A_1200 = arith.cmpi eq, %iota3A, %eq3A_1199 : vector<16xi32>
    tpu.vector_store_idx %arg5[%get3A_1164], %broadcast_in_dim3A_2 masked %eq3A_1200 {add = true} : memref<4096xi32, #tpu.memory_space<vmem>>[vector<16xi32>], vector<16xi32>, vector<16xi1>
    %eq3A_1201 = arith.constant 12 : i32
    %eq3A_1202 = vector.broadcast %eq3A_1201 : i32 to vector<16xi32>
    %eq3A_1203 = arith.cmpi eq, %iota3A, %eq3A_1202 : vector<16xi32>
    tpu.vector_store_idx %arg5[%get3A_1164], %broadcast_in_dim3A_2 masked %eq3A_1203 {add = true} : memref<4096xi32, #tpu.memory_space<vmem>>[vector<16xi32>], vector<16xi32>, vector<16xi1>
    %eq3A_1204 = arith.constant 13 : i32
    %eq3A_1205 = vector.broadcast %eq3A_1204 : i32 to vector<16xi32>
    %eq3A_1206 = arith.cmpi eq, %iota3A, %eq3A_1205 : vector<16xi32>
    tpu.vector_store_idx %arg5[%get3A_1164], %broadcast_in_dim3A_2 masked %eq3A_1206 {add = true} : memref<4096xi32, #tpu.memory_space<vmem>>[vector<16xi32>], vector<16xi32>, vector<16xi1>
    %eq3A_1207 = arith.constant 14 : i32
    %eq3A_1208 = vector.broadcast %eq3A_1207 : i32 to vector<16xi32>
    %eq3A_1209 = arith.cmpi eq, %iota3A, %eq3A_1208 : vector<16xi32>
    tpu.vector_store_idx %arg5[%get3A_1164], %broadcast_in_dim3A_2 masked %eq3A_1209 {add = true} : memref<4096xi32, #tpu.memory_space<vmem>>[vector<16xi32>], vector<16xi32>, vector<16xi1>
    %eq3A_1210 = arith.constant 15 : i32
    %eq3A_1211 = vector.broadcast %eq3A_1210 : i32 to vector<16xi32>
    %eq3A_1212 = arith.cmpi eq, %iota3A, %eq3A_1211 : vector<16xi32>
    tpu.vector_store_idx %arg5[%get3A_1164], %broadcast_in_dim3A_2 masked %eq3A_1212 {add = true} : memref<4096xi32, #tpu.memory_space<vmem>>[vector<16xi32>], vector<16xi32>, vector<16xi1>
    %get3A_1213 = arith.constant 224 : index
    %get3A_1214 = tpu.vector_load %arg4[%get3A_1213] {strides = array<i32>} : memref<256xi32, #tpu.memory_space<vmem>>, vector<16xi32>,
    %eq3A_1215 = arith.constant 0 : i32
    %eq3A_1216 = vector.broadcast %eq3A_1215 : i32 to vector<16xi32>
    %eq3A_1217 = arith.cmpi eq, %iota3A, %eq3A_1216 : vector<16xi32>
    tpu.vector_store_idx %arg5[%get3A_1214], %broadcast_in_dim3A_2 masked %eq3A_1217 {add = true} : memref<4096xi32, #tpu.memory_space<vmem>>[vector<16xi32>], vector<16xi32>, vector<16xi1>
    %eq3A_1218 = arith.constant 1 : i32
    %eq3A_1219 = vector.broadcast %eq3A_1218 : i32 to vector<16xi32>
    %eq3A_1220 = arith.cmpi eq, %iota3A, %eq3A_1219 : vector<16xi32>
    tpu.vector_store_idx %arg5[%get3A_1214], %broadcast_in_dim3A_2 masked %eq3A_1220 {add = true} : memref<4096xi32, #tpu.memory_space<vmem>>[vector<16xi32>], vector<16xi32>, vector<16xi1>
    %eq3A_1221 = arith.constant 2 : i32
    %eq3A_1222 = vector.broadcast %eq3A_1221 : i32 to vector<16xi32>
    %eq3A_1223 = arith.cmpi eq, %iota3A, %eq3A_1222 : vector<16xi32>
    tpu.vector_store_idx %arg5[%get3A_1214], %broadcast_in_dim3A_2 masked %eq3A_1223 {add = true} : memref<4096xi32, #tpu.memory_space<vmem>>[vector<16xi32>], vector<16xi32>, vector<16xi1>
    %eq3A_1224 = arith.constant 3 : i32
    %eq3A_1225 = vector.broadcast %eq3A_1224 : i32 to vector<16xi32>
    %eq3A_1226 = arith.cmpi eq, %iota3A, %eq3A_1225 : vector<16xi32>
    tpu.vector_store_idx %arg5[%get3A_1214], %broadcast_in_dim3A_2 masked %eq3A_1226 {add = true} : memref<4096xi32, #tpu.memory_space<vmem>>[vector<16xi32>], vector<16xi32>, vector<16xi1>
    %eq3A_1227 = arith.constant 4 : i32
    %eq3A_1228 = vector.broadcast %eq3A_1227 : i32 to vector<16xi32>
    %eq3A_1229 = arith.cmpi eq, %iota3A, %eq3A_1228 : vector<16xi32>
    tpu.vector_store_idx %arg5[%get3A_1214], %broadcast_in_dim3A_2 masked %eq3A_1229 {add = true} : memref<4096xi32, #tpu.memory_space<vmem>>[vector<16xi32>], vector<16xi32>, vector<16xi1>
    %eq3A_1230 = arith.constant 5 : i32
    %eq3A_1231 = vector.broadcast %eq3A_1230 : i32 to vector<16xi32>
    %eq3A_1232 = arith.cmpi eq, %iota3A, %eq3A_1231 : vector<16xi32>
    tpu.vector_store_idx %arg5[%get3A_1214], %broadcast_in_dim3A_2 masked %eq3A_1232 {add = true} : memref<4096xi32, #tpu.memory_space<vmem>>[vector<16xi32>], vector<16xi32>, vector<16xi1>
    %eq3A_1233 = arith.constant 6 : i32
    %eq3A_1234 = vector.broadcast %eq3A_1233 : i32 to vector<16xi32>
    %eq3A_1235 = arith.cmpi eq, %iota3A, %eq3A_1234 : vector<16xi32>
    tpu.vector_store_idx %arg5[%get3A_1214], %broadcast_in_dim3A_2 masked %eq3A_1235 {add = true} : memref<4096xi32, #tpu.memory_space<vmem>>[vector<16xi32>], vector<16xi32>, vector<16xi1>
    %eq3A_1236 = arith.constant 7 : i32
    %eq3A_1237 = vector.broadcast %eq3A_1236 : i32 to vector<16xi32>
    %eq3A_1238 = arith.cmpi eq, %iota3A, %eq3A_1237 : vector<16xi32>
    tpu.vector_store_idx %arg5[%get3A_1214], %broadcast_in_dim3A_2 masked %eq3A_1238 {add = true} : memref<4096xi32, #tpu.memory_space<vmem>>[vector<16xi32>], vector<16xi32>, vector<16xi1>
    %eq3A_1239 = arith.constant 8 : i32
    %eq3A_1240 = vector.broadcast %eq3A_1239 : i32 to vector<16xi32>
    %eq3A_1241 = arith.cmpi eq, %iota3A, %eq3A_1240 : vector<16xi32>
    tpu.vector_store_idx %arg5[%get3A_1214], %broadcast_in_dim3A_2 masked %eq3A_1241 {add = true} : memref<4096xi32, #tpu.memory_space<vmem>>[vector<16xi32>], vector<16xi32>, vector<16xi1>
    %eq3A_1242 = arith.constant 9 : i32
    %eq3A_1243 = vector.broadcast %eq3A_1242 : i32 to vector<16xi32>
    %eq3A_1244 = arith.cmpi eq, %iota3A, %eq3A_1243 : vector<16xi32>
    tpu.vector_store_idx %arg5[%get3A_1214], %broadcast_in_dim3A_2 masked %eq3A_1244 {add = true} : memref<4096xi32, #tpu.memory_space<vmem>>[vector<16xi32>], vector<16xi32>, vector<16xi1>
    %eq3A_1245 = arith.constant 10 : i32
    %eq3A_1246 = vector.broadcast %eq3A_1245 : i32 to vector<16xi32>
    %eq3A_1247 = arith.cmpi eq, %iota3A, %eq3A_1246 : vector<16xi32>
    tpu.vector_store_idx %arg5[%get3A_1214], %broadcast_in_dim3A_2 masked %eq3A_1247 {add = true} : memref<4096xi32, #tpu.memory_space<vmem>>[vector<16xi32>], vector<16xi32>, vector<16xi1>
    %eq3A_1248 = arith.constant 11 : i32
    %eq3A_1249 = vector.broadcast %eq3A_1248 : i32 to vector<16xi32>
    %eq3A_1250 = arith.cmpi eq, %iota3A, %eq3A_1249 : vector<16xi32>
    tpu.vector_store_idx %arg5[%get3A_1214], %broadcast_in_dim3A_2 masked %eq3A_1250 {add = true} : memref<4096xi32, #tpu.memory_space<vmem>>[vector<16xi32>], vector<16xi32>, vector<16xi1>
    %eq3A_1251 = arith.constant 12 : i32
    %eq3A_1252 = vector.broadcast %eq3A_1251 : i32 to vector<16xi32>
    %eq3A_1253 = arith.cmpi eq, %iota3A, %eq3A_1252 : vector<16xi32>
    tpu.vector_store_idx %arg5[%get3A_1214], %broadcast_in_dim3A_2 masked %eq3A_1253 {add = true} : memref<4096xi32, #tpu.memory_space<vmem>>[vector<16xi32>], vector<16xi32>, vector<16xi1>
    %eq3A_1254 = arith.constant 13 : i32
    %eq3A_1255 = vector.broadcast %eq3A_1254 : i32 to vector<16xi32>
    %eq3A_1256 = arith.cmpi eq, %iota3A, %eq3A_1255 : vector<16xi32>
    tpu.vector_store_idx %arg5[%get3A_1214], %broadcast_in_dim3A_2 masked %eq3A_1256 {add = true} : memref<4096xi32, #tpu.memory_space<vmem>>[vector<16xi32>], vector<16xi32>, vector<16xi1>
    %eq3A_1257 = arith.constant 14 : i32
    %eq3A_1258 = vector.broadcast %eq3A_1257 : i32 to vector<16xi32>
    %eq3A_1259 = arith.cmpi eq, %iota3A, %eq3A_1258 : vector<16xi32>
    tpu.vector_store_idx %arg5[%get3A_1214], %broadcast_in_dim3A_2 masked %eq3A_1259 {add = true} : memref<4096xi32, #tpu.memory_space<vmem>>[vector<16xi32>], vector<16xi32>, vector<16xi1>
    %eq3A_1260 = arith.constant 15 : i32
    %eq3A_1261 = vector.broadcast %eq3A_1260 : i32 to vector<16xi32>
    %eq3A_1262 = arith.cmpi eq, %iota3A, %eq3A_1261 : vector<16xi32>
    tpu.vector_store_idx %arg5[%get3A_1214], %broadcast_in_dim3A_2 masked %eq3A_1262 {add = true} : memref<4096xi32, #tpu.memory_space<vmem>>[vector<16xi32>], vector<16xi32>, vector<16xi1>
    %get3A_1263 = arith.constant 240 : index
    %get3A_1264 = tpu.vector_load %arg4[%get3A_1263] {strides = array<i32>} : memref<256xi32, #tpu.memory_space<vmem>>, vector<16xi32>,
    %eq3A_1265 = arith.constant 0 : i32
    %eq3A_1266 = vector.broadcast %eq3A_1265 : i32 to vector<16xi32>
    %eq3A_1267 = arith.cmpi eq, %iota3A, %eq3A_1266 : vector<16xi32>
    tpu.vector_store_idx %arg5[%get3A_1264], %broadcast_in_dim3A_2 masked %eq3A_1267 {add = true} : memref<4096xi32, #tpu.memory_space<vmem>>[vector<16xi32>], vector<16xi32>, vector<16xi1>
    %eq3A_1268 = arith.constant 1 : i32
    %eq3A_1269 = vector.broadcast %eq3A_1268 : i32 to vector<16xi32>
    %eq3A_1270 = arith.cmpi eq, %iota3A, %eq3A_1269 : vector<16xi32>
    tpu.vector_store_idx %arg5[%get3A_1264], %broadcast_in_dim3A_2 masked %eq3A_1270 {add = true} : memref<4096xi32, #tpu.memory_space<vmem>>[vector<16xi32>], vector<16xi32>, vector<16xi1>
    %eq3A_1271 = arith.constant 2 : i32
    %eq3A_1272 = vector.broadcast %eq3A_1271 : i32 to vector<16xi32>
    %eq3A_1273 = arith.cmpi eq, %iota3A, %eq3A_1272 : vector<16xi32>
    tpu.vector_store_idx %arg5[%get3A_1264], %broadcast_in_dim3A_2 masked %eq3A_1273 {add = true} : memref<4096xi32, #tpu.memory_space<vmem>>[vector<16xi32>], vector<16xi32>, vector<16xi1>
    %eq3A_1274 = arith.constant 3 : i32
    %eq3A_1275 = vector.broadcast %eq3A_1274 : i32 to vector<16xi32>
    %eq3A_1276 = arith.cmpi eq, %iota3A, %eq3A_1275 : vector<16xi32>
    tpu.vector_store_idx %arg5[%get3A_1264], %broadcast_in_dim3A_2 masked %eq3A_1276 {add = true} : memref<4096xi32, #tpu.memory_space<vmem>>[vector<16xi32>], vector<16xi32>, vector<16xi1>
    %eq3A_1277 = arith.constant 4 : i32
    %eq3A_1278 = vector.broadcast %eq3A_1277 : i32 to vector<16xi32>
    %eq3A_1279 = arith.cmpi eq, %iota3A, %eq3A_1278 : vector<16xi32>
    tpu.vector_store_idx %arg5[%get3A_1264], %broadcast_in_dim3A_2 masked %eq3A_1279 {add = true} : memref<4096xi32, #tpu.memory_space<vmem>>[vector<16xi32>], vector<16xi32>, vector<16xi1>
    %eq3A_1280 = arith.constant 5 : i32
    %eq3A_1281 = vector.broadcast %eq3A_1280 : i32 to vector<16xi32>
    %eq3A_1282 = arith.cmpi eq, %iota3A, %eq3A_1281 : vector<16xi32>
    tpu.vector_store_idx %arg5[%get3A_1264], %broadcast_in_dim3A_2 masked %eq3A_1282 {add = true} : memref<4096xi32, #tpu.memory_space<vmem>>[vector<16xi32>], vector<16xi32>, vector<16xi1>
    %eq3A_1283 = arith.constant 6 : i32
    %eq3A_1284 = vector.broadcast %eq3A_1283 : i32 to vector<16xi32>
    %eq3A_1285 = arith.cmpi eq, %iota3A, %eq3A_1284 : vector<16xi32>
    tpu.vector_store_idx %arg5[%get3A_1264], %broadcast_in_dim3A_2 masked %eq3A_1285 {add = true} : memref<4096xi32, #tpu.memory_space<vmem>>[vector<16xi32>], vector<16xi32>, vector<16xi1>
    %eq3A_1286 = arith.constant 7 : i32
    %eq3A_1287 = vector.broadcast %eq3A_1286 : i32 to vector<16xi32>
    %eq3A_1288 = arith.cmpi eq, %iota3A, %eq3A_1287 : vector<16xi32>
    tpu.vector_store_idx %arg5[%get3A_1264], %broadcast_in_dim3A_2 masked %eq3A_1288 {add = true} : memref<4096xi32, #tpu.memory_space<vmem>>[vector<16xi32>], vector<16xi32>, vector<16xi1>
    %eq3A_1289 = arith.constant 8 : i32
    %eq3A_1290 = vector.broadcast %eq3A_1289 : i32 to vector<16xi32>
    %eq3A_1291 = arith.cmpi eq, %iota3A, %eq3A_1290 : vector<16xi32>
    tpu.vector_store_idx %arg5[%get3A_1264], %broadcast_in_dim3A_2 masked %eq3A_1291 {add = true} : memref<4096xi32, #tpu.memory_space<vmem>>[vector<16xi32>], vector<16xi32>, vector<16xi1>
    %eq3A_1292 = arith.constant 9 : i32
    %eq3A_1293 = vector.broadcast %eq3A_1292 : i32 to vector<16xi32>
    %eq3A_1294 = arith.cmpi eq, %iota3A, %eq3A_1293 : vector<16xi32>
    tpu.vector_store_idx %arg5[%get3A_1264], %broadcast_in_dim3A_2 masked %eq3A_1294 {add = true} : memref<4096xi32, #tpu.memory_space<vmem>>[vector<16xi32>], vector<16xi32>, vector<16xi1>
    %eq3A_1295 = arith.constant 10 : i32
    %eq3A_1296 = vector.broadcast %eq3A_1295 : i32 to vector<16xi32>
    %eq3A_1297 = arith.cmpi eq, %iota3A, %eq3A_1296 : vector<16xi32>
    tpu.vector_store_idx %arg5[%get3A_1264], %broadcast_in_dim3A_2 masked %eq3A_1297 {add = true} : memref<4096xi32, #tpu.memory_space<vmem>>[vector<16xi32>], vector<16xi32>, vector<16xi1>
    %eq3A_1298 = arith.constant 11 : i32
    %eq3A_1299 = vector.broadcast %eq3A_1298 : i32 to vector<16xi32>
    %eq3A_1300 = arith.cmpi eq, %iota3A, %eq3A_1299 : vector<16xi32>
    tpu.vector_store_idx %arg5[%get3A_1264], %broadcast_in_dim3A_2 masked %eq3A_1300 {add = true} : memref<4096xi32, #tpu.memory_space<vmem>>[vector<16xi32>], vector<16xi32>, vector<16xi1>
    %eq3A_1301 = arith.constant 12 : i32
    %eq3A_1302 = vector.broadcast %eq3A_1301 : i32 to vector<16xi32>
    %eq3A_1303 = arith.cmpi eq, %iota3A, %eq3A_1302 : vector<16xi32>
    tpu.vector_store_idx %arg5[%get3A_1264], %broadcast_in_dim3A_2 masked %eq3A_1303 {add = true} : memref<4096xi32, #tpu.memory_space<vmem>>[vector<16xi32>], vector<16xi32>, vector<16xi1>
    %eq3A_1304 = arith.constant 13 : i32
    %eq3A_1305 = vector.broadcast %eq3A_1304 : i32 to vector<16xi32>
    %eq3A_1306 = arith.cmpi eq, %iota3A, %eq3A_1305 : vector<16xi32>
    tpu.vector_store_idx %arg5[%get3A_1264], %broadcast_in_dim3A_2 masked %eq3A_1306 {add = true} : memref<4096xi32, #tpu.memory_space<vmem>>[vector<16xi32>], vector<16xi32>, vector<16xi1>
    %eq3A_1307 = arith.constant 14 : i32
    %eq3A_1308 = vector.broadcast %eq3A_1307 : i32 to vector<16xi32>
    %eq3A_1309 = arith.cmpi eq, %iota3A, %eq3A_1308 : vector<16xi32>
    tpu.vector_store_idx %arg5[%get3A_1264], %broadcast_in_dim3A_2 masked %eq3A_1309 {add = true} : memref<4096xi32, #tpu.memory_space<vmem>>[vector<16xi32>], vector<16xi32>, vector<16xi1>
    %eq3A_1310 = arith.constant 15 : i32
    %eq3A_1311 = vector.broadcast %eq3A_1310 : i32 to vector<16xi32>
    %eq3A_1312 = arith.cmpi eq, %iota3A, %eq3A_1311 : vector<16xi32>
    tpu.vector_store_idx %arg5[%get3A_1264], %broadcast_in_dim3A_2 masked %eq3A_1312 {add = true} : memref<4096xi32, #tpu.memory_space<vmem>>[vector<16xi32>], vector<16xi32>, vector<16xi1>
    "tpu.region"() ({
      %run_scoped3A = tpu.sem_alloc : memref<!tpu.dma_semaphore, #tpu.memory_space<semaphore_mem>>
      %dma_start3A = arith.constant 0 : i32
      %dma_start3A_2610 = tpu.memref_slice %arg8[%arg1, %dma_start3A] : memref<16x4096xi32, #tpu.memory_space<vmem_shared>> -> memref<1x4096xi32, #tpu.memory_space<vmem_shared>>
      %dma_start3A_2611 = tpu.memref_squeeze %dma_start3A_2610 : memref<1x4096xi32, #tpu.memory_space<vmem_shared>> -> memref<4096xi32, #tpu.memory_space<vmem_shared>>
      %dma_start3A_2612 = arith.constant 0 : i32
      %dma_start3A_2613 = tpu.memref_slice %arg8[%arg1, %dma_start3A_2612] : memref<16x4096xi32, #tpu.memory_space<vmem_shared>> -> memref<1x4096xi32, #tpu.memory_space<vmem_shared>>
      %dma_start3A_2614 = tpu.memref_squeeze %dma_start3A_2613 : memref<1x4096xi32, #tpu.memory_space<vmem_shared>> -> memref<4096xi32, #tpu.memory_space<vmem_shared>>
      tpu.enqueue_dma source(%arg5 : memref<4096xi32, #tpu.memory_space<vmem>>) target(%dma_start3A_2614 : memref<4096xi32, #tpu.memory_space<vmem_shared>>) target_semaphore(%run_scoped3A : memref<!tpu.dma_semaphore, #tpu.memory_space<semaphore_mem>>)
      %dma_wait3A = arith.constant 0 : i32
      %dma_wait3A_2615 = tpu.memref_slice %arg8[%arg1, %dma_wait3A] : memref<16x4096xi32, #tpu.memory_space<vmem_shared>> -> memref<1x4096xi32, #tpu.memory_space<vmem_shared>>
      %dma_wait3A_2616 = tpu.memref_squeeze %dma_wait3A_2615 : memref<1x4096xi32, #tpu.memory_space<vmem_shared>> -> memref<4096xi32, #tpu.memory_space<vmem_shared>>
      %dma_wait3A_2617 = arith.constant 0 : i32
      %dma_wait3A_2618 = tpu.memref_slice %arg8[%arg1, %dma_wait3A_2617] : memref<16x4096xi32, #tpu.memory_space<vmem_shared>> -> memref<1x4096xi32, #tpu.memory_space<vmem_shared>>
      %dma_wait3A_2619 = tpu.memref_squeeze %dma_wait3A_2618 : memref<1x4096xi32, #tpu.memory_space<vmem_shared>> -> memref<4096xi32, #tpu.memory_space<vmem_shared>>
      tpu.wait_dma2 semaphore(%run_scoped3A : memref<!tpu.dma_semaphore, #tpu.memory_space<semaphore_mem>>) src(%arg5 : memref<4096xi32, #tpu.memory_space<vmem>>) dst(%dma_wait3A_2619 : memref<4096xi32, #tpu.memory_space<vmem_shared>>)
      tpu.yield
    }) : () -> ()
    %barrier3A = arith.constant 0 : index
    tpu.barrier barrier_id(%barrier3A)
    %mul3A_1313 = arith.constant 256 : i32
    %mul3A_1314 = arith.muli %arg1, %mul3A_1313 : i32
    "tpu.region"() ({
      %run_scoped3A = tpu.sem_alloc : memref<!tpu.dma_semaphore, #tpu.memory_space<semaphore_mem>>
      %dma_start3A = arith.constant 0 : i32
      %dma_start3A_2610 = tpu.memref_slice %arg8[%dma_start3A, %mul3A_1314] : memref<16x4096xi32, #tpu.memory_space<vmem_shared>> -> memref<16x256xi32, #tpu.memory_space<vmem_shared>>
      %dma_start3A_2611 = arith.constant 0 : i32
      %dma_start3A_2612 = tpu.memref_slice %arg8[%dma_start3A_2611, %mul3A_1314] : memref<16x4096xi32, #tpu.memory_space<vmem_shared>> -> memref<16x256xi32, #tpu.memory_space<vmem_shared>>
      tpu.enqueue_dma source(%dma_start3A_2612 : memref<16x256xi32, #tpu.memory_space<vmem_shared>>) target(%arg6 : memref<16x256xi32, #tpu.memory_space<vmem>>) target_semaphore(%run_scoped3A : memref<!tpu.dma_semaphore, #tpu.memory_space<semaphore_mem>>)
      %dma_wait3A = arith.constant 0 : i32
      %dma_wait3A_2613 = tpu.memref_slice %arg8[%dma_wait3A, %mul3A_1314] : memref<16x4096xi32, #tpu.memory_space<vmem_shared>> -> memref<16x256xi32, #tpu.memory_space<vmem_shared>>
      %dma_wait3A_2614 = arith.constant 0 : i32
      %dma_wait3A_2615 = tpu.memref_slice %arg8[%dma_wait3A_2614, %mul3A_1314] : memref<16x4096xi32, #tpu.memory_space<vmem_shared>> -> memref<16x256xi32, #tpu.memory_space<vmem_shared>>
      tpu.wait_dma2 semaphore(%run_scoped3A : memref<!tpu.dma_semaphore, #tpu.memory_space<semaphore_mem>>) src(%dma_wait3A_2615 : memref<16x256xi32, #tpu.memory_space<vmem_shared>>) dst(%arg6 : memref<16x256xi32, #tpu.memory_space<vmem>>)
      tpu.yield
    }) : () -> ()
    %get3A_1315 = arith.constant 0 : i32
    %get3A_1316 = arith.index_cast %get3A_1315 : i32 to index
    %get3A_1317 = arith.constant 0 : index
    %get3A_1318 = tpu.vector_load %arg6[%get3A_1316, %get3A_1317] {strides = array<i32>} : memref<16x256xi32, #tpu.memory_space<vmem>>, vector<16xi32>,
    %get3A_1319 = arith.constant 1 : i32
    %get3A_1320 = arith.index_cast %get3A_1319 : i32 to index
    %get3A_1321 = arith.constant 0 : index
    %get3A_1322 = tpu.vector_load %arg6[%get3A_1320, %get3A_1321] {strides = array<i32>} : memref<16x256xi32, #tpu.memory_space<vmem>>, vector<16xi32>,
    %add3A = arith.addi %get3A_1318, %get3A_1322 : vector<16xi32>
    %get3A_1323 = arith.constant 2 : i32
    %get3A_1324 = arith.index_cast %get3A_1323 : i32 to index
    %get3A_1325 = arith.constant 0 : index
    %get3A_1326 = tpu.vector_load %arg6[%get3A_1324, %get3A_1325] {strides = array<i32>} : memref<16x256xi32, #tpu.memory_space<vmem>>, vector<16xi32>,
    %add3A_1327 = arith.addi %add3A, %get3A_1326 : vector<16xi32>
    %get3A_1328 = arith.constant 3 : i32
    %get3A_1329 = arith.index_cast %get3A_1328 : i32 to index
    %get3A_1330 = arith.constant 0 : index
    %get3A_1331 = tpu.vector_load %arg6[%get3A_1329, %get3A_1330] {strides = array<i32>} : memref<16x256xi32, #tpu.memory_space<vmem>>, vector<16xi32>,
    %add3A_1332 = arith.addi %add3A_1327, %get3A_1331 : vector<16xi32>
    %get3A_1333 = arith.constant 4 : i32
    %get3A_1334 = arith.index_cast %get3A_1333 : i32 to index
    %get3A_1335 = arith.constant 0 : index
    %get3A_1336 = tpu.vector_load %arg6[%get3A_1334, %get3A_1335] {strides = array<i32>} : memref<16x256xi32, #tpu.memory_space<vmem>>, vector<16xi32>,
    %add3A_1337 = arith.addi %add3A_1332, %get3A_1336 : vector<16xi32>
    %get3A_1338 = arith.constant 5 : i32
    %get3A_1339 = arith.index_cast %get3A_1338 : i32 to index
    %get3A_1340 = arith.constant 0 : index
    %get3A_1341 = tpu.vector_load %arg6[%get3A_1339, %get3A_1340] {strides = array<i32>} : memref<16x256xi32, #tpu.memory_space<vmem>>, vector<16xi32>,
    %add3A_1342 = arith.addi %add3A_1337, %get3A_1341 : vector<16xi32>
    %get3A_1343 = arith.constant 6 : i32
    %get3A_1344 = arith.index_cast %get3A_1343 : i32 to index
    %get3A_1345 = arith.constant 0 : index
    %get3A_1346 = tpu.vector_load %arg6[%get3A_1344, %get3A_1345] {strides = array<i32>} : memref<16x256xi32, #tpu.memory_space<vmem>>, vector<16xi32>,
    %add3A_1347 = arith.addi %add3A_1342, %get3A_1346 : vector<16xi32>
    %get3A_1348 = arith.constant 7 : i32
    %get3A_1349 = arith.index_cast %get3A_1348 : i32 to index
    %get3A_1350 = arith.constant 0 : index
    %get3A_1351 = tpu.vector_load %arg6[%get3A_1349, %get3A_1350] {strides = array<i32>} : memref<16x256xi32, #tpu.memory_space<vmem>>, vector<16xi32>,
    %add3A_1352 = arith.addi %add3A_1347, %get3A_1351 : vector<16xi32>
    %get3A_1353 = arith.constant 8 : i32
    %get3A_1354 = arith.index_cast %get3A_1353 : i32 to index
    %get3A_1355 = arith.constant 0 : index
    %get3A_1356 = tpu.vector_load %arg6[%get3A_1354, %get3A_1355] {strides = array<i32>} : memref<16x256xi32, #tpu.memory_space<vmem>>, vector<16xi32>,
    %add3A_1357 = arith.addi %add3A_1352, %get3A_1356 : vector<16xi32>
    %get3A_1358 = arith.constant 9 : i32
    %get3A_1359 = arith.index_cast %get3A_1358 : i32 to index
    %get3A_1360 = arith.constant 0 : index
    %get3A_1361 = tpu.vector_load %arg6[%get3A_1359, %get3A_1360] {strides = array<i32>} : memref<16x256xi32, #tpu.memory_space<vmem>>, vector<16xi32>,
    %add3A_1362 = arith.addi %add3A_1357, %get3A_1361 : vector<16xi32>
    %get3A_1363 = arith.constant 10 : i32
    %get3A_1364 = arith.index_cast %get3A_1363 : i32 to index
    %get3A_1365 = arith.constant 0 : index
    %get3A_1366 = tpu.vector_load %arg6[%get3A_1364, %get3A_1365] {strides = array<i32>} : memref<16x256xi32, #tpu.memory_space<vmem>>, vector<16xi32>,
    %add3A_1367 = arith.addi %add3A_1362, %get3A_1366 : vector<16xi32>
    %get3A_1368 = arith.constant 11 : i32
    %get3A_1369 = arith.index_cast %get3A_1368 : i32 to index
    %get3A_1370 = arith.constant 0 : index
    %get3A_1371 = tpu.vector_load %arg6[%get3A_1369, %get3A_1370] {strides = array<i32>} : memref<16x256xi32, #tpu.memory_space<vmem>>, vector<16xi32>,
    %add3A_1372 = arith.addi %add3A_1367, %get3A_1371 : vector<16xi32>
    %get3A_1373 = arith.constant 12 : i32
    %get3A_1374 = arith.index_cast %get3A_1373 : i32 to index
    %get3A_1375 = arith.constant 0 : index
    %get3A_1376 = tpu.vector_load %arg6[%get3A_1374, %get3A_1375] {strides = array<i32>} : memref<16x256xi32, #tpu.memory_space<vmem>>, vector<16xi32>,
    %add3A_1377 = arith.addi %add3A_1372, %get3A_1376 : vector<16xi32>
    %get3A_1378 = arith.constant 13 : i32
    %get3A_1379 = arith.index_cast %get3A_1378 : i32 to index
    %get3A_1380 = arith.constant 0 : index
    %get3A_1381 = tpu.vector_load %arg6[%get3A_1379, %get3A_1380] {strides = array<i32>} : memref<16x256xi32, #tpu.memory_space<vmem>>, vector<16xi32>,
    %add3A_1382 = arith.addi %add3A_1377, %get3A_1381 : vector<16xi32>
    %get3A_1383 = arith.constant 14 : i32
    %get3A_1384 = arith.index_cast %get3A_1383 : i32 to index
    %get3A_1385 = arith.constant 0 : index
    %get3A_1386 = tpu.vector_load %arg6[%get3A_1384, %get3A_1385] {strides = array<i32>} : memref<16x256xi32, #tpu.memory_space<vmem>>, vector<16xi32>,
    %add3A_1387 = arith.addi %add3A_1382, %get3A_1386 : vector<16xi32>
    %get3A_1388 = arith.constant 15 : i32
    %get3A_1389 = arith.index_cast %get3A_1388 : i32 to index
    %get3A_1390 = arith.constant 0 : index
    %get3A_1391 = tpu.vector_load %arg6[%get3A_1389, %get3A_1390] {strides = array<i32>} : memref<16x256xi32, #tpu.memory_space<vmem>>, vector<16xi32>,
    %add3A_1392 = arith.addi %add3A_1387, %get3A_1391 : vector<16xi32>
    %swap3A_1393 = arith.constant 0 : index
    %swap3A_1394 = tpu.vector_load %arg7[%swap3A_1393] {strides = array<i32>} : memref<256xi32, #tpu.memory_space<vmem>>, vector<16xi32>,
    tpu.vector_store %arg7[%swap3A_1393], %add3A_1392 {strides = array<i32>} : memref<256xi32, #tpu.memory_space<vmem>>, vector<16xi32>,
    %get3A_1395 = arith.constant 0 : i32
    %get3A_1396 = arith.index_cast %get3A_1395 : i32 to index
    %get3A_1397 = arith.constant 16 : index
    %get3A_1398 = tpu.vector_load %arg6[%get3A_1396, %get3A_1397] {strides = array<i32>} : memref<16x256xi32, #tpu.memory_space<vmem>>, vector<16xi32>,
    %get3A_1399 = arith.constant 1 : i32
    %get3A_1400 = arith.index_cast %get3A_1399 : i32 to index
    %get3A_1401 = arith.constant 16 : index
    %get3A_1402 = tpu.vector_load %arg6[%get3A_1400, %get3A_1401] {strides = array<i32>} : memref<16x256xi32, #tpu.memory_space<vmem>>, vector<16xi32>,
    %add3A_1403 = arith.addi %get3A_1398, %get3A_1402 : vector<16xi32>
    %get3A_1404 = arith.constant 2 : i32
    %get3A_1405 = arith.index_cast %get3A_1404 : i32 to index
    %get3A_1406 = arith.constant 16 : index
    %get3A_1407 = tpu.vector_load %arg6[%get3A_1405, %get3A_1406] {strides = array<i32>} : memref<16x256xi32, #tpu.memory_space<vmem>>, vector<16xi32>,
    %add3A_1408 = arith.addi %add3A_1403, %get3A_1407 : vector<16xi32>
    %get3A_1409 = arith.constant 3 : i32
    %get3A_1410 = arith.index_cast %get3A_1409 : i32 to index
    %get3A_1411 = arith.constant 16 : index
    %get3A_1412 = tpu.vector_load %arg6[%get3A_1410, %get3A_1411] {strides = array<i32>} : memref<16x256xi32, #tpu.memory_space<vmem>>, vector<16xi32>,
    %add3A_1413 = arith.addi %add3A_1408, %get3A_1412 : vector<16xi32>
    %get3A_1414 = arith.constant 4 : i32
    %get3A_1415 = arith.index_cast %get3A_1414 : i32 to index
    %get3A_1416 = arith.constant 16 : index
    %get3A_1417 = tpu.vector_load %arg6[%get3A_1415, %get3A_1416] {strides = array<i32>} : memref<16x256xi32, #tpu.memory_space<vmem>>, vector<16xi32>,
    %add3A_1418 = arith.addi %add3A_1413, %get3A_1417 : vector<16xi32>
    %get3A_1419 = arith.constant 5 : i32
    %get3A_1420 = arith.index_cast %get3A_1419 : i32 to index
    %get3A_1421 = arith.constant 16 : index
    %get3A_1422 = tpu.vector_load %arg6[%get3A_1420, %get3A_1421] {strides = array<i32>} : memref<16x256xi32, #tpu.memory_space<vmem>>, vector<16xi32>,
    %add3A_1423 = arith.addi %add3A_1418, %get3A_1422 : vector<16xi32>
    %get3A_1424 = arith.constant 6 : i32
    %get3A_1425 = arith.index_cast %get3A_1424 : i32 to index
    %get3A_1426 = arith.constant 16 : index
    %get3A_1427 = tpu.vector_load %arg6[%get3A_1425, %get3A_1426] {strides = array<i32>} : memref<16x256xi32, #tpu.memory_space<vmem>>, vector<16xi32>,
    %add3A_1428 = arith.addi %add3A_1423, %get3A_1427 : vector<16xi32>
    %get3A_1429 = arith.constant 7 : i32
    %get3A_1430 = arith.index_cast %get3A_1429 : i32 to index
    %get3A_1431 = arith.constant 16 : index
    %get3A_1432 = tpu.vector_load %arg6[%get3A_1430, %get3A_1431] {strides = array<i32>} : memref<16x256xi32, #tpu.memory_space<vmem>>, vector<16xi32>,
    %add3A_1433 = arith.addi %add3A_1428, %get3A_1432 : vector<16xi32>
    %get3A_1434 = arith.constant 8 : i32
    %get3A_1435 = arith.index_cast %get3A_1434 : i32 to index
    %get3A_1436 = arith.constant 16 : index
    %get3A_1437 = tpu.vector_load %arg6[%get3A_1435, %get3A_1436] {strides = array<i32>} : memref<16x256xi32, #tpu.memory_space<vmem>>, vector<16xi32>,
    %add3A_1438 = arith.addi %add3A_1433, %get3A_1437 : vector<16xi32>
    %get3A_1439 = arith.constant 9 : i32
    %get3A_1440 = arith.index_cast %get3A_1439 : i32 to index
    %get3A_1441 = arith.constant 16 : index
    %get3A_1442 = tpu.vector_load %arg6[%get3A_1440, %get3A_1441] {strides = array<i32>} : memref<16x256xi32, #tpu.memory_space<vmem>>, vector<16xi32>,
    %add3A_1443 = arith.addi %add3A_1438, %get3A_1442 : vector<16xi32>
    %get3A_1444 = arith.constant 10 : i32
    %get3A_1445 = arith.index_cast %get3A_1444 : i32 to index
    %get3A_1446 = arith.constant 16 : index
    %get3A_1447 = tpu.vector_load %arg6[%get3A_1445, %get3A_1446] {strides = array<i32>} : memref<16x256xi32, #tpu.memory_space<vmem>>, vector<16xi32>,
    %add3A_1448 = arith.addi %add3A_1443, %get3A_1447 : vector<16xi32>
    %get3A_1449 = arith.constant 11 : i32
    %get3A_1450 = arith.index_cast %get3A_1449 : i32 to index
    %get3A_1451 = arith.constant 16 : index
    %get3A_1452 = tpu.vector_load %arg6[%get3A_1450, %get3A_1451] {strides = array<i32>} : memref<16x256xi32, #tpu.memory_space<vmem>>, vector<16xi32>,
    %add3A_1453 = arith.addi %add3A_1448, %get3A_1452 : vector<16xi32>
    %get3A_1454 = arith.constant 12 : i32
    %get3A_1455 = arith.index_cast %get3A_1454 : i32 to index
    %get3A_1456 = arith.constant 16 : index
    %get3A_1457 = tpu.vector_load %arg6[%get3A_1455, %get3A_1456] {strides = array<i32>} : memref<16x256xi32, #tpu.memory_space<vmem>>, vector<16xi32>,
    %add3A_1458 = arith.addi %add3A_1453, %get3A_1457 : vector<16xi32>
    %get3A_1459 = arith.constant 13 : i32
    %get3A_1460 = arith.index_cast %get3A_1459 : i32 to index
    %get3A_1461 = arith.constant 16 : index
    %get3A_1462 = tpu.vector_load %arg6[%get3A_1460, %get3A_1461] {strides = array<i32>} : memref<16x256xi32, #tpu.memory_space<vmem>>, vector<16xi32>,
    %add3A_1463 = arith.addi %add3A_1458, %get3A_1462 : vector<16xi32>
    %get3A_1464 = arith.constant 14 : i32
    %get3A_1465 = arith.index_cast %get3A_1464 : i32 to index
    %get3A_1466 = arith.constant 16 : index
    %get3A_1467 = tpu.vector_load %arg6[%get3A_1465, %get3A_1466] {strides = array<i32>} : memref<16x256xi32, #tpu.memory_space<vmem>>, vector<16xi32>,
    %add3A_1468 = arith.addi %add3A_1463, %get3A_1467 : vector<16xi32>
    %get3A_1469 = arith.constant 15 : i32
    %get3A_1470 = arith.index_cast %get3A_1469 : i32 to index
    %get3A_1471 = arith.constant 16 : index
    %get3A_1472 = tpu.vector_load %arg6[%get3A_1470, %get3A_1471] {strides = array<i32>} : memref<16x256xi32, #tpu.memory_space<vmem>>, vector<16xi32>,
    %add3A_1473 = arith.addi %add3A_1468, %get3A_1472 : vector<16xi32>
    %swap3A_1474 = arith.constant 16 : index
    %swap3A_1475 = tpu.vector_load %arg7[%swap3A_1474] {strides = array<i32>} : memref<256xi32, #tpu.memory_space<vmem>>, vector<16xi32>,
    tpu.vector_store %arg7[%swap3A_1474], %add3A_1473 {strides = array<i32>} : memref<256xi32, #tpu.memory_space<vmem>>, vector<16xi32>,
    %get3A_1476 = arith.constant 0 : i32
    %get3A_1477 = arith.index_cast %get3A_1476 : i32 to index
    %get3A_1478 = arith.constant 32 : index
    %get3A_1479 = tpu.vector_load %arg6[%get3A_1477, %get3A_1478] {strides = array<i32>} : memref<16x256xi32, #tpu.memory_space<vmem>>, vector<16xi32>,
    %get3A_1480 = arith.constant 1 : i32
    %get3A_1481 = arith.index_cast %get3A_1480 : i32 to index
    %get3A_1482 = arith.constant 32 : index
    %get3A_1483 = tpu.vector_load %arg6[%get3A_1481, %get3A_1482] {strides = array<i32>} : memref<16x256xi32, #tpu.memory_space<vmem>>, vector<16xi32>,
    %add3A_1484 = arith.addi %get3A_1479, %get3A_1483 : vector<16xi32>
    %get3A_1485 = arith.constant 2 : i32
    %get3A_1486 = arith.index_cast %get3A_1485 : i32 to index
    %get3A_1487 = arith.constant 32 : index
    %get3A_1488 = tpu.vector_load %arg6[%get3A_1486, %get3A_1487] {strides = array<i32>} : memref<16x256xi32, #tpu.memory_space<vmem>>, vector<16xi32>,
    %add3A_1489 = arith.addi %add3A_1484, %get3A_1488 : vector<16xi32>
    %get3A_1490 = arith.constant 3 : i32
    %get3A_1491 = arith.index_cast %get3A_1490 : i32 to index
    %get3A_1492 = arith.constant 32 : index
    %get3A_1493 = tpu.vector_load %arg6[%get3A_1491, %get3A_1492] {strides = array<i32>} : memref<16x256xi32, #tpu.memory_space<vmem>>, vector<16xi32>,
    %add3A_1494 = arith.addi %add3A_1489, %get3A_1493 : vector<16xi32>
    %get3A_1495 = arith.constant 4 : i32
    %get3A_1496 = arith.index_cast %get3A_1495 : i32 to index
    %get3A_1497 = arith.constant 32 : index
    %get3A_1498 = tpu.vector_load %arg6[%get3A_1496, %get3A_1497] {strides = array<i32>} : memref<16x256xi32, #tpu.memory_space<vmem>>, vector<16xi32>,
    %add3A_1499 = arith.addi %add3A_1494, %get3A_1498 : vector<16xi32>
    %get3A_1500 = arith.constant 5 : i32
    %get3A_1501 = arith.index_cast %get3A_1500 : i32 to index
    %get3A_1502 = arith.constant 32 : index
    %get3A_1503 = tpu.vector_load %arg6[%get3A_1501, %get3A_1502] {strides = array<i32>} : memref<16x256xi32, #tpu.memory_space<vmem>>, vector<16xi32>,
    %add3A_1504 = arith.addi %add3A_1499, %get3A_1503 : vector<16xi32>
    %get3A_1505 = arith.constant 6 : i32
    %get3A_1506 = arith.index_cast %get3A_1505 : i32 to index
    %get3A_1507 = arith.constant 32 : index
    %get3A_1508 = tpu.vector_load %arg6[%get3A_1506, %get3A_1507] {strides = array<i32>} : memref<16x256xi32, #tpu.memory_space<vmem>>, vector<16xi32>,
    %add3A_1509 = arith.addi %add3A_1504, %get3A_1508 : vector<16xi32>
    %get3A_1510 = arith.constant 7 : i32
    %get3A_1511 = arith.index_cast %get3A_1510 : i32 to index
    %get3A_1512 = arith.constant 32 : index
    %get3A_1513 = tpu.vector_load %arg6[%get3A_1511, %get3A_1512] {strides = array<i32>} : memref<16x256xi32, #tpu.memory_space<vmem>>, vector<16xi32>,
    %add3A_1514 = arith.addi %add3A_1509, %get3A_1513 : vector<16xi32>
    %get3A_1515 = arith.constant 8 : i32
    %get3A_1516 = arith.index_cast %get3A_1515 : i32 to index
    %get3A_1517 = arith.constant 32 : index
    %get3A_1518 = tpu.vector_load %arg6[%get3A_1516, %get3A_1517] {strides = array<i32>} : memref<16x256xi32, #tpu.memory_space<vmem>>, vector<16xi32>,
    %add3A_1519 = arith.addi %add3A_1514, %get3A_1518 : vector<16xi32>
    %get3A_1520 = arith.constant 9 : i32
    %get3A_1521 = arith.index_cast %get3A_1520 : i32 to index
    %get3A_1522 = arith.constant 32 : index
    %get3A_1523 = tpu.vector_load %arg6[%get3A_1521, %get3A_1522] {strides = array<i32>} : memref<16x256xi32, #tpu.memory_space<vmem>>, vector<16xi32>,
    %add3A_1524 = arith.addi %add3A_1519, %get3A_1523 : vector<16xi32>
    %get3A_1525 = arith.constant 10 : i32
    %get3A_1526 = arith.index_cast %get3A_1525 : i32 to index
    %get3A_1527 = arith.constant 32 : index
    %get3A_1528 = tpu.vector_load %arg6[%get3A_1526, %get3A_1527] {strides = array<i32>} : memref<16x256xi32, #tpu.memory_space<vmem>>, vector<16xi32>,
    %add3A_1529 = arith.addi %add3A_1524, %get3A_1528 : vector<16xi32>
    %get3A_1530 = arith.constant 11 : i32
    %get3A_1531 = arith.index_cast %get3A_1530 : i32 to index
    %get3A_1532 = arith.constant 32 : index
    %get3A_1533 = tpu.vector_load %arg6[%get3A_1531, %get3A_1532] {strides = array<i32>} : memref<16x256xi32, #tpu.memory_space<vmem>>, vector<16xi32>,
    %add3A_1534 = arith.addi %add3A_1529, %get3A_1533 : vector<16xi32>
    %get3A_1535 = arith.constant 12 : i32
    %get3A_1536 = arith.index_cast %get3A_1535 : i32 to index
    %get3A_1537 = arith.constant 32 : index
    %get3A_1538 = tpu.vector_load %arg6[%get3A_1536, %get3A_1537] {strides = array<i32>} : memref<16x256xi32, #tpu.memory_space<vmem>>, vector<16xi32>,
    %add3A_1539 = arith.addi %add3A_1534, %get3A_1538 : vector<16xi32>
    %get3A_1540 = arith.constant 13 : i32
    %get3A_1541 = arith.index_cast %get3A_1540 : i32 to index
    %get3A_1542 = arith.constant 32 : index
    %get3A_1543 = tpu.vector_load %arg6[%get3A_1541, %get3A_1542] {strides = array<i32>} : memref<16x256xi32, #tpu.memory_space<vmem>>, vector<16xi32>,
    %add3A_1544 = arith.addi %add3A_1539, %get3A_1543 : vector<16xi32>
    %get3A_1545 = arith.constant 14 : i32
    %get3A_1546 = arith.index_cast %get3A_1545 : i32 to index
    %get3A_1547 = arith.constant 32 : index
    %get3A_1548 = tpu.vector_load %arg6[%get3A_1546, %get3A_1547] {strides = array<i32>} : memref<16x256xi32, #tpu.memory_space<vmem>>, vector<16xi32>,
    %add3A_1549 = arith.addi %add3A_1544, %get3A_1548 : vector<16xi32>
    %get3A_1550 = arith.constant 15 : i32
    %get3A_1551 = arith.index_cast %get3A_1550 : i32 to index
    %get3A_1552 = arith.constant 32 : index
    %get3A_1553 = tpu.vector_load %arg6[%get3A_1551, %get3A_1552] {strides = array<i32>} : memref<16x256xi32, #tpu.memory_space<vmem>>, vector<16xi32>,
    %add3A_1554 = arith.addi %add3A_1549, %get3A_1553 : vector<16xi32>
    %swap3A_1555 = arith.constant 32 : index
    %swap3A_1556 = tpu.vector_load %arg7[%swap3A_1555] {strides = array<i32>} : memref<256xi32, #tpu.memory_space<vmem>>, vector<16xi32>,
    tpu.vector_store %arg7[%swap3A_1555], %add3A_1554 {strides = array<i32>} : memref<256xi32, #tpu.memory_space<vmem>>, vector<16xi32>,
    %get3A_1557 = arith.constant 0 : i32
    %get3A_1558 = arith.index_cast %get3A_1557 : i32 to index
    %get3A_1559 = arith.constant 48 : index
    %get3A_1560 = tpu.vector_load %arg6[%get3A_1558, %get3A_1559] {strides = array<i32>} : memref<16x256xi32, #tpu.memory_space<vmem>>, vector<16xi32>,
    %get3A_1561 = arith.constant 1 : i32
    %get3A_1562 = arith.index_cast %get3A_1561 : i32 to index
    %get3A_1563 = arith.constant 48 : index
    %get3A_1564 = tpu.vector_load %arg6[%get3A_1562, %get3A_1563] {strides = array<i32>} : memref<16x256xi32, #tpu.memory_space<vmem>>, vector<16xi32>,
    %add3A_1565 = arith.addi %get3A_1560, %get3A_1564 : vector<16xi32>
    %get3A_1566 = arith.constant 2 : i32
    %get3A_1567 = arith.index_cast %get3A_1566 : i32 to index
    %get3A_1568 = arith.constant 48 : index
    %get3A_1569 = tpu.vector_load %arg6[%get3A_1567, %get3A_1568] {strides = array<i32>} : memref<16x256xi32, #tpu.memory_space<vmem>>, vector<16xi32>,
    %add3A_1570 = arith.addi %add3A_1565, %get3A_1569 : vector<16xi32>
    %get3A_1571 = arith.constant 3 : i32
    %get3A_1572 = arith.index_cast %get3A_1571 : i32 to index
    %get3A_1573 = arith.constant 48 : index
    %get3A_1574 = tpu.vector_load %arg6[%get3A_1572, %get3A_1573] {strides = array<i32>} : memref<16x256xi32, #tpu.memory_space<vmem>>, vector<16xi32>,
    %add3A_1575 = arith.addi %add3A_1570, %get3A_1574 : vector<16xi32>
    %get3A_1576 = arith.constant 4 : i32
    %get3A_1577 = arith.index_cast %get3A_1576 : i32 to index
    %get3A_1578 = arith.constant 48 : index
    %get3A_1579 = tpu.vector_load %arg6[%get3A_1577, %get3A_1578] {strides = array<i32>} : memref<16x256xi32, #tpu.memory_space<vmem>>, vector<16xi32>,
    %add3A_1580 = arith.addi %add3A_1575, %get3A_1579 : vector<16xi32>
    %get3A_1581 = arith.constant 5 : i32
    %get3A_1582 = arith.index_cast %get3A_1581 : i32 to index
    %get3A_1583 = arith.constant 48 : index
    %get3A_1584 = tpu.vector_load %arg6[%get3A_1582, %get3A_1583] {strides = array<i32>} : memref<16x256xi32, #tpu.memory_space<vmem>>, vector<16xi32>,
    %add3A_1585 = arith.addi %add3A_1580, %get3A_1584 : vector<16xi32>
    %get3A_1586 = arith.constant 6 : i32
    %get3A_1587 = arith.index_cast %get3A_1586 : i32 to index
    %get3A_1588 = arith.constant 48 : index
    %get3A_1589 = tpu.vector_load %arg6[%get3A_1587, %get3A_1588] {strides = array<i32>} : memref<16x256xi32, #tpu.memory_space<vmem>>, vector<16xi32>,
    %add3A_1590 = arith.addi %add3A_1585, %get3A_1589 : vector<16xi32>
    %get3A_1591 = arith.constant 7 : i32
    %get3A_1592 = arith.index_cast %get3A_1591 : i32 to index
    %get3A_1593 = arith.constant 48 : index
    %get3A_1594 = tpu.vector_load %arg6[%get3A_1592, %get3A_1593] {strides = array<i32>} : memref<16x256xi32, #tpu.memory_space<vmem>>, vector<16xi32>,
    %add3A_1595 = arith.addi %add3A_1590, %get3A_1594 : vector<16xi32>
    %get3A_1596 = arith.constant 8 : i32
    %get3A_1597 = arith.index_cast %get3A_1596 : i32 to index
    %get3A_1598 = arith.constant 48 : index
    %get3A_1599 = tpu.vector_load %arg6[%get3A_1597, %get3A_1598] {strides = array<i32>} : memref<16x256xi32, #tpu.memory_space<vmem>>, vector<16xi32>,
    %add3A_1600 = arith.addi %add3A_1595, %get3A_1599 : vector<16xi32>
    %get3A_1601 = arith.constant 9 : i32
    %get3A_1602 = arith.index_cast %get3A_1601 : i32 to index
    %get3A_1603 = arith.constant 48 : index
    %get3A_1604 = tpu.vector_load %arg6[%get3A_1602, %get3A_1603] {strides = array<i32>} : memref<16x256xi32, #tpu.memory_space<vmem>>, vector<16xi32>,
    %add3A_1605 = arith.addi %add3A_1600, %get3A_1604 : vector<16xi32>
    %get3A_1606 = arith.constant 10 : i32
    %get3A_1607 = arith.index_cast %get3A_1606 : i32 to index
    %get3A_1608 = arith.constant 48 : index
    %get3A_1609 = tpu.vector_load %arg6[%get3A_1607, %get3A_1608] {strides = array<i32>} : memref<16x256xi32, #tpu.memory_space<vmem>>, vector<16xi32>,
    %add3A_1610 = arith.addi %add3A_1605, %get3A_1609 : vector<16xi32>
    %get3A_1611 = arith.constant 11 : i32
    %get3A_1612 = arith.index_cast %get3A_1611 : i32 to index
    %get3A_1613 = arith.constant 48 : index
    %get3A_1614 = tpu.vector_load %arg6[%get3A_1612, %get3A_1613] {strides = array<i32>} : memref<16x256xi32, #tpu.memory_space<vmem>>, vector<16xi32>,
    %add3A_1615 = arith.addi %add3A_1610, %get3A_1614 : vector<16xi32>
    %get3A_1616 = arith.constant 12 : i32
    %get3A_1617 = arith.index_cast %get3A_1616 : i32 to index
    %get3A_1618 = arith.constant 48 : index
    %get3A_1619 = tpu.vector_load %arg6[%get3A_1617, %get3A_1618] {strides = array<i32>} : memref<16x256xi32, #tpu.memory_space<vmem>>, vector<16xi32>,
    %add3A_1620 = arith.addi %add3A_1615, %get3A_1619 : vector<16xi32>
    %get3A_1621 = arith.constant 13 : i32
    %get3A_1622 = arith.index_cast %get3A_1621 : i32 to index
    %get3A_1623 = arith.constant 48 : index
    %get3A_1624 = tpu.vector_load %arg6[%get3A_1622, %get3A_1623] {strides = array<i32>} : memref<16x256xi32, #tpu.memory_space<vmem>>, vector<16xi32>,
    %add3A_1625 = arith.addi %add3A_1620, %get3A_1624 : vector<16xi32>
    %get3A_1626 = arith.constant 14 : i32
    %get3A_1627 = arith.index_cast %get3A_1626 : i32 to index
    %get3A_1628 = arith.constant 48 : index
    %get3A_1629 = tpu.vector_load %arg6[%get3A_1627, %get3A_1628] {strides = array<i32>} : memref<16x256xi32, #tpu.memory_space<vmem>>, vector<16xi32>,
    %add3A_1630 = arith.addi %add3A_1625, %get3A_1629 : vector<16xi32>
    %get3A_1631 = arith.constant 15 : i32
    %get3A_1632 = arith.index_cast %get3A_1631 : i32 to index
    %get3A_1633 = arith.constant 48 : index
    %get3A_1634 = tpu.vector_load %arg6[%get3A_1632, %get3A_1633] {strides = array<i32>} : memref<16x256xi32, #tpu.memory_space<vmem>>, vector<16xi32>,
    %add3A_1635 = arith.addi %add3A_1630, %get3A_1634 : vector<16xi32>
    %swap3A_1636 = arith.constant 48 : index
    %swap3A_1637 = tpu.vector_load %arg7[%swap3A_1636] {strides = array<i32>} : memref<256xi32, #tpu.memory_space<vmem>>, vector<16xi32>,
    tpu.vector_store %arg7[%swap3A_1636], %add3A_1635 {strides = array<i32>} : memref<256xi32, #tpu.memory_space<vmem>>, vector<16xi32>,
    %get3A_1638 = arith.constant 0 : i32
    %get3A_1639 = arith.index_cast %get3A_1638 : i32 to index
    %get3A_1640 = arith.constant 64 : index
    %get3A_1641 = tpu.vector_load %arg6[%get3A_1639, %get3A_1640] {strides = array<i32>} : memref<16x256xi32, #tpu.memory_space<vmem>>, vector<16xi32>,
    %get3A_1642 = arith.constant 1 : i32
    %get3A_1643 = arith.index_cast %get3A_1642 : i32 to index
    %get3A_1644 = arith.constant 64 : index
    %get3A_1645 = tpu.vector_load %arg6[%get3A_1643, %get3A_1644] {strides = array<i32>} : memref<16x256xi32, #tpu.memory_space<vmem>>, vector<16xi32>,
    %add3A_1646 = arith.addi %get3A_1641, %get3A_1645 : vector<16xi32>
    %get3A_1647 = arith.constant 2 : i32
    %get3A_1648 = arith.index_cast %get3A_1647 : i32 to index
    %get3A_1649 = arith.constant 64 : index
    %get3A_1650 = tpu.vector_load %arg6[%get3A_1648, %get3A_1649] {strides = array<i32>} : memref<16x256xi32, #tpu.memory_space<vmem>>, vector<16xi32>,
    %add3A_1651 = arith.addi %add3A_1646, %get3A_1650 : vector<16xi32>
    %get3A_1652 = arith.constant 3 : i32
    %get3A_1653 = arith.index_cast %get3A_1652 : i32 to index
    %get3A_1654 = arith.constant 64 : index
    %get3A_1655 = tpu.vector_load %arg6[%get3A_1653, %get3A_1654] {strides = array<i32>} : memref<16x256xi32, #tpu.memory_space<vmem>>, vector<16xi32>,
    %add3A_1656 = arith.addi %add3A_1651, %get3A_1655 : vector<16xi32>
    %get3A_1657 = arith.constant 4 : i32
    %get3A_1658 = arith.index_cast %get3A_1657 : i32 to index
    %get3A_1659 = arith.constant 64 : index
    %get3A_1660 = tpu.vector_load %arg6[%get3A_1658, %get3A_1659] {strides = array<i32>} : memref<16x256xi32, #tpu.memory_space<vmem>>, vector<16xi32>,
    %add3A_1661 = arith.addi %add3A_1656, %get3A_1660 : vector<16xi32>
    %get3A_1662 = arith.constant 5 : i32
    %get3A_1663 = arith.index_cast %get3A_1662 : i32 to index
    %get3A_1664 = arith.constant 64 : index
    %get3A_1665 = tpu.vector_load %arg6[%get3A_1663, %get3A_1664] {strides = array<i32>} : memref<16x256xi32, #tpu.memory_space<vmem>>, vector<16xi32>,
    %add3A_1666 = arith.addi %add3A_1661, %get3A_1665 : vector<16xi32>
    %get3A_1667 = arith.constant 6 : i32
    %get3A_1668 = arith.index_cast %get3A_1667 : i32 to index
    %get3A_1669 = arith.constant 64 : index
    %get3A_1670 = tpu.vector_load %arg6[%get3A_1668, %get3A_1669] {strides = array<i32>} : memref<16x256xi32, #tpu.memory_space<vmem>>, vector<16xi32>,
    %add3A_1671 = arith.addi %add3A_1666, %get3A_1670 : vector<16xi32>
    %get3A_1672 = arith.constant 7 : i32
    %get3A_1673 = arith.index_cast %get3A_1672 : i32 to index
    %get3A_1674 = arith.constant 64 : index
    %get3A_1675 = tpu.vector_load %arg6[%get3A_1673, %get3A_1674] {strides = array<i32>} : memref<16x256xi32, #tpu.memory_space<vmem>>, vector<16xi32>,
    %add3A_1676 = arith.addi %add3A_1671, %get3A_1675 : vector<16xi32>
    %get3A_1677 = arith.constant 8 : i32
    %get3A_1678 = arith.index_cast %get3A_1677 : i32 to index
    %get3A_1679 = arith.constant 64 : index
    %get3A_1680 = tpu.vector_load %arg6[%get3A_1678, %get3A_1679] {strides = array<i32>} : memref<16x256xi32, #tpu.memory_space<vmem>>, vector<16xi32>,
    %add3A_1681 = arith.addi %add3A_1676, %get3A_1680 : vector<16xi32>
    %get3A_1682 = arith.constant 9 : i32
    %get3A_1683 = arith.index_cast %get3A_1682 : i32 to index
    %get3A_1684 = arith.constant 64 : index
    %get3A_1685 = tpu.vector_load %arg6[%get3A_1683, %get3A_1684] {strides = array<i32>} : memref<16x256xi32, #tpu.memory_space<vmem>>, vector<16xi32>,
    %add3A_1686 = arith.addi %add3A_1681, %get3A_1685 : vector<16xi32>
    %get3A_1687 = arith.constant 10 : i32
    %get3A_1688 = arith.index_cast %get3A_1687 : i32 to index
    %get3A_1689 = arith.constant 64 : index
    %get3A_1690 = tpu.vector_load %arg6[%get3A_1688, %get3A_1689] {strides = array<i32>} : memref<16x256xi32, #tpu.memory_space<vmem>>, vector<16xi32>,
    %add3A_1691 = arith.addi %add3A_1686, %get3A_1690 : vector<16xi32>
    %get3A_1692 = arith.constant 11 : i32
    %get3A_1693 = arith.index_cast %get3A_1692 : i32 to index
    %get3A_1694 = arith.constant 64 : index
    %get3A_1695 = tpu.vector_load %arg6[%get3A_1693, %get3A_1694] {strides = array<i32>} : memref<16x256xi32, #tpu.memory_space<vmem>>, vector<16xi32>,
    %add3A_1696 = arith.addi %add3A_1691, %get3A_1695 : vector<16xi32>
    %get3A_1697 = arith.constant 12 : i32
    %get3A_1698 = arith.index_cast %get3A_1697 : i32 to index
    %get3A_1699 = arith.constant 64 : index
    %get3A_1700 = tpu.vector_load %arg6[%get3A_1698, %get3A_1699] {strides = array<i32>} : memref<16x256xi32, #tpu.memory_space<vmem>>, vector<16xi32>,
    %add3A_1701 = arith.addi %add3A_1696, %get3A_1700 : vector<16xi32>
    %get3A_1702 = arith.constant 13 : i32
    %get3A_1703 = arith.index_cast %get3A_1702 : i32 to index
    %get3A_1704 = arith.constant 64 : index
    %get3A_1705 = tpu.vector_load %arg6[%get3A_1703, %get3A_1704] {strides = array<i32>} : memref<16x256xi32, #tpu.memory_space<vmem>>, vector<16xi32>,
    %add3A_1706 = arith.addi %add3A_1701, %get3A_1705 : vector<16xi32>
    %get3A_1707 = arith.constant 14 : i32
    %get3A_1708 = arith.index_cast %get3A_1707 : i32 to index
    %get3A_1709 = arith.constant 64 : index
    %get3A_1710 = tpu.vector_load %arg6[%get3A_1708, %get3A_1709] {strides = array<i32>} : memref<16x256xi32, #tpu.memory_space<vmem>>, vector<16xi32>,
    %add3A_1711 = arith.addi %add3A_1706, %get3A_1710 : vector<16xi32>
    %get3A_1712 = arith.constant 15 : i32
    %get3A_1713 = arith.index_cast %get3A_1712 : i32 to index
    %get3A_1714 = arith.constant 64 : index
    %get3A_1715 = tpu.vector_load %arg6[%get3A_1713, %get3A_1714] {strides = array<i32>} : memref<16x256xi32, #tpu.memory_space<vmem>>, vector<16xi32>,
    %add3A_1716 = arith.addi %add3A_1711, %get3A_1715 : vector<16xi32>
    %swap3A_1717 = arith.constant 64 : index
    %swap3A_1718 = tpu.vector_load %arg7[%swap3A_1717] {strides = array<i32>} : memref<256xi32, #tpu.memory_space<vmem>>, vector<16xi32>,
    tpu.vector_store %arg7[%swap3A_1717], %add3A_1716 {strides = array<i32>} : memref<256xi32, #tpu.memory_space<vmem>>, vector<16xi32>,
    %get3A_1719 = arith.constant 0 : i32
    %get3A_1720 = arith.index_cast %get3A_1719 : i32 to index
    %get3A_1721 = arith.constant 80 : index
    %get3A_1722 = tpu.vector_load %arg6[%get3A_1720, %get3A_1721] {strides = array<i32>} : memref<16x256xi32, #tpu.memory_space<vmem>>, vector<16xi32>,
    %get3A_1723 = arith.constant 1 : i32
    %get3A_1724 = arith.index_cast %get3A_1723 : i32 to index
    %get3A_1725 = arith.constant 80 : index
    %get3A_1726 = tpu.vector_load %arg6[%get3A_1724, %get3A_1725] {strides = array<i32>} : memref<16x256xi32, #tpu.memory_space<vmem>>, vector<16xi32>,
    %add3A_1727 = arith.addi %get3A_1722, %get3A_1726 : vector<16xi32>
    %get3A_1728 = arith.constant 2 : i32
    %get3A_1729 = arith.index_cast %get3A_1728 : i32 to index
    %get3A_1730 = arith.constant 80 : index
    %get3A_1731 = tpu.vector_load %arg6[%get3A_1729, %get3A_1730] {strides = array<i32>} : memref<16x256xi32, #tpu.memory_space<vmem>>, vector<16xi32>,
    %add3A_1732 = arith.addi %add3A_1727, %get3A_1731 : vector<16xi32>
    %get3A_1733 = arith.constant 3 : i32
    %get3A_1734 = arith.index_cast %get3A_1733 : i32 to index
    %get3A_1735 = arith.constant 80 : index
    %get3A_1736 = tpu.vector_load %arg6[%get3A_1734, %get3A_1735] {strides = array<i32>} : memref<16x256xi32, #tpu.memory_space<vmem>>, vector<16xi32>,
    %add3A_1737 = arith.addi %add3A_1732, %get3A_1736 : vector<16xi32>
    %get3A_1738 = arith.constant 4 : i32
    %get3A_1739 = arith.index_cast %get3A_1738 : i32 to index
    %get3A_1740 = arith.constant 80 : index
    %get3A_1741 = tpu.vector_load %arg6[%get3A_1739, %get3A_1740] {strides = array<i32>} : memref<16x256xi32, #tpu.memory_space<vmem>>, vector<16xi32>,
    %add3A_1742 = arith.addi %add3A_1737, %get3A_1741 : vector<16xi32>
    %get3A_1743 = arith.constant 5 : i32
    %get3A_1744 = arith.index_cast %get3A_1743 : i32 to index
    %get3A_1745 = arith.constant 80 : index
    %get3A_1746 = tpu.vector_load %arg6[%get3A_1744, %get3A_1745] {strides = array<i32>} : memref<16x256xi32, #tpu.memory_space<vmem>>, vector<16xi32>,
    %add3A_1747 = arith.addi %add3A_1742, %get3A_1746 : vector<16xi32>
    %get3A_1748 = arith.constant 6 : i32
    %get3A_1749 = arith.index_cast %get3A_1748 : i32 to index
    %get3A_1750 = arith.constant 80 : index
    %get3A_1751 = tpu.vector_load %arg6[%get3A_1749, %get3A_1750] {strides = array<i32>} : memref<16x256xi32, #tpu.memory_space<vmem>>, vector<16xi32>,
    %add3A_1752 = arith.addi %add3A_1747, %get3A_1751 : vector<16xi32>
    %get3A_1753 = arith.constant 7 : i32
    %get3A_1754 = arith.index_cast %get3A_1753 : i32 to index
    %get3A_1755 = arith.constant 80 : index
    %get3A_1756 = tpu.vector_load %arg6[%get3A_1754, %get3A_1755] {strides = array<i32>} : memref<16x256xi32, #tpu.memory_space<vmem>>, vector<16xi32>,
    %add3A_1757 = arith.addi %add3A_1752, %get3A_1756 : vector<16xi32>
    %get3A_1758 = arith.constant 8 : i32
    %get3A_1759 = arith.index_cast %get3A_1758 : i32 to index
    %get3A_1760 = arith.constant 80 : index
    %get3A_1761 = tpu.vector_load %arg6[%get3A_1759, %get3A_1760] {strides = array<i32>} : memref<16x256xi32, #tpu.memory_space<vmem>>, vector<16xi32>,
    %add3A_1762 = arith.addi %add3A_1757, %get3A_1761 : vector<16xi32>
    %get3A_1763 = arith.constant 9 : i32
    %get3A_1764 = arith.index_cast %get3A_1763 : i32 to index
    %get3A_1765 = arith.constant 80 : index
    %get3A_1766 = tpu.vector_load %arg6[%get3A_1764, %get3A_1765] {strides = array<i32>} : memref<16x256xi32, #tpu.memory_space<vmem>>, vector<16xi32>,
    %add3A_1767 = arith.addi %add3A_1762, %get3A_1766 : vector<16xi32>
    %get3A_1768 = arith.constant 10 : i32
    %get3A_1769 = arith.index_cast %get3A_1768 : i32 to index
    %get3A_1770 = arith.constant 80 : index
    %get3A_1771 = tpu.vector_load %arg6[%get3A_1769, %get3A_1770] {strides = array<i32>} : memref<16x256xi32, #tpu.memory_space<vmem>>, vector<16xi32>,
    %add3A_1772 = arith.addi %add3A_1767, %get3A_1771 : vector<16xi32>
    %get3A_1773 = arith.constant 11 : i32
    %get3A_1774 = arith.index_cast %get3A_1773 : i32 to index
    %get3A_1775 = arith.constant 80 : index
    %get3A_1776 = tpu.vector_load %arg6[%get3A_1774, %get3A_1775] {strides = array<i32>} : memref<16x256xi32, #tpu.memory_space<vmem>>, vector<16xi32>,
    %add3A_1777 = arith.addi %add3A_1772, %get3A_1776 : vector<16xi32>
    %get3A_1778 = arith.constant 12 : i32
    %get3A_1779 = arith.index_cast %get3A_1778 : i32 to index
    %get3A_1780 = arith.constant 80 : index
    %get3A_1781 = tpu.vector_load %arg6[%get3A_1779, %get3A_1780] {strides = array<i32>} : memref<16x256xi32, #tpu.memory_space<vmem>>, vector<16xi32>,
    %add3A_1782 = arith.addi %add3A_1777, %get3A_1781 : vector<16xi32>
    %get3A_1783 = arith.constant 13 : i32
    %get3A_1784 = arith.index_cast %get3A_1783 : i32 to index
    %get3A_1785 = arith.constant 80 : index
    %get3A_1786 = tpu.vector_load %arg6[%get3A_1784, %get3A_1785] {strides = array<i32>} : memref<16x256xi32, #tpu.memory_space<vmem>>, vector<16xi32>,
    %add3A_1787 = arith.addi %add3A_1782, %get3A_1786 : vector<16xi32>
    %get3A_1788 = arith.constant 14 : i32
    %get3A_1789 = arith.index_cast %get3A_1788 : i32 to index
    %get3A_1790 = arith.constant 80 : index
    %get3A_1791 = tpu.vector_load %arg6[%get3A_1789, %get3A_1790] {strides = array<i32>} : memref<16x256xi32, #tpu.memory_space<vmem>>, vector<16xi32>,
    %add3A_1792 = arith.addi %add3A_1787, %get3A_1791 : vector<16xi32>
    %get3A_1793 = arith.constant 15 : i32
    %get3A_1794 = arith.index_cast %get3A_1793 : i32 to index
    %get3A_1795 = arith.constant 80 : index
    %get3A_1796 = tpu.vector_load %arg6[%get3A_1794, %get3A_1795] {strides = array<i32>} : memref<16x256xi32, #tpu.memory_space<vmem>>, vector<16xi32>,
    %add3A_1797 = arith.addi %add3A_1792, %get3A_1796 : vector<16xi32>
    %swap3A_1798 = arith.constant 80 : index
    %swap3A_1799 = tpu.vector_load %arg7[%swap3A_1798] {strides = array<i32>} : memref<256xi32, #tpu.memory_space<vmem>>, vector<16xi32>,
    tpu.vector_store %arg7[%swap3A_1798], %add3A_1797 {strides = array<i32>} : memref<256xi32, #tpu.memory_space<vmem>>, vector<16xi32>,
    %get3A_1800 = arith.constant 0 : i32
    %get3A_1801 = arith.index_cast %get3A_1800 : i32 to index
    %get3A_1802 = arith.constant 96 : index
    %get3A_1803 = tpu.vector_load %arg6[%get3A_1801, %get3A_1802] {strides = array<i32>} : memref<16x256xi32, #tpu.memory_space<vmem>>, vector<16xi32>,
    %get3A_1804 = arith.constant 1 : i32
    %get3A_1805 = arith.index_cast %get3A_1804 : i32 to index
    %get3A_1806 = arith.constant 96 : index
    %get3A_1807 = tpu.vector_load %arg6[%get3A_1805, %get3A_1806] {strides = array<i32>} : memref<16x256xi32, #tpu.memory_space<vmem>>, vector<16xi32>,
    %add3A_1808 = arith.addi %get3A_1803, %get3A_1807 : vector<16xi32>
    %get3A_1809 = arith.constant 2 : i32
    %get3A_1810 = arith.index_cast %get3A_1809 : i32 to index
    %get3A_1811 = arith.constant 96 : index
    %get3A_1812 = tpu.vector_load %arg6[%get3A_1810, %get3A_1811] {strides = array<i32>} : memref<16x256xi32, #tpu.memory_space<vmem>>, vector<16xi32>,
    %add3A_1813 = arith.addi %add3A_1808, %get3A_1812 : vector<16xi32>
    %get3A_1814 = arith.constant 3 : i32
    %get3A_1815 = arith.index_cast %get3A_1814 : i32 to index
    %get3A_1816 = arith.constant 96 : index
    %get3A_1817 = tpu.vector_load %arg6[%get3A_1815, %get3A_1816] {strides = array<i32>} : memref<16x256xi32, #tpu.memory_space<vmem>>, vector<16xi32>,
    %add3A_1818 = arith.addi %add3A_1813, %get3A_1817 : vector<16xi32>
    %get3A_1819 = arith.constant 4 : i32
    %get3A_1820 = arith.index_cast %get3A_1819 : i32 to index
    %get3A_1821 = arith.constant 96 : index
    %get3A_1822 = tpu.vector_load %arg6[%get3A_1820, %get3A_1821] {strides = array<i32>} : memref<16x256xi32, #tpu.memory_space<vmem>>, vector<16xi32>,
    %add3A_1823 = arith.addi %add3A_1818, %get3A_1822 : vector<16xi32>
    %get3A_1824 = arith.constant 5 : i32
    %get3A_1825 = arith.index_cast %get3A_1824 : i32 to index
    %get3A_1826 = arith.constant 96 : index
    %get3A_1827 = tpu.vector_load %arg6[%get3A_1825, %get3A_1826] {strides = array<i32>} : memref<16x256xi32, #tpu.memory_space<vmem>>, vector<16xi32>,
    %add3A_1828 = arith.addi %add3A_1823, %get3A_1827 : vector<16xi32>
    %get3A_1829 = arith.constant 6 : i32
    %get3A_1830 = arith.index_cast %get3A_1829 : i32 to index
    %get3A_1831 = arith.constant 96 : index
    %get3A_1832 = tpu.vector_load %arg6[%get3A_1830, %get3A_1831] {strides = array<i32>} : memref<16x256xi32, #tpu.memory_space<vmem>>, vector<16xi32>,
    %add3A_1833 = arith.addi %add3A_1828, %get3A_1832 : vector<16xi32>
    %get3A_1834 = arith.constant 7 : i32
    %get3A_1835 = arith.index_cast %get3A_1834 : i32 to index
    %get3A_1836 = arith.constant 96 : index
    %get3A_1837 = tpu.vector_load %arg6[%get3A_1835, %get3A_1836] {strides = array<i32>} : memref<16x256xi32, #tpu.memory_space<vmem>>, vector<16xi32>,
    %add3A_1838 = arith.addi %add3A_1833, %get3A_1837 : vector<16xi32>
    %get3A_1839 = arith.constant 8 : i32
    %get3A_1840 = arith.index_cast %get3A_1839 : i32 to index
    %get3A_1841 = arith.constant 96 : index
    %get3A_1842 = tpu.vector_load %arg6[%get3A_1840, %get3A_1841] {strides = array<i32>} : memref<16x256xi32, #tpu.memory_space<vmem>>, vector<16xi32>,
    %add3A_1843 = arith.addi %add3A_1838, %get3A_1842 : vector<16xi32>
    %get3A_1844 = arith.constant 9 : i32
    %get3A_1845 = arith.index_cast %get3A_1844 : i32 to index
    %get3A_1846 = arith.constant 96 : index
    %get3A_1847 = tpu.vector_load %arg6[%get3A_1845, %get3A_1846] {strides = array<i32>} : memref<16x256xi32, #tpu.memory_space<vmem>>, vector<16xi32>,
    %add3A_1848 = arith.addi %add3A_1843, %get3A_1847 : vector<16xi32>
    %get3A_1849 = arith.constant 10 : i32
    %get3A_1850 = arith.index_cast %get3A_1849 : i32 to index
    %get3A_1851 = arith.constant 96 : index
    %get3A_1852 = tpu.vector_load %arg6[%get3A_1850, %get3A_1851] {strides = array<i32>} : memref<16x256xi32, #tpu.memory_space<vmem>>, vector<16xi32>,
    %add3A_1853 = arith.addi %add3A_1848, %get3A_1852 : vector<16xi32>
    %get3A_1854 = arith.constant 11 : i32
    %get3A_1855 = arith.index_cast %get3A_1854 : i32 to index
    %get3A_1856 = arith.constant 96 : index
    %get3A_1857 = tpu.vector_load %arg6[%get3A_1855, %get3A_1856] {strides = array<i32>} : memref<16x256xi32, #tpu.memory_space<vmem>>, vector<16xi32>,
    %add3A_1858 = arith.addi %add3A_1853, %get3A_1857 : vector<16xi32>
    %get3A_1859 = arith.constant 12 : i32
    %get3A_1860 = arith.index_cast %get3A_1859 : i32 to index
    %get3A_1861 = arith.constant 96 : index
    %get3A_1862 = tpu.vector_load %arg6[%get3A_1860, %get3A_1861] {strides = array<i32>} : memref<16x256xi32, #tpu.memory_space<vmem>>, vector<16xi32>,
    %add3A_1863 = arith.addi %add3A_1858, %get3A_1862 : vector<16xi32>
    %get3A_1864 = arith.constant 13 : i32
    %get3A_1865 = arith.index_cast %get3A_1864 : i32 to index
    %get3A_1866 = arith.constant 96 : index
    %get3A_1867 = tpu.vector_load %arg6[%get3A_1865, %get3A_1866] {strides = array<i32>} : memref<16x256xi32, #tpu.memory_space<vmem>>, vector<16xi32>,
    %add3A_1868 = arith.addi %add3A_1863, %get3A_1867 : vector<16xi32>
    %get3A_1869 = arith.constant 14 : i32
    %get3A_1870 = arith.index_cast %get3A_1869 : i32 to index
    %get3A_1871 = arith.constant 96 : index
    %get3A_1872 = tpu.vector_load %arg6[%get3A_1870, %get3A_1871] {strides = array<i32>} : memref<16x256xi32, #tpu.memory_space<vmem>>, vector<16xi32>,
    %add3A_1873 = arith.addi %add3A_1868, %get3A_1872 : vector<16xi32>
    %get3A_1874 = arith.constant 15 : i32
    %get3A_1875 = arith.index_cast %get3A_1874 : i32 to index
    %get3A_1876 = arith.constant 96 : index
    %get3A_1877 = tpu.vector_load %arg6[%get3A_1875, %get3A_1876] {strides = array<i32>} : memref<16x256xi32, #tpu.memory_space<vmem>>, vector<16xi32>,
    %add3A_1878 = arith.addi %add3A_1873, %get3A_1877 : vector<16xi32>
    %swap3A_1879 = arith.constant 96 : index
    %swap3A_1880 = tpu.vector_load %arg7[%swap3A_1879] {strides = array<i32>} : memref<256xi32, #tpu.memory_space<vmem>>, vector<16xi32>,
    tpu.vector_store %arg7[%swap3A_1879], %add3A_1878 {strides = array<i32>} : memref<256xi32, #tpu.memory_space<vmem>>, vector<16xi32>,
    %get3A_1881 = arith.constant 0 : i32
    %get3A_1882 = arith.index_cast %get3A_1881 : i32 to index
    %get3A_1883 = arith.constant 112 : index
    %get3A_1884 = tpu.vector_load %arg6[%get3A_1882, %get3A_1883] {strides = array<i32>} : memref<16x256xi32, #tpu.memory_space<vmem>>, vector<16xi32>,
    %get3A_1885 = arith.constant 1 : i32
    %get3A_1886 = arith.index_cast %get3A_1885 : i32 to index
    %get3A_1887 = arith.constant 112 : index
    %get3A_1888 = tpu.vector_load %arg6[%get3A_1886, %get3A_1887] {strides = array<i32>} : memref<16x256xi32, #tpu.memory_space<vmem>>, vector<16xi32>,
    %add3A_1889 = arith.addi %get3A_1884, %get3A_1888 : vector<16xi32>
    %get3A_1890 = arith.constant 2 : i32
    %get3A_1891 = arith.index_cast %get3A_1890 : i32 to index
    %get3A_1892 = arith.constant 112 : index
    %get3A_1893 = tpu.vector_load %arg6[%get3A_1891, %get3A_1892] {strides = array<i32>} : memref<16x256xi32, #tpu.memory_space<vmem>>, vector<16xi32>,
    %add3A_1894 = arith.addi %add3A_1889, %get3A_1893 : vector<16xi32>
    %get3A_1895 = arith.constant 3 : i32
    %get3A_1896 = arith.index_cast %get3A_1895 : i32 to index
    %get3A_1897 = arith.constant 112 : index
    %get3A_1898 = tpu.vector_load %arg6[%get3A_1896, %get3A_1897] {strides = array<i32>} : memref<16x256xi32, #tpu.memory_space<vmem>>, vector<16xi32>,
    %add3A_1899 = arith.addi %add3A_1894, %get3A_1898 : vector<16xi32>
    %get3A_1900 = arith.constant 4 : i32
    %get3A_1901 = arith.index_cast %get3A_1900 : i32 to index
    %get3A_1902 = arith.constant 112 : index
    %get3A_1903 = tpu.vector_load %arg6[%get3A_1901, %get3A_1902] {strides = array<i32>} : memref<16x256xi32, #tpu.memory_space<vmem>>, vector<16xi32>,
    %add3A_1904 = arith.addi %add3A_1899, %get3A_1903 : vector<16xi32>
    %get3A_1905 = arith.constant 5 : i32
    %get3A_1906 = arith.index_cast %get3A_1905 : i32 to index
    %get3A_1907 = arith.constant 112 : index
    %get3A_1908 = tpu.vector_load %arg6[%get3A_1906, %get3A_1907] {strides = array<i32>} : memref<16x256xi32, #tpu.memory_space<vmem>>, vector<16xi32>,
    %add3A_1909 = arith.addi %add3A_1904, %get3A_1908 : vector<16xi32>
    %get3A_1910 = arith.constant 6 : i32
    %get3A_1911 = arith.index_cast %get3A_1910 : i32 to index
    %get3A_1912 = arith.constant 112 : index
    %get3A_1913 = tpu.vector_load %arg6[%get3A_1911, %get3A_1912] {strides = array<i32>} : memref<16x256xi32, #tpu.memory_space<vmem>>, vector<16xi32>,
    %add3A_1914 = arith.addi %add3A_1909, %get3A_1913 : vector<16xi32>
    %get3A_1915 = arith.constant 7 : i32
    %get3A_1916 = arith.index_cast %get3A_1915 : i32 to index
    %get3A_1917 = arith.constant 112 : index
    %get3A_1918 = tpu.vector_load %arg6[%get3A_1916, %get3A_1917] {strides = array<i32>} : memref<16x256xi32, #tpu.memory_space<vmem>>, vector<16xi32>,
    %add3A_1919 = arith.addi %add3A_1914, %get3A_1918 : vector<16xi32>
    %get3A_1920 = arith.constant 8 : i32
    %get3A_1921 = arith.index_cast %get3A_1920 : i32 to index
    %get3A_1922 = arith.constant 112 : index
    %get3A_1923 = tpu.vector_load %arg6[%get3A_1921, %get3A_1922] {strides = array<i32>} : memref<16x256xi32, #tpu.memory_space<vmem>>, vector<16xi32>,
    %add3A_1924 = arith.addi %add3A_1919, %get3A_1923 : vector<16xi32>
    %get3A_1925 = arith.constant 9 : i32
    %get3A_1926 = arith.index_cast %get3A_1925 : i32 to index
    %get3A_1927 = arith.constant 112 : index
    %get3A_1928 = tpu.vector_load %arg6[%get3A_1926, %get3A_1927] {strides = array<i32>} : memref<16x256xi32, #tpu.memory_space<vmem>>, vector<16xi32>,
    %add3A_1929 = arith.addi %add3A_1924, %get3A_1928 : vector<16xi32>
    %get3A_1930 = arith.constant 10 : i32
    %get3A_1931 = arith.index_cast %get3A_1930 : i32 to index
    %get3A_1932 = arith.constant 112 : index
    %get3A_1933 = tpu.vector_load %arg6[%get3A_1931, %get3A_1932] {strides = array<i32>} : memref<16x256xi32, #tpu.memory_space<vmem>>, vector<16xi32>,
    %add3A_1934 = arith.addi %add3A_1929, %get3A_1933 : vector<16xi32>
    %get3A_1935 = arith.constant 11 : i32
    %get3A_1936 = arith.index_cast %get3A_1935 : i32 to index
    %get3A_1937 = arith.constant 112 : index
    %get3A_1938 = tpu.vector_load %arg6[%get3A_1936, %get3A_1937] {strides = array<i32>} : memref<16x256xi32, #tpu.memory_space<vmem>>, vector<16xi32>,
    %add3A_1939 = arith.addi %add3A_1934, %get3A_1938 : vector<16xi32>
    %get3A_1940 = arith.constant 12 : i32
    %get3A_1941 = arith.index_cast %get3A_1940 : i32 to index
    %get3A_1942 = arith.constant 112 : index
    %get3A_1943 = tpu.vector_load %arg6[%get3A_1941, %get3A_1942] {strides = array<i32>} : memref<16x256xi32, #tpu.memory_space<vmem>>, vector<16xi32>,
    %add3A_1944 = arith.addi %add3A_1939, %get3A_1943 : vector<16xi32>
    %get3A_1945 = arith.constant 13 : i32
    %get3A_1946 = arith.index_cast %get3A_1945 : i32 to index
    %get3A_1947 = arith.constant 112 : index
    %get3A_1948 = tpu.vector_load %arg6[%get3A_1946, %get3A_1947] {strides = array<i32>} : memref<16x256xi32, #tpu.memory_space<vmem>>, vector<16xi32>,
    %add3A_1949 = arith.addi %add3A_1944, %get3A_1948 : vector<16xi32>
    %get3A_1950 = arith.constant 14 : i32
    %get3A_1951 = arith.index_cast %get3A_1950 : i32 to index
    %get3A_1952 = arith.constant 112 : index
    %get3A_1953 = tpu.vector_load %arg6[%get3A_1951, %get3A_1952] {strides = array<i32>} : memref<16x256xi32, #tpu.memory_space<vmem>>, vector<16xi32>,
    %add3A_1954 = arith.addi %add3A_1949, %get3A_1953 : vector<16xi32>
    %get3A_1955 = arith.constant 15 : i32
    %get3A_1956 = arith.index_cast %get3A_1955 : i32 to index
    %get3A_1957 = arith.constant 112 : index
    %get3A_1958 = tpu.vector_load %arg6[%get3A_1956, %get3A_1957] {strides = array<i32>} : memref<16x256xi32, #tpu.memory_space<vmem>>, vector<16xi32>,
    %add3A_1959 = arith.addi %add3A_1954, %get3A_1958 : vector<16xi32>
    %swap3A_1960 = arith.constant 112 : index
    %swap3A_1961 = tpu.vector_load %arg7[%swap3A_1960] {strides = array<i32>} : memref<256xi32, #tpu.memory_space<vmem>>, vector<16xi32>,
    tpu.vector_store %arg7[%swap3A_1960], %add3A_1959 {strides = array<i32>} : memref<256xi32, #tpu.memory_space<vmem>>, vector<16xi32>,
    %get3A_1962 = arith.constant 0 : i32
    %get3A_1963 = arith.index_cast %get3A_1962 : i32 to index
    %get3A_1964 = arith.constant 128 : index
    %get3A_1965 = tpu.vector_load %arg6[%get3A_1963, %get3A_1964] {strides = array<i32>} : memref<16x256xi32, #tpu.memory_space<vmem>>, vector<16xi32>,
    %get3A_1966 = arith.constant 1 : i32
    %get3A_1967 = arith.index_cast %get3A_1966 : i32 to index
    %get3A_1968 = arith.constant 128 : index
    %get3A_1969 = tpu.vector_load %arg6[%get3A_1967, %get3A_1968] {strides = array<i32>} : memref<16x256xi32, #tpu.memory_space<vmem>>, vector<16xi32>,
    %add3A_1970 = arith.addi %get3A_1965, %get3A_1969 : vector<16xi32>
    %get3A_1971 = arith.constant 2 : i32
    %get3A_1972 = arith.index_cast %get3A_1971 : i32 to index
    %get3A_1973 = arith.constant 128 : index
    %get3A_1974 = tpu.vector_load %arg6[%get3A_1972, %get3A_1973] {strides = array<i32>} : memref<16x256xi32, #tpu.memory_space<vmem>>, vector<16xi32>,
    %add3A_1975 = arith.addi %add3A_1970, %get3A_1974 : vector<16xi32>
    %get3A_1976 = arith.constant 3 : i32
    %get3A_1977 = arith.index_cast %get3A_1976 : i32 to index
    %get3A_1978 = arith.constant 128 : index
    %get3A_1979 = tpu.vector_load %arg6[%get3A_1977, %get3A_1978] {strides = array<i32>} : memref<16x256xi32, #tpu.memory_space<vmem>>, vector<16xi32>,
    %add3A_1980 = arith.addi %add3A_1975, %get3A_1979 : vector<16xi32>
    %get3A_1981 = arith.constant 4 : i32
    %get3A_1982 = arith.index_cast %get3A_1981 : i32 to index
    %get3A_1983 = arith.constant 128 : index
    %get3A_1984 = tpu.vector_load %arg6[%get3A_1982, %get3A_1983] {strides = array<i32>} : memref<16x256xi32, #tpu.memory_space<vmem>>, vector<16xi32>,
    %add3A_1985 = arith.addi %add3A_1980, %get3A_1984 : vector<16xi32>
    %get3A_1986 = arith.constant 5 : i32
    %get3A_1987 = arith.index_cast %get3A_1986 : i32 to index
    %get3A_1988 = arith.constant 128 : index
    %get3A_1989 = tpu.vector_load %arg6[%get3A_1987, %get3A_1988] {strides = array<i32>} : memref<16x256xi32, #tpu.memory_space<vmem>>, vector<16xi32>,
    %add3A_1990 = arith.addi %add3A_1985, %get3A_1989 : vector<16xi32>
    %get3A_1991 = arith.constant 6 : i32
    %get3A_1992 = arith.index_cast %get3A_1991 : i32 to index
    %get3A_1993 = arith.constant 128 : index
    %get3A_1994 = tpu.vector_load %arg6[%get3A_1992, %get3A_1993] {strides = array<i32>} : memref<16x256xi32, #tpu.memory_space<vmem>>, vector<16xi32>,
    %add3A_1995 = arith.addi %add3A_1990, %get3A_1994 : vector<16xi32>
    %get3A_1996 = arith.constant 7 : i32
    %get3A_1997 = arith.index_cast %get3A_1996 : i32 to index
    %get3A_1998 = arith.constant 128 : index
    %get3A_1999 = tpu.vector_load %arg6[%get3A_1997, %get3A_1998] {strides = array<i32>} : memref<16x256xi32, #tpu.memory_space<vmem>>, vector<16xi32>,
    %add3A_2000 = arith.addi %add3A_1995, %get3A_1999 : vector<16xi32>
    %get3A_2001 = arith.constant 8 : i32
    %get3A_2002 = arith.index_cast %get3A_2001 : i32 to index
    %get3A_2003 = arith.constant 128 : index
    %get3A_2004 = tpu.vector_load %arg6[%get3A_2002, %get3A_2003] {strides = array<i32>} : memref<16x256xi32, #tpu.memory_space<vmem>>, vector<16xi32>,
    %add3A_2005 = arith.addi %add3A_2000, %get3A_2004 : vector<16xi32>
    %get3A_2006 = arith.constant 9 : i32
    %get3A_2007 = arith.index_cast %get3A_2006 : i32 to index
    %get3A_2008 = arith.constant 128 : index
    %get3A_2009 = tpu.vector_load %arg6[%get3A_2007, %get3A_2008] {strides = array<i32>} : memref<16x256xi32, #tpu.memory_space<vmem>>, vector<16xi32>,
    %add3A_2010 = arith.addi %add3A_2005, %get3A_2009 : vector<16xi32>
    %get3A_2011 = arith.constant 10 : i32
    %get3A_2012 = arith.index_cast %get3A_2011 : i32 to index
    %get3A_2013 = arith.constant 128 : index
    %get3A_2014 = tpu.vector_load %arg6[%get3A_2012, %get3A_2013] {strides = array<i32>} : memref<16x256xi32, #tpu.memory_space<vmem>>, vector<16xi32>,
    %add3A_2015 = arith.addi %add3A_2010, %get3A_2014 : vector<16xi32>
    %get3A_2016 = arith.constant 11 : i32
    %get3A_2017 = arith.index_cast %get3A_2016 : i32 to index
    %get3A_2018 = arith.constant 128 : index
    %get3A_2019 = tpu.vector_load %arg6[%get3A_2017, %get3A_2018] {strides = array<i32>} : memref<16x256xi32, #tpu.memory_space<vmem>>, vector<16xi32>,
    %add3A_2020 = arith.addi %add3A_2015, %get3A_2019 : vector<16xi32>
    %get3A_2021 = arith.constant 12 : i32
    %get3A_2022 = arith.index_cast %get3A_2021 : i32 to index
    %get3A_2023 = arith.constant 128 : index
    %get3A_2024 = tpu.vector_load %arg6[%get3A_2022, %get3A_2023] {strides = array<i32>} : memref<16x256xi32, #tpu.memory_space<vmem>>, vector<16xi32>,
    %add3A_2025 = arith.addi %add3A_2020, %get3A_2024 : vector<16xi32>
    %get3A_2026 = arith.constant 13 : i32
    %get3A_2027 = arith.index_cast %get3A_2026 : i32 to index
    %get3A_2028 = arith.constant 128 : index
    %get3A_2029 = tpu.vector_load %arg6[%get3A_2027, %get3A_2028] {strides = array<i32>} : memref<16x256xi32, #tpu.memory_space<vmem>>, vector<16xi32>,
    %add3A_2030 = arith.addi %add3A_2025, %get3A_2029 : vector<16xi32>
    %get3A_2031 = arith.constant 14 : i32
    %get3A_2032 = arith.index_cast %get3A_2031 : i32 to index
    %get3A_2033 = arith.constant 128 : index
    %get3A_2034 = tpu.vector_load %arg6[%get3A_2032, %get3A_2033] {strides = array<i32>} : memref<16x256xi32, #tpu.memory_space<vmem>>, vector<16xi32>,
    %add3A_2035 = arith.addi %add3A_2030, %get3A_2034 : vector<16xi32>
    %get3A_2036 = arith.constant 15 : i32
    %get3A_2037 = arith.index_cast %get3A_2036 : i32 to index
    %get3A_2038 = arith.constant 128 : index
    %get3A_2039 = tpu.vector_load %arg6[%get3A_2037, %get3A_2038] {strides = array<i32>} : memref<16x256xi32, #tpu.memory_space<vmem>>, vector<16xi32>,
    %add3A_2040 = arith.addi %add3A_2035, %get3A_2039 : vector<16xi32>
    %swap3A_2041 = arith.constant 128 : index
    %swap3A_2042 = tpu.vector_load %arg7[%swap3A_2041] {strides = array<i32>} : memref<256xi32, #tpu.memory_space<vmem>>, vector<16xi32>,
    tpu.vector_store %arg7[%swap3A_2041], %add3A_2040 {strides = array<i32>} : memref<256xi32, #tpu.memory_space<vmem>>, vector<16xi32>,
    %get3A_2043 = arith.constant 0 : i32
    %get3A_2044 = arith.index_cast %get3A_2043 : i32 to index
    %get3A_2045 = arith.constant 144 : index
    %get3A_2046 = tpu.vector_load %arg6[%get3A_2044, %get3A_2045] {strides = array<i32>} : memref<16x256xi32, #tpu.memory_space<vmem>>, vector<16xi32>,
    %get3A_2047 = arith.constant 1 : i32
    %get3A_2048 = arith.index_cast %get3A_2047 : i32 to index
    %get3A_2049 = arith.constant 144 : index
    %get3A_2050 = tpu.vector_load %arg6[%get3A_2048, %get3A_2049] {strides = array<i32>} : memref<16x256xi32, #tpu.memory_space<vmem>>, vector<16xi32>,
    %add3A_2051 = arith.addi %get3A_2046, %get3A_2050 : vector<16xi32>
    %get3A_2052 = arith.constant 2 : i32
    %get3A_2053 = arith.index_cast %get3A_2052 : i32 to index
    %get3A_2054 = arith.constant 144 : index
    %get3A_2055 = tpu.vector_load %arg6[%get3A_2053, %get3A_2054] {strides = array<i32>} : memref<16x256xi32, #tpu.memory_space<vmem>>, vector<16xi32>,
    %add3A_2056 = arith.addi %add3A_2051, %get3A_2055 : vector<16xi32>
    %get3A_2057 = arith.constant 3 : i32
    %get3A_2058 = arith.index_cast %get3A_2057 : i32 to index
    %get3A_2059 = arith.constant 144 : index
    %get3A_2060 = tpu.vector_load %arg6[%get3A_2058, %get3A_2059] {strides = array<i32>} : memref<16x256xi32, #tpu.memory_space<vmem>>, vector<16xi32>,
    %add3A_2061 = arith.addi %add3A_2056, %get3A_2060 : vector<16xi32>
    %get3A_2062 = arith.constant 4 : i32
    %get3A_2063 = arith.index_cast %get3A_2062 : i32 to index
    %get3A_2064 = arith.constant 144 : index
    %get3A_2065 = tpu.vector_load %arg6[%get3A_2063, %get3A_2064] {strides = array<i32>} : memref<16x256xi32, #tpu.memory_space<vmem>>, vector<16xi32>,
    %add3A_2066 = arith.addi %add3A_2061, %get3A_2065 : vector<16xi32>
    %get3A_2067 = arith.constant 5 : i32
    %get3A_2068 = arith.index_cast %get3A_2067 : i32 to index
    %get3A_2069 = arith.constant 144 : index
    %get3A_2070 = tpu.vector_load %arg6[%get3A_2068, %get3A_2069] {strides = array<i32>} : memref<16x256xi32, #tpu.memory_space<vmem>>, vector<16xi32>,
    %add3A_2071 = arith.addi %add3A_2066, %get3A_2070 : vector<16xi32>
    %get3A_2072 = arith.constant 6 : i32
    %get3A_2073 = arith.index_cast %get3A_2072 : i32 to index
    %get3A_2074 = arith.constant 144 : index
    %get3A_2075 = tpu.vector_load %arg6[%get3A_2073, %get3A_2074] {strides = array<i32>} : memref<16x256xi32, #tpu.memory_space<vmem>>, vector<16xi32>,
    %add3A_2076 = arith.addi %add3A_2071, %get3A_2075 : vector<16xi32>
    %get3A_2077 = arith.constant 7 : i32
    %get3A_2078 = arith.index_cast %get3A_2077 : i32 to index
    %get3A_2079 = arith.constant 144 : index
    %get3A_2080 = tpu.vector_load %arg6[%get3A_2078, %get3A_2079] {strides = array<i32>} : memref<16x256xi32, #tpu.memory_space<vmem>>, vector<16xi32>,
    %add3A_2081 = arith.addi %add3A_2076, %get3A_2080 : vector<16xi32>
    %get3A_2082 = arith.constant 8 : i32
    %get3A_2083 = arith.index_cast %get3A_2082 : i32 to index
    %get3A_2084 = arith.constant 144 : index
    %get3A_2085 = tpu.vector_load %arg6[%get3A_2083, %get3A_2084] {strides = array<i32>} : memref<16x256xi32, #tpu.memory_space<vmem>>, vector<16xi32>,
    %add3A_2086 = arith.addi %add3A_2081, %get3A_2085 : vector<16xi32>
    %get3A_2087 = arith.constant 9 : i32
    %get3A_2088 = arith.index_cast %get3A_2087 : i32 to index
    %get3A_2089 = arith.constant 144 : index
    %get3A_2090 = tpu.vector_load %arg6[%get3A_2088, %get3A_2089] {strides = array<i32>} : memref<16x256xi32, #tpu.memory_space<vmem>>, vector<16xi32>,
    %add3A_2091 = arith.addi %add3A_2086, %get3A_2090 : vector<16xi32>
    %get3A_2092 = arith.constant 10 : i32
    %get3A_2093 = arith.index_cast %get3A_2092 : i32 to index
    %get3A_2094 = arith.constant 144 : index
    %get3A_2095 = tpu.vector_load %arg6[%get3A_2093, %get3A_2094] {strides = array<i32>} : memref<16x256xi32, #tpu.memory_space<vmem>>, vector<16xi32>,
    %add3A_2096 = arith.addi %add3A_2091, %get3A_2095 : vector<16xi32>
    %get3A_2097 = arith.constant 11 : i32
    %get3A_2098 = arith.index_cast %get3A_2097 : i32 to index
    %get3A_2099 = arith.constant 144 : index
    %get3A_2100 = tpu.vector_load %arg6[%get3A_2098, %get3A_2099] {strides = array<i32>} : memref<16x256xi32, #tpu.memory_space<vmem>>, vector<16xi32>,
    %add3A_2101 = arith.addi %add3A_2096, %get3A_2100 : vector<16xi32>
    %get3A_2102 = arith.constant 12 : i32
    %get3A_2103 = arith.index_cast %get3A_2102 : i32 to index
    %get3A_2104 = arith.constant 144 : index
    %get3A_2105 = tpu.vector_load %arg6[%get3A_2103, %get3A_2104] {strides = array<i32>} : memref<16x256xi32, #tpu.memory_space<vmem>>, vector<16xi32>,
    %add3A_2106 = arith.addi %add3A_2101, %get3A_2105 : vector<16xi32>
    %get3A_2107 = arith.constant 13 : i32
    %get3A_2108 = arith.index_cast %get3A_2107 : i32 to index
    %get3A_2109 = arith.constant 144 : index
    %get3A_2110 = tpu.vector_load %arg6[%get3A_2108, %get3A_2109] {strides = array<i32>} : memref<16x256xi32, #tpu.memory_space<vmem>>, vector<16xi32>,
    %add3A_2111 = arith.addi %add3A_2106, %get3A_2110 : vector<16xi32>
    %get3A_2112 = arith.constant 14 : i32
    %get3A_2113 = arith.index_cast %get3A_2112 : i32 to index
    %get3A_2114 = arith.constant 144 : index
    %get3A_2115 = tpu.vector_load %arg6[%get3A_2113, %get3A_2114] {strides = array<i32>} : memref<16x256xi32, #tpu.memory_space<vmem>>, vector<16xi32>,
    %add3A_2116 = arith.addi %add3A_2111, %get3A_2115 : vector<16xi32>
    %get3A_2117 = arith.constant 15 : i32
    %get3A_2118 = arith.index_cast %get3A_2117 : i32 to index
    %get3A_2119 = arith.constant 144 : index
    %get3A_2120 = tpu.vector_load %arg6[%get3A_2118, %get3A_2119] {strides = array<i32>} : memref<16x256xi32, #tpu.memory_space<vmem>>, vector<16xi32>,
    %add3A_2121 = arith.addi %add3A_2116, %get3A_2120 : vector<16xi32>
    %swap3A_2122 = arith.constant 144 : index
    %swap3A_2123 = tpu.vector_load %arg7[%swap3A_2122] {strides = array<i32>} : memref<256xi32, #tpu.memory_space<vmem>>, vector<16xi32>,
    tpu.vector_store %arg7[%swap3A_2122], %add3A_2121 {strides = array<i32>} : memref<256xi32, #tpu.memory_space<vmem>>, vector<16xi32>,
    %get3A_2124 = arith.constant 0 : i32
    %get3A_2125 = arith.index_cast %get3A_2124 : i32 to index
    %get3A_2126 = arith.constant 160 : index
    %get3A_2127 = tpu.vector_load %arg6[%get3A_2125, %get3A_2126] {strides = array<i32>} : memref<16x256xi32, #tpu.memory_space<vmem>>, vector<16xi32>,
    %get3A_2128 = arith.constant 1 : i32
    %get3A_2129 = arith.index_cast %get3A_2128 : i32 to index
    %get3A_2130 = arith.constant 160 : index
    %get3A_2131 = tpu.vector_load %arg6[%get3A_2129, %get3A_2130] {strides = array<i32>} : memref<16x256xi32, #tpu.memory_space<vmem>>, vector<16xi32>,
    %add3A_2132 = arith.addi %get3A_2127, %get3A_2131 : vector<16xi32>
    %get3A_2133 = arith.constant 2 : i32
    %get3A_2134 = arith.index_cast %get3A_2133 : i32 to index
    %get3A_2135 = arith.constant 160 : index
    %get3A_2136 = tpu.vector_load %arg6[%get3A_2134, %get3A_2135] {strides = array<i32>} : memref<16x256xi32, #tpu.memory_space<vmem>>, vector<16xi32>,
    %add3A_2137 = arith.addi %add3A_2132, %get3A_2136 : vector<16xi32>
    %get3A_2138 = arith.constant 3 : i32
    %get3A_2139 = arith.index_cast %get3A_2138 : i32 to index
    %get3A_2140 = arith.constant 160 : index
    %get3A_2141 = tpu.vector_load %arg6[%get3A_2139, %get3A_2140] {strides = array<i32>} : memref<16x256xi32, #tpu.memory_space<vmem>>, vector<16xi32>,
    %add3A_2142 = arith.addi %add3A_2137, %get3A_2141 : vector<16xi32>
    %get3A_2143 = arith.constant 4 : i32
    %get3A_2144 = arith.index_cast %get3A_2143 : i32 to index
    %get3A_2145 = arith.constant 160 : index
    %get3A_2146 = tpu.vector_load %arg6[%get3A_2144, %get3A_2145] {strides = array<i32>} : memref<16x256xi32, #tpu.memory_space<vmem>>, vector<16xi32>,
    %add3A_2147 = arith.addi %add3A_2142, %get3A_2146 : vector<16xi32>
    %get3A_2148 = arith.constant 5 : i32
    %get3A_2149 = arith.index_cast %get3A_2148 : i32 to index
    %get3A_2150 = arith.constant 160 : index
    %get3A_2151 = tpu.vector_load %arg6[%get3A_2149, %get3A_2150] {strides = array<i32>} : memref<16x256xi32, #tpu.memory_space<vmem>>, vector<16xi32>,
    %add3A_2152 = arith.addi %add3A_2147, %get3A_2151 : vector<16xi32>
    %get3A_2153 = arith.constant 6 : i32
    %get3A_2154 = arith.index_cast %get3A_2153 : i32 to index
    %get3A_2155 = arith.constant 160 : index
    %get3A_2156 = tpu.vector_load %arg6[%get3A_2154, %get3A_2155] {strides = array<i32>} : memref<16x256xi32, #tpu.memory_space<vmem>>, vector<16xi32>,
    %add3A_2157 = arith.addi %add3A_2152, %get3A_2156 : vector<16xi32>
    %get3A_2158 = arith.constant 7 : i32
    %get3A_2159 = arith.index_cast %get3A_2158 : i32 to index
    %get3A_2160 = arith.constant 160 : index
    %get3A_2161 = tpu.vector_load %arg6[%get3A_2159, %get3A_2160] {strides = array<i32>} : memref<16x256xi32, #tpu.memory_space<vmem>>, vector<16xi32>,
    %add3A_2162 = arith.addi %add3A_2157, %get3A_2161 : vector<16xi32>
    %get3A_2163 = arith.constant 8 : i32
    %get3A_2164 = arith.index_cast %get3A_2163 : i32 to index
    %get3A_2165 = arith.constant 160 : index
    %get3A_2166 = tpu.vector_load %arg6[%get3A_2164, %get3A_2165] {strides = array<i32>} : memref<16x256xi32, #tpu.memory_space<vmem>>, vector<16xi32>,
    %add3A_2167 = arith.addi %add3A_2162, %get3A_2166 : vector<16xi32>
    %get3A_2168 = arith.constant 9 : i32
    %get3A_2169 = arith.index_cast %get3A_2168 : i32 to index
    %get3A_2170 = arith.constant 160 : index
    %get3A_2171 = tpu.vector_load %arg6[%get3A_2169, %get3A_2170] {strides = array<i32>} : memref<16x256xi32, #tpu.memory_space<vmem>>, vector<16xi32>,
    %add3A_2172 = arith.addi %add3A_2167, %get3A_2171 : vector<16xi32>
    %get3A_2173 = arith.constant 10 : i32
    %get3A_2174 = arith.index_cast %get3A_2173 : i32 to index
    %get3A_2175 = arith.constant 160 : index
    %get3A_2176 = tpu.vector_load %arg6[%get3A_2174, %get3A_2175] {strides = array<i32>} : memref<16x256xi32, #tpu.memory_space<vmem>>, vector<16xi32>,
    %add3A_2177 = arith.addi %add3A_2172, %get3A_2176 : vector<16xi32>
    %get3A_2178 = arith.constant 11 : i32
    %get3A_2179 = arith.index_cast %get3A_2178 : i32 to index
    %get3A_2180 = arith.constant 160 : index
    %get3A_2181 = tpu.vector_load %arg6[%get3A_2179, %get3A_2180] {strides = array<i32>} : memref<16x256xi32, #tpu.memory_space<vmem>>, vector<16xi32>,
    %add3A_2182 = arith.addi %add3A_2177, %get3A_2181 : vector<16xi32>
    %get3A_2183 = arith.constant 12 : i32
    %get3A_2184 = arith.index_cast %get3A_2183 : i32 to index
    %get3A_2185 = arith.constant 160 : index
    %get3A_2186 = tpu.vector_load %arg6[%get3A_2184, %get3A_2185] {strides = array<i32>} : memref<16x256xi32, #tpu.memory_space<vmem>>, vector<16xi32>,
    %add3A_2187 = arith.addi %add3A_2182, %get3A_2186 : vector<16xi32>
    %get3A_2188 = arith.constant 13 : i32
    %get3A_2189 = arith.index_cast %get3A_2188 : i32 to index
    %get3A_2190 = arith.constant 160 : index
    %get3A_2191 = tpu.vector_load %arg6[%get3A_2189, %get3A_2190] {strides = array<i32>} : memref<16x256xi32, #tpu.memory_space<vmem>>, vector<16xi32>,
    %add3A_2192 = arith.addi %add3A_2187, %get3A_2191 : vector<16xi32>
    %get3A_2193 = arith.constant 14 : i32
    %get3A_2194 = arith.index_cast %get3A_2193 : i32 to index
    %get3A_2195 = arith.constant 160 : index
    %get3A_2196 = tpu.vector_load %arg6[%get3A_2194, %get3A_2195] {strides = array<i32>} : memref<16x256xi32, #tpu.memory_space<vmem>>, vector<16xi32>,
    %add3A_2197 = arith.addi %add3A_2192, %get3A_2196 : vector<16xi32>
    %get3A_2198 = arith.constant 15 : i32
    %get3A_2199 = arith.index_cast %get3A_2198 : i32 to index
    %get3A_2200 = arith.constant 160 : index
    %get3A_2201 = tpu.vector_load %arg6[%get3A_2199, %get3A_2200] {strides = array<i32>} : memref<16x256xi32, #tpu.memory_space<vmem>>, vector<16xi32>,
    %add3A_2202 = arith.addi %add3A_2197, %get3A_2201 : vector<16xi32>
    %swap3A_2203 = arith.constant 160 : index
    %swap3A_2204 = tpu.vector_load %arg7[%swap3A_2203] {strides = array<i32>} : memref<256xi32, #tpu.memory_space<vmem>>, vector<16xi32>,
    tpu.vector_store %arg7[%swap3A_2203], %add3A_2202 {strides = array<i32>} : memref<256xi32, #tpu.memory_space<vmem>>, vector<16xi32>,
    %get3A_2205 = arith.constant 0 : i32
    %get3A_2206 = arith.index_cast %get3A_2205 : i32 to index
    %get3A_2207 = arith.constant 176 : index
    %get3A_2208 = tpu.vector_load %arg6[%get3A_2206, %get3A_2207] {strides = array<i32>} : memref<16x256xi32, #tpu.memory_space<vmem>>, vector<16xi32>,
    %get3A_2209 = arith.constant 1 : i32
    %get3A_2210 = arith.index_cast %get3A_2209 : i32 to index
    %get3A_2211 = arith.constant 176 : index
    %get3A_2212 = tpu.vector_load %arg6[%get3A_2210, %get3A_2211] {strides = array<i32>} : memref<16x256xi32, #tpu.memory_space<vmem>>, vector<16xi32>,
    %add3A_2213 = arith.addi %get3A_2208, %get3A_2212 : vector<16xi32>
    %get3A_2214 = arith.constant 2 : i32
    %get3A_2215 = arith.index_cast %get3A_2214 : i32 to index
    %get3A_2216 = arith.constant 176 : index
    %get3A_2217 = tpu.vector_load %arg6[%get3A_2215, %get3A_2216] {strides = array<i32>} : memref<16x256xi32, #tpu.memory_space<vmem>>, vector<16xi32>,
    %add3A_2218 = arith.addi %add3A_2213, %get3A_2217 : vector<16xi32>
    %get3A_2219 = arith.constant 3 : i32
    %get3A_2220 = arith.index_cast %get3A_2219 : i32 to index
    %get3A_2221 = arith.constant 176 : index
    %get3A_2222 = tpu.vector_load %arg6[%get3A_2220, %get3A_2221] {strides = array<i32>} : memref<16x256xi32, #tpu.memory_space<vmem>>, vector<16xi32>,
    %add3A_2223 = arith.addi %add3A_2218, %get3A_2222 : vector<16xi32>
    %get3A_2224 = arith.constant 4 : i32
    %get3A_2225 = arith.index_cast %get3A_2224 : i32 to index
    %get3A_2226 = arith.constant 176 : index
    %get3A_2227 = tpu.vector_load %arg6[%get3A_2225, %get3A_2226] {strides = array<i32>} : memref<16x256xi32, #tpu.memory_space<vmem>>, vector<16xi32>,
    %add3A_2228 = arith.addi %add3A_2223, %get3A_2227 : vector<16xi32>
    %get3A_2229 = arith.constant 5 : i32
    %get3A_2230 = arith.index_cast %get3A_2229 : i32 to index
    %get3A_2231 = arith.constant 176 : index
    %get3A_2232 = tpu.vector_load %arg6[%get3A_2230, %get3A_2231] {strides = array<i32>} : memref<16x256xi32, #tpu.memory_space<vmem>>, vector<16xi32>,
    %add3A_2233 = arith.addi %add3A_2228, %get3A_2232 : vector<16xi32>
    %get3A_2234 = arith.constant 6 : i32
    %get3A_2235 = arith.index_cast %get3A_2234 : i32 to index
    %get3A_2236 = arith.constant 176 : index
    %get3A_2237 = tpu.vector_load %arg6[%get3A_2235, %get3A_2236] {strides = array<i32>} : memref<16x256xi32, #tpu.memory_space<vmem>>, vector<16xi32>,
    %add3A_2238 = arith.addi %add3A_2233, %get3A_2237 : vector<16xi32>
    %get3A_2239 = arith.constant 7 : i32
    %get3A_2240 = arith.index_cast %get3A_2239 : i32 to index
    %get3A_2241 = arith.constant 176 : index
    %get3A_2242 = tpu.vector_load %arg6[%get3A_2240, %get3A_2241] {strides = array<i32>} : memref<16x256xi32, #tpu.memory_space<vmem>>, vector<16xi32>,
    %add3A_2243 = arith.addi %add3A_2238, %get3A_2242 : vector<16xi32>
    %get3A_2244 = arith.constant 8 : i32
    %get3A_2245 = arith.index_cast %get3A_2244 : i32 to index
    %get3A_2246 = arith.constant 176 : index
    %get3A_2247 = tpu.vector_load %arg6[%get3A_2245, %get3A_2246] {strides = array<i32>} : memref<16x256xi32, #tpu.memory_space<vmem>>, vector<16xi32>,
    %add3A_2248 = arith.addi %add3A_2243, %get3A_2247 : vector<16xi32>
    %get3A_2249 = arith.constant 9 : i32
    %get3A_2250 = arith.index_cast %get3A_2249 : i32 to index
    %get3A_2251 = arith.constant 176 : index
    %get3A_2252 = tpu.vector_load %arg6[%get3A_2250, %get3A_2251] {strides = array<i32>} : memref<16x256xi32, #tpu.memory_space<vmem>>, vector<16xi32>,
    %add3A_2253 = arith.addi %add3A_2248, %get3A_2252 : vector<16xi32>
    %get3A_2254 = arith.constant 10 : i32
    %get3A_2255 = arith.index_cast %get3A_2254 : i32 to index
    %get3A_2256 = arith.constant 176 : index
    %get3A_2257 = tpu.vector_load %arg6[%get3A_2255, %get3A_2256] {strides = array<i32>} : memref<16x256xi32, #tpu.memory_space<vmem>>, vector<16xi32>,
    %add3A_2258 = arith.addi %add3A_2253, %get3A_2257 : vector<16xi32>
    %get3A_2259 = arith.constant 11 : i32
    %get3A_2260 = arith.index_cast %get3A_2259 : i32 to index
    %get3A_2261 = arith.constant 176 : index
    %get3A_2262 = tpu.vector_load %arg6[%get3A_2260, %get3A_2261] {strides = array<i32>} : memref<16x256xi32, #tpu.memory_space<vmem>>, vector<16xi32>,
    %add3A_2263 = arith.addi %add3A_2258, %get3A_2262 : vector<16xi32>
    %get3A_2264 = arith.constant 12 : i32
    %get3A_2265 = arith.index_cast %get3A_2264 : i32 to index
    %get3A_2266 = arith.constant 176 : index
    %get3A_2267 = tpu.vector_load %arg6[%get3A_2265, %get3A_2266] {strides = array<i32>} : memref<16x256xi32, #tpu.memory_space<vmem>>, vector<16xi32>,
    %add3A_2268 = arith.addi %add3A_2263, %get3A_2267 : vector<16xi32>
    %get3A_2269 = arith.constant 13 : i32
    %get3A_2270 = arith.index_cast %get3A_2269 : i32 to index
    %get3A_2271 = arith.constant 176 : index
    %get3A_2272 = tpu.vector_load %arg6[%get3A_2270, %get3A_2271] {strides = array<i32>} : memref<16x256xi32, #tpu.memory_space<vmem>>, vector<16xi32>,
    %add3A_2273 = arith.addi %add3A_2268, %get3A_2272 : vector<16xi32>
    %get3A_2274 = arith.constant 14 : i32
    %get3A_2275 = arith.index_cast %get3A_2274 : i32 to index
    %get3A_2276 = arith.constant 176 : index
    %get3A_2277 = tpu.vector_load %arg6[%get3A_2275, %get3A_2276] {strides = array<i32>} : memref<16x256xi32, #tpu.memory_space<vmem>>, vector<16xi32>,
    %add3A_2278 = arith.addi %add3A_2273, %get3A_2277 : vector<16xi32>
    %get3A_2279 = arith.constant 15 : i32
    %get3A_2280 = arith.index_cast %get3A_2279 : i32 to index
    %get3A_2281 = arith.constant 176 : index
    %get3A_2282 = tpu.vector_load %arg6[%get3A_2280, %get3A_2281] {strides = array<i32>} : memref<16x256xi32, #tpu.memory_space<vmem>>, vector<16xi32>,
    %add3A_2283 = arith.addi %add3A_2278, %get3A_2282 : vector<16xi32>
    %swap3A_2284 = arith.constant 176 : index
    %swap3A_2285 = tpu.vector_load %arg7[%swap3A_2284] {strides = array<i32>} : memref<256xi32, #tpu.memory_space<vmem>>, vector<16xi32>,
    tpu.vector_store %arg7[%swap3A_2284], %add3A_2283 {strides = array<i32>} : memref<256xi32, #tpu.memory_space<vmem>>, vector<16xi32>,
    %get3A_2286 = arith.constant 0 : i32
    %get3A_2287 = arith.index_cast %get3A_2286 : i32 to index
    %get3A_2288 = arith.constant 192 : index
    %get3A_2289 = tpu.vector_load %arg6[%get3A_2287, %get3A_2288] {strides = array<i32>} : memref<16x256xi32, #tpu.memory_space<vmem>>, vector<16xi32>,
    %get3A_2290 = arith.constant 1 : i32
    %get3A_2291 = arith.index_cast %get3A_2290 : i32 to index
    %get3A_2292 = arith.constant 192 : index
    %get3A_2293 = tpu.vector_load %arg6[%get3A_2291, %get3A_2292] {strides = array<i32>} : memref<16x256xi32, #tpu.memory_space<vmem>>, vector<16xi32>,
    %add3A_2294 = arith.addi %get3A_2289, %get3A_2293 : vector<16xi32>
    %get3A_2295 = arith.constant 2 : i32
    %get3A_2296 = arith.index_cast %get3A_2295 : i32 to index
    %get3A_2297 = arith.constant 192 : index
    %get3A_2298 = tpu.vector_load %arg6[%get3A_2296, %get3A_2297] {strides = array<i32>} : memref<16x256xi32, #tpu.memory_space<vmem>>, vector<16xi32>,
    %add3A_2299 = arith.addi %add3A_2294, %get3A_2298 : vector<16xi32>
    %get3A_2300 = arith.constant 3 : i32
    %get3A_2301 = arith.index_cast %get3A_2300 : i32 to index
    %get3A_2302 = arith.constant 192 : index
    %get3A_2303 = tpu.vector_load %arg6[%get3A_2301, %get3A_2302] {strides = array<i32>} : memref<16x256xi32, #tpu.memory_space<vmem>>, vector<16xi32>,
    %add3A_2304 = arith.addi %add3A_2299, %get3A_2303 : vector<16xi32>
    %get3A_2305 = arith.constant 4 : i32
    %get3A_2306 = arith.index_cast %get3A_2305 : i32 to index
    %get3A_2307 = arith.constant 192 : index
    %get3A_2308 = tpu.vector_load %arg6[%get3A_2306, %get3A_2307] {strides = array<i32>} : memref<16x256xi32, #tpu.memory_space<vmem>>, vector<16xi32>,
    %add3A_2309 = arith.addi %add3A_2304, %get3A_2308 : vector<16xi32>
    %get3A_2310 = arith.constant 5 : i32
    %get3A_2311 = arith.index_cast %get3A_2310 : i32 to index
    %get3A_2312 = arith.constant 192 : index
    %get3A_2313 = tpu.vector_load %arg6[%get3A_2311, %get3A_2312] {strides = array<i32>} : memref<16x256xi32, #tpu.memory_space<vmem>>, vector<16xi32>,
    %add3A_2314 = arith.addi %add3A_2309, %get3A_2313 : vector<16xi32>
    %get3A_2315 = arith.constant 6 : i32
    %get3A_2316 = arith.index_cast %get3A_2315 : i32 to index
    %get3A_2317 = arith.constant 192 : index
    %get3A_2318 = tpu.vector_load %arg6[%get3A_2316, %get3A_2317] {strides = array<i32>} : memref<16x256xi32, #tpu.memory_space<vmem>>, vector<16xi32>,
    %add3A_2319 = arith.addi %add3A_2314, %get3A_2318 : vector<16xi32>
    %get3A_2320 = arith.constant 7 : i32
    %get3A_2321 = arith.index_cast %get3A_2320 : i32 to index
    %get3A_2322 = arith.constant 192 : index
    %get3A_2323 = tpu.vector_load %arg6[%get3A_2321, %get3A_2322] {strides = array<i32>} : memref<16x256xi32, #tpu.memory_space<vmem>>, vector<16xi32>,
    %add3A_2324 = arith.addi %add3A_2319, %get3A_2323 : vector<16xi32>
    %get3A_2325 = arith.constant 8 : i32
    %get3A_2326 = arith.index_cast %get3A_2325 : i32 to index
    %get3A_2327 = arith.constant 192 : index
    %get3A_2328 = tpu.vector_load %arg6[%get3A_2326, %get3A_2327] {strides = array<i32>} : memref<16x256xi32, #tpu.memory_space<vmem>>, vector<16xi32>,
    %add3A_2329 = arith.addi %add3A_2324, %get3A_2328 : vector<16xi32>
    %get3A_2330 = arith.constant 9 : i32
    %get3A_2331 = arith.index_cast %get3A_2330 : i32 to index
    %get3A_2332 = arith.constant 192 : index
    %get3A_2333 = tpu.vector_load %arg6[%get3A_2331, %get3A_2332] {strides = array<i32>} : memref<16x256xi32, #tpu.memory_space<vmem>>, vector<16xi32>,
    %add3A_2334 = arith.addi %add3A_2329, %get3A_2333 : vector<16xi32>
    %get3A_2335 = arith.constant 10 : i32
    %get3A_2336 = arith.index_cast %get3A_2335 : i32 to index
    %get3A_2337 = arith.constant 192 : index
    %get3A_2338 = tpu.vector_load %arg6[%get3A_2336, %get3A_2337] {strides = array<i32>} : memref<16x256xi32, #tpu.memory_space<vmem>>, vector<16xi32>,
    %add3A_2339 = arith.addi %add3A_2334, %get3A_2338 : vector<16xi32>
    %get3A_2340 = arith.constant 11 : i32
    %get3A_2341 = arith.index_cast %get3A_2340 : i32 to index
    %get3A_2342 = arith.constant 192 : index
    %get3A_2343 = tpu.vector_load %arg6[%get3A_2341, %get3A_2342] {strides = array<i32>} : memref<16x256xi32, #tpu.memory_space<vmem>>, vector<16xi32>,
    %add3A_2344 = arith.addi %add3A_2339, %get3A_2343 : vector<16xi32>
    %get3A_2345 = arith.constant 12 : i32
    %get3A_2346 = arith.index_cast %get3A_2345 : i32 to index
    %get3A_2347 = arith.constant 192 : index
    %get3A_2348 = tpu.vector_load %arg6[%get3A_2346, %get3A_2347] {strides = array<i32>} : memref<16x256xi32, #tpu.memory_space<vmem>>, vector<16xi32>,
    %add3A_2349 = arith.addi %add3A_2344, %get3A_2348 : vector<16xi32>
    %get3A_2350 = arith.constant 13 : i32
    %get3A_2351 = arith.index_cast %get3A_2350 : i32 to index
    %get3A_2352 = arith.constant 192 : index
    %get3A_2353 = tpu.vector_load %arg6[%get3A_2351, %get3A_2352] {strides = array<i32>} : memref<16x256xi32, #tpu.memory_space<vmem>>, vector<16xi32>,
    %add3A_2354 = arith.addi %add3A_2349, %get3A_2353 : vector<16xi32>
    %get3A_2355 = arith.constant 14 : i32
    %get3A_2356 = arith.index_cast %get3A_2355 : i32 to index
    %get3A_2357 = arith.constant 192 : index
    %get3A_2358 = tpu.vector_load %arg6[%get3A_2356, %get3A_2357] {strides = array<i32>} : memref<16x256xi32, #tpu.memory_space<vmem>>, vector<16xi32>,
    %add3A_2359 = arith.addi %add3A_2354, %get3A_2358 : vector<16xi32>
    %get3A_2360 = arith.constant 15 : i32
    %get3A_2361 = arith.index_cast %get3A_2360 : i32 to index
    %get3A_2362 = arith.constant 192 : index
    %get3A_2363 = tpu.vector_load %arg6[%get3A_2361, %get3A_2362] {strides = array<i32>} : memref<16x256xi32, #tpu.memory_space<vmem>>, vector<16xi32>,
    %add3A_2364 = arith.addi %add3A_2359, %get3A_2363 : vector<16xi32>
    %swap3A_2365 = arith.constant 192 : index
    %swap3A_2366 = tpu.vector_load %arg7[%swap3A_2365] {strides = array<i32>} : memref<256xi32, #tpu.memory_space<vmem>>, vector<16xi32>,
    tpu.vector_store %arg7[%swap3A_2365], %add3A_2364 {strides = array<i32>} : memref<256xi32, #tpu.memory_space<vmem>>, vector<16xi32>,
    %get3A_2367 = arith.constant 0 : i32
    %get3A_2368 = arith.index_cast %get3A_2367 : i32 to index
    %get3A_2369 = arith.constant 208 : index
    %get3A_2370 = tpu.vector_load %arg6[%get3A_2368, %get3A_2369] {strides = array<i32>} : memref<16x256xi32, #tpu.memory_space<vmem>>, vector<16xi32>,
    %get3A_2371 = arith.constant 1 : i32
    %get3A_2372 = arith.index_cast %get3A_2371 : i32 to index
    %get3A_2373 = arith.constant 208 : index
    %get3A_2374 = tpu.vector_load %arg6[%get3A_2372, %get3A_2373] {strides = array<i32>} : memref<16x256xi32, #tpu.memory_space<vmem>>, vector<16xi32>,
    %add3A_2375 = arith.addi %get3A_2370, %get3A_2374 : vector<16xi32>
    %get3A_2376 = arith.constant 2 : i32
    %get3A_2377 = arith.index_cast %get3A_2376 : i32 to index
    %get3A_2378 = arith.constant 208 : index
    %get3A_2379 = tpu.vector_load %arg6[%get3A_2377, %get3A_2378] {strides = array<i32>} : memref<16x256xi32, #tpu.memory_space<vmem>>, vector<16xi32>,
    %add3A_2380 = arith.addi %add3A_2375, %get3A_2379 : vector<16xi32>
    %get3A_2381 = arith.constant 3 : i32
    %get3A_2382 = arith.index_cast %get3A_2381 : i32 to index
    %get3A_2383 = arith.constant 208 : index
    %get3A_2384 = tpu.vector_load %arg6[%get3A_2382, %get3A_2383] {strides = array<i32>} : memref<16x256xi32, #tpu.memory_space<vmem>>, vector<16xi32>,
    %add3A_2385 = arith.addi %add3A_2380, %get3A_2384 : vector<16xi32>
    %get3A_2386 = arith.constant 4 : i32
    %get3A_2387 = arith.index_cast %get3A_2386 : i32 to index
    %get3A_2388 = arith.constant 208 : index
    %get3A_2389 = tpu.vector_load %arg6[%get3A_2387, %get3A_2388] {strides = array<i32>} : memref<16x256xi32, #tpu.memory_space<vmem>>, vector<16xi32>,
    %add3A_2390 = arith.addi %add3A_2385, %get3A_2389 : vector<16xi32>
    %get3A_2391 = arith.constant 5 : i32
    %get3A_2392 = arith.index_cast %get3A_2391 : i32 to index
    %get3A_2393 = arith.constant 208 : index
    %get3A_2394 = tpu.vector_load %arg6[%get3A_2392, %get3A_2393] {strides = array<i32>} : memref<16x256xi32, #tpu.memory_space<vmem>>, vector<16xi32>,
    %add3A_2395 = arith.addi %add3A_2390, %get3A_2394 : vector<16xi32>
    %get3A_2396 = arith.constant 6 : i32
    %get3A_2397 = arith.index_cast %get3A_2396 : i32 to index
    %get3A_2398 = arith.constant 208 : index
    %get3A_2399 = tpu.vector_load %arg6[%get3A_2397, %get3A_2398] {strides = array<i32>} : memref<16x256xi32, #tpu.memory_space<vmem>>, vector<16xi32>,
    %add3A_2400 = arith.addi %add3A_2395, %get3A_2399 : vector<16xi32>
    %get3A_2401 = arith.constant 7 : i32
    %get3A_2402 = arith.index_cast %get3A_2401 : i32 to index
    %get3A_2403 = arith.constant 208 : index
    %get3A_2404 = tpu.vector_load %arg6[%get3A_2402, %get3A_2403] {strides = array<i32>} : memref<16x256xi32, #tpu.memory_space<vmem>>, vector<16xi32>,
    %add3A_2405 = arith.addi %add3A_2400, %get3A_2404 : vector<16xi32>
    %get3A_2406 = arith.constant 8 : i32
    %get3A_2407 = arith.index_cast %get3A_2406 : i32 to index
    %get3A_2408 = arith.constant 208 : index
    %get3A_2409 = tpu.vector_load %arg6[%get3A_2407, %get3A_2408] {strides = array<i32>} : memref<16x256xi32, #tpu.memory_space<vmem>>, vector<16xi32>,
    %add3A_2410 = arith.addi %add3A_2405, %get3A_2409 : vector<16xi32>
    %get3A_2411 = arith.constant 9 : i32
    %get3A_2412 = arith.index_cast %get3A_2411 : i32 to index
    %get3A_2413 = arith.constant 208 : index
    %get3A_2414 = tpu.vector_load %arg6[%get3A_2412, %get3A_2413] {strides = array<i32>} : memref<16x256xi32, #tpu.memory_space<vmem>>, vector<16xi32>,
    %add3A_2415 = arith.addi %add3A_2410, %get3A_2414 : vector<16xi32>
    %get3A_2416 = arith.constant 10 : i32
    %get3A_2417 = arith.index_cast %get3A_2416 : i32 to index
    %get3A_2418 = arith.constant 208 : index
    %get3A_2419 = tpu.vector_load %arg6[%get3A_2417, %get3A_2418] {strides = array<i32>} : memref<16x256xi32, #tpu.memory_space<vmem>>, vector<16xi32>,
    %add3A_2420 = arith.addi %add3A_2415, %get3A_2419 : vector<16xi32>
    %get3A_2421 = arith.constant 11 : i32
    %get3A_2422 = arith.index_cast %get3A_2421 : i32 to index
    %get3A_2423 = arith.constant 208 : index
    %get3A_2424 = tpu.vector_load %arg6[%get3A_2422, %get3A_2423] {strides = array<i32>} : memref<16x256xi32, #tpu.memory_space<vmem>>, vector<16xi32>,
    %add3A_2425 = arith.addi %add3A_2420, %get3A_2424 : vector<16xi32>
    %get3A_2426 = arith.constant 12 : i32
    %get3A_2427 = arith.index_cast %get3A_2426 : i32 to index
    %get3A_2428 = arith.constant 208 : index
    %get3A_2429 = tpu.vector_load %arg6[%get3A_2427, %get3A_2428] {strides = array<i32>} : memref<16x256xi32, #tpu.memory_space<vmem>>, vector<16xi32>,
    %add3A_2430 = arith.addi %add3A_2425, %get3A_2429 : vector<16xi32>
    %get3A_2431 = arith.constant 13 : i32
    %get3A_2432 = arith.index_cast %get3A_2431 : i32 to index
    %get3A_2433 = arith.constant 208 : index
    %get3A_2434 = tpu.vector_load %arg6[%get3A_2432, %get3A_2433] {strides = array<i32>} : memref<16x256xi32, #tpu.memory_space<vmem>>, vector<16xi32>,
    %add3A_2435 = arith.addi %add3A_2430, %get3A_2434 : vector<16xi32>
    %get3A_2436 = arith.constant 14 : i32
    %get3A_2437 = arith.index_cast %get3A_2436 : i32 to index
    %get3A_2438 = arith.constant 208 : index
    %get3A_2439 = tpu.vector_load %arg6[%get3A_2437, %get3A_2438] {strides = array<i32>} : memref<16x256xi32, #tpu.memory_space<vmem>>, vector<16xi32>,
    %add3A_2440 = arith.addi %add3A_2435, %get3A_2439 : vector<16xi32>
    %get3A_2441 = arith.constant 15 : i32
    %get3A_2442 = arith.index_cast %get3A_2441 : i32 to index
    %get3A_2443 = arith.constant 208 : index
    %get3A_2444 = tpu.vector_load %arg6[%get3A_2442, %get3A_2443] {strides = array<i32>} : memref<16x256xi32, #tpu.memory_space<vmem>>, vector<16xi32>,
    %add3A_2445 = arith.addi %add3A_2440, %get3A_2444 : vector<16xi32>
    %swap3A_2446 = arith.constant 208 : index
    %swap3A_2447 = tpu.vector_load %arg7[%swap3A_2446] {strides = array<i32>} : memref<256xi32, #tpu.memory_space<vmem>>, vector<16xi32>,
    tpu.vector_store %arg7[%swap3A_2446], %add3A_2445 {strides = array<i32>} : memref<256xi32, #tpu.memory_space<vmem>>, vector<16xi32>,
    %get3A_2448 = arith.constant 0 : i32
    %get3A_2449 = arith.index_cast %get3A_2448 : i32 to index
    %get3A_2450 = arith.constant 224 : index
    %get3A_2451 = tpu.vector_load %arg6[%get3A_2449, %get3A_2450] {strides = array<i32>} : memref<16x256xi32, #tpu.memory_space<vmem>>, vector<16xi32>,
    %get3A_2452 = arith.constant 1 : i32
    %get3A_2453 = arith.index_cast %get3A_2452 : i32 to index
    %get3A_2454 = arith.constant 224 : index
    %get3A_2455 = tpu.vector_load %arg6[%get3A_2453, %get3A_2454] {strides = array<i32>} : memref<16x256xi32, #tpu.memory_space<vmem>>, vector<16xi32>,
    %add3A_2456 = arith.addi %get3A_2451, %get3A_2455 : vector<16xi32>
    %get3A_2457 = arith.constant 2 : i32
    %get3A_2458 = arith.index_cast %get3A_2457 : i32 to index
    %get3A_2459 = arith.constant 224 : index
    %get3A_2460 = tpu.vector_load %arg6[%get3A_2458, %get3A_2459] {strides = array<i32>} : memref<16x256xi32, #tpu.memory_space<vmem>>, vector<16xi32>,
    %add3A_2461 = arith.addi %add3A_2456, %get3A_2460 : vector<16xi32>
    %get3A_2462 = arith.constant 3 : i32
    %get3A_2463 = arith.index_cast %get3A_2462 : i32 to index
    %get3A_2464 = arith.constant 224 : index
    %get3A_2465 = tpu.vector_load %arg6[%get3A_2463, %get3A_2464] {strides = array<i32>} : memref<16x256xi32, #tpu.memory_space<vmem>>, vector<16xi32>,
    %add3A_2466 = arith.addi %add3A_2461, %get3A_2465 : vector<16xi32>
    %get3A_2467 = arith.constant 4 : i32
    %get3A_2468 = arith.index_cast %get3A_2467 : i32 to index
    %get3A_2469 = arith.constant 224 : index
    %get3A_2470 = tpu.vector_load %arg6[%get3A_2468, %get3A_2469] {strides = array<i32>} : memref<16x256xi32, #tpu.memory_space<vmem>>, vector<16xi32>,
    %add3A_2471 = arith.addi %add3A_2466, %get3A_2470 : vector<16xi32>
    %get3A_2472 = arith.constant 5 : i32
    %get3A_2473 = arith.index_cast %get3A_2472 : i32 to index
    %get3A_2474 = arith.constant 224 : index
    %get3A_2475 = tpu.vector_load %arg6[%get3A_2473, %get3A_2474] {strides = array<i32>} : memref<16x256xi32, #tpu.memory_space<vmem>>, vector<16xi32>,
    %add3A_2476 = arith.addi %add3A_2471, %get3A_2475 : vector<16xi32>
    %get3A_2477 = arith.constant 6 : i32
    %get3A_2478 = arith.index_cast %get3A_2477 : i32 to index
    %get3A_2479 = arith.constant 224 : index
    %get3A_2480 = tpu.vector_load %arg6[%get3A_2478, %get3A_2479] {strides = array<i32>} : memref<16x256xi32, #tpu.memory_space<vmem>>, vector<16xi32>,
    %add3A_2481 = arith.addi %add3A_2476, %get3A_2480 : vector<16xi32>
    %get3A_2482 = arith.constant 7 : i32
    %get3A_2483 = arith.index_cast %get3A_2482 : i32 to index
    %get3A_2484 = arith.constant 224 : index
    %get3A_2485 = tpu.vector_load %arg6[%get3A_2483, %get3A_2484] {strides = array<i32>} : memref<16x256xi32, #tpu.memory_space<vmem>>, vector<16xi32>,
    %add3A_2486 = arith.addi %add3A_2481, %get3A_2485 : vector<16xi32>
    %get3A_2487 = arith.constant 8 : i32
    %get3A_2488 = arith.index_cast %get3A_2487 : i32 to index
    %get3A_2489 = arith.constant 224 : index
    %get3A_2490 = tpu.vector_load %arg6[%get3A_2488, %get3A_2489] {strides = array<i32>} : memref<16x256xi32, #tpu.memory_space<vmem>>, vector<16xi32>,
    %add3A_2491 = arith.addi %add3A_2486, %get3A_2490 : vector<16xi32>
    %get3A_2492 = arith.constant 9 : i32
    %get3A_2493 = arith.index_cast %get3A_2492 : i32 to index
    %get3A_2494 = arith.constant 224 : index
    %get3A_2495 = tpu.vector_load %arg6[%get3A_2493, %get3A_2494] {strides = array<i32>} : memref<16x256xi32, #tpu.memory_space<vmem>>, vector<16xi32>,
    %add3A_2496 = arith.addi %add3A_2491, %get3A_2495 : vector<16xi32>
    %get3A_2497 = arith.constant 10 : i32
    %get3A_2498 = arith.index_cast %get3A_2497 : i32 to index
    %get3A_2499 = arith.constant 224 : index
    %get3A_2500 = tpu.vector_load %arg6[%get3A_2498, %get3A_2499] {strides = array<i32>} : memref<16x256xi32, #tpu.memory_space<vmem>>, vector<16xi32>,
    %add3A_2501 = arith.addi %add3A_2496, %get3A_2500 : vector<16xi32>
    %get3A_2502 = arith.constant 11 : i32
    %get3A_2503 = arith.index_cast %get3A_2502 : i32 to index
    %get3A_2504 = arith.constant 224 : index
    %get3A_2505 = tpu.vector_load %arg6[%get3A_2503, %get3A_2504] {strides = array<i32>} : memref<16x256xi32, #tpu.memory_space<vmem>>, vector<16xi32>,
    %add3A_2506 = arith.addi %add3A_2501, %get3A_2505 : vector<16xi32>
    %get3A_2507 = arith.constant 12 : i32
    %get3A_2508 = arith.index_cast %get3A_2507 : i32 to index
    %get3A_2509 = arith.constant 224 : index
    %get3A_2510 = tpu.vector_load %arg6[%get3A_2508, %get3A_2509] {strides = array<i32>} : memref<16x256xi32, #tpu.memory_space<vmem>>, vector<16xi32>,
    %add3A_2511 = arith.addi %add3A_2506, %get3A_2510 : vector<16xi32>
    %get3A_2512 = arith.constant 13 : i32
    %get3A_2513 = arith.index_cast %get3A_2512 : i32 to index
    %get3A_2514 = arith.constant 224 : index
    %get3A_2515 = tpu.vector_load %arg6[%get3A_2513, %get3A_2514] {strides = array<i32>} : memref<16x256xi32, #tpu.memory_space<vmem>>, vector<16xi32>,
    %add3A_2516 = arith.addi %add3A_2511, %get3A_2515 : vector<16xi32>
    %get3A_2517 = arith.constant 14 : i32
    %get3A_2518 = arith.index_cast %get3A_2517 : i32 to index
    %get3A_2519 = arith.constant 224 : index
    %get3A_2520 = tpu.vector_load %arg6[%get3A_2518, %get3A_2519] {strides = array<i32>} : memref<16x256xi32, #tpu.memory_space<vmem>>, vector<16xi32>,
    %add3A_2521 = arith.addi %add3A_2516, %get3A_2520 : vector<16xi32>
    %get3A_2522 = arith.constant 15 : i32
    %get3A_2523 = arith.index_cast %get3A_2522 : i32 to index
    %get3A_2524 = arith.constant 224 : index
    %get3A_2525 = tpu.vector_load %arg6[%get3A_2523, %get3A_2524] {strides = array<i32>} : memref<16x256xi32, #tpu.memory_space<vmem>>, vector<16xi32>,
    %add3A_2526 = arith.addi %add3A_2521, %get3A_2525 : vector<16xi32>
    %swap3A_2527 = arith.constant 224 : index
    %swap3A_2528 = tpu.vector_load %arg7[%swap3A_2527] {strides = array<i32>} : memref<256xi32, #tpu.memory_space<vmem>>, vector<16xi32>,
    tpu.vector_store %arg7[%swap3A_2527], %add3A_2526 {strides = array<i32>} : memref<256xi32, #tpu.memory_space<vmem>>, vector<16xi32>,
    %get3A_2529 = arith.constant 0 : i32
    %get3A_2530 = arith.index_cast %get3A_2529 : i32 to index
    %get3A_2531 = arith.constant 240 : index
    %get3A_2532 = tpu.vector_load %arg6[%get3A_2530, %get3A_2531] {strides = array<i32>} : memref<16x256xi32, #tpu.memory_space<vmem>>, vector<16xi32>,
    %get3A_2533 = arith.constant 1 : i32
    %get3A_2534 = arith.index_cast %get3A_2533 : i32 to index
    %get3A_2535 = arith.constant 240 : index
    %get3A_2536 = tpu.vector_load %arg6[%get3A_2534, %get3A_2535] {strides = array<i32>} : memref<16x256xi32, #tpu.memory_space<vmem>>, vector<16xi32>,
    %add3A_2537 = arith.addi %get3A_2532, %get3A_2536 : vector<16xi32>
    %get3A_2538 = arith.constant 2 : i32
    %get3A_2539 = arith.index_cast %get3A_2538 : i32 to index
    %get3A_2540 = arith.constant 240 : index
    %get3A_2541 = tpu.vector_load %arg6[%get3A_2539, %get3A_2540] {strides = array<i32>} : memref<16x256xi32, #tpu.memory_space<vmem>>, vector<16xi32>,
    %add3A_2542 = arith.addi %add3A_2537, %get3A_2541 : vector<16xi32>
    %get3A_2543 = arith.constant 3 : i32
    %get3A_2544 = arith.index_cast %get3A_2543 : i32 to index
    %get3A_2545 = arith.constant 240 : index
    %get3A_2546 = tpu.vector_load %arg6[%get3A_2544, %get3A_2545] {strides = array<i32>} : memref<16x256xi32, #tpu.memory_space<vmem>>, vector<16xi32>,
    %add3A_2547 = arith.addi %add3A_2542, %get3A_2546 : vector<16xi32>
    %get3A_2548 = arith.constant 4 : i32
    %get3A_2549 = arith.index_cast %get3A_2548 : i32 to index
    %get3A_2550 = arith.constant 240 : index
    %get3A_2551 = tpu.vector_load %arg6[%get3A_2549, %get3A_2550] {strides = array<i32>} : memref<16x256xi32, #tpu.memory_space<vmem>>, vector<16xi32>,
    %add3A_2552 = arith.addi %add3A_2547, %get3A_2551 : vector<16xi32>
    %get3A_2553 = arith.constant 5 : i32
    %get3A_2554 = arith.index_cast %get3A_2553 : i32 to index
    %get3A_2555 = arith.constant 240 : index
    %get3A_2556 = tpu.vector_load %arg6[%get3A_2554, %get3A_2555] {strides = array<i32>} : memref<16x256xi32, #tpu.memory_space<vmem>>, vector<16xi32>,
    %add3A_2557 = arith.addi %add3A_2552, %get3A_2556 : vector<16xi32>
    %get3A_2558 = arith.constant 6 : i32
    %get3A_2559 = arith.index_cast %get3A_2558 : i32 to index
    %get3A_2560 = arith.constant 240 : index
    %get3A_2561 = tpu.vector_load %arg6[%get3A_2559, %get3A_2560] {strides = array<i32>} : memref<16x256xi32, #tpu.memory_space<vmem>>, vector<16xi32>,
    %add3A_2562 = arith.addi %add3A_2557, %get3A_2561 : vector<16xi32>
    %get3A_2563 = arith.constant 7 : i32
    %get3A_2564 = arith.index_cast %get3A_2563 : i32 to index
    %get3A_2565 = arith.constant 240 : index
    %get3A_2566 = tpu.vector_load %arg6[%get3A_2564, %get3A_2565] {strides = array<i32>} : memref<16x256xi32, #tpu.memory_space<vmem>>, vector<16xi32>,
    %add3A_2567 = arith.addi %add3A_2562, %get3A_2566 : vector<16xi32>
    %get3A_2568 = arith.constant 8 : i32
    %get3A_2569 = arith.index_cast %get3A_2568 : i32 to index
    %get3A_2570 = arith.constant 240 : index
    %get3A_2571 = tpu.vector_load %arg6[%get3A_2569, %get3A_2570] {strides = array<i32>} : memref<16x256xi32, #tpu.memory_space<vmem>>, vector<16xi32>,
    %add3A_2572 = arith.addi %add3A_2567, %get3A_2571 : vector<16xi32>
    %get3A_2573 = arith.constant 9 : i32
    %get3A_2574 = arith.index_cast %get3A_2573 : i32 to index
    %get3A_2575 = arith.constant 240 : index
    %get3A_2576 = tpu.vector_load %arg6[%get3A_2574, %get3A_2575] {strides = array<i32>} : memref<16x256xi32, #tpu.memory_space<vmem>>, vector<16xi32>,
    %add3A_2577 = arith.addi %add3A_2572, %get3A_2576 : vector<16xi32>
    %get3A_2578 = arith.constant 10 : i32
    %get3A_2579 = arith.index_cast %get3A_2578 : i32 to index
    %get3A_2580 = arith.constant 240 : index
    %get3A_2581 = tpu.vector_load %arg6[%get3A_2579, %get3A_2580] {strides = array<i32>} : memref<16x256xi32, #tpu.memory_space<vmem>>, vector<16xi32>,
    %add3A_2582 = arith.addi %add3A_2577, %get3A_2581 : vector<16xi32>
    %get3A_2583 = arith.constant 11 : i32
    %get3A_2584 = arith.index_cast %get3A_2583 : i32 to index
    %get3A_2585 = arith.constant 240 : index
    %get3A_2586 = tpu.vector_load %arg6[%get3A_2584, %get3A_2585] {strides = array<i32>} : memref<16x256xi32, #tpu.memory_space<vmem>>, vector<16xi32>,
    %add3A_2587 = arith.addi %add3A_2582, %get3A_2586 : vector<16xi32>
    %get3A_2588 = arith.constant 12 : i32
    %get3A_2589 = arith.index_cast %get3A_2588 : i32 to index
    %get3A_2590 = arith.constant 240 : index
    %get3A_2591 = tpu.vector_load %arg6[%get3A_2589, %get3A_2590] {strides = array<i32>} : memref<16x256xi32, #tpu.memory_space<vmem>>, vector<16xi32>,
    %add3A_2592 = arith.addi %add3A_2587, %get3A_2591 : vector<16xi32>
    %get3A_2593 = arith.constant 13 : i32
    %get3A_2594 = arith.index_cast %get3A_2593 : i32 to index
    %get3A_2595 = arith.constant 240 : index
    %get3A_2596 = tpu.vector_load %arg6[%get3A_2594, %get3A_2595] {strides = array<i32>} : memref<16x256xi32, #tpu.memory_space<vmem>>, vector<16xi32>,
    %add3A_2597 = arith.addi %add3A_2592, %get3A_2596 : vector<16xi32>
    %get3A_2598 = arith.constant 14 : i32
    %get3A_2599 = arith.index_cast %get3A_2598 : i32 to index
    %get3A_2600 = arith.constant 240 : index
    %get3A_2601 = tpu.vector_load %arg6[%get3A_2599, %get3A_2600] {strides = array<i32>} : memref<16x256xi32, #tpu.memory_space<vmem>>, vector<16xi32>,
    %add3A_2602 = arith.addi %add3A_2597, %get3A_2601 : vector<16xi32>
    %get3A_2603 = arith.constant 15 : i32
    %get3A_2604 = arith.index_cast %get3A_2603 : i32 to index
    %get3A_2605 = arith.constant 240 : index
    %get3A_2606 = tpu.vector_load %arg6[%get3A_2604, %get3A_2605] {strides = array<i32>} : memref<16x256xi32, #tpu.memory_space<vmem>>, vector<16xi32>,
    %add3A_2607 = arith.addi %add3A_2602, %get3A_2606 : vector<16xi32>
    %swap3A_2608 = arith.constant 240 : index
    %swap3A_2609 = tpu.vector_load %arg7[%swap3A_2608] {strides = array<i32>} : memref<256xi32, #tpu.memory_space<vmem>>, vector<16xi32>,
    tpu.vector_store %arg7[%swap3A_2608], %add3A_2607 {strides = array<i32>} : memref<256xi32, #tpu.memory_space<vmem>>, vector<16xi32>,
    "tpu.region"() ({
      %run_scoped3A = tpu.sem_alloc : memref<!tpu.dma_semaphore, #tpu.memory_space<semaphore_mem>>
      %dma_start3A = tpu.memref_slice %arg3[%mul3A_1314] : memref<4096xi32, #tpu.memory_space<hbm>> -> memref<256xi32, #tpu.memory_space<hbm>>
      %dma_start3A_2610 = tpu.memref_slice %arg3[%mul3A_1314] : memref<4096xi32, #tpu.memory_space<hbm>> -> memref<256xi32, #tpu.memory_space<hbm>>
      tpu.enqueue_dma source(%arg7 : memref<256xi32, #tpu.memory_space<vmem>>) target(%dma_start3A_2610 : memref<256xi32, #tpu.memory_space<hbm>>) target_semaphore(%run_scoped3A : memref<!tpu.dma_semaphore, #tpu.memory_space<semaphore_mem>>)
      %dma_wait3A = tpu.memref_slice %arg3[%mul3A_1314] : memref<4096xi32, #tpu.memory_space<hbm>> -> memref<256xi32, #tpu.memory_space<hbm>>
      %dma_wait3A_2611 = tpu.memref_slice %arg3[%mul3A_1314] : memref<4096xi32, #tpu.memory_space<hbm>> -> memref<256xi32, #tpu.memory_space<hbm>>
      tpu.wait_dma2 semaphore(%run_scoped3A : memref<!tpu.dma_semaphore, #tpu.memory_space<semaphore_mem>>) src(%arg7 : memref<256xi32, #tpu.memory_space<vmem>>) dst(%dma_wait3A_2611 : memref<256xi32, #tpu.memory_space<hbm>>)
      tpu.yield
    }) : () -> ()
    return
  }
}

module attributes {stable_mosaic.version = 14 : i64} {
  func.func @_hash_body(%arg0: memref<4096xf32, #tpu.memory_space<vmem>>, %arg1: memref<4096xf32, #tpu.memory_space<vmem>>, %arg2: memref<4096xi32, #tpu.memory_space<vmem>>) attributes {dimension_semantics = [], scalar_prefetch = 0 : i64, scratch_operands = 0 : i64, tpu.core_type = #tpu.core_type<tc>} {
    %get3A = arith.constant 0 : index
    %get3A_0 = vector.load %arg0[%get3A] : memref<4096xf32, #tpu.memory_space<vmem>>, vector<4096xf32>
    %jit3A = arith.constant 0.000000e+00 : f32
    %jit3A_1 = arith.constant 1.000000e+01 : f32
    %max3A = vector.broadcast %jit3A : f32 to vector<4096xf32>
    %max3A_2 = arith.maximumf %max3A, %get3A_0 : vector<4096xf32>
    %min3A = vector.broadcast %jit3A_1 : f32 to vector<4096xf32>
    %min3A_3 = arith.minimumf %min3A, %max3A_2 : vector<4096xf32>
    %div3A = arith.constant 1.000000e+01 : f32
    %div3A_4 = vector.broadcast %div3A : f32 to vector<4096xf32>
    %div3A_5 = arith.divf %min3A_3, %div3A_4 : vector<4096xf32>
    %mul3A = arith.constant 6.400000e+01 : f32
    %mul3A_6 = vector.broadcast %mul3A : f32 to vector<4096xf32>
    %mul3A_7 = arith.mulf %div3A_5, %mul3A_6 : vector<4096xf32>
    %floor3A = math.floor %mul3A_7 : vector<4096xf32>
    %convert_element_type3A = arith.fptosi %floor3A : vector<4096xf32> to vector<4096xi32>
    %jit3A_8 = arith.constant 0 : i32
    %jit3A_9 = arith.constant 63 : i32
    %max3A_10 = vector.broadcast %jit3A_8 : i32 to vector<4096xi32>
    %max3A_11 = arith.maxsi %max3A_10, %convert_element_type3A : vector<4096xi32>
    %min3A_12 = vector.broadcast %jit3A_9 : i32 to vector<4096xi32>
    %min3A_13 = arith.minsi %min3A_12, %max3A_11 : vector<4096xi32>
    %get3A_14 = arith.constant 0 : index
    %get3A_15 = vector.load %arg1[%get3A_14] : memref<4096xf32, #tpu.memory_space<vmem>>, vector<4096xf32>
    %jit3A_16 = arith.constant 6.28318548 : f32
    %rem3A = vector.broadcast %jit3A_16 : f32 to vector<4096xf32>
    %rem3A_17 = arith.remf %get3A_15, %rem3A : vector<4096xf32>
    %ne3A = arith.constant 0.000000e+00 : f32
    %ne3A_18 = vector.broadcast %ne3A : f32 to vector<4096xf32>
    %ne3A_19 = arith.cmpf one, %rem3A_17, %ne3A_18 : vector<4096xf32>
    %lt3A = arith.constant 0.000000e+00 : f32
    %lt3A_20 = vector.broadcast %lt3A : f32 to vector<4096xf32>
    %lt3A_21 = arith.cmpf olt, %rem3A_17, %lt3A_20 : vector<4096xf32>
    %lt3A_22 = arith.constant 0.000000e+00 : f32
    %lt3A_23 = arith.cmpf olt, %jit3A_16, %lt3A_22 : f32
    %ne3A_24 = vector.broadcast %lt3A_23 : i1 to vector<4096xi1>
    %ne3A_25 = vector.broadcast %ne3A_24 : vector<4096xi1> to vector<4096xi1>
    %ne3A_26 = arith.xori %lt3A_21, %ne3A_25 : vector<4096xi1>
    %and3A = arith.andi %ne3A_26, %ne3A_19 : vector<4096xi1>
    %add3A = vector.broadcast %jit3A_16 : f32 to vector<4096xf32>
    %add3A_27 = arith.addf %rem3A_17, %add3A : vector<4096xf32>
    %select_n3A = arith.select %and3A, %add3A_27, %rem3A_17 : vector<4096xi1>, vector<4096xf32>
    %div3A_28 = arith.constant 6.28318548 : f32
    %div3A_29 = vector.broadcast %div3A_28 : f32 to vector<4096xf32>
    %div3A_30 = arith.divf %select_n3A, %div3A_29 : vector<4096xf32>
    %mul3A_31 = arith.constant 6.400000e+01 : f32
    %mul3A_32 = vector.broadcast %mul3A_31 : f32 to vector<4096xf32>
    %mul3A_33 = arith.mulf %div3A_30, %mul3A_32 : vector<4096xf32>
    %floor3A_34 = math.floor %mul3A_33 : vector<4096xf32>
    %convert_element_type3A_35 = arith.fptosi %floor3A_34 : vector<4096xf32> to vector<4096xi32>
    %jit3A_36 = arith.constant 0 : i32
    %jit3A_37 = arith.constant 63 : i32
    %max3A_38 = vector.broadcast %jit3A_36 : i32 to vector<4096xi32>
    %max3A_39 = arith.maxsi %max3A_38, %convert_element_type3A_35 : vector<4096xi32>
    %min3A_40 = vector.broadcast %jit3A_37 : i32 to vector<4096xi32>
    %min3A_41 = arith.minsi %min3A_40, %max3A_39 : vector<4096xi32>
    %mul3A_42 = arith.constant 64 : i32
    %mul3A_43 = vector.broadcast %mul3A_42 : i32 to vector<4096xi32>
    %mul3A_44 = arith.muli %min3A_13, %mul3A_43 : vector<4096xi32>
    %add3A_45 = arith.addi %mul3A_44, %min3A_41 : vector<4096xi32>
    %swap3A = arith.constant 0 : index
    %swap3A_46 = vector.load %arg2[%swap3A] : memref<4096xi32, #tpu.memory_space<vmem>>, vector<4096xi32>
    tpu.vector_store %arg2[%swap3A], %add3A_45 {strides = array<i32>} : memref<4096xi32, #tpu.memory_space<vmem>>, vector<4096xi32>,
    return
  }
}

module attributes {stable_mosaic.version = 14 : i64} {
  func.func @_tc_body(%arg0: i32, %arg1: memref<4096xf32, #tpu.memory_space<vmem>>, %arg2: memref<4096xf32, #tpu.memory_space<vmem>>, %arg3: memref<4096xf32, #tpu.memory_space<vmem>>, %arg4: memref<4096xf32, #tpu.memory_space<vmem>>, %arg5: memref<4096xf32, #tpu.memory_space<vmem>>, %arg6: memref<1024x1xf32, #tpu.memory_space<vmem>>, %arg7: memref<1024x1xf32, #tpu.memory_space<vmem>>, %arg8: memref<1024x1xf32, #tpu.memory_space<vmem>>, %arg9: memref<1024x1xf32, #tpu.memory_space<vmem>>, %arg10: memref<1024x1xf32, #tpu.memory_space<vmem>>, %arg11: memref<1024x1xf32, #tpu.memory_space<vmem>>, %arg12: memref<1024x1xf32, #tpu.memory_space<vmem>>, %arg13: memref<1x4096xf32, #tpu.memory_space<vmem>>, %arg14: memref<1x4096xf32, #tpu.memory_space<vmem>>, %arg15: memref<1x4096xf32, #tpu.memory_space<vmem>>, %arg16: memref<1x4096xf32, #tpu.memory_space<vmem>>) attributes {dimension_semantics = [#tpu.dimension_semantics<arbitrary>], iteration_bounds = array<i64: 4>, scalar_prefetch = 0 : i64, scratch_operands = 2 : i64, tpu.core_type = #tpu.core_type<tc>, window_params = [{pipeline_mode = #tpu.pipeline_mode<synchronous>, transform_indices = @transform_0, window_bounds = array<i64: 4096>}, {pipeline_mode = #tpu.pipeline_mode<synchronous>, transform_indices = @transform_1, window_bounds = array<i64: 4096>}, {pipeline_mode = #tpu.pipeline_mode<synchronous>, transform_indices = @transform_2, window_bounds = array<i64: 4096>}, {pipeline_mode = #tpu.pipeline_mode<synchronous>, transform_indices = @transform_3, window_bounds = array<i64: 4096>}, {pipeline_mode = #tpu.pipeline_mode<synchronous>, transform_indices = @transform_4, window_bounds = array<i64: 4096>}, {transform_indices = @transform_5, window_bounds = array<i64: 1024, 1>}, {transform_indices = @transform_6, window_bounds = array<i64: 1024, 1>}, {transform_indices = @transform_7, window_bounds = array<i64: 1024, 1>}, {transform_indices = @transform_8, window_bounds = array<i64: 1024, 1>}, {transform_indices = @transform_9, window_bounds = array<i64: 1024, 1>}, {transform_indices = @transform_10, window_bounds = array<i64: 1024, 1>}, {transform_indices = @transform_11, window_bounds = array<i64: 1024, 1>}, {pipeline_mode = #tpu.pipeline_mode<synchronous>, transform_indices = @transform_12, window_bounds = array<i64: 1, 4096>}, {pipeline_mode = #tpu.pipeline_mode<synchronous>, transform_indices = @transform_13, window_bounds = array<i64: 1, 4096>}]} {
    %get3A = arith.constant 0 : index
    %get3A_0 = arith.constant 0 : index
    %get3A_1 = vector.load %arg6[%get3A, %get3A_0] : memref<1024x1xf32, #tpu.memory_space<vmem>>, vector<1024x1xf32>
    %get3A_2 = arith.constant 0 : index
    %get3A_3 = arith.constant 0 : index
    %get3A_4 = vector.load %arg7[%get3A_2, %get3A_3] : memref<1024x1xf32, #tpu.memory_space<vmem>>, vector<1024x1xf32>
    %get3A_5 = arith.constant 0 : index
    %get3A_6 = arith.constant 0 : index
    %get3A_7 = vector.load %arg8[%get3A_5, %get3A_6] : memref<1024x1xf32, #tpu.memory_space<vmem>>, vector<1024x1xf32>
    %get3A_8 = arith.constant 0 : index
    %get3A_9 = arith.constant 0 : index
    %get3A_10 = vector.load %arg10[%get3A_8, %get3A_9] : memref<1024x1xf32, #tpu.memory_space<vmem>>, vector<1024x1xf32>
    %mul3A = arith.mulf %get3A_7, %get3A_10 : vector<1024x1xf32>
    %get3A_11 = arith.constant 0 : index
    %get3A_12 = arith.constant 0 : index
    %get3A_13 = vector.load %arg9[%get3A_11, %get3A_12] : memref<1024x1xf32, #tpu.memory_space<vmem>>, vector<1024x1xf32>
    %eq3A = arith.constant 0 : i32
    %eq3A_14 = arith.cmpi eq, %arg0, %eq3A : i32
    %convert_element_type3A = arith.extui %eq3A_14 : i1 to i32
    %cond3A = arith.constant 0 : i32
    %cond3A_15 = arith.cmpi ne, %convert_element_type3A, %cond3A : i32
    scf.if %cond3A_15 {
      %broadcast_in_dim3A = arith.constant 0.000000e+00 : f32
      %broadcast_in_dim3A_32 = vector.broadcast %broadcast_in_dim3A : f32 to vector<1x4096xf32>
      %swap3A = arith.constant 0 : index
      %swap3A_33 = arith.constant 0 : index
      %swap3A_34 = vector.load %arg15[%swap3A, %swap3A_33] : memref<1x4096xf32, #tpu.memory_space<vmem>>, vector<1x4096xf32>
      tpu.vector_store %arg15[%swap3A, %swap3A_33], %broadcast_in_dim3A_32 {strides = array<i32>} : memref<1x4096xf32, #tpu.memory_space<vmem>>, vector<1x4096xf32>,
      %broadcast_in_dim3A_35 = arith.constant 0.000000e+00 : f32
      %broadcast_in_dim3A_36 = vector.broadcast %broadcast_in_dim3A_35 : f32 to vector<1x4096xf32>
      %swap3A_37 = arith.constant 0 : index
      %swap3A_38 = arith.constant 0 : index
      %swap3A_39 = vector.load %arg16[%swap3A_37, %swap3A_38] : memref<1x4096xf32, #tpu.memory_space<vmem>>, vector<1x4096xf32>
      tpu.vector_store %arg16[%swap3A_37, %swap3A_38], %broadcast_in_dim3A_36 {strides = array<i32>} : memref<1x4096xf32, #tpu.memory_space<vmem>>, vector<1x4096xf32>,
    } else {
    }
    %while3A = arith.constant 4 : i32
    %while3A_16 = arith.constant 0 : i32
    %while3A_17 = arith.subi %while3A, %arg0 : i32
    %while3A_18 = arith.addi %arg0, %while3A_17 : i32
    %while3A_19 = arith.constant 1 : i32
    %while3A_20 = arith.divsi %while3A_17, %while3A_19 : i32
    %while3A_21 = arith.muli %while3A_20, %while3A_19 : i32
    %while3A_22 = arith.addi %arg0, %while3A_21 : i32
    %while3A_23 = arith.constant 1 : i32
    %while3A_24 = scf.for %while3A_32 = %arg0 to %while3A_22 step %while3A_23 iter_args(%while3A_33 = %while3A_16) -> (i32)  : i32 {
      %mul3A_34 = arith.constant 1024 : i32
      %mul3A_35 = arith.muli %while3A_32, %mul3A_34 : i32
      %get3A_36 = arith.index_cast %mul3A_35 : i32 to index
      %get3A_37 = vector.load %arg1[%get3A_36] : memref<4096xf32, #tpu.memory_space<vmem>>, vector<1024xf32>
      %get3A_38 = arith.index_cast %mul3A_35 : i32 to index
      %get3A_39 = vector.load %arg2[%get3A_38] : memref<4096xf32, #tpu.memory_space<vmem>>, vector<1024xf32>
      %get3A_40 = arith.index_cast %mul3A_35 : i32 to index
      %get3A_41 = vector.load %arg3[%get3A_40] : memref<4096xf32, #tpu.memory_space<vmem>>, vector<1024xf32>
      %get3A_42 = arith.index_cast %mul3A_35 : i32 to index
      %get3A_43 = vector.load %arg4[%get3A_42] : memref<4096xf32, #tpu.memory_space<vmem>>, vector<1024xf32>
      %mul3A_44 = arith.mulf %get3A_41, %get3A_43 : vector<1024xf32>
      %broadcast_in_dim3A = vector.shape_cast %get3A_37 : vector<1024xf32> to vector<1x1024xf32>
      %sub3A = vector.broadcast %broadcast_in_dim3A : vector<1x1024xf32> to vector<1024x1024xf32>
      %sub3A_45 = vector.broadcast %get3A_1 : vector<1024x1xf32> to vector<1024x1024xf32>
      %sub3A_46 = arith.subf %sub3A, %sub3A_45 : vector<1024x1024xf32>
      %broadcast_in_dim3A_47 = vector.shape_cast %get3A_39 : vector<1024xf32> to vector<1x1024xf32>
      %sub3A_48 = vector.broadcast %broadcast_in_dim3A_47 : vector<1x1024xf32> to vector<1024x1024xf32>
      %sub3A_49 = vector.broadcast %get3A_4 : vector<1024x1xf32> to vector<1024x1024xf32>
      %sub3A_50 = arith.subf %sub3A_48, %sub3A_49 : vector<1024x1024xf32>
      %lt3A = arith.constant -3.14159274 : f32
      %lt3A_51 = vector.broadcast %lt3A : f32 to vector<1024x1024xf32>
      %lt3A_52 = arith.cmpf olt, %sub3A_50, %lt3A_51 : vector<1024x1024xf32>
      %add3A = arith.constant 6.28318548 : f32
      %add3A_53 = vector.broadcast %add3A : f32 to vector<1024x1024xf32>
      %add3A_54 = arith.addf %sub3A_50, %add3A_53 : vector<1024x1024xf32>
      %ge3A = arith.constant 3.14159274 : f32
      %ge3A_55 = vector.broadcast %ge3A : f32 to vector<1024x1024xf32>
      %ge3A_56 = arith.cmpf oge, %sub3A_50, %ge3A_55 : vector<1024x1024xf32>
      %sub3A_57 = arith.constant 6.28318548 : f32
      %sub3A_58 = vector.broadcast %sub3A_57 : f32 to vector<1024x1024xf32>
      %sub3A_59 = arith.subf %sub3A_50, %sub3A_58 : vector<1024x1024xf32>
      %select_n3A = arith.select %ge3A_56, %sub3A_59, %sub3A_50 : vector<1024x1024xi1>, vector<1024x1024xf32>
      %select_n3A_60 = arith.select %lt3A_52, %add3A_54, %select_n3A : vector<1024x1024xi1>, vector<1024x1024xf32>
      %abs3A = math.absf %sub3A_46 : vector<1024x1024xf32>
      %add3A_61 = arith.constant 9.99999996E-13 : f32
      %add3A_62 = vector.broadcast %add3A_61 : f32 to vector<1024x1024xf32>
      %add3A_63 = arith.addf %abs3A, %add3A_62 : vector<1024x1024xf32>
      %abs3A_64 = math.absf %select_n3A_60 : vector<1024x1024xf32>
      %add3A_65 = arith.constant 9.99999996E-13 : f32
      %add3A_66 = vector.broadcast %add3A_65 : f32 to vector<1024x1024xf32>
      %add3A_67 = arith.addf %abs3A_64, %add3A_66 : vector<1024x1024xf32>
      %log3A = math.log %add3A_63 : vector<1024x1024xf32>
      %log3A_68 = arith.constant 2.000000e+00 : f32
      %log3A_69 = math.log %log3A_68 : f32
      %div3A = vector.broadcast %log3A_69 : f32 to vector<1024x1024xf32>
      %div3A_70 = arith.divf %log3A, %div3A : vector<1024x1024xf32>
      %mul3A_71 = arith.constant 1.61803401 : f32
      %mul3A_72 = vector.broadcast %mul3A_71 : f32 to vector<1024x1024xf32>
      %mul3A_73 = arith.mulf %div3A_70, %mul3A_72 : vector<1024x1024xf32>
      %exp23A = math.exp2 %mul3A_73 : vector<1024x1024xf32>
      %log3A_74 = math.log %add3A_67 : vector<1024x1024xf32>
      %log3A_75 = arith.constant 2.000000e+00 : f32
      %log3A_76 = math.log %log3A_75 : f32
      %div3A_77 = vector.broadcast %log3A_76 : f32 to vector<1024x1024xf32>
      %div3A_78 = arith.divf %log3A_74, %div3A_77 : vector<1024x1024xf32>
      %mul3A_79 = arith.constant 1.61803401 : f32
      %mul3A_80 = vector.broadcast %mul3A_79 : f32 to vector<1024x1024xf32>
      %mul3A_81 = arith.mulf %div3A_78, %mul3A_80 : vector<1024x1024xf32>
      %exp23A_82 = math.exp2 %mul3A_81 : vector<1024x1024xf32>
      %add3A_83 = arith.addf %exp23A, %exp23A_82 : vector<1024x1024xf32>
      %log3A_84 = math.log %add3A_83 : vector<1024x1024xf32>
      %log3A_85 = arith.constant 2.000000e+00 : f32
      %log3A_86 = math.log %log3A_85 : f32
      %div3A_87 = vector.broadcast %log3A_86 : f32 to vector<1024x1024xf32>
      %div3A_88 = arith.divf %log3A_84, %div3A_87 : vector<1024x1024xf32>
      %mul3A_89 = arith.constant 6.180340e-01 : f32
      %mul3A_90 = vector.broadcast %mul3A_89 : f32 to vector<1024x1024xf32>
      %mul3A_91 = arith.mulf %div3A_88, %mul3A_90 : vector<1024x1024xf32>
      %exp23A_92 = math.exp2 %mul3A_91 : vector<1024x1024xf32>
      %mul3A_93 = arith.mulf %add3A_83, %exp23A_92 : vector<1024x1024xf32>
      %mul3A_94 = arith.mulf %mul3A_93, %exp23A_92 : vector<1024x1024xf32>
      %mul3A_95 = arith.constant 1.000000e-10 : f32
      %mul3A_96 = vector.broadcast %mul3A_95 : f32 to vector<1024x1024xf32>
      %mul3A_97 = arith.mulf %mul3A_96, %exp23A_92 : vector<1024x1024xf32>
      %broadcast_in_dim3A_98 = vector.shape_cast %mul3A_44 : vector<1024xf32> to vector<1x1024xf32>
      %mul3A_99 = vector.broadcast %mul3A : vector<1024x1xf32> to vector<1024x1024xf32>
      %mul3A_100 = vector.broadcast %broadcast_in_dim3A_98 : vector<1x1024xf32> to vector<1024x1024xf32>
      %mul3A_101 = arith.mulf %mul3A_99, %mul3A_100 : vector<1024x1024xf32>
      %eq3A_102 = arith.cmpi eq, %while3A_32, %arg0 : i32
      %convert_element_type3A_103 = arith.extui %eq3A_102 : i1 to i32
      %cond3A_104 = arith.constant 0 : i32
      %cond3A_105 = arith.cmpi ne, %convert_element_type3A_103, %cond3A_104 : i32
      scf.if %cond3A_105 {
        %mul3A_110 = vector.broadcast %get3A_13 : vector<1024x1xf32> to vector<1024x1024xf32>
        %mul3A_111 = arith.mulf %mul3A_94, %mul3A_110 : vector<1024x1024xf32>
        %add3A_112 = arith.addf %mul3A_111, %mul3A_97 : vector<1024x1024xf32>
        %div3A_113 = arith.divf %mul3A_101, %add3A_112 : vector<1024x1024xf32>
        %mul3A_114 = arith.mulf %div3A_113, %sub3A_46 : vector<1024x1024xf32>
        %reduce_sum3A = arith.constant dense<0.000000e+00> : vector<1024xf32>
        %reduce_sum3A_115 = vector.multi_reduction <add>, %mul3A_114, %reduce_sum3A [1] : vector<1024x1024xf32> to vector<1024xf32>
        %broadcast_in_dim3A_116 = vector.shape_cast %reduce_sum3A_115 : vector<1024xf32> to vector<1024x1xf32>
        %swap3A = arith.constant 0 : index
        %swap3A_117 = arith.constant 0 : index
        %swap3A_118 = vector.load %arg11[%swap3A, %swap3A_117] : memref<1024x1xf32, #tpu.memory_space<vmem>>, vector<1024x1xf32>
        tpu.vector_store %arg11[%swap3A, %swap3A_117], %broadcast_in_dim3A_116 {strides = array<i32>} : memref<1024x1xf32, #tpu.memory_space<vmem>>, vector<1024x1xf32>,
        %mul3A_119 = arith.mulf %div3A_113, %select_n3A_60 : vector<1024x1024xf32>
        %reduce_sum3A_120 = arith.constant dense<0.000000e+00> : vector<1024xf32>
        %reduce_sum3A_121 = vector.multi_reduction <add>, %mul3A_119, %reduce_sum3A_120 [1] : vector<1024x1024xf32> to vector<1024xf32>
        %broadcast_in_dim3A_122 = vector.shape_cast %reduce_sum3A_121 : vector<1024xf32> to vector<1024x1xf32>
        %swap3A_123 = arith.constant 0 : index
        %swap3A_124 = arith.constant 0 : index
        %swap3A_125 = vector.load %arg12[%swap3A_123, %swap3A_124] : memref<1024x1xf32, #tpu.memory_space<vmem>>, vector<1024x1xf32>
        tpu.vector_store %arg12[%swap3A_123, %swap3A_124], %broadcast_in_dim3A_122 {strides = array<i32>} : memref<1024x1xf32, #tpu.memory_space<vmem>>, vector<1024x1xf32>,
      } else {
      }
      %gt3A = arith.cmpi sgt, %while3A_32, %arg0 : i32
      %convert_element_type3A_106 = arith.extui %gt3A : i1 to i32
      %cond3A_107 = arith.constant 0 : i32
      %cond3A_108 = arith.cmpi ne, %convert_element_type3A_106, %cond3A_107 : i32
      scf.if %cond3A_108 {
        %mul3A_110 = vector.broadcast %get3A_13 : vector<1024x1xf32> to vector<1024x1024xf32>
        %mul3A_111 = arith.mulf %mul3A_94, %mul3A_110 : vector<1024x1024xf32>
        %add3A_112 = arith.addf %mul3A_111, %mul3A_97 : vector<1024x1024xf32>
        %get3A_113 = arith.index_cast %mul3A_35 : i32 to index
        %get3A_114 = vector.load %arg5[%get3A_113] : memref<4096xf32, #tpu.memory_space<vmem>>, vector<1024xf32>
        %broadcast_in_dim3A_115 = vector.shape_cast %get3A_114 : vector<1024xf32> to vector<1x1024xf32>
        %mul3A_116 = vector.broadcast %broadcast_in_dim3A_115 : vector<1x1024xf32> to vector<1024x1024xf32>
        %mul3A_117 = arith.mulf %mul3A_94, %mul3A_116 : vector<1024x1024xf32>
        %add3A_118 = arith.addf %mul3A_117, %mul3A_97 : vector<1024x1024xf32>
        %mul3A_119 = arith.mulf %add3A_112, %add3A_118 : vector<1024x1024xf32>
        %div3A_120 = arith.divf %mul3A_101, %mul3A_119 : vector<1024x1024xf32>
        %mul3A_121 = arith.mulf %div3A_120, %add3A_118 : vector<1024x1024xf32>
        %mul3A_122 = arith.mulf %div3A_120, %add3A_112 : vector<1024x1024xf32>
        %get3A_123 = arith.constant 0 : index
        %get3A_124 = arith.constant 0 : index
        %get3A_125 = vector.load %arg11[%get3A_123, %get3A_124] : memref<1024x1xf32, #tpu.memory_space<vmem>>, vector<1024x1xf32>
        %mul3A_126 = arith.mulf %mul3A_121, %sub3A_46 : vector<1024x1024xf32>
        %reduce_sum3A = arith.constant dense<0.000000e+00> : vector<1024xf32>
        %reduce_sum3A_127 = vector.multi_reduction <add>, %mul3A_126, %reduce_sum3A [1] : vector<1024x1024xf32> to vector<1024xf32>
        %broadcast_in_dim3A_128 = vector.shape_cast %reduce_sum3A_127 : vector<1024xf32> to vector<1024x1xf32>
        %add3A_129 = arith.addf %get3A_125, %broadcast_in_dim3A_128 : vector<1024x1xf32>
        %swap3A = arith.constant 0 : index
        %swap3A_130 = arith.constant 0 : index
        %swap3A_131 = vector.load %arg11[%swap3A, %swap3A_130] : memref<1024x1xf32, #tpu.memory_space<vmem>>, vector<1024x1xf32>
        tpu.vector_store %arg11[%swap3A, %swap3A_130], %add3A_129 {strides = array<i32>} : memref<1024x1xf32, #tpu.memory_space<vmem>>, vector<1024x1xf32>,
        %get3A_132 = arith.constant 0 : index
        %get3A_133 = arith.constant 0 : index
        %get3A_134 = vector.load %arg12[%get3A_132, %get3A_133] : memref<1024x1xf32, #tpu.memory_space<vmem>>, vector<1024x1xf32>
        %mul3A_135 = arith.mulf %mul3A_121, %select_n3A_60 : vector<1024x1024xf32>
        %reduce_sum3A_136 = arith.constant dense<0.000000e+00> : vector<1024xf32>
        %reduce_sum3A_137 = vector.multi_reduction <add>, %mul3A_135, %reduce_sum3A_136 [1] : vector<1024x1024xf32> to vector<1024xf32>
        %broadcast_in_dim3A_138 = vector.shape_cast %reduce_sum3A_137 : vector<1024xf32> to vector<1024x1xf32>
        %add3A_139 = arith.addf %get3A_134, %broadcast_in_dim3A_138 : vector<1024x1xf32>
        %swap3A_140 = arith.constant 0 : index
        %swap3A_141 = arith.constant 0 : index
        %swap3A_142 = vector.load %arg12[%swap3A_140, %swap3A_141] : memref<1024x1xf32, #tpu.memory_space<vmem>>, vector<1024x1xf32>
        tpu.vector_store %arg12[%swap3A_140, %swap3A_141], %add3A_139 {strides = array<i32>} : memref<1024x1xf32, #tpu.memory_space<vmem>>, vector<1024x1xf32>,
        %mul3A_143 = arith.mulf %mul3A_122, %sub3A_46 : vector<1024x1024xf32>
        %reduce_sum3A_144 = arith.constant dense<0.000000e+00> : vector<1024xf32>
        %reduce_sum3A_145 = vector.multi_reduction <add>, %mul3A_143, %reduce_sum3A_144 [0] : vector<1024x1024xf32> to vector<1024xf32>
        %mul3A_146 = arith.mulf %mul3A_122, %select_n3A_60 : vector<1024x1024xf32>
        %reduce_sum3A_147 = arith.constant dense<0.000000e+00> : vector<1024xf32>
        %reduce_sum3A_148 = vector.multi_reduction <add>, %mul3A_146, %reduce_sum3A_147 [0] : vector<1024x1024xf32> to vector<1024xf32>
        %get3A_149 = arith.constant 0 : index
        %get3A_150 = arith.index_cast %mul3A_35 : i32 to index
        %get3A_151 = vector.load %arg15[%get3A_149, %get3A_150] : memref<1x4096xf32, #tpu.memory_space<vmem>>, vector<1x1024xf32>
        %get3A_152 = vector.shape_cast %get3A_151 : vector<1x1024xf32> to vector<1024xf32>
        %sub3A_153 = arith.subf %get3A_152, %reduce_sum3A_145 : vector<1024xf32>
        %swap3A_154 = arith.constant 0 : index
        %swap3A_155 = arith.index_cast %mul3A_35 : i32 to index
        %swap3A_156 = vector.load %arg15[%swap3A_154, %swap3A_155] : memref<1x4096xf32, #tpu.memory_space<vmem>>, vector<1x1024xf32>
        %swap3A_157 = vector.shape_cast %swap3A_156 : vector<1x1024xf32> to vector<1024xf32>
        %swap3A_158 = vector.shape_cast %sub3A_153 : vector<1024xf32> to vector<1x1024xf32>
        tpu.vector_store %arg15[%swap3A_154, %swap3A_155], %swap3A_158 {strides = array<i32>} : memref<1x4096xf32, #tpu.memory_space<vmem>>, vector<1x1024xf32>,
        %get3A_159 = arith.constant 0 : index
        %get3A_160 = arith.index_cast %mul3A_35 : i32 to index
        %get3A_161 = vector.load %arg16[%get3A_159, %get3A_160] : memref<1x4096xf32, #tpu.memory_space<vmem>>, vector<1x1024xf32>
        %get3A_162 = vector.shape_cast %get3A_161 : vector<1x1024xf32> to vector<1024xf32>
        %sub3A_163 = arith.subf %get3A_162, %reduce_sum3A_148 : vector<1024xf32>
        %swap3A_164 = arith.constant 0 : index
        %swap3A_165 = arith.index_cast %mul3A_35 : i32 to index
        %swap3A_166 = vector.load %arg16[%swap3A_164, %swap3A_165] : memref<1x4096xf32, #tpu.memory_space<vmem>>, vector<1x1024xf32>
        %swap3A_167 = vector.shape_cast %swap3A_166 : vector<1x1024xf32> to vector<1024xf32>
        %swap3A_168 = vector.shape_cast %sub3A_163 : vector<1024xf32> to vector<1x1024xf32>
        tpu.vector_store %arg16[%swap3A_164, %swap3A_165], %swap3A_168 {strides = array<i32>} : memref<1x4096xf32, #tpu.memory_space<vmem>>, vector<1x1024xf32>,
      } else {
      }
      %while3A_109 = arith.constant 0 : i32
      scf.yield %while3A_109 : i32
    }
    %while3A_25 = arith.constant 1 : i32
    %while3A_26 = scf.for %while3A_32 = %while3A_22 to %while3A_18 step %while3A_25 iter_args(%while3A_33 = %while3A_24) -> (i32)  : i32 {
      %mul3A_34 = arith.constant 1024 : i32
      %mul3A_35 = arith.muli %while3A_32, %mul3A_34 : i32
      %get3A_36 = arith.index_cast %mul3A_35 : i32 to index
      %get3A_37 = vector.load %arg1[%get3A_36] : memref<4096xf32, #tpu.memory_space<vmem>>, vector<1024xf32>
      %get3A_38 = arith.index_cast %mul3A_35 : i32 to index
      %get3A_39 = vector.load %arg2[%get3A_38] : memref<4096xf32, #tpu.memory_space<vmem>>, vector<1024xf32>
      %get3A_40 = arith.index_cast %mul3A_35 : i32 to index
      %get3A_41 = vector.load %arg3[%get3A_40] : memref<4096xf32, #tpu.memory_space<vmem>>, vector<1024xf32>
      %get3A_42 = arith.index_cast %mul3A_35 : i32 to index
      %get3A_43 = vector.load %arg4[%get3A_42] : memref<4096xf32, #tpu.memory_space<vmem>>, vector<1024xf32>
      %mul3A_44 = arith.mulf %get3A_41, %get3A_43 : vector<1024xf32>
      %broadcast_in_dim3A = vector.shape_cast %get3A_37 : vector<1024xf32> to vector<1x1024xf32>
      %sub3A = vector.broadcast %broadcast_in_dim3A : vector<1x1024xf32> to vector<1024x1024xf32>
      %sub3A_45 = vector.broadcast %get3A_1 : vector<1024x1xf32> to vector<1024x1024xf32>
      %sub3A_46 = arith.subf %sub3A, %sub3A_45 : vector<1024x1024xf32>
      %broadcast_in_dim3A_47 = vector.shape_cast %get3A_39 : vector<1024xf32> to vector<1x1024xf32>
      %sub3A_48 = vector.broadcast %broadcast_in_dim3A_47 : vector<1x1024xf32> to vector<1024x1024xf32>
      %sub3A_49 = vector.broadcast %get3A_4 : vector<1024x1xf32> to vector<1024x1024xf32>
      %sub3A_50 = arith.subf %sub3A_48, %sub3A_49 : vector<1024x1024xf32>
      %lt3A = arith.constant -3.14159274 : f32
      %lt3A_51 = vector.broadcast %lt3A : f32 to vector<1024x1024xf32>
      %lt3A_52 = arith.cmpf olt, %sub3A_50, %lt3A_51 : vector<1024x1024xf32>
      %add3A = arith.constant 6.28318548 : f32
      %add3A_53 = vector.broadcast %add3A : f32 to vector<1024x1024xf32>
      %add3A_54 = arith.addf %sub3A_50, %add3A_53 : vector<1024x1024xf32>
      %ge3A = arith.constant 3.14159274 : f32
      %ge3A_55 = vector.broadcast %ge3A : f32 to vector<1024x1024xf32>
      %ge3A_56 = arith.cmpf oge, %sub3A_50, %ge3A_55 : vector<1024x1024xf32>
      %sub3A_57 = arith.constant 6.28318548 : f32
      %sub3A_58 = vector.broadcast %sub3A_57 : f32 to vector<1024x1024xf32>
      %sub3A_59 = arith.subf %sub3A_50, %sub3A_58 : vector<1024x1024xf32>
      %select_n3A = arith.select %ge3A_56, %sub3A_59, %sub3A_50 : vector<1024x1024xi1>, vector<1024x1024xf32>
      %select_n3A_60 = arith.select %lt3A_52, %add3A_54, %select_n3A : vector<1024x1024xi1>, vector<1024x1024xf32>
      %abs3A = math.absf %sub3A_46 : vector<1024x1024xf32>
      %add3A_61 = arith.constant 9.99999996E-13 : f32
      %add3A_62 = vector.broadcast %add3A_61 : f32 to vector<1024x1024xf32>
      %add3A_63 = arith.addf %abs3A, %add3A_62 : vector<1024x1024xf32>
      %abs3A_64 = math.absf %select_n3A_60 : vector<1024x1024xf32>
      %add3A_65 = arith.constant 9.99999996E-13 : f32
      %add3A_66 = vector.broadcast %add3A_65 : f32 to vector<1024x1024xf32>
      %add3A_67 = arith.addf %abs3A_64, %add3A_66 : vector<1024x1024xf32>
      %log3A = math.log %add3A_63 : vector<1024x1024xf32>
      %log3A_68 = arith.constant 2.000000e+00 : f32
      %log3A_69 = math.log %log3A_68 : f32
      %div3A = vector.broadcast %log3A_69 : f32 to vector<1024x1024xf32>
      %div3A_70 = arith.divf %log3A, %div3A : vector<1024x1024xf32>
      %mul3A_71 = arith.constant 1.61803401 : f32
      %mul3A_72 = vector.broadcast %mul3A_71 : f32 to vector<1024x1024xf32>
      %mul3A_73 = arith.mulf %div3A_70, %mul3A_72 : vector<1024x1024xf32>
      %exp23A = math.exp2 %mul3A_73 : vector<1024x1024xf32>
      %log3A_74 = math.log %add3A_67 : vector<1024x1024xf32>
      %log3A_75 = arith.constant 2.000000e+00 : f32
      %log3A_76 = math.log %log3A_75 : f32
      %div3A_77 = vector.broadcast %log3A_76 : f32 to vector<1024x1024xf32>
      %div3A_78 = arith.divf %log3A_74, %div3A_77 : vector<1024x1024xf32>
      %mul3A_79 = arith.constant 1.61803401 : f32
      %mul3A_80 = vector.broadcast %mul3A_79 : f32 to vector<1024x1024xf32>
      %mul3A_81 = arith.mulf %div3A_78, %mul3A_80 : vector<1024x1024xf32>
      %exp23A_82 = math.exp2 %mul3A_81 : vector<1024x1024xf32>
      %add3A_83 = arith.addf %exp23A, %exp23A_82 : vector<1024x1024xf32>
      %log3A_84 = math.log %add3A_83 : vector<1024x1024xf32>
      %log3A_85 = arith.constant 2.000000e+00 : f32
      %log3A_86 = math.log %log3A_85 : f32
      %div3A_87 = vector.broadcast %log3A_86 : f32 to vector<1024x1024xf32>
      %div3A_88 = arith.divf %log3A_84, %div3A_87 : vector<1024x1024xf32>
      %mul3A_89 = arith.constant 6.180340e-01 : f32
      %mul3A_90 = vector.broadcast %mul3A_89 : f32 to vector<1024x1024xf32>
      %mul3A_91 = arith.mulf %div3A_88, %mul3A_90 : vector<1024x1024xf32>
      %exp23A_92 = math.exp2 %mul3A_91 : vector<1024x1024xf32>
      %mul3A_93 = arith.mulf %add3A_83, %exp23A_92 : vector<1024x1024xf32>
      %mul3A_94 = arith.mulf %mul3A_93, %exp23A_92 : vector<1024x1024xf32>
      %mul3A_95 = arith.constant 1.000000e-10 : f32
      %mul3A_96 = vector.broadcast %mul3A_95 : f32 to vector<1024x1024xf32>
      %mul3A_97 = arith.mulf %mul3A_96, %exp23A_92 : vector<1024x1024xf32>
      %broadcast_in_dim3A_98 = vector.shape_cast %mul3A_44 : vector<1024xf32> to vector<1x1024xf32>
      %mul3A_99 = vector.broadcast %mul3A : vector<1024x1xf32> to vector<1024x1024xf32>
      %mul3A_100 = vector.broadcast %broadcast_in_dim3A_98 : vector<1x1024xf32> to vector<1024x1024xf32>
      %mul3A_101 = arith.mulf %mul3A_99, %mul3A_100 : vector<1024x1024xf32>
      %eq3A_102 = arith.cmpi eq, %while3A_32, %arg0 : i32
      %convert_element_type3A_103 = arith.extui %eq3A_102 : i1 to i32
      %cond3A_104 = arith.constant 0 : i32
      %cond3A_105 = arith.cmpi ne, %convert_element_type3A_103, %cond3A_104 : i32
      scf.if %cond3A_105 {
        %mul3A_110 = vector.broadcast %get3A_13 : vector<1024x1xf32> to vector<1024x1024xf32>
        %mul3A_111 = arith.mulf %mul3A_94, %mul3A_110 : vector<1024x1024xf32>
        %add3A_112 = arith.addf %mul3A_111, %mul3A_97 : vector<1024x1024xf32>
        %div3A_113 = arith.divf %mul3A_101, %add3A_112 : vector<1024x1024xf32>
        %mul3A_114 = arith.mulf %div3A_113, %sub3A_46 : vector<1024x1024xf32>
        %reduce_sum3A = arith.constant dense<0.000000e+00> : vector<1024xf32>
        %reduce_sum3A_115 = vector.multi_reduction <add>, %mul3A_114, %reduce_sum3A [1] : vector<1024x1024xf32> to vector<1024xf32>
        %broadcast_in_dim3A_116 = vector.shape_cast %reduce_sum3A_115 : vector<1024xf32> to vector<1024x1xf32>
        %swap3A = arith.constant 0 : index
        %swap3A_117 = arith.constant 0 : index
        %swap3A_118 = vector.load %arg11[%swap3A, %swap3A_117] : memref<1024x1xf32, #tpu.memory_space<vmem>>, vector<1024x1xf32>
        tpu.vector_store %arg11[%swap3A, %swap3A_117], %broadcast_in_dim3A_116 {strides = array<i32>} : memref<1024x1xf32, #tpu.memory_space<vmem>>, vector<1024x1xf32>,
        %mul3A_119 = arith.mulf %div3A_113, %select_n3A_60 : vector<1024x1024xf32>
        %reduce_sum3A_120 = arith.constant dense<0.000000e+00> : vector<1024xf32>
        %reduce_sum3A_121 = vector.multi_reduction <add>, %mul3A_119, %reduce_sum3A_120 [1] : vector<1024x1024xf32> to vector<1024xf32>
        %broadcast_in_dim3A_122 = vector.shape_cast %reduce_sum3A_121 : vector<1024xf32> to vector<1024x1xf32>
        %swap3A_123 = arith.constant 0 : index
        %swap3A_124 = arith.constant 0 : index
        %swap3A_125 = vector.load %arg12[%swap3A_123, %swap3A_124] : memref<1024x1xf32, #tpu.memory_space<vmem>>, vector<1024x1xf32>
        tpu.vector_store %arg12[%swap3A_123, %swap3A_124], %broadcast_in_dim3A_122 {strides = array<i32>} : memref<1024x1xf32, #tpu.memory_space<vmem>>, vector<1024x1xf32>,
      } else {
      }
      %gt3A = arith.cmpi sgt, %while3A_32, %arg0 : i32
      %convert_element_type3A_106 = arith.extui %gt3A : i1 to i32
      %cond3A_107 = arith.constant 0 : i32
      %cond3A_108 = arith.cmpi ne, %convert_element_type3A_106, %cond3A_107 : i32
      scf.if %cond3A_108 {
        %mul3A_110 = vector.broadcast %get3A_13 : vector<1024x1xf32> to vector<1024x1024xf32>
        %mul3A_111 = arith.mulf %mul3A_94, %mul3A_110 : vector<1024x1024xf32>
        %add3A_112 = arith.addf %mul3A_111, %mul3A_97 : vector<1024x1024xf32>
        %get3A_113 = arith.index_cast %mul3A_35 : i32 to index
        %get3A_114 = vector.load %arg5[%get3A_113] : memref<4096xf32, #tpu.memory_space<vmem>>, vector<1024xf32>
        %broadcast_in_dim3A_115 = vector.shape_cast %get3A_114 : vector<1024xf32> to vector<1x1024xf32>
        %mul3A_116 = vector.broadcast %broadcast_in_dim3A_115 : vector<1x1024xf32> to vector<1024x1024xf32>
        %mul3A_117 = arith.mulf %mul3A_94, %mul3A_116 : vector<1024x1024xf32>
        %add3A_118 = arith.addf %mul3A_117, %mul3A_97 : vector<1024x1024xf32>
        %mul3A_119 = arith.mulf %add3A_112, %add3A_118 : vector<1024x1024xf32>
        %div3A_120 = arith.divf %mul3A_101, %mul3A_119 : vector<1024x1024xf32>
        %mul3A_121 = arith.mulf %div3A_120, %add3A_118 : vector<1024x1024xf32>
        %mul3A_122 = arith.mulf %div3A_120, %add3A_112 : vector<1024x1024xf32>
        %get3A_123 = arith.constant 0 : index
        %get3A_124 = arith.constant 0 : index
        %get3A_125 = vector.load %arg11[%get3A_123, %get3A_124] : memref<1024x1xf32, #tpu.memory_space<vmem>>, vector<1024x1xf32>
        %mul3A_126 = arith.mulf %mul3A_121, %sub3A_46 : vector<1024x1024xf32>
        %reduce_sum3A = arith.constant dense<0.000000e+00> : vector<1024xf32>
        %reduce_sum3A_127 = vector.multi_reduction <add>, %mul3A_126, %reduce_sum3A [1] : vector<1024x1024xf32> to vector<1024xf32>
        %broadcast_in_dim3A_128 = vector.shape_cast %reduce_sum3A_127 : vector<1024xf32> to vector<1024x1xf32>
        %add3A_129 = arith.addf %get3A_125, %broadcast_in_dim3A_128 : vector<1024x1xf32>
        %swap3A = arith.constant 0 : index
        %swap3A_130 = arith.constant 0 : index
        %swap3A_131 = vector.load %arg11[%swap3A, %swap3A_130] : memref<1024x1xf32, #tpu.memory_space<vmem>>, vector<1024x1xf32>
        tpu.vector_store %arg11[%swap3A, %swap3A_130], %add3A_129 {strides = array<i32>} : memref<1024x1xf32, #tpu.memory_space<vmem>>, vector<1024x1xf32>,
        %get3A_132 = arith.constant 0 : index
        %get3A_133 = arith.constant 0 : index
        %get3A_134 = vector.load %arg12[%get3A_132, %get3A_133] : memref<1024x1xf32, #tpu.memory_space<vmem>>, vector<1024x1xf32>
        %mul3A_135 = arith.mulf %mul3A_121, %select_n3A_60 : vector<1024x1024xf32>
        %reduce_sum3A_136 = arith.constant dense<0.000000e+00> : vector<1024xf32>
        %reduce_sum3A_137 = vector.multi_reduction <add>, %mul3A_135, %reduce_sum3A_136 [1] : vector<1024x1024xf32> to vector<1024xf32>
        %broadcast_in_dim3A_138 = vector.shape_cast %reduce_sum3A_137 : vector<1024xf32> to vector<1024x1xf32>
        %add3A_139 = arith.addf %get3A_134, %broadcast_in_dim3A_138 : vector<1024x1xf32>
        %swap3A_140 = arith.constant 0 : index
        %swap3A_141 = arith.constant 0 : index
        %swap3A_142 = vector.load %arg12[%swap3A_140, %swap3A_141] : memref<1024x1xf32, #tpu.memory_space<vmem>>, vector<1024x1xf32>
        tpu.vector_store %arg12[%swap3A_140, %swap3A_141], %add3A_139 {strides = array<i32>} : memref<1024x1xf32, #tpu.memory_space<vmem>>, vector<1024x1xf32>,
        %mul3A_143 = arith.mulf %mul3A_122, %sub3A_46 : vector<1024x1024xf32>
        %reduce_sum3A_144 = arith.constant dense<0.000000e+00> : vector<1024xf32>
        %reduce_sum3A_145 = vector.multi_reduction <add>, %mul3A_143, %reduce_sum3A_144 [0] : vector<1024x1024xf32> to vector<1024xf32>
        %mul3A_146 = arith.mulf %mul3A_122, %select_n3A_60 : vector<1024x1024xf32>
        %reduce_sum3A_147 = arith.constant dense<0.000000e+00> : vector<1024xf32>
        %reduce_sum3A_148 = vector.multi_reduction <add>, %mul3A_146, %reduce_sum3A_147 [0] : vector<1024x1024xf32> to vector<1024xf32>
        %get3A_149 = arith.constant 0 : index
        %get3A_150 = arith.index_cast %mul3A_35 : i32 to index
        %get3A_151 = vector.load %arg15[%get3A_149, %get3A_150] : memref<1x4096xf32, #tpu.memory_space<vmem>>, vector<1x1024xf32>
        %get3A_152 = vector.shape_cast %get3A_151 : vector<1x1024xf32> to vector<1024xf32>
        %sub3A_153 = arith.subf %get3A_152, %reduce_sum3A_145 : vector<1024xf32>
        %swap3A_154 = arith.constant 0 : index
        %swap3A_155 = arith.index_cast %mul3A_35 : i32 to index
        %swap3A_156 = vector.load %arg15[%swap3A_154, %swap3A_155] : memref<1x4096xf32, #tpu.memory_space<vmem>>, vector<1x1024xf32>
        %swap3A_157 = vector.shape_cast %swap3A_156 : vector<1x1024xf32> to vector<1024xf32>
        %swap3A_158 = vector.shape_cast %sub3A_153 : vector<1024xf32> to vector<1x1024xf32>
        tpu.vector_store %arg15[%swap3A_154, %swap3A_155], %swap3A_158 {strides = array<i32>} : memref<1x4096xf32, #tpu.memory_space<vmem>>, vector<1x1024xf32>,
        %get3A_159 = arith.constant 0 : index
        %get3A_160 = arith.index_cast %mul3A_35 : i32 to index
        %get3A_161 = vector.load %arg16[%get3A_159, %get3A_160] : memref<1x4096xf32, #tpu.memory_space<vmem>>, vector<1x1024xf32>
        %get3A_162 = vector.shape_cast %get3A_161 : vector<1x1024xf32> to vector<1024xf32>
        %sub3A_163 = arith.subf %get3A_162, %reduce_sum3A_148 : vector<1024xf32>
        %swap3A_164 = arith.constant 0 : index
        %swap3A_165 = arith.index_cast %mul3A_35 : i32 to index
        %swap3A_166 = vector.load %arg16[%swap3A_164, %swap3A_165] : memref<1x4096xf32, #tpu.memory_space<vmem>>, vector<1x1024xf32>
        %swap3A_167 = vector.shape_cast %swap3A_166 : vector<1x1024xf32> to vector<1024xf32>
        %swap3A_168 = vector.shape_cast %sub3A_163 : vector<1024xf32> to vector<1x1024xf32>
        tpu.vector_store %arg16[%swap3A_164, %swap3A_165], %swap3A_168 {strides = array<i32>} : memref<1x4096xf32, #tpu.memory_space<vmem>>, vector<1x1024xf32>,
      } else {
      }
      %while3A_109 = arith.constant 0 : i32
      scf.yield %while3A_109 : i32
    }
    %eq3A_27 = arith.constant 3 : i32
    %eq3A_28 = arith.cmpi eq, %arg0, %eq3A_27 : i32
    %convert_element_type3A_29 = arith.extui %eq3A_28 : i1 to i32
    %cond3A_30 = arith.constant 0 : i32
    %cond3A_31 = arith.cmpi ne, %convert_element_type3A_29, %cond3A_30 : i32
    scf.if %cond3A_31 {
      %get3A_32 = arith.constant 0 : index
      %get3A_33 = arith.constant 0 : index
      %get3A_34 = vector.load %arg15[%get3A_32, %get3A_33] : memref<1x4096xf32, #tpu.memory_space<vmem>>, vector<1x4096xf32>
      %swap3A = arith.constant 0 : index
      %swap3A_35 = arith.constant 0 : index
      %swap3A_36 = vector.load %arg13[%swap3A, %swap3A_35] : memref<1x4096xf32, #tpu.memory_space<vmem>>, vector<1x4096xf32>
      tpu.vector_store %arg13[%swap3A, %swap3A_35], %get3A_34 {strides = array<i32>} : memref<1x4096xf32, #tpu.memory_space<vmem>>, vector<1x4096xf32>,
      %get3A_37 = arith.constant 0 : index
      %get3A_38 = arith.constant 0 : index
      %get3A_39 = vector.load %arg16[%get3A_37, %get3A_38] : memref<1x4096xf32, #tpu.memory_space<vmem>>, vector<1x4096xf32>
      %swap3A_40 = arith.constant 0 : index
      %swap3A_41 = arith.constant 0 : index
      %swap3A_42 = vector.load %arg14[%swap3A_40, %swap3A_41] : memref<1x4096xf32, #tpu.memory_space<vmem>>, vector<1x4096xf32>
      tpu.vector_store %arg14[%swap3A_40, %swap3A_41], %get3A_39 {strides = array<i32>} : memref<1x4096xf32, #tpu.memory_space<vmem>>, vector<1x4096xf32>,
    } else {
    }
    return
  }
  func.func @transform_0(%arg0: i32) -> i32 {
    %c0_i32 = arith.constant 0 : i32
    %c0_i32_0 = arith.constant 0 : i32
    return %c0_i32 : i32
  }
  func.func @transform_1(%arg0: i32) -> i32 {
    %c0_i32 = arith.constant 0 : i32
    %c0_i32_0 = arith.constant 0 : i32
    return %c0_i32 : i32
  }
  func.func @transform_2(%arg0: i32) -> i32 {
    %c0_i32 = arith.constant 0 : i32
    %c0_i32_0 = arith.constant 0 : i32
    return %c0_i32 : i32
  }
  func.func @transform_3(%arg0: i32) -> i32 {
    %c0_i32 = arith.constant 0 : i32
    %c0_i32_0 = arith.constant 0 : i32
    return %c0_i32 : i32
  }
  func.func @transform_4(%arg0: i32) -> i32 {
    %c0_i32 = arith.constant 0 : i32
    %c0_i32_0 = arith.constant 0 : i32
    return %c0_i32 : i32
  }
  func.func @transform_5(%arg0: i32) -> (i32, i32) {
    %c0_i32 = arith.constant 0 : i32
    %c0_i32_0 = arith.constant 0 : i32
    return %arg0, %c0_i32 : i32, i32
  }
  func.func @transform_6(%arg0: i32) -> (i32, i32) {
    %c0_i32 = arith.constant 0 : i32
    %c0_i32_0 = arith.constant 0 : i32
    return %arg0, %c0_i32 : i32, i32
  }
  func.func @transform_7(%arg0: i32) -> (i32, i32) {
    %c0_i32 = arith.constant 0 : i32
    %c0_i32_0 = arith.constant 0 : i32
    return %arg0, %c0_i32 : i32, i32
  }
  func.func @transform_8(%arg0: i32) -> (i32, i32) {
    %c0_i32 = arith.constant 0 : i32
    %c0_i32_0 = arith.constant 0 : i32
    return %arg0, %c0_i32 : i32, i32
  }
  func.func @transform_9(%arg0: i32) -> (i32, i32) {
    %c0_i32 = arith.constant 0 : i32
    %c0_i32_0 = arith.constant 0 : i32
    return %arg0, %c0_i32 : i32, i32
  }
  func.func @transform_10(%arg0: i32) -> (i32, i32) {
    %c0_i32 = arith.constant 0 : i32
    %c0_i32_0 = arith.constant 0 : i32
    return %arg0, %c0_i32 : i32, i32
  }
  func.func @transform_11(%arg0: i32) -> (i32, i32) {
    %c0_i32 = arith.constant 0 : i32
    %c0_i32_0 = arith.constant 0 : i32
    return %arg0, %c0_i32 : i32, i32
  }
  func.func @transform_12(%arg0: i32) -> (i32, i32) {
    %c0_i32 = arith.constant 0 : i32
    %c0_i32_0 = arith.constant 0 : i32
    %c0_i32_1 = arith.constant 0 : i32
    return %c0_i32, %c0_i32_0 : i32, i32
  }
  func.func @transform_13(%arg0: i32) -> (i32, i32) {
    %c0_i32 = arith.constant 0 : i32
    %c0_i32_0 = arith.constant 0 : i32
    %c0_i32_1 = arith.constant 0 : i32
    return %c0_i32, %c0_i32_0 : i32, i32
  }
}

</mosaic_0001>

<sc_bundles>
// kernel: kernel.5.cloned.1.call-start
scs
__scs_entry_jumppad:
0x0: {  	(pc) =	sbr.rel $0x88, $3  }
0x1: {  	(tag) =	ssettag $0x0;
	lr =	simm.s32 $0x1  }
0x2: {  	[smem:$0x3F9C] =	sst lr;
	_ =	strace $0xD0000000  }
0x3: {  	_ = 	snop  }
0x4: {  	_ = 	snop  }
0x5: {  	_ = 	snop  }
0x6: {  	_ = 	snop  }
0x7: {  	_ = 	snop  }
__scs_overlays_trampoline_lowered:
0x8: {  	[smem:$0x3FAB] =	sst s0  }
0x9: {  	[smem:$0x3FAC] =	sst s1  }
0xa: {  	[smem:$0x3FAD] =	sst s2  }
0xb: {  	[smem:$0x3FAE] =	sst s3  }
0xc: {  	[smem:$0x3FAF] =	sst s4  }
0xd: {  	[smem:$0x3FB0] =	sst s5  }
0xe: {  	[smem:$0x3FB1] =	sst s6  }
0xf: {  	[smem:$0x3FB2] =	sst s7  }
0x10: {  	[smem:$0x3FB3] =	sst s8  }
0x11: {  	[smem:$0x3FB4] =	sst s9;
	s0 =	simm.s32 @!p0 $0x0  }
0x12: {  	s1 =	sld [smem:$0x3F9A];
	s0 =	simm.s32 @p0 $0x1  }
0x13: {  	[smem:$0x3FB5] =	sst s0;
	s0 =	simm.s32 @!p1 $0x0  }
0x14: {  	s2 =	sld [smem:$0x3F99];
	s0 =	simm.s32 @p1 $0x1  }
0x15: {  	[smem:$0x3FB6] =	sst s0;
	s0 =	simm.s32 @!p2 $0x0  }
0x16: {  	s3 =	sld [smem:$0x3FDB];
	s0 =	simm.s32 @p2 $0x1  }
0x17: {  	s4 =	simm.s32 $0x1BF5;
	[smem:$0x3FB8] =	sst s0  }
0x18: {  	s0 =	sld [smem:$0x3F9B];
	_ =	swait.ge [sflag:s4], $0x0  }
0x19: {  	s7 =	sld [smem:$0x3F9C]  }
0x1a: {  	s8 =	sadd.s32 $0xFFFFE003, lr  }
0x1b: {  	s9 =	sadd.s32 $0xFFFFFEF7, lr;
	s5 =	simm.s32 $0xFFFFFFFF;
	p2 =	slt.u32 s8, $0xFFFFF086  }
0x1c: {  	p1 =	slt.u32 s9, $0xF7A;
	s5 =	simm.s32 @!p2 $0x0  }
0x1d: {  	s5 =	simm.s32 @p1 $0x1;
	p0 =	seq.s32 s7, s2  }
0x1e: {  	s7 =	smul.u32 @!p0 $0xF7A, s2;
	p2 =	seq.s32 @!p0 s5, $0x0  }
0x1f: {  	s9 =	smul.u32 $0xF7A, s1;
	s8 =	simm.s32 @!p0 $0x1BF5;
	p2 =	por !p2, p0  }
0x20: {  	[sflag:s8] =	ssyncset.s32 @!p0 $0xFFFFF086;
	s6 =	sadd.s32 @!p0 s3, s7;
	s7 =	simm.s32 @!p0 $0x108  }
0x21: {  	s3 =	sadd.s32 s3, s9;
	s6 =	sadd.s32 @!p0 $0x88, s6;
	s7 =	simm.s32 @p2 $0x1082  }
0x22: {  	[simem:s7], [sflag:s8] =	dma.local @!p0 [hbm:s6], $0xF7A  }
0x23: {  	s9 =	sor.u32 $0xD0000000, s2;
	s6 =	simm.s32 $0x108;
	_ =	swait.ge @!p0 [sflag:s8], $0x0  }
0x24: {  	s3 =	sadd.s32 $0x88, s3;
	s6 =	simm.s32 @!p1 $0x1082;
	[sflag:s4] =	ssyncset.s32 $0xFFFFF086  }
0x25: {  	[simem:s6], [sflag:s4] =	dma.local [hbm:s3], $0xF7A  }
0x26: {  	[smem:$0x3F9C] =	sst s1;
	(tag) =	ssettag s2;
	_ =	strace s9  }
0x27: {  	s1 =	sld [smem:$0x3FAC]  }
0x28: {  	s2 =	sld [smem:$0x3FAD]  }
0x29: {  	s4 =	sld [smem:$0x3FAF]  }
0x2a: {  	p0 =	seq.s32 s5, $0x0;
	s5 =	sld [smem:$0x3FB0]  }
0x2b: {  	s6 =	sld [smem:$0x3FB1]  }
0x2c: {  	s7 =	sld [smem:$0x3FB2]  }
0x2d: {  	s3 =	simm.s32 $0x108;
	s8 =	sld [smem:$0x3FB3]  }
0x2e: {  	s3 =	simm.s32 @!p0 $0x1082;
	s9 =	sld [smem:$0x3FB4]  }
0x2f: {  	lr =	sadd.s32 s0, s3;
	s0 =	sld [smem:$0x3FAB]  }
0x30: {  	s3 =	sld [smem:$0x3FAE]  }
0x31: {  	[smem:$0x3FB7] =	sst s10  }
0x32: {  	s10 =	sld [smem:$0x3FB5];
	_ =	sdelay $0x3  }
0x33: {  	p0 =	seq.s32 s10, $0x1;
	s10 =	sld [smem:$0x3FB7];
	_ =	sdelay $0x3  }
0x34: {  	[smem:$0x3FB7] =	sst s10  }
0x35: {  	s10 =	sld [smem:$0x3FB6];
	_ =	sdelay $0x3  }
0x36: {  	p1 =	seq.s32 s10, $0x1;
	s10 =	sld [smem:$0x3FB7];
	_ =	sdelay $0x3  }
0x37: {  	[smem:$0x3FB7] =	sst s10  }
0x38: {  	s10 =	sld [smem:$0x3FB8]  }
0x39: {  	_ = 	snop;
	(pc) =	sbr.ind lr, $3  }
0x3a: {  	_ = 	snop  }
0x3b: {  	_ = 	snop  }
0x3c: {  	p2 =	seq.s32 s10, $0x1;
	s10 =	sld [smem:$0x3FB7]  }
0x3d: {  	_ =	shalt  }
0x3e: {  	_ =	shalt  }
0x3f: {  	_ =	shalt  }
0x40: {  	_ =	shalt  }
0x41: {  	_ =	shalt  }
0x42: {  	_ =	shalt  }
0x43: {  	_ =	shalt  }
0x44: {  	_ =	shalt  }
0x45: {  	_ =	shalt  }
0x46: {  	_ =	shalt  }
0x47: {  	_ =	shalt  }
0x48: {  	_ =	shalt  }
0x49: {  	_ =	shalt  }
0x4a: {  	_ =	shalt  }
0x4b: {  	_ =	shalt  }
0x4c: {  	_ =	shalt  }
0x4d: {  	_ =	shalt  }
0x4e: {  	_ =	shalt  }
0x4f: {  	_ =	shalt  }
0x50: {  	_ =	shalt  }
0x51: {  	_ =	shalt  }
0x52: {  	_ =	shalt  }
0x53: {  	_ =	shalt  }
0x54: {  	_ =	shalt  }
0x55: {  	_ =	shalt  }
0x56: {  	_ =	shalt  }
0x57: {  	_ =	shalt  }
0x58: {  	_ =	shalt  }
0x59: {  	_ =	shalt  }
0x5a: {  	_ =	shalt  }
0x5b: {  	_ =	shalt  }
0x5c: {  	_ =	shalt  }
0x5d: {  	_ =	shalt  }
0x5e: {  	_ =	shalt  }
0x5f: {  	_ =	shalt  }
0x60: {  	_ =	shalt  }
0x61: {  	_ =	shalt  }
0x62: {  	_ =	shalt  }
0x63: {  	_ =	shalt  }
0x64: {  	_ =	shalt  }
0x65: {  	_ =	shalt  }
0x66: {  	_ =	shalt  }
0x67: {  	_ =	shalt  }
0x68: {  	_ =	shalt  }
0x69: {  	_ =	shalt  }
0x6a: {  	_ =	shalt  }
0x6b: {  	_ =	shalt  }
0x6c: {  	_ =	shalt  }
0x6d: {  	_ =	shalt  }
0x6e: {  	_ =	shalt  }
0x6f: {  	_ =	shalt  }
0x70: {  	_ =	shalt  }
0x71: {  	_ =	shalt  }
0x72: {  	_ =	shalt  }
0x73: {  	_ =	shalt  }
0x74: {  	_ =	shalt  }
0x75: {  	_ =	shalt  }
0x76: {  	_ =	shalt  }
0x77: {  	_ =	shalt  }
0x78: {  	_ =	shalt  }
0x79: {  	_ =	shalt  }
0x7a: {  	_ =	shalt  }
0x7b: {  	_ =	shalt  }
0x7c: {  	_ =	shalt  }
0x7d: {  	_ =	shalt  }
0x7e: {  	_ =	shalt  }
0x7f: {  	_ =	shalt  }
0x80: {  	_ =	shalt  }
0x81: {  	_ =	shalt  }
0x82: {  	_ =	shalt  }
0x83: {  	_ =	shalt  }
0x84: {  	_ =	shalt  }
0x85: {  	_ =	shalt  }
0x86: {  	_ =	shalt  }
0x87: {  	_ =	shalt  }
.Lfunc_end0:
.L_simem_size_0:
called_computation_lowered:
.L_overlay_start_0:
0x88: {  	s0 =	sld [smem:$0x3FD9]  }
0x89: {  	s1 =	sld [smem:$0x3FFE];
	_ =	sdelay $0x3  }
0x8a: {  	s0 =	sadd.s32 s1, s0  }
0x8b: {  	[smem:$0x3FC3] =	sst s0  }
0x8c: {  	_ = 	snop  }
0x8d: {  	s0 =	sld [smem:$0x3FD0];
	_ =	sdelay $0x2  }
0x8e: {  	s13 =	simm.s32 $0xA;
	s2 =	simm.s32 $0x10  }
0x8f: {  	[smem:s2], [sflag:s13] =	dma.local [hbm:s0], $0x1  }
0x90: {  	_ =	swait.eq [sflag:s13], $0x1  }
0x91: {  	[sflag:s13] =	ssyncset.done $0x0  }
0x92: {  	[sflag:s13] =	ssyncadd.s32 $0xFFFFFFFF  }
0x93: {  	s14 =	sld [smem:$0x11];
	(tm) =	ssettm $0x1  }
0x94: {  	s15 =	sld [smem:$0x3FFB];
	_ =	sdelay $0x3  }
0x95: {  	_ =	strace s15  }
0x96: {  	s1 =	sld [smem:$0x3FFC];
	_ =	sdelay $0x3  }
0x97: {  	_ =	strace s1  }
0x98: {  	s1 =	sld [smem:$0x3FFD];
	_ =	sdelay $0x3  }
0x99: {  	_ =	strace s1  }
0x9a: {  	_ =	strace $0x8FFFFFFF  }
0x9b: {  	s16 =	sld [smem:$0x3FDB];
	_ =	sdelay $0x1  }
0x9c: {  	s17 =	simm.s32 $_scs_section_size  }
0x9d: {  	s3 =	simm.s32 $_size__tile_overlayer_lowered;
	s4 =	simm.s32 $_tile_overlayer_lowered  }
0x9e: {  	s20 =	simm.s32 $0x1BFF;
	s19 =	sshll.u32 s4, $0x1;
	s1 =	sadd.s32 s17, s16  }
0x9f: {  	s5 =	simm.s32 $0x0;
	s18 =	sshll.u32 s3, $0x1;
	s3 =	sadd.s32 s19, s1  }
0xa0: {  	[timem:s5], [sflag:s20] =	dma.local [hbm:s3], s18  }
0xa1: {  	_ =	swait.ge [sflag:s20], s18  }
0xa2: {  	s2 =	ssub.s32 $0x0, s18;
	[sflag:s20] =	ssyncset.done $0x0  }
0xa3: {  	[sflag:s20] =	ssyncadd.s32 s2;
	_ =	sdelay $0x1  }
0xa4: {  	s21 =	simm.s32 $0x1B8B  }
0xa5: {  	_ =	swait.ge [sflag:s21], $0x1  }
0xa6: {  	[sflag:s21] =	ssyncset.done $0x0  }
0xa7: {  	s23 =	simm.s32 $0x1B8E;
	s22 =	sld [smem:$0x3FFE];
	[sflag:s21] =	ssyncadd.s32 $0xFFFFFFFF  }
0xa8: {  	s24 =	simm.s32 $execute0_lowered;
	[smem:$0x3FD2] =	sst s23  }
0xa9: {  	s3 =	sshll.u32 s24, $0x1;
	_ =	strace $0x80000046;
	[dreg:$0x1] =	wrdreg $0xFFFFFFFF  }
0xaa: {  	s25 =	simm.s32 $_size_execute0_lowered;
	s1 =	sadd.s32 s1, s3;
	[dreg:$0x0] =	wrdreg $0x0  }
0xab: {  	s3 =	sshll.u32 s25, $0x1;
	[dreg:$0x2] =	wrdreg s1  }
0xac: {  	[dreg:$0x3] =	wrdreg s3  }
0xad: {  	[dreg:$0x4] =	wrdreg $0xC0  }
0xae: {  	_ =	task [dreg:s5], $0x5FFFF  }
0xaf: {  	[dreg:$0x1] =	wrdreg $0xFFFFFFFF  }
0xb0: {  	[dreg:$0x0] =	wrdreg $0x60  }
0xb1: {  	[dreg:$0x2] =	wrdreg s22  }
0xb2: {  	[dreg:$0x3] =	wrdreg s14  }
0xb3: {  	[dreg:$0x4] =	wrdreg $0x22000  }
0xb4: {  	[dreg:$0x5] =	wrdreg $0x9  }
0xb5: {  	_ =	task.clear_ibuf [dreg:s5], $0x6FFFF;
	_ =	strace $0x90000046  }
0xb6: {  	s26 =	simm.s32 $0x9;
	_ =	strace $0x80000048  }
0xb7: {  	_ =	swait.ge [sflag:s26], $0x1  }
0xb8: {  	[sflag:s26] =	ssyncadd.s32 $0xFFFFFFFF  }
0xb9: {  	_ =	strace $0x90000048  }
0xba: {  	_ =	sfence  }
0xbb: {  	s28 =	sld [smem:$0x0];
	_ =	sdelay $0x1  }
0xbc: {  	s29 =	srdreg.scid  }
0xbd: {  	s30 =	sshll.u32 s29, $0xD;
	s31 =	sshrl.u32 s29, $0x2  }
0xbe: {  	s2 =	sand.u32 $0x4000, s30;
	s1 =	sand.u32 $0x1, s29;
	s0 =	sadd.s32 s31, s28  }
0xbf: {  	s1 =	sor.u32 s2, s1;
	s0 =	sshll.u32 s0, $0x11  }
0xc0: {  	s0 =	sor.u32 s0, s1  }
0xc1: {  	s0 =	sadd.s32 $0x8F2B, s0  }
0xc2: {  	[sflag:s0] =	ssyncadd.remote.s32 $0x1  }
0xc3: {  	_ =	sfence.sel $0xFFFF  }
0xc4: {  	[dreg:$0x0] =	wrdreg $0xFFFFFFFF;
	(pc) =	sbr.abs _section_cstart, $3  }
0xc5: {  	[dreg:$0x1] =	wrdreg $0xFFFFFFFF  }
0xc6: {  	_ =	task.clear_ibuf [dreg:s5], $0x2FFFF;
	_ =	strace $0x9FFFFFFF  }
0xc7: {  	(tm) =	ssettm $0x7FFFFFFF  }
tec
execute0_lowered:
.L_overlay_start_1:
0x0: {  	(tag) =	ssettag $0x1  }
0x1: {  	s5 =	rddreg [dreg:$0x0]  }
0x2: {  	s1 =	rddreg [dreg:$0x1]  }
0x3: {  	s6 =	rddreg [dreg:$0x2];
	s2 =	simm.s32 $0x0  }
0x4: {  	v0 =	vimm.s32 $0x0;
	[smem:$0x7FF] =	sst s2  }
0x5: {  	s0 =	rddreg [dreg:$0x3];
	_ =	strace $0x80000047;
	[tilespmem:$0x100] =	vst v0  }
0x6: {  	[tilespmem:$0x110] =	vst v0  }
0x7: {  	[tilespmem:$0x120] =	vst v0  }
0x8: {  	[tilespmem:$0x130] =	vst v0  }
0x9: {  	[tilespmem:$0x140] =	vst v0  }
0xa: {  	[tilespmem:$0x150] =	vst v0  }
0xb: {  	[tilespmem:$0x160] =	vst v0  }
0xc: {  	[tilespmem:$0x170] =	vst v0  }
0xd: {  	[tilespmem:$0x180] =	vst v0  }
0xe: {  	[tilespmem:$0x190] =	vst v0  }
0xf: {  	[tilespmem:$0x1A0] =	vst v0  }
0x10: {  	[tilespmem:$0x1B0] =	vst v0  }
0x11: {  	[tilespmem:$0x1C0] =	vst v0  }
0x12: {  	[tilespmem:$0x1D0] =	vst v0  }
0x13: {  	[tilespmem:$0x1E0] =	vst v0  }
0x14: {  	[tilespmem:$0x1F0] =	vst v0  }
0x15: {  	[tilespmem:$0x200] =	vst v0  }
0x16: {  	[tilespmem:$0x210] =	vst v0  }
0x17: {  	[tilespmem:$0x220] =	vst v0  }
0x18: {  	[tilespmem:$0x230] =	vst v0  }
0x19: {  	[tilespmem:$0x240] =	vst v0  }
0x1a: {  	[tilespmem:$0x250] =	vst v0  }
0x1b: {  	[tilespmem:$0x260] =	vst v0  }
0x1c: {  	[tilespmem:$0x270] =	vst v0  }
0x1d: {  	[tilespmem:$0x280] =	vst v0  }
0x1e: {  	[tilespmem:$0x290] =	vst v0  }
0x1f: {  	[tilespmem:$0x2A0] =	vst v0  }
0x20: {  	[tilespmem:$0x2B0] =	vst v0  }
0x21: {  	[tilespmem:$0x2C0] =	vst v0  }
0x22: {  	[tilespmem:$0x2D0] =	vst v0  }
0x23: {  	[tilespmem:$0x2E0] =	vst v0  }
0x24: {  	[tilespmem:$0x2F0] =	vst v0  }
0x25: {  	[tilespmem:$0x300] =	vst v0  }
0x26: {  	[tilespmem:$0x310] =	vst v0  }
0x27: {  	[tilespmem:$0x320] =	vst v0  }
0x28: {  	[tilespmem:$0x330] =	vst v0  }
0x29: {  	[tilespmem:$0x340] =	vst v0  }
0x2a: {  	[tilespmem:$0x350] =	vst v0  }
0x2b: {  	[tilespmem:$0x360] =	vst v0  }
0x2c: {  	[tilespmem:$0x370] =	vst v0  }
0x2d: {  	[tilespmem:$0x380] =	vst v0  }
0x2e: {  	[tilespmem:$0x390] =	vst v0  }
0x2f: {  	[tilespmem:$0x3A0] =	vst v0  }
0x30: {  	[tilespmem:$0x3B0] =	vst v0  }
0x31: {  	[tilespmem:$0x3C0] =	vst v0  }
0x32: {  	[tilespmem:$0x3D0] =	vst v0  }
0x33: {  	[tilespmem:$0x3E0] =	vst v0  }
0x34: {  	[tilespmem:$0x3F0] =	vst v0  }
0x35: {  	[tilespmem:$0x400] =	vst v0  }
0x36: {  	[tilespmem:$0x410] =	vst v0  }
0x37: {  	[tilespmem:$0x420] =	vst v0  }
0x38: {  	[tilespmem:$0x430] =	vst v0  }
0x39: {  	[tilespmem:$0x440] =	vst v0  }
0x3a: {  	[tilespmem:$0x450] =	vst v0  }
0x3b: {  	[tilespmem:$0x460] =	vst v0  }
0x3c: {  	[tilespmem:$0x470] =	vst v0  }
0x3d: {  	[tilespmem:$0x480] =	vst v0  }
0x3e: {  	[tilespmem:$0x490] =	vst v0  }
0x3f: {  	[tilespmem:$0x4A0] =	vst v0  }
0x40: {  	[tilespmem:$0x4B0] =	vst v0  }
0x41: {  	[tilespmem:$0x4C0] =	vst v0  }
0x42: {  	[tilespmem:$0x4D0] =	vst v0  }
0x43: {  	[tilespmem:$0x4E0] =	vst v0  }
0x44: {  	[tilespmem:$0x4F0] =	vst v0  }
0x45: {  	[tilespmem:$0x500] =	vst v0  }
0x46: {  	[tilespmem:$0x510] =	vst v0  }
0x47: {  	[tilespmem:$0x520] =	vst v0  }
0x48: {  	[tilespmem:$0x530] =	vst v0  }
0x49: {  	[tilespmem:$0x540] =	vst v0  }
0x4a: {  	[tilespmem:$0x550] =	vst v0  }
0x4b: {  	[tilespmem:$0x560] =	vst v0  }
0x4c: {  	[tilespmem:$0x570] =	vst v0  }
0x4d: {  	[tilespmem:$0x580] =	vst v0  }
0x4e: {  	[tilespmem:$0x590] =	vst v0  }
0x4f: {  	[tilespmem:$0x5A0] =	vst v0  }
0x50: {  	[tilespmem:$0x5B0] =	vst v0  }
0x51: {  	[tilespmem:$0x5C0] =	vst v0  }
0x52: {  	[tilespmem:$0x5D0] =	vst v0  }
0x53: {  	[tilespmem:$0x5E0] =	vst v0  }
0x54: {  	[tilespmem:$0x5F0] =	vst v0  }
0x55: {  	[tilespmem:$0x600] =	vst v0  }
0x56: {  	[tilespmem:$0x610] =	vst v0  }
0x57: {  	[tilespmem:$0x620] =	vst v0  }
0x58: {  	[tilespmem:$0x630] =	vst v0  }
0x59: {  	[tilespmem:$0x640] =	vst v0  }
0x5a: {  	[tilespmem:$0x650] =	vst v0  }
0x5b: {  	[tilespmem:$0x660] =	vst v0  }
0x5c: {  	[tilespmem:$0x670] =	vst v0  }
0x5d: {  	[tilespmem:$0x680] =	vst v0  }
0x5e: {  	[tilespmem:$0x690] =	vst v0  }
0x5f: {  	[tilespmem:$0x6A0] =	vst v0  }
0x60: {  	[tilespmem:$0x6B0] =	vst v0  }
0x61: {  	[tilespmem:$0x6C0] =	vst v0  }
0x62: {  	[tilespmem:$0x6D0] =	vst v0  }
0x63: {  	[tilespmem:$0x6E0] =	vst v0  }
0x64: {  	[tilespmem:$0x6F0] =	vst v0  }
0x65: {  	[tilespmem:$0x700] =	vst v0  }
0x66: {  	[tilespmem:$0x710] =	vst v0  }
0x67: {  	[tilespmem:$0x720] =	vst v0  }
0x68: {  	[tilespmem:$0x730] =	vst v0  }
0x69: {  	[tilespmem:$0x740] =	vst v0  }
0x6a: {  	[tilespmem:$0x750] =	vst v0  }
0x6b: {  	[tilespmem:$0x760] =	vst v0  }
0x6c: {  	[tilespmem:$0x770] =	vst v0  }
0x6d: {  	[tilespmem:$0x780] =	vst v0  }
0x6e: {  	[tilespmem:$0x790] =	vst v0  }
0x6f: {  	[tilespmem:$0x7A0] =	vst v0  }
0x70: {  	[tilespmem:$0x7B0] =	vst v0  }
0x71: {  	[tilespmem:$0x7C0] =	vst v0  }
0x72: {  	[tilespmem:$0x7D0] =	vst v0  }
0x73: {  	[tilespmem:$0x7E0] =	vst v0  }
0x74: {  	[tilespmem:$0x7F0] =	vst v0  }
0x75: {  	[tilespmem:$0x800] =	vst v0  }
0x76: {  	[tilespmem:$0x810] =	vst v0  }
0x77: {  	[tilespmem:$0x820] =	vst v0  }
0x78: {  	[tilespmem:$0x830] =	vst v0  }
0x79: {  	[tilespmem:$0x840] =	vst v0  }
0x7a: {  	[tilespmem:$0x850] =	vst v0  }
0x7b: {  	[tilespmem:$0x860] =	vst v0  }
0x7c: {  	[tilespmem:$0x870] =	vst v0  }
0x7d: {  	[tilespmem:$0x880] =	vst v0  }
0x7e: {  	[tilespmem:$0x890] =	vst v0  }
0x7f: {  	[tilespmem:$0x8A0] =	vst v0  }
0x80: {  	[tilespmem:$0x8B0] =	vst v0  }
0x81: {  	[tilespmem:$0x8C0] =	vst v0  }
0x82: {  	[tilespmem:$0x8D0] =	vst v0  }
0x83: {  	[tilespmem:$0x8E0] =	vst v0  }
0x84: {  	[tilespmem:$0x8F0] =	vst v0  }
0x85: {  	[tilespmem:$0x900] =	vst v0  }
0x86: {  	[tilespmem:$0x910] =	vst v0  }
0x87: {  	[tilespmem:$0x920] =	vst v0  }
0x88: {  	[tilespmem:$0x930] =	vst v0  }
0x89: {  	[tilespmem:$0x940] =	vst v0  }
0x8a: {  	[tilespmem:$0x950] =	vst v0  }
0x8b: {  	[tilespmem:$0x960] =	vst v0  }
0x8c: {  	[tilespmem:$0x970] =	vst v0  }
0x8d: {  	[tilespmem:$0x980] =	vst v0  }
0x8e: {  	[tilespmem:$0x990] =	vst v0  }
0x8f: {  	[tilespmem:$0x9A0] =	vst v0  }
0x90: {  	[tilespmem:$0x9B0] =	vst v0  }
0x91: {  	[tilespmem:$0x9C0] =	vst v0  }
0x92: {  	[tilespmem:$0x9D0] =	vst v0  }
0x93: {  	[tilespmem:$0x9E0] =	vst v0  }
0x94: {  	[tilespmem:$0x9F0] =	vst v0  }
0x95: {  	[tilespmem:$0xA00] =	vst v0  }
0x96: {  	[tilespmem:$0xA10] =	vst v0  }
0x97: {  	[tilespmem:$0xA20] =	vst v0  }
0x98: {  	[tilespmem:$0xA30] =	vst v0  }
0x99: {  	[tilespmem:$0xA40] =	vst v0  }
0x9a: {  	[tilespmem:$0xA50] =	vst v0  }
0x9b: {  	[tilespmem:$0xA60] =	vst v0  }
0x9c: {  	[tilespmem:$0xA70] =	vst v0  }
0x9d: {  	[tilespmem:$0xA80] =	vst v0  }
0x9e: {  	[tilespmem:$0xA90] =	vst v0  }
0x9f: {  	[tilespmem:$0xAA0] =	vst v0  }
0xa0: {  	[tilespmem:$0xAB0] =	vst v0  }
0xa1: {  	[tilespmem:$0xAC0] =	vst v0  }
0xa2: {  	[tilespmem:$0xAD0] =	vst v0  }
0xa3: {  	[tilespmem:$0xAE0] =	vst v0  }
0xa4: {  	[tilespmem:$0xAF0] =	vst v0  }
0xa5: {  	[tilespmem:$0xB00] =	vst v0  }
0xa6: {  	[tilespmem:$0xB10] =	vst v0  }
0xa7: {  	[tilespmem:$0xB20] =	vst v0  }
0xa8: {  	[tilespmem:$0xB30] =	vst v0  }
0xa9: {  	[tilespmem:$0xB40] =	vst v0  }
0xaa: {  	[tilespmem:$0xB50] =	vst v0  }
0xab: {  	[tilespmem:$0xB60] =	vst v0  }
0xac: {  	[tilespmem:$0xB70] =	vst v0  }
0xad: {  	[tilespmem:$0xB80] =	vst v0  }
0xae: {  	[tilespmem:$0xB90] =	vst v0  }
0xaf: {  	[tilespmem:$0xBA0] =	vst v0  }
0xb0: {  	[tilespmem:$0xBB0] =	vst v0  }
0xb1: {  	[tilespmem:$0xBC0] =	vst v0  }
0xb2: {  	[tilespmem:$0xBD0] =	vst v0  }
0xb3: {  	[tilespmem:$0xBE0] =	vst v0  }
0xb4: {  	[tilespmem:$0xBF0] =	vst v0  }
0xb5: {  	[tilespmem:$0xC00] =	vst v0  }
0xb6: {  	[tilespmem:$0xC10] =	vst v0  }
0xb7: {  	[tilespmem:$0xC20] =	vst v0  }
0xb8: {  	[tilespmem:$0xC30] =	vst v0  }
0xb9: {  	[tilespmem:$0xC40] =	vst v0  }
0xba: {  	[tilespmem:$0xC50] =	vst v0  }
0xbb: {  	[tilespmem:$0xC60] =	vst v0  }
0xbc: {  	[tilespmem:$0xC70] =	vst v0  }
0xbd: {  	[tilespmem:$0xC80] =	vst v0  }
0xbe: {  	[tilespmem:$0xC90] =	vst v0  }
0xbf: {  	[tilespmem:$0xCA0] =	vst v0  }
0xc0: {  	[tilespmem:$0xCB0] =	vst v0  }
0xc1: {  	[tilespmem:$0xCC0] =	vst v0  }
0xc2: {  	[tilespmem:$0xCD0] =	vst v0  }
0xc3: {  	[tilespmem:$0xCE0] =	vst v0  }
0xc4: {  	[tilespmem:$0xCF0] =	vst v0  }
0xc5: {  	[tilespmem:$0xD00] =	vst v0  }
0xc6: {  	[tilespmem:$0xD10] =	vst v0  }
0xc7: {  	[tilespmem:$0xD20] =	vst v0  }
0xc8: {  	[tilespmem:$0xD30] =	vst v0  }
0xc9: {  	[tilespmem:$0xD40] =	vst v0  }
0xca: {  	[tilespmem:$0xD50] =	vst v0  }
0xcb: {  	[tilespmem:$0xD60] =	vst v0  }
0xcc: {  	[tilespmem:$0xD70] =	vst v0  }
0xcd: {  	[tilespmem:$0xD80] =	vst v0  }
0xce: {  	[tilespmem:$0xD90] =	vst v0  }
0xcf: {  	[tilespmem:$0xDA0] =	vst v0  }
0xd0: {  	[tilespmem:$0xDB0] =	vst v0  }
0xd1: {  	[tilespmem:$0xDC0] =	vst v0  }
0xd2: {  	[tilespmem:$0xDD0] =	vst v0  }
0xd3: {  	[tilespmem:$0xDE0] =	vst v0  }
0xd4: {  	[tilespmem:$0xDF0] =	vst v0  }
0xd5: {  	[tilespmem:$0xE00] =	vst v0  }
0xd6: {  	[tilespmem:$0xE10] =	vst v0  }
0xd7: {  	[tilespmem:$0xE20] =	vst v0  }
0xd8: {  	[tilespmem:$0xE30] =	vst v0  }
0xd9: {  	[tilespmem:$0xE40] =	vst v0  }
0xda: {  	[tilespmem:$0xE50] =	vst v0  }
0xdb: {  	[tilespmem:$0xE60] =	vst v0  }
0xdc: {  	[tilespmem:$0xE70] =	vst v0  }
0xdd: {  	[tilespmem:$0xE80] =	vst v0  }
0xde: {  	[tilespmem:$0xE90] =	vst v0  }
0xdf: {  	[tilespmem:$0xEA0] =	vst v0  }
0xe0: {  	[tilespmem:$0xEB0] =	vst v0  }
0xe1: {  	[tilespmem:$0xEC0] =	vst v0  }
0xe2: {  	[tilespmem:$0xED0] =	vst v0  }
0xe3: {  	[tilespmem:$0xEE0] =	vst v0  }
0xe4: {  	[tilespmem:$0xEF0] =	vst v0  }
0xe5: {  	[tilespmem:$0xF00] =	vst v0  }
0xe6: {  	[tilespmem:$0xF10] =	vst v0  }
0xe7: {  	[tilespmem:$0xF20] =	vst v0  }
0xe8: {  	[tilespmem:$0xF30] =	vst v0  }
0xe9: {  	[tilespmem:$0xF40] =	vst v0  }
0xea: {  	[tilespmem:$0xF50] =	vst v0  }
0xeb: {  	[tilespmem:$0xF60] =	vst v0  }
0xec: {  	[tilespmem:$0xF70] =	vst v0  }
0xed: {  	[tilespmem:$0xF80] =	vst v0  }
0xee: {  	[tilespmem:$0xF90] =	vst v0  }
0xef: {  	[tilespmem:$0xFA0] =	vst v0  }
0xf0: {  	[tilespmem:$0xFB0] =	vst v0  }
0xf1: {  	[tilespmem:$0xFC0] =	vst v0  }
0xf2: {  	[tilespmem:$0xFD0] =	vst v0  }
0xf3: {  	[tilespmem:$0xFE0] =	vst v0  }
0xf4: {  	[tilespmem:$0xFF0] =	vst v0  }
0xf5: {  	[tilespmem:$0x1000] =	vst v0  }
0xf6: {  	[tilespmem:$0x1010] =	vst v0  }
0xf7: {  	[tilespmem:$0x1020] =	vst v0  }
0xf8: {  	[tilespmem:$0x1030] =	vst v0  }
0xf9: {  	[tilespmem:$0x1040] =	vst v0  }
0xfa: {  	[tilespmem:$0x1050] =	vst v0  }
0xfb: {  	[tilespmem:$0x1060] =	vst v0  }
0xfc: {  	[tilespmem:$0x1070] =	vst v0  }
0xfd: {  	[tilespmem:$0x1080] =	vst v0  }
0xfe: {  	[tilespmem:$0x1090] =	vst v0  }
0xff: {  	[tilespmem:$0x10A0] =	vst v0  }
0x100: {  	[tilespmem:$0x10B0] =	vst v0  }
0x101: {  	s3 =	stileid.u32;
	[tilespmem:$0x10C0] =	vst v0  }
0x102: {  	s4 =	sshll.u32 s3, $0x5;
	[tilespmem:$0x10D0] =	vst v0  }
0x103: {  	s5 =	sadd.s32 s4, s5;
	[tilespmem:$0x10E0] =	vst v0  }
0x104: {  	s24 =	simm.s32 $0x1;
	[tilespmem:$0x10F0] =	vst v0;
	s5 =	sadd.s32 $0xE00, s5  }
0x105: {  	[tilespmem:s2], [sflag:$0x1] =	stream.linear.gather [hbm4b:s5+s2], $0x100, $0x38;
	[tilespmem:$0x3200] =	vst v63  }
0x106: {  	_ =	swait.ge [sflag:s24], $0x100  }
0x107: {  	[sflag:s24] =	ssyncset.done $0x0  }
0x108: {  	[sflag:s24] =	ssyncadd.s32 $0xFFFFFF00  }
0x109: {  	v1 =	vld [tilespmem:$0x0];
	_ =	sdelay $0x2  }
0x10a: {  	vm0 =	vcmask $0x704  }
0x10b: {  	vm1 =	vcmask $0xB08  }
0x10c: {  	vm2 =	vcmask $0xF0C  }
0x10d: {  	vm3 =	vcmask $0x1310  }
0x10e: {  	v25 =	vimm.s32 $0x1;
	s7 =	simm.s32 $0x100;
	vm4 =	vcmask $0x1714  }
0x10f: {  	vm5 =	vcmask $0x1B18;
	[tilespmem:v1+s7+$0x0] =	vst.idx.add.s32.msk $0x1, v25  }
0x110: {  	vm6 =	vcmask $0x1F1C;
	[tilespmem:v1+s7+$0x0] =	vst.idx.add.s32.msk vm0, v25  }
0x111: {  	vm7 =	vcmask $0x2320;
	[tilespmem:v1+s7+$0x0] =	vst.idx.add.s32.msk vm1, v25  }
0x112: {  	vm8 =	vcmask $0x2724;
	[tilespmem:v1+s7+$0x0] =	vst.idx.add.s32.msk vm2, v25  }
0x113: {  	vm11 =	vcmask $0x2B28;
	[tilespmem:v1+s7+$0x0] =	vst.idx.add.s32.msk vm3, v25  }
0x114: {  	vm13 =	vcmask $0x2F2C;
	[tilespmem:v1+s7+$0x0] =	vst.idx.add.s32.msk vm4, v25  }
0x115: {  	vm14 =	vcmask $0x3330;
	[tilespmem:v1+s7+$0x0] =	vst.idx.add.s32.msk vm5, v25  }
0x116: {  	vm12 =	vcmask $0x3734;
	[tilespmem:v1+s7+$0x0] =	vst.idx.add.s32.msk vm6, v25  }
0x117: {  	vm9 =	vcmask $0x3B38;
	[tilespmem:v1+s7+$0x0] =	vst.idx.add.s32.msk vm7, v25  }
0x118: {  	vm10 =	vcmask $0x3F3C;
	[tilespmem:v1+s7+$0x0] =	vst.idx.add.s32.msk vm8, v25  }
0x119: {  	[tilespmem:v1+s7+$0x0] =	vst.idx.add.s32.msk vm11, v25  }
0x11a: {  	[tilespmem:v1+s7+$0x0] =	vst.idx.add.s32.msk vm13, v25  }
0x11b: {  	[tilespmem:v1+s7+$0x0] =	vst.idx.add.s32.msk vm14, v25  }
0x11c: {  	[tilespmem:v1+s7+$0x0] =	vst.idx.add.s32.msk vm12, v25  }
0x11d: {  	[tilespmem:v1+s7+$0x0] =	vst.idx.add.s32.msk vm9, v25  }
0x11e: {  	[tilespmem:v1+s7+$0x0] =	vst.idx.add.s32.msk vm10, v25  }
0x11f: {  	v1 =	vld [tilespmem:$0x10];
	_ =	sdelay $0x7  }
0x120: {  	[tilespmem:v1+s7+$0x0] =	vst.idx.add.s32.msk $0x1, v25  }
0x121: {  	[tilespmem:v1+s7+$0x0] =	vst.idx.add.s32.msk vm0, v25  }
0x122: {  	[tilespmem:v1+s7+$0x0] =	vst.idx.add.s32.msk vm1, v25  }
0x123: {  	[tilespmem:v1+s7+$0x0] =	vst.idx.add.s32.msk vm2, v25  }
0x124: {  	[tilespmem:v1+s7+$0x0] =	vst.idx.add.s32.msk vm3, v25  }
0x125: {  	[tilespmem:v1+s7+$0x0] =	vst.idx.add.s32.msk vm4, v25  }
0x126: {  	[tilespmem:v1+s7+$0x0] =	vst.idx.add.s32.msk vm5, v25  }
0x127: {  	[tilespmem:v1+s7+$0x0] =	vst.idx.add.s32.msk vm6, v25  }
0x128: {  	[tilespmem:v1+s7+$0x0] =	vst.idx.add.s32.msk vm7, v25  }
0x129: {  	[tilespmem:v1+s7+$0x0] =	vst.idx.add.s32.msk vm8, v25  }
0x12a: {  	[tilespmem:v1+s7+$0x0] =	vst.idx.add.s32.msk vm11, v25  }
0x12b: {  	[tilespmem:v1+s7+$0x0] =	vst.idx.add.s32.msk vm13, v25  }
0x12c: {  	[tilespmem:v1+s7+$0x0] =	vst.idx.add.s32.msk vm14, v25  }
0x12d: {  	[tilespmem:v1+s7+$0x0] =	vst.idx.add.s32.msk vm12, v25  }
0x12e: {  	[tilespmem:v1+s7+$0x0] =	vst.idx.add.s32.msk vm9, v25  }
0x12f: {  	[tilespmem:v1+s7+$0x0] =	vst.idx.add.s32.msk vm10, v25  }
0x130: {  	v1 =	vld [tilespmem:$0x20];
	_ =	sdelay $0x7  }
0x131: {  	[tilespmem:v1+s7+$0x0] =	vst.idx.add.s32.msk $0x1, v25  }
0x132: {  	[tilespmem:v1+s7+$0x0] =	vst.idx.add.s32.msk vm0, v25  }
0x133: {  	[tilespmem:v1+s7+$0x0] =	vst.idx.add.s32.msk vm1, v25  }
0x134: {  	[tilespmem:v1+s7+$0x0] =	vst.idx.add.s32.msk vm2, v25  }
0x135: {  	[tilespmem:v1+s7+$0x0] =	vst.idx.add.s32.msk vm3, v25  }
0x136: {  	[tilespmem:v1+s7+$0x0] =	vst.idx.add.s32.msk vm4, v25  }
0x137: {  	[tilespmem:v1+s7+$0x0] =	vst.idx.add.s32.msk vm5, v25  }
0x138: {  	[tilespmem:v1+s7+$0x0] =	vst.idx.add.s32.msk vm6, v25  }
0x139: {  	[tilespmem:v1+s7+$0x0] =	vst.idx.add.s32.msk vm7, v25  }
0x13a: {  	[tilespmem:v1+s7+$0x0] =	vst.idx.add.s32.msk vm8, v25  }
0x13b: {  	[tilespmem:v1+s7+$0x0] =	vst.idx.add.s32.msk vm11, v25  }
0x13c: {  	[tilespmem:v1+s7+$0x0] =	vst.idx.add.s32.msk vm13, v25  }
0x13d: {  	[tilespmem:v1+s7+$0x0] =	vst.idx.add.s32.msk vm14, v25  }
0x13e: {  	[tilespmem:v1+s7+$0x0] =	vst.idx.add.s32.msk vm12, v25  }
0x13f: {  	[tilespmem:v1+s7+$0x0] =	vst.idx.add.s32.msk vm9, v25  }
0x140: {  	[tilespmem:v1+s7+$0x0] =	vst.idx.add.s32.msk vm10, v25  }
0x141: {  	v1 =	vld [tilespmem:$0x30];
	_ =	sdelay $0x7  }
0x142: {  	[tilespmem:v1+s7+$0x0] =	vst.idx.add.s32.msk $0x1, v25  }
0x143: {  	[tilespmem:v1+s7+$0x0] =	vst.idx.add.s32.msk vm0, v25  }
0x144: {  	[tilespmem:v1+s7+$0x0] =	vst.idx.add.s32.msk vm1, v25  }
0x145: {  	[tilespmem:v1+s7+$0x0] =	vst.idx.add.s32.msk vm2, v25  }
0x146: {  	[tilespmem:v1+s7+$0x0] =	vst.idx.add.s32.msk vm3, v25  }
0x147: {  	[tilespmem:v1+s7+$0x0] =	vst.idx.add.s32.msk vm4, v25  }
0x148: {  	[tilespmem:v1+s7+$0x0] =	vst.idx.add.s32.msk vm5, v25  }
0x149: {  	[tilespmem:v1+s7+$0x0] =	vst.idx.add.s32.msk vm6, v25  }
0x14a: {  	[tilespmem:v1+s7+$0x0] =	vst.idx.add.s32.msk vm7, v25  }
0x14b: {  	[tilespmem:v1+s7+$0x0] =	vst.idx.add.s32.msk vm8, v25  }
0x14c: {  	[tilespmem:v1+s7+$0x0] =	vst.idx.add.s32.msk vm11, v25  }
0x14d: {  	[tilespmem:v1+s7+$0x0] =	vst.idx.add.s32.msk vm13, v25  }
0x14e: {  	[tilespmem:v1+s7+$0x0] =	vst.idx.add.s32.msk vm14, v25  }
0x14f: {  	[tilespmem:v1+s7+$0x0] =	vst.idx.add.s32.msk vm12, v25  }
0x150: {  	[tilespmem:v1+s7+$0x0] =	vst.idx.add.s32.msk vm9, v25  }
0x151: {  	[tilespmem:v1+s7+$0x0] =	vst.idx.add.s32.msk vm10, v25  }
0x152: {  	v1 =	vld [tilespmem:$0x40];
	_ =	sdelay $0x7  }
0x153: {  	[tilespmem:v1+s7+$0x0] =	vst.idx.add.s32.msk $0x1, v25  }
0x154: {  	[tilespmem:v1+s7+$0x0] =	vst.idx.add.s32.msk vm0, v25  }
0x155: {  	[tilespmem:v1+s7+$0x0] =	vst.idx.add.s32.msk vm1, v25  }
0x156: {  	[tilespmem:v1+s7+$0x0] =	vst.idx.add.s32.msk vm2, v25  }
0x157: {  	[tilespmem:v1+s7+$0x0] =	vst.idx.add.s32.msk vm3, v25  }
0x158: {  	[tilespmem:v1+s7+$0x0] =	vst.idx.add.s32.msk vm4, v25  }
0x159: {  	[tilespmem:v1+s7+$0x0] =	vst.idx.add.s32.msk vm5, v25  }
0x15a: {  	[tilespmem:v1+s7+$0x0] =	vst.idx.add.s32.msk vm6, v25  }
0x15b: {  	[tilespmem:v1+s7+$0x0] =	vst.idx.add.s32.msk vm7, v25  }
0x15c: {  	[tilespmem:v1+s7+$0x0] =	vst.idx.add.s32.msk vm8, v25  }
0x15d: {  	[tilespmem:v1+s7+$0x0] =	vst.idx.add.s32.msk vm11, v25  }
0x15e: {  	[tilespmem:v1+s7+$0x0] =	vst.idx.add.s32.msk vm13, v25  }
0x15f: {  	[tilespmem:v1+s7+$0x0] =	vst.idx.add.s32.msk vm14, v25  }
0x160: {  	[tilespmem:v1+s7+$0x0] =	vst.idx.add.s32.msk vm12, v25  }
0x161: {  	[tilespmem:v1+s7+$0x0] =	vst.idx.add.s32.msk vm9, v25  }
0x162: {  	[tilespmem:v1+s7+$0x0] =	vst.idx.add.s32.msk vm10, v25  }
0x163: {  	v1 =	vld [tilespmem:$0x50];
	_ =	sdelay $0x7  }
0x164: {  	[tilespmem:v1+s7+$0x0] =	vst.idx.add.s32.msk $0x1, v25  }
0x165: {  	[tilespmem:v1+s7+$0x0] =	vst.idx.add.s32.msk vm0, v25  }
0x166: {  	[tilespmem:v1+s7+$0x0] =	vst.idx.add.s32.msk vm1, v25  }
0x167: {  	[tilespmem:v1+s7+$0x0] =	vst.idx.add.s32.msk vm2, v25  }
0x168: {  	[tilespmem:v1+s7+$0x0] =	vst.idx.add.s32.msk vm3, v25  }
0x169: {  	[tilespmem:v1+s7+$0x0] =	vst.idx.add.s32.msk vm4, v25  }
0x16a: {  	[tilespmem:v1+s7+$0x0] =	vst.idx.add.s32.msk vm5, v25  }
0x16b: {  	[tilespmem:v1+s7+$0x0] =	vst.idx.add.s32.msk vm6, v25  }
0x16c: {  	[tilespmem:v1+s7+$0x0] =	vst.idx.add.s32.msk vm7, v25  }
0x16d: {  	[tilespmem:v1+s7+$0x0] =	vst.idx.add.s32.msk vm8, v25  }
0x16e: {  	[tilespmem:v1+s7+$0x0] =	vst.idx.add.s32.msk vm11, v25  }
0x16f: {  	[tilespmem:v1+s7+$0x0] =	vst.idx.add.s32.msk vm13, v25  }
0x170: {  	[tilespmem:v1+s7+$0x0] =	vst.idx.add.s32.msk vm14, v25  }
0x171: {  	[tilespmem:v1+s7+$0x0] =	vst.idx.add.s32.msk vm12, v25  }
0x172: {  	[tilespmem:v1+s7+$0x0] =	vst.idx.add.s32.msk vm9, v25  }
0x173: {  	[tilespmem:v1+s7+$0x0] =	vst.idx.add.s32.msk vm10, v25  }
0x174: {  	v1 =	vld [tilespmem:$0x60];
	_ =	sdelay $0x7  }
0x175: {  	[tilespmem:v1+s7+$0x0] =	vst.idx.add.s32.msk $0x1, v25  }
0x176: {  	[tilespmem:v1+s7+$0x0] =	vst.idx.add.s32.msk vm0, v25  }
0x177: {  	[tilespmem:v1+s7+$0x0] =	vst.idx.add.s32.msk vm1, v25  }
0x178: {  	[tilespmem:v1+s7+$0x0] =	vst.idx.add.s32.msk vm2, v25  }
0x179: {  	[tilespmem:v1+s7+$0x0] =	vst.idx.add.s32.msk vm3, v25  }
0x17a: {  	[tilespmem:v1+s7+$0x0] =	vst.idx.add.s32.msk vm4, v25  }
0x17b: {  	[tilespmem:v1+s7+$0x0] =	vst.idx.add.s32.msk vm5, v25  }
0x17c: {  	[tilespmem:v1+s7+$0x0] =	vst.idx.add.s32.msk vm6, v25  }
0x17d: {  	[tilespmem:v1+s7+$0x0] =	vst.idx.add.s32.msk vm7, v25  }
0x17e: {  	[tilespmem:v1+s7+$0x0] =	vst.idx.add.s32.msk vm8, v25  }
0x17f: {  	[tilespmem:v1+s7+$0x0] =	vst.idx.add.s32.msk vm11, v25  }
0x180: {  	[tilespmem:v1+s7+$0x0] =	vst.idx.add.s32.msk vm13, v25  }
0x181: {  	[tilespmem:v1+s7+$0x0] =	vst.idx.add.s32.msk vm14, v25  }
0x182: {  	[tilespmem:v1+s7+$0x0] =	vst.idx.add.s32.msk vm12, v25  }
0x183: {  	[tilespmem:v1+s7+$0x0] =	vst.idx.add.s32.msk vm9, v25  }
0x184: {  	[tilespmem:v1+s7+$0x0] =	vst.idx.add.s32.msk vm10, v25  }
0x185: {  	v1 =	vld [tilespmem:$0x70];
	_ =	sdelay $0x7  }
0x186: {  	[tilespmem:v1+s7+$0x0] =	vst.idx.add.s32.msk $0x1, v25  }
0x187: {  	[tilespmem:v1+s7+$0x0] =	vst.idx.add.s32.msk vm0, v25  }
0x188: {  	[tilespmem:v1+s7+$0x0] =	vst.idx.add.s32.msk vm1, v25  }
0x189: {  	[tilespmem:v1+s7+$0x0] =	vst.idx.add.s32.msk vm2, v25  }
0x18a: {  	[tilespmem:v1+s7+$0x0] =	vst.idx.add.s32.msk vm3, v25  }
0x18b: {  	[tilespmem:v1+s7+$0x0] =	vst.idx.add.s32.msk vm4, v25  }
0x18c: {  	[tilespmem:v1+s7+$0x0] =	vst.idx.add.s32.msk vm5, v25  }
0x18d: {  	[tilespmem:v1+s7+$0x0] =	vst.idx.add.s32.msk vm6, v25  }
0x18e: {  	[tilespmem:v1+s7+$0x0] =	vst.idx.add.s32.msk vm7, v25  }
0x18f: {  	[tilespmem:v1+s7+$0x0] =	vst.idx.add.s32.msk vm8, v25  }
0x190: {  	[tilespmem:v1+s7+$0x0] =	vst.idx.add.s32.msk vm11, v25  }
0x191: {  	[tilespmem:v1+s7+$0x0] =	vst.idx.add.s32.msk vm13, v25  }
0x192: {  	[tilespmem:v1+s7+$0x0] =	vst.idx.add.s32.msk vm14, v25  }
0x193: {  	[tilespmem:v1+s7+$0x0] =	vst.idx.add.s32.msk vm12, v25  }
0x194: {  	[tilespmem:v1+s7+$0x0] =	vst.idx.add.s32.msk vm9, v25  }
0x195: {  	[tilespmem:v1+s7+$0x0] =	vst.idx.add.s32.msk vm10, v25  }
0x196: {  	v1 =	vld [tilespmem:$0x80];
	_ =	sdelay $0x7  }
0x197: {  	[tilespmem:v1+s7+$0x0] =	vst.idx.add.s32.msk $0x1, v25  }
0x198: {  	[tilespmem:v1+s7+$0x0] =	vst.idx.add.s32.msk vm0, v25  }
0x199: {  	[tilespmem:v1+s7+$0x0] =	vst.idx.add.s32.msk vm1, v25  }
0x19a: {  	[tilespmem:v1+s7+$0x0] =	vst.idx.add.s32.msk vm2, v25  }
0x19b: {  	[tilespmem:v1+s7+$0x0] =	vst.idx.add.s32.msk vm3, v25  }
0x19c: {  	[tilespmem:v1+s7+$0x0] =	vst.idx.add.s32.msk vm4, v25  }
0x19d: {  	[tilespmem:v1+s7+$0x0] =	vst.idx.add.s32.msk vm5, v25  }
0x19e: {  	[tilespmem:v1+s7+$0x0] =	vst.idx.add.s32.msk vm6, v25  }
0x19f: {  	[tilespmem:v1+s7+$0x0] =	vst.idx.add.s32.msk vm7, v25  }
0x1a0: {  	[tilespmem:v1+s7+$0x0] =	vst.idx.add.s32.msk vm8, v25  }
0x1a1: {  	[tilespmem:v1+s7+$0x0] =	vst.idx.add.s32.msk vm11, v25  }
0x1a2: {  	[tilespmem:v1+s7+$0x0] =	vst.idx.add.s32.msk vm13, v25  }
0x1a3: {  	[tilespmem:v1+s7+$0x0] =	vst.idx.add.s32.msk vm14, v25  }
0x1a4: {  	[tilespmem:v1+s7+$0x0] =	vst.idx.add.s32.msk vm12, v25  }
0x1a5: {  	[tilespmem:v1+s7+$0x0] =	vst.idx.add.s32.msk vm9, v25  }
0x1a6: {  	[tilespmem:v1+s7+$0x0] =	vst.idx.add.s32.msk vm10, v25  }
0x1a7: {  	v1 =	vld [tilespmem:$0x90];
	_ =	sdelay $0x7  }
0x1a8: {  	[tilespmem:v1+s7+$0x0] =	vst.idx.add.s32.msk $0x1, v25  }
0x1a9: {  	[tilespmem:v1+s7+$0x0] =	vst.idx.add.s32.msk vm0, v25  }
0x1aa: {  	[tilespmem:v1+s7+$0x0] =	vst.idx.add.s32.msk vm1, v25  }
0x1ab: {  	[tilespmem:v1+s7+$0x0] =	vst.idx.add.s32.msk vm2, v25  }
0x1ac: {  	[tilespmem:v1+s7+$0x0] =	vst.idx.add.s32.msk vm3, v25  }
0x1ad: {  	[tilespmem:v1+s7+$0x0] =	vst.idx.add.s32.msk vm4, v25  }
0x1ae: {  	[tilespmem:v1+s7+$0x0] =	vst.idx.add.s32.msk vm5, v25  }
0x1af: {  	[tilespmem:v1+s7+$0x0] =	vst.idx.add.s32.msk vm6, v25  }
0x1b0: {  	[tilespmem:v1+s7+$0x0] =	vst.idx.add.s32.msk vm7, v25  }
0x1b1: {  	[tilespmem:v1+s7+$0x0] =	vst.idx.add.s32.msk vm8, v25  }
0x1b2: {  	[tilespmem:v1+s7+$0x0] =	vst.idx.add.s32.msk vm11, v25  }
0x1b3: {  	[tilespmem:v1+s7+$0x0] =	vst.idx.add.s32.msk vm13, v25  }
0x1b4: {  	[tilespmem:v1+s7+$0x0] =	vst.idx.add.s32.msk vm14, v25  }
0x1b5: {  	[tilespmem:v1+s7+$0x0] =	vst.idx.add.s32.msk vm12, v25  }
0x1b6: {  	[tilespmem:v1+s7+$0x0] =	vst.idx.add.s32.msk vm9, v25  }
0x1b7: {  	[tilespmem:v1+s7+$0x0] =	vst.idx.add.s32.msk vm10, v25  }
0x1b8: {  	v1 =	vld [tilespmem:$0xA0];
	_ =	sdelay $0x7  }
0x1b9: {  	[tilespmem:v1+s7+$0x0] =	vst.idx.add.s32.msk $0x1, v25  }
0x1ba: {  	[tilespmem:v1+s7+$0x0] =	vst.idx.add.s32.msk vm0, v25  }
0x1bb: {  	[tilespmem:v1+s7+$0x0] =	vst.idx.add.s32.msk vm1, v25  }
0x1bc: {  	[tilespmem:v1+s7+$0x0] =	vst.idx.add.s32.msk vm2, v25  }
0x1bd: {  	[tilespmem:v1+s7+$0x0] =	vst.idx.add.s32.msk vm3, v25  }
0x1be: {  	[tilespmem:v1+s7+$0x0] =	vst.idx.add.s32.msk vm4, v25  }
0x1bf: {  	[tilespmem:v1+s7+$0x0] =	vst.idx.add.s32.msk vm5, v25  }
0x1c0: {  	[tilespmem:v1+s7+$0x0] =	vst.idx.add.s32.msk vm6, v25  }
0x1c1: {  	[tilespmem:v1+s7+$0x0] =	vst.idx.add.s32.msk vm7, v25  }
0x1c2: {  	[tilespmem:v1+s7+$0x0] =	vst.idx.add.s32.msk vm8, v25  }
0x1c3: {  	[tilespmem:v1+s7+$0x0] =	vst.idx.add.s32.msk vm11, v25  }
0x1c4: {  	[tilespmem:v1+s7+$0x0] =	vst.idx.add.s32.msk vm13, v25  }
0x1c5: {  	[tilespmem:v1+s7+$0x0] =	vst.idx.add.s32.msk vm14, v25  }
0x1c6: {  	[tilespmem:v1+s7+$0x0] =	vst.idx.add.s32.msk vm12, v25  }
0x1c7: {  	[tilespmem:v1+s7+$0x0] =	vst.idx.add.s32.msk vm9, v25  }
0x1c8: {  	[tilespmem:v1+s7+$0x0] =	vst.idx.add.s32.msk vm10, v25  }
0x1c9: {  	v1 =	vld [tilespmem:$0xB0];
	_ =	sdelay $0x7  }
0x1ca: {  	[tilespmem:v1+s7+$0x0] =	vst.idx.add.s32.msk $0x1, v25  }
0x1cb: {  	[tilespmem:v1+s7+$0x0] =	vst.idx.add.s32.msk vm0, v25  }
0x1cc: {  	[tilespmem:v1+s7+$0x0] =	vst.idx.add.s32.msk vm1, v25  }
0x1cd: {  	[tilespmem:v1+s7+$0x0] =	vst.idx.add.s32.msk vm2, v25  }
0x1ce: {  	[tilespmem:v1+s7+$0x0] =	vst.idx.add.s32.msk vm3, v25  }
0x1cf: {  	[tilespmem:v1+s7+$0x0] =	vst.idx.add.s32.msk vm4, v25  }
0x1d0: {  	[tilespmem:v1+s7+$0x0] =	vst.idx.add.s32.msk vm5, v25  }
0x1d1: {  	[tilespmem:v1+s7+$0x0] =	vst.idx.add.s32.msk vm6, v25  }
0x1d2: {  	[tilespmem:v1+s7+$0x0] =	vst.idx.add.s32.msk vm7, v25  }
0x1d3: {  	[tilespmem:v1+s7+$0x0] =	vst.idx.add.s32.msk vm8, v25  }
0x1d4: {  	[tilespmem:v1+s7+$0x0] =	vst.idx.add.s32.msk vm11, v25  }
0x1d5: {  	[tilespmem:v1+s7+$0x0] =	vst.idx.add.s32.msk vm13, v25  }
0x1d6: {  	[tilespmem:v1+s7+$0x0] =	vst.idx.add.s32.msk vm14, v25  }
0x1d7: {  	[tilespmem:v1+s7+$0x0] =	vst.idx.add.s32.msk vm12, v25  }
0x1d8: {  	[tilespmem:v1+s7+$0x0] =	vst.idx.add.s32.msk vm9, v25  }
0x1d9: {  	[tilespmem:v1+s7+$0x0] =	vst.idx.add.s32.msk vm10, v25  }
0x1da: {  	v1 =	vld [tilespmem:$0xC0];
	_ =	sdelay $0x7  }
0x1db: {  	[tilespmem:v1+s7+$0x0] =	vst.idx.add.s32.msk $0x1, v25  }
0x1dc: {  	[tilespmem:v1+s7+$0x0] =	vst.idx.add.s32.msk vm0, v25  }
0x1dd: {  	[tilespmem:v1+s7+$0x0] =	vst.idx.add.s32.msk vm1, v25  }
0x1de: {  	[tilespmem:v1+s7+$0x0] =	vst.idx.add.s32.msk vm2, v25  }
0x1df: {  	[tilespmem:v1+s7+$0x0] =	vst.idx.add.s32.msk vm3, v25  }
0x1e0: {  	[tilespmem:v1+s7+$0x0] =	vst.idx.add.s32.msk vm4, v25  }
0x1e1: {  	[tilespmem:v1+s7+$0x0] =	vst.idx.add.s32.msk vm5, v25  }
0x1e2: {  	[tilespmem:v1+s7+$0x0] =	vst.idx.add.s32.msk vm6, v25  }
0x1e3: {  	[tilespmem:v1+s7+$0x0] =	vst.idx.add.s32.msk vm7, v25  }
0x1e4: {  	[tilespmem:v1+s7+$0x0] =	vst.idx.add.s32.msk vm8, v25  }
0x1e5: {  	[tilespmem:v1+s7+$0x0] =	vst.idx.add.s32.msk vm11, v25  }
0x1e6: {  	[tilespmem:v1+s7+$0x0] =	vst.idx.add.s32.msk vm13, v25  }
0x1e7: {  	[tilespmem:v1+s7+$0x0] =	vst.idx.add.s32.msk vm14, v25  }
0x1e8: {  	[tilespmem:v1+s7+$0x0] =	vst.idx.add.s32.msk vm12, v25  }
0x1e9: {  	[tilespmem:v1+s7+$0x0] =	vst.idx.add.s32.msk vm9, v25  }
0x1ea: {  	[tilespmem:v1+s7+$0x0] =	vst.idx.add.s32.msk vm10, v25  }
0x1eb: {  	v1 =	vld [tilespmem:$0xD0];
	_ =	sdelay $0x7  }
0x1ec: {  	[tilespmem:v1+s7+$0x0] =	vst.idx.add.s32.msk $0x1, v25  }
0x1ed: {  	[tilespmem:v1+s7+$0x0] =	vst.idx.add.s32.msk vm0, v25  }
0x1ee: {  	[tilespmem:v1+s7+$0x0] =	vst.idx.add.s32.msk vm1, v25  }
0x1ef: {  	[tilespmem:v1+s7+$0x0] =	vst.idx.add.s32.msk vm2, v25  }
0x1f0: {  	[tilespmem:v1+s7+$0x0] =	vst.idx.add.s32.msk vm3, v25  }
0x1f1: {  	[tilespmem:v1+s7+$0x0] =	vst.idx.add.s32.msk vm4, v25  }
0x1f2: {  	[tilespmem:v1+s7+$0x0] =	vst.idx.add.s32.msk vm5, v25  }
0x1f3: {  	[tilespmem:v1+s7+$0x0] =	vst.idx.add.s32.msk vm6, v25  }
0x1f4: {  	[tilespmem:v1+s7+$0x0] =	vst.idx.add.s32.msk vm7, v25  }
0x1f5: {  	[tilespmem:v1+s7+$0x0] =	vst.idx.add.s32.msk vm8, v25  }
0x1f6: {  	[tilespmem:v1+s7+$0x0] =	vst.idx.add.s32.msk vm11, v25  }
0x1f7: {  	[tilespmem:v1+s7+$0x0] =	vst.idx.add.s32.msk vm13, v25  }
0x1f8: {  	[tilespmem:v1+s7+$0x0] =	vst.idx.add.s32.msk vm14, v25  }
0x1f9: {  	[tilespmem:v1+s7+$0x0] =	vst.idx.add.s32.msk vm12, v25  }
0x1fa: {  	[tilespmem:v1+s7+$0x0] =	vst.idx.add.s32.msk vm9, v25  }
0x1fb: {  	[tilespmem:v1+s7+$0x0] =	vst.idx.add.s32.msk vm10, v25  }
0x1fc: {  	v1 =	vld [tilespmem:$0xE0];
	_ =	sdelay $0x7  }
0x1fd: {  	[tilespmem:v1+s7+$0x0] =	vst.idx.add.s32.msk $0x1, v25  }
0x1fe: {  	[tilespmem:v1+s7+$0x0] =	vst.idx.add.s32.msk vm0, v25  }
0x1ff: {  	[tilespmem:v1+s7+$0x0] =	vst.idx.add.s32.msk vm1, v25  }
0x200: {  	[tilespmem:v1+s7+$0x0] =	vst.idx.add.s32.msk vm2, v25  }
0x201: {  	[tilespmem:v1+s7+$0x0] =	vst.idx.add.s32.msk vm3, v25  }
0x202: {  	[tilespmem:v1+s7+$0x0] =	vst.idx.add.s32.msk vm4, v25  }
0x203: {  	[tilespmem:v1+s7+$0x0] =	vst.idx.add.s32.msk vm5, v25  }
0x204: {  	[tilespmem:v1+s7+$0x0] =	vst.idx.add.s32.msk vm6, v25  }
0x205: {  	[tilespmem:v1+s7+$0x0] =	vst.idx.add.s32.msk vm7, v25  }
0x206: {  	[tilespmem:v1+s7+$0x0] =	vst.idx.add.s32.msk vm8, v25  }
0x207: {  	[tilespmem:v1+s7+$0x0] =	vst.idx.add.s32.msk vm11, v25  }
0x208: {  	[tilespmem:v1+s7+$0x0] =	vst.idx.add.s32.msk vm13, v25  }
0x209: {  	[tilespmem:v1+s7+$0x0] =	vst.idx.add.s32.msk vm14, v25  }
0x20a: {  	[tilespmem:v1+s7+$0x0] =	vst.idx.add.s32.msk vm12, v25  }
0x20b: {  	[tilespmem:v1+s7+$0x0] =	vst.idx.add.s32.msk vm9, v25  }
0x20c: {  	[tilespmem:v1+s7+$0x0] =	vst.idx.add.s32.msk vm10, v25  }
0x20d: {  	v1 =	vld [tilespmem:$0xF0];
	_ =	sdelay $0x7  }
0x20e: {  	[tilespmem:v1+s7+$0x0] =	vst.idx.add.s32.msk $0x1, v25  }
0x20f: {  	[tilespmem:v1+s7+$0x0] =	vst.idx.add.s32.msk vm0, v25  }
0x210: {  	[tilespmem:v1+s7+$0x0] =	vst.idx.add.s32.msk vm1, v25  }
0x211: {  	[tilespmem:v1+s7+$0x0] =	vst.idx.add.s32.msk vm2, v25  }
0x212: {  	[tilespmem:v1+s7+$0x0] =	vst.idx.add.s32.msk vm3, v25  }
0x213: {  	[tilespmem:v1+s7+$0x0] =	vst.idx.add.s32.msk vm4, v25  }
0x214: {  	[tilespmem:v1+s7+$0x0] =	vst.idx.add.s32.msk vm5, v25  }
0x215: {  	[tilespmem:v1+s7+$0x0] =	vst.idx.add.s32.msk vm6, v25  }
0x216: {  	[tilespmem:v1+s7+$0x0] =	vst.idx.add.s32.msk vm7, v25  }
0x217: {  	[tilespmem:v1+s7+$0x0] =	vst.idx.add.s32.msk vm8, v25  }
0x218: {  	[tilespmem:v1+s7+$0x0] =	vst.idx.add.s32.msk vm11, v25  }
0x219: {  	[tilespmem:v1+s7+$0x0] =	vst.idx.add.s32.msk vm13, v25  }
0x21a: {  	s8 =	sshll.u32 s3, $0xC;
	[tilespmem:v1+s7+$0x0] =	vst.idx.add.s32.msk vm14, v25  }
0x21b: {  	s9 =	sshll.u32 s3, $0x7;
	s8 =	sand.u32 $0x8000, s8;
	[tilespmem:v1+s7+$0x0] =	vst.idx.add.s32.msk vm12, v25  }
0x21c: {  	s9 =	sand.u32 $0x380, s9;
	s8 =	sadd.s32 s8, s6;
	[tilespmem:v1+s7+$0x0] =	vst.idx.add.s32.msk vm9, v25  }
0x21d: {  	s25 =	simm.s32 $0x80;
	s10 =	simm.s32 $0x400;
	s8 =	sadd.s32 s9, s8;
	[tilespmem:v1+s7+$0x0] =	vst.idx.add.s32.msk vm10, v25  }
0x21e: {  	[spmem:s8] =	stream.strided.scatter [tilespmem:s7], [sflag:$0x1], $0x1000, s10, s25, $0x38;
	[tilespmem:$0x3200] =	vst v63  }
0x21f: {  	_ =	swait.ge [sflag:s24], $0x1000  }
0x220: {  	s28 =	simm.s32 $0x800;
	[sflag:s24] =	ssyncset.done $0x0  }
0x221: {  	s29 =	simm.s32 $0x8000;
	s26 =	sshll.u32 s3, $0xB;
	[sflag:s24] =	ssyncadd.s32 $0xFFFFF000  }
0x222: {  	s30 =	simm.s32 $0x1100;
	s6 =	sadd.s32 s26, s6;
	[bflag:$0x0] =	sbarrier.arrive $0xFFFF  }
0x223: {  	[tilespmem:s30], [sflag:$0x1] =	stream.strided.gather [spmem:s6], $0x1000, s29, s28, $0x38;
	[tilespmem:$0x3200] =	vst v63  }
0x224: {  	_ =	swait.ge [sflag:s24], $0x1000  }
0x225: {  	[sflag:s24] =	ssyncset.done $0x0  }
0x226: {  	[sflag:s24] =	ssyncadd.s32 $0xFFFFF000  }
0x227: {  	v12 =	vld [tilespmem:$0x1100]  }
0x228: {  	v9 =	vld [tilespmem:$0x1180]  }
0x229: {  	v13 =	vld [tilespmem:$0x1200]  }
0x22a: {  	v15 =	vld [tilespmem:$0x1280]  }
0x22b: {  	v17 =	vld [tilespmem:$0x1300]  }
0x22c: {  	v18 =	vld [tilespmem:$0x1380]  }
0x22d: {  	v21 =	vld [tilespmem:$0x1400]  }
0x22e: {  	v59 =	vld [tilespmem:$0x1480]  }
0x22f: {  	v62 =	vld [tilespmem:$0x1900]  }
0x230: {  	v24 =	vld [tilespmem:$0x1980]  }
0x231: {  	v27 =	vld [tilespmem:$0x1A00]  }
0x232: {  	v28 =	vld [tilespmem:$0x1A80]  }
0x233: {  	v30 =	vld [tilespmem:$0x1B00]  }
0x234: {  	v36 =	vld [tilespmem:$0x1B80]  }
0x235: {  	v40 =	vld [tilespmem:$0x1C00]  }
0x236: {  	v48 =	vld [tilespmem:$0x1C80]  }
0x237: {  	v37 =	vld [tilespmem:$0x1110]  }
0x238: {  	v31 =	vld [tilespmem:$0x1190]  }
0x239: {  	v41 =	vld [tilespmem:$0x1210]  }
0x23a: {  	v47 =	vld [tilespmem:$0x1290]  }
0x23b: {  	v54 =	vld [tilespmem:$0x1310]  }
0x23c: {  	v61 =	vld [tilespmem:$0x1390]  }
0x23d: {  	v26 =	vld [tilespmem:$0x1410]  }
0x23e: {  	v29 =	vld [tilespmem:$0x1490]  }
0x23f: {  	v32 =	vld [tilespmem:$0x1910]  }
0x240: {  	v33 =	vld [tilespmem:$0x1990]  }
0x241: {  	v34 =	vld [tilespmem:$0x1A10]  }
0x242: {  	v35 =	vld [tilespmem:$0x1A90]  }
0x243: {  	v38 =	vld [tilespmem:$0x1B10]  }
0x244: {  	v39 =	vld [tilespmem:$0x1B90]  }
0x245: {  	v42 =	vld [tilespmem:$0x1C10]  }
0x246: {  	v43 =	vld [tilespmem:$0x1C90]  }
0x247: {  	v10 =	vld [tilespmem:$0x1120]  }
0x248: {  	v6 =	vld [tilespmem:$0x11A0]  }
0x249: {  	v11 =	vld [tilespmem:$0x1220]  }
0x24a: {  	v19 =	vld [tilespmem:$0x12A0]  }
0x24b: {  	v23 =	vld [tilespmem:$0x1320]  }
0x24c: {  	v50 =	vld [tilespmem:$0x14A0]  }
0x24d: {  	v56 =	vld [tilespmem:$0x1920]  }
0x24e: {  	v44 =	vld [tilespmem:$0x19A0]  }
0x24f: {  	v45 =	vld [tilespmem:$0x1A20]  }
0x250: {  	v46 =	vld [tilespmem:$0x1AA0]  }
0x251: {  	v49 =	vld [tilespmem:$0x1B20]  }
0x252: {  	v51 =	vld [tilespmem:$0x1BA0]  }
0x253: {  	v52 =	vld [tilespmem:$0x1C20]  }
0x254: {  	v53 =	vld [tilespmem:$0x1CA0]  }
0x255: {  	v1 =	vld [tilespmem:$0x1130]  }
0x256: {  	v0 =	vld [tilespmem:$0x11B0]  }
0x257: {  	v2 =	vld [tilespmem:$0x1230]  }
0x258: {  	v3 =	vld [tilespmem:$0x12B0]  }
0x259: {  	v4 =	vld [tilespmem:$0x1330]  }
0x25a: {  	v7 =	vld [tilespmem:$0x13B0]  }
0x25b: {  	v16 =	vld [tilespmem:$0x1430]  }
0x25c: {  	v22 =	vld [tilespmem:$0x14B0]  }
0x25d: {  	v25 =	vld [tilespmem:$0x1930]  }
0x25e: {  	v57 =	vld [tilespmem:$0x1B30]  }
0x25f: {  	v5 =	vld [tilespmem:$0x1BB0]  }
0x260: {  	v55 =	vld [tilespmem:$0x1C30]  }
0x261: {  	v58 =	vld [tilespmem:$0x1CB0]  }
0x262: {  	v60 =	vld [tilespmem:$0x1140]  }
0x263: {  	v63 =	vld [tilespmem:$0x11C0]  }
0x264: {  	v8 =	vld [tilespmem:$0x1240]  }
0x265: {  	v14 =	vld [tilespmem:$0x12C0]  }
0x266: {  	v20 =	vld [tilespmem:$0x1340]  }
0x267: {  	[tilespmem:$0x1F860] =	vst v29;
	v29 =	vld [tilespmem:$0x13A0]  }
0x268: {  	[tilespmem:$0x1F910] =	vst v42;
	v42 =	vld [tilespmem:$0x1420]  }
0x269: {  	[tilespmem:$0x1F870] =	vst v32;
	v32 =	vld [tilespmem:$0x19B0]  }
0x26a: {  	[tilespmem:$0x1F8C0] =	vst v45;
	v45 =	vld [tilespmem:$0x1A30]  }
0x26b: {  	[tilespmem:$0x1F920] =	vst v51;
	v51 =	vld [tilespmem:$0x1AB0]  }
0x26c: {  	[tilespmem:$0x1F850] =	vst v26;
	v26 =	vld [tilespmem:$0x13C0]  }
0x26d: {  	[tilespmem:$0x1F880] =	vst v33;
	v33 =	vld [tilespmem:$0x1440]  }
0x26e: {  	[tilespmem:$0x1F890] =	vst v34;
	v34 =	vld [tilespmem:$0x14C0]  }
0x26f: {  	[tilespmem:$0x1F8B0] =	vst v35;
	v35 =	vld [tilespmem:$0x1940]  }
0x270: {  	[tilespmem:$0x1F8D0] =	vst v38;
	v38 =	vld [tilespmem:$0x19C0]  }
0x271: {  	[tilespmem:$0x1F8F0] =	vst v39;
	v39 =	vld [tilespmem:$0x1A40]  }
0x272: {  	[tilespmem:$0x1F930] =	vst v43;
	v43 =	vld [tilespmem:$0x1AC0]  }
0x273: {  	[tilespmem:$0x1F8A0] =	vst v44;
	v44 =	vld [tilespmem:$0x1B40]  }
0x274: {  	[tilespmem:$0x1F8E0] =	vst v46;
	v46 =	vld [tilespmem:$0x1BC0]  }
0x275: {  	[tilespmem:$0x1F900] =	vst v49;
	v49 =	vld [tilespmem:$0x1C40]  }
0x276: {  	[tilespmem:$0x1F940] =	vst v52;
	v52 =	vld [tilespmem:$0x1CC0]  }
0x277: {  	[tilespmem:$0x1F970] =	vst v55;
	v55 =	vld [tilespmem:$0x1350]  }
0x278: {  	[tilespmem:$0x1F960] =	vst v53;
	v53 =	vld [tilespmem:$0x13D0]  }
0x279: {  	[tilespmem:$0x1F9A0] =	vst v58;
	v58 =	vld [tilespmem:$0x1450]  }
0x27a: {  	[tilespmem:$0x1F980] =	vst v60;
	v60 =	vld [tilespmem:$0x14D0]  }
0x27b: {  	[tilespmem:$0x1F990] =	vst v63;
	v63 =	vld [tilespmem:$0x1950]  }
0x27c: {  	[tilespmem:$0x1F9B0] =	vst v8;
	v8 =	vld [tilespmem:$0x19D0]  }
0x27d: {  	[tilespmem:$0x1F9C0] =	vst v14;
	v14 =	vld [tilespmem:$0x1A50]  }
0x27e: {  	[tilespmem:$0x1F9D0] =	vst v20;
	v20 =	vld [tilespmem:$0x1AD0]  }
0x27f: {  	[tilespmem:$0x1F950] =	vst v5;
	v5 =	vld [tilespmem:$0x11E0]  }
0x280: {  	v6 =	vadd.s32 v10, v6;
	v10 =	vld [tilespmem:$0x1640]  }
0x281: {  	v9 =	vadd.s32 v12, v9;
	v0 =	vadd.s32 v1, v0;
	v12 =	vld [tilespmem:$0x1740]  }
0x282: {  	v0 =	vadd.s32 v2, v0;
	v2 =	vld [tilespmem:$0x1FB0]  }
0x283: {  	v6 =	vadd.s32 v11, v6;
	v11 =	vld [tilespmem:$0x16C0]  }
0x284: {  	v9 =	vadd.s32 v13, v9;
	v13 =	vld [tilespmem:$0x1F920]  }
0x285: {  	v9 =	vadd.s32 v15, v9;
	v6 =	vadd.s32 v19, v6;
	v19 =	vld [tilespmem:$0x1F970]  }
0x286: {  	v9 =	vadd.s32 v17, v9;
	v17 =	vld [tilespmem:$0x2020]  }
0x287: {  	v0 =	vadd.s32 v3, v0;
	v23 =	vadd.s32 v23, v6;
	v6 =	vld [tilespmem:$0x20B0]  }
0x288: {  	v0 =	vadd.s32 v4, v0;
	v4 =	vld [tilespmem:$0x1540]  }
0x289: {  	v9 =	vadd.s32 v18, v9;
	v18 =	vld [tilespmem:$0x20A0]  }
0x28a: {  	[tilespmem:$0x1FA50] =	vst v38;
	v38 =	vld [tilespmem:$0x1150]  }
0x28b: {  	[tilespmem:$0x1F9F0] =	vst v33;
	v33 =	vld [tilespmem:$0x11D0]  }
0x28c: {  	[tilespmem:$0x1FA90] =	vst v43;
	v43 =	vld [tilespmem:$0x1250]  }
0x28d: {  	[tilespmem:$0x1FB20] =	vst v49;
	v49 =	vld [tilespmem:$0x12D0]  }
0x28e: {  	[tilespmem:$0x1F9E0] =	vst v26;
	v26 =	vld [tilespmem:$0x1B50]  }
0x28f: {  	[tilespmem:$0x1FA10] =	vst v34;
	v34 =	vld [tilespmem:$0x1BD0]  }
0x290: {  	[tilespmem:$0x1FA30] =	vst v35;
	v35 =	vld [tilespmem:$0x1C50]  }
0x291: {  	[tilespmem:$0x1FA70] =	vst v39;
	v39 =	vld [tilespmem:$0x1CD0]  }
0x292: {  	[tilespmem:$0x1FA80] =	vst v8;
	v8 =	vld [tilespmem:$0x1160]  }
0x293: {  	[tilespmem:$0x1FAA0] =	vst v14;
	v14 =	vld [tilespmem:$0x1260]  }
0x294: {  	[tilespmem:$0x1FAD0] =	vst v20;
	v20 =	vld [tilespmem:$0x12E0]  }
0x295: {  	[tilespmem:$0x1FAF0] =	vst v46;
	v46 =	vld [tilespmem:$0x1460]  }
0x296: {  	[tilespmem:$0x1FB50] =	vst v52;
	v52 =	vld [tilespmem:$0x14E0]  }
0x297: {  	[tilespmem:$0x1FA20] =	vst v58;
	v58 =	vld [tilespmem:$0x1960]  }
0x298: {  	[tilespmem:$0x1FAC0] =	vst v44;
	v44 =	vld [tilespmem:$0x1A60]  }
0x299: {  	[tilespmem:$0x1FA00] =	vst v53;
	v53 =	vld [tilespmem:$0x1AE0]  }
0x29a: {  	[tilespmem:$0x1FA40] =	vst v60;
	v60 =	vld [tilespmem:$0x1B60]  }
0x29b: {  	[tilespmem:$0x1FA60] =	vst v63;
	v63 =	vld [tilespmem:$0x1BE0]  }
0x29c: {  	v0 =	vadd.s32 v7, v0;
	v9 =	vadd.s32 v21, v9;
	v21 =	vld [tilespmem:$0x1530]  }
0x29d: {  	v0 =	vadd.s32 v16, v0;
	v16 =	vld [tilespmem:$0x1F940]  }
0x29e: {  	v9 =	vadd.s32 v59, v9;
	v59 =	vld [tilespmem:$0x15B0]  }
0x29f: {  	v0 =	vadd.s32 v22, v0;
	v22 =	vld [tilespmem:$0x1F990]  }
0x2a0: {  	v9 =	vadd.s32 v62, v9;
	v62 =	vld [tilespmem:$0x1630]  }
0x2a1: {  	v9 =	vadd.s32 v24, v9;
	v24 =	vld [tilespmem:$0x16B0]  }
0x2a2: {  	v0 =	vadd.s32 v25, v0;
	[tilespmem:$0x1FFC0] =	vst v17;
	v17 =	vld [tilespmem:$0x1DB0]  }
0x2a3: {  	v0 =	vadd.s32 v32, v0;
	v32 =	vld [tilespmem:$0x1F9F0]  }
0x2a4: {  	v9 =	vadd.s32 v27, v9;
	v27 =	vld [tilespmem:$0x1730]  }
0x2a5: {  	[tilespmem:$0x1FFD0] =	vst v18;
	v18 =	vld [tilespmem:$0x1E30]  }
0x2a6: {  	v0 =	vadd.s32 v45, v0;
	v45 =	vld [tilespmem:$0x1FA80]  }
0x2a7: {  	[tilespmem:$0x1FB00] =	vst v26;
	v26 =	vld [tilespmem:$0x1360]  }
0x2a8: {  	[tilespmem:$0x1FB30] =	vst v34;
	v34 =	vld [tilespmem:$0x13E0]  }
0x2a9: {  	[tilespmem:$0x1FB60] =	vst v35;
	v35 =	vld [tilespmem:$0x19E0]  }
0x2aa: {  	[tilespmem:$0x1FB80] =	vst v39;
	v39 =	vld [tilespmem:$0x1C60]  }
0x2ab: {  	[tilespmem:$0x1FAE0] =	vst v44;
	v44 =	vld [tilespmem:$0x1CE0]  }
0x2ac: {  	[tilespmem:$0x1FB10] =	vst v53;
	v53 =	vld [tilespmem:$0x1170]  }
0x2ad: {  	[tilespmem:$0x1FB40] =	vst v60;
	v60 =	vld [tilespmem:$0x11F0]  }
0x2ae: {  	[tilespmem:$0x1FB70] =	vst v63;
	v63 =	vld [tilespmem:$0x1270]  }
0x2af: {  	v9 =	vadd.s32 v28, v9;
	v28 =	vld [tilespmem:$0x17B0]  }
0x2b0: {  	v25 =	vadd.s32 v38, v33;
	v33 =	vld [tilespmem:$0x1FA00]  }
0x2b1: {  	v38 =	vld [tilespmem:$0x1FA30]  }
0x2b2: {  	v5 =	vadd.s32 v8, v5;
	v9 =	vadd.s32 v30, v9;
	v30 =	vld [tilespmem:$0x1830]  }
0x2b3: {  	v5 =	vadd.s32 v14, v5;
	v14 =	vld [tilespmem:$0x1E40]  }
0x2b4: {  	v0 =	vadd.s32 v51, v0;
	v51 =	vld [tilespmem:$0x1FAE0]  }
0x2b5: {  	v0 =	vadd.s32 v57, v0;
	v57 =	vld [tilespmem:$0x1FB20]  }
0x2b6: {  	v9 =	vadd.s32 v36, v9;
	v36 =	vld [tilespmem:$0x18B0]  }
0x2b7: {  	v5 =	vadd.s32 v20, v5;
	v20 =	vld [tilespmem:$0x1F40]  }
0x2b8: {  	[tilespmem:$0x1FEC0] =	vst v24;
	v24 =	vld [tilespmem:$0x1F850]  }
0x2b9: {  	v9 =	vadd.s32 v40, v9;
	v40 =	vadd.s32 v37, v31;
	v31 =	vld [tilespmem:$0x1F880]  }
0x2ba: {  	v37 =	vld [tilespmem:$0x1F8A0]  }
0x2bb: {  	[tilespmem:$0x1FF70] =	vst v17;
	v17 =	vld [tilespmem:$0x1F950]  }
0x2bc: {  	[tilespmem:$0x1FEE0] =	vst v27;
	v27 =	vadd.s32 v29, v23;
	v29 =	vld [tilespmem:$0x2030]  }
0x2bd: {  	v15 =	vadd.s32 v41, v40;
	v40 =	vld [tilespmem:$0x1F8B0]  }
0x2be: {  	v41 =	vld [tilespmem:$0x1F8C0]  }
0x2bf: {  	v9 =	vadd.s32 v48, v9;
	v48 =	vld [tilespmem:$0x1F8F0]  }
0x2c0: {  	[tilespmem:$0x1FF90] =	vst v18;
	v18 =	vld [tilespmem:$0x1F960]  }
0x2c1: {  	v23 =	vld [tilespmem:$0x1F9A0]  }
0x2c2: {  	[tilespmem:$0x1FB90] =	vst v39;
	v39 =	vld [tilespmem:$0x12F0]  }
0x2c3: {  	[tilespmem:$0x1FBC0] =	vst v44;
	v44 =	vld [tilespmem:$0x1370]  }
0x2c4: {  	[tilespmem:$0x1FBA0] =	vst v53;
	v53 =	vld [tilespmem:$0x13F0]  }
0x2c5: {  	[tilespmem:$0x1FBB0] =	vst v60;
	v60 =	vld [tilespmem:$0x1470]  }
0x2c6: {  	[tilespmem:$0x1FBD0] =	vst v63;
	v63 =	vld [tilespmem:$0x14F0]  }
0x2c7: {  	[tilespmem:$0x1FAB0] =	vst v35;
	v35 =	vld [tilespmem:$0x1590]  }
0x2c8: {  	[tilespmem:$0x1FF00] =	vst v28;
	v28 =	vld [tilespmem:$0x1F860]  }
0x2c9: {  	v3 =	vadd.s32 v42, v27;
	v42 =	vld [tilespmem:$0x1F8D0]  }
0x2ca: {  	[tilespmem:$0x1FFF0] =	vst v9;
	v9 =	vadd.s32 v47, v15;
	v47 =	vld [tilespmem:$0x1F8E0]  }
0x2cb: {  	v15 =	vld [tilespmem:$0x1F930]  }
0x2cc: {  	v27 =	vld [tilespmem:$0x1F9C0]  }
0x2cd: {  	[tilespmem:$0x1FE90] =	vst v21;
	v21 =	vadd.s32 v54, v9;
	v54 =	vld [tilespmem:$0x1EB0]  }
0x2ce: {  	[tilespmem:$0x1FF20] =	vst v30;
	v30 =	vld [tilespmem:$0x1F870]  }
0x2cf: {  	v9 =	vld [tilespmem:$0x15C0]  }
0x2d0: {  	v5 =	vadd.s32 v26, v5;
	v3 =	vadd.s32 v50, v3;
	v50 =	vld [tilespmem:$0x1F900]  }
0x2d1: {  	v5 =	vadd.s32 v34, v5;
	v34 =	vld [tilespmem:$0x1FBA0]  }
0x2d2: {  	v1 =	vadd.s32 v61, v21;
	v61 =	vld [tilespmem:$0x1F30]  }
0x2d3: {  	[tilespmem:$0x1FF40] =	vst v36;
	v36 =	vld [tilespmem:$0x1F890]  }
0x2d4: {  	v3 =	vadd.s32 v56, v3;
	v56 =	vld [tilespmem:$0x1F910]  }
0x2d5: {  	v21 =	vld [tilespmem:$0x1F980]  }
0x2d6: {  	v5 =	vadd.s32 v46, v5;
	v46 =	vld [tilespmem:$0x1FA90]  }
0x2d7: {  	v1 =	vadd.s32 v24, v1;
	v24 =	vld [tilespmem:$0x1F9B0]  }
0x2d8: {  	v0 =	vadd.s32 v17, v0;
	v17 =	vld [tilespmem:$0x1D40]  }
0x2d9: {  	v3 =	vadd.s32 v37, v3;
	v37 =	vld [tilespmem:$0x1FA20]  }
0x2da: {  	v5 =	vadd.s32 v52, v5;
	v52 =	vld [tilespmem:$0x1FAF0]  }
0x2db: {  	[tilespmem:$0x1FFE0] =	vst v29;
	v29 =	vld [tilespmem:$0x1F9D0]  }
0x2dc: {  	v0 =	vadd.s32 v19, v0;
	v19 =	vld [tilespmem:$0x1EC0]  }
0x2dd: {  	v3 =	vadd.s32 v41, v3;
	v41 =	vld [tilespmem:$0x1FA50]  }
0x2de: {  	v5 =	vadd.s32 v58, v5;
	v58 =	vld [tilespmem:$0x1FB30]  }
0x2df: {  	[tilespmem:$0x1FC00] =	vst v39;
	v39 =	vld [tilespmem:$0x1970]  }
0x2e0: {  	[tilespmem:$0x1FC20] =	vst v44;
	v44 =	vld [tilespmem:$0x19F0]  }
0x2e1: {  	[tilespmem:$0x1FC40] =	vst v53;
	v53 =	vld [tilespmem:$0x1A70]  }
0x2e2: {  	[tilespmem:$0x1FC60] =	vst v60;
	v60 =	vld [tilespmem:$0x1AF0]  }
0x2e3: {  	[tilespmem:$0x1FC80] =	vst v63;
	v63 =	vld [tilespmem:$0x1B70]  }
0x2e4: {  	v0 =	vadd.s32 v23, v0;
	v23 =	vld [tilespmem:$0x20C0]  }
0x2e5: {  	v1 =	vadd.s32 v28, v1;
	v28 =	vadd.s32 v43, v25;
	v43 =	vld [tilespmem:$0x1FA70]  }
0x2e6: {  	v3 =	vadd.s32 v47, v3;
	v47 =	vld [tilespmem:$0x1FAA0]  }
0x2e7: {  	v1 =	vadd.s32 v30, v1;
	v30 =	vadd.s32 v49, v28;
	v49 =	vld [tilespmem:$0x1FAC0]  }
0x2e8: {  	v3 =	vadd.s32 v50, v3;
	v50 =	vld [tilespmem:$0x1FAD0]  }
0x2e9: {  	v28 =	vld [tilespmem:$0x1FB50]  }
0x2ea: {  	v4 =	vadd.s32 v4, v9;
	v9 =	vld [tilespmem:$0x18E0]  }
0x2eb: {  	v7 =	vadd.s32 v13, v3;
	v13 =	vld [tilespmem:$0x17C0]  }
0x2ec: {  	v1 =	vadd.s32 v31, v1;
	v31 =	vld [tilespmem:$0x1F9E0]  }
0x2ed: {  	v8 =	vadd.s32 v55, v30;
	v55 =	vld [tilespmem:$0x1FB00]  }
0x2ee: {  	v30 =	vld [tilespmem:$0x1FB70]  }
0x2ef: {  	v4 =	vadd.s32 v10, v4;
	v10 =	vld [tilespmem:$0x1D60]  }
0x2f0: {  	v1 =	vadd.s32 v36, v1;
	v36 =	vld [tilespmem:$0x1FA10]  }
0x2f1: {  	v8 =	vadd.s32 v33, v8;
	v33 =	vld [tilespmem:$0x1FB90]  }
0x2f2: {  	v4 =	vadd.s32 v11, v4;
	v11 =	vld [tilespmem:$0x1DE0]  }
0x2f3: {  	v1 =	vadd.s32 v40, v1;
	v40 =	vld [tilespmem:$0x1FA40]  }
0x2f4: {  	v8 =	vadd.s32 v37, v8;
	v37 =	vld [tilespmem:$0x15D0]  }
0x2f5: {  	v4 =	vadd.s32 v12, v4;
	v12 =	vld [tilespmem:$0x1E60]  }
0x2f6: {  	[tilespmem:$0x1FCB0] =	vst v39;
	v39 =	vld [tilespmem:$0x1BF0]  }
0x2f7: {  	[tilespmem:$0x1FCE0] =	vst v44;
	v44 =	vld [tilespmem:$0x1C70]  }
0x2f8: {  	[tilespmem:$0x1FD10] =	vst v53;
	v53 =	vld [tilespmem:$0x1CF0]  }
0x2f9: {  	[tilespmem:$0x1FD40] =	vst v60;
	v60 =	vld [tilespmem:$0x1500]  }
0x2fa: {  	[tilespmem:$0x1FD70] =	vst v63;
	v63 =	vld [tilespmem:$0x1580]  }
0x2fb: {  	v1 =	vadd.s32 v42, v1;
	v42 =	vld [tilespmem:$0x1FA60]  }
0x2fc: {  	v1 =	vadd.s32 v48, v1;
	v48 =	vld [tilespmem:$0x1FAB0]  }
0x2fd: {  	v1 =	vadd.s32 v56, v1;
	v56 =	vld [tilespmem:$0x1FB10]  }
0x2fe: {  	v4 =	vadd.s32 v13, v4;
	v13 =	vld [tilespmem:$0x1EE0]  }
0x2ff: {  	v3 =	vadd.s32 v15, v1;
	v15 =	vld [tilespmem:$0x1840]  }
0x300: {  	v1 =	vadd.s32 v16, v7;
	v16 =	vld [tilespmem:$0x18C0]  }
0x301: {  	v7 =	vadd.s32 v21, v22;
	v21 =	vld [tilespmem:$0x1FC0]  }
0x302: {  	v22 =	vld [tilespmem:$0x2040]  }
0x303: {  	v1 =	vadd.s32 v18, v1;
	v18 =	vld [tilespmem:$0x1DC0]  }
0x304: {  	v8 =	vadd.s32 v40, v8;
	v40 =	vld [tilespmem:$0x1650]  }
0x305: {  	[tilespmem:$0x1FBF0] =	vst v63;
	v63 =	vld [tilespmem:$0x1800]  }
0x306: {  	[tilespmem:$0x1FDA0] =	vst v39;
	v39 =	vld [tilespmem:$0x1600]  }
0x307: {  	[tilespmem:$0x1FDD0] =	vst v44;
	v44 =	vld [tilespmem:$0x1680]  }
0x308: {  	[tilespmem:$0x1FE00] =	vst v53;
	v53 =	vld [tilespmem:$0x1700]  }
0x309: {  	[tilespmem:$0x1FBE0] =	vst v60;
	v60 =	vld [tilespmem:$0x1780]  }
0x30a: {  	v7 =	vadd.s32 v24, v7;
	[tilespmem:$0x1FC90] =	vst v63;
	v63 =	vld [tilespmem:$0x1E80]  }
0x30b: {  	v7 =	vadd.s32 v27, v7;
	v27 =	vld [tilespmem:$0x1FB40]  }
0x30c: {  	v8 =	vadd.s32 v42, v8;
	v42 =	vld [tilespmem:$0x1FBB0]  }
0x30d: {  	v7 =	vadd.s32 v29, v7;
	v29 =	vld [tilespmem:$0x1FB60]  }
0x30e: {  	v8 =	vadd.s32 v45, v8;
	v45 =	vld [tilespmem:$0x1FBD0]  }
0x30f: {  	[tilespmem:$0x1FD80] =	vst v63;
	v63 =	vld [tilespmem:$0x1790]  }
0x310: {  	v5 =	vadd.s32 v48, v5;
	v48 =	vld [tilespmem:$0x1FC00]  }
0x311: {  	v7 =	vadd.s32 v31, v7;
	v31 =	vld [tilespmem:$0x1550]  }
0x312: {  	v8 =	vadd.s32 v47, v8;
	v47 =	vld [tilespmem:$0x1FBF0]  }
0x313: {  	v5 =	vadd.s32 v51, v5;
	v51 =	vld [tilespmem:$0x1FC20]  }
0x314: {  	[tilespmem:$0x1FCA0] =	vst v63;
	v63 =	vld [tilespmem:$0x1810]  }
0x315: {  	v7 =	vadd.s32 v32, v7;
	v32 =	vld [tilespmem:$0x1FB80]  }
0x316: {  	v4 =	vadd.s32 v15, v4;
	v15 =	vld [tilespmem:$0x1F60]  }
0x317: {  	v8 =	vadd.s32 v50, v8;
	v7 =	vadd.s32 v36, v7;
	v36 =	vld [tilespmem:$0x17D0]  }
0x318: {  	v8 =	vadd.s32 v55, v8;
	v55 =	vld [tilespmem:$0x1FC40]  }
0x319: {  	[tilespmem:$0x1FCD0] =	vst v63;
	v63 =	vld [tilespmem:$0x1890]  }
0x31a: {  	v4 =	vadd.s32 v16, v4;
	v16 =	vld [tilespmem:$0x1FE0]  }
0x31b: {  	[tilespmem:$0x1FC10] =	vst v39;
	v39 =	vld [tilespmem:$0x1880]  }
0x31c: {  	[tilespmem:$0x1FC30] =	vst v44;
	v44 =	vld [tilespmem:$0x1D00]  }
0x31d: {  	[tilespmem:$0x1FC50] =	vst v53;
	v53 =	vld [tilespmem:$0x1D80]  }
0x31e: {  	[tilespmem:$0x1FD00] =	vst v63;
	v63 =	vld [tilespmem:$0x1D10]  }
0x31f: {  	[tilespmem:$0x1FC70] =	vst v60;
	v60 =	vld [tilespmem:$0x1E00]  }
0x320: {  	v5 =	vadd.s32 v56, v5;
	v7 =	vadd.s32 v38, v7;
	v38 =	vld [tilespmem:$0x1750]  }
0x321: {  	v5 =	vadd.s32 v27, v5;
	v27 =	vld [tilespmem:$0x1F50]  }
0x322: {  	v4 =	vadd.s32 v17, v4;
	v17 =	vld [tilespmem:$0x2060]  }
0x323: {  	[tilespmem:$0x1FD30] =	vst v63;
	v63 =	vld [tilespmem:$0x1D90]  }
0x324: {  	v7 =	vadd.s32 v41, v7;
	v41 =	vld [tilespmem:$0x16D0]  }
0x325: {  	v5 =	vadd.s32 v30, v5;
	v30 =	vld [tilespmem:$0x1DD0]  }
0x326: {  	v56 =	vld [tilespmem:$0x1FC50]  }
0x327: {  	v24 =	vadd.s32 v58, v8;
	v58 =	vld [tilespmem:$0x1FC70]  }
0x328: {  	[tilespmem:$0x1FD60] =	vst v63;
	v63 =	vld [tilespmem:$0x1E10]  }
0x329: {  	v4 =	vadd.s32 v18, v4;
	v18 =	vld [tilespmem:$0x20E0]  }
0x32a: {  	v7 =	vadd.s32 v43, v7;
	v43 =	vld [tilespmem:$0x1FBC0]  }
0x32b: {  	v5 =	vadd.s32 v33, v5;
	v33 =	vld [tilespmem:$0x18D0]  }
0x32c: {  	v4 =	vadd.s32 v14, v4;
	v14 =	vld [tilespmem:$0x1570]  }
0x32d: {  	[tilespmem:$0x1FD90] =	vst v63;
	v63 =	vld [tilespmem:$0x1E90]  }
0x32e: {  	v7 =	vadd.s32 v46, v7;
	v46 =	vld [tilespmem:$0x1FBE0]  }
0x32f: {  	v4 =	vadd.s32 v19, v4;
	v19 =	vld [tilespmem:$0x15F0]  }
0x330: {  	v7 =	vadd.s32 v49, v7;
	v49 =	vld [tilespmem:$0x1FC10]  }
0x331: {  	[tilespmem:$0x1FCC0] =	vst v39;
	v39 =	vld [tilespmem:$0x1F00]  }
0x332: {  	[tilespmem:$0x1FDC0] =	vst v63;
	v63 =	vld [tilespmem:$0x1F10]  }
0x333: {  	[tilespmem:$0x1FCF0] =	vst v44;
	v44 =	vld [tilespmem:$0x1F80]  }
0x334: {  	[tilespmem:$0x1FD20] =	vst v53;
	v53 =	vld [tilespmem:$0x2000]  }
0x335: {  	[tilespmem:$0x1FD50] =	vst v60;
	v60 =	vld [tilespmem:$0x2080]  }
0x336: {  	v7 =	vadd.s32 v52, v7;
	v52 =	vld [tilespmem:$0x1FC30]  }
0x337: {  	[tilespmem:$0x1FDF0] =	vst v63;
	v63 =	vld [tilespmem:$0x1F90]  }
0x338: {  	v7 =	vadd.s32 v57, v7;
	v57 =	vld [tilespmem:$0x1FC60]  }
0x339: {  	v8 =	vadd.s32 v28, v7;
	v7 =	vadd.s32 v29, v24;
	v24 =	vadd.s32 v34, v42;
	v34 =	vld [tilespmem:$0x1850]  }
0x33a: {  	v29 =	vld [tilespmem:$0x1E50]  }
0x33b: {  	v28 =	vld [tilespmem:$0x1ED0]  }
0x33c: {  	[tilespmem:$0x1FE20] =	vst v63;
	v63 =	vld [tilespmem:$0x2010]  }
0x33d: {  	v42 =	vld [tilespmem:$0x1FCB0]  }
0x33e: {  	v5 =	vadd.s32 v43, v5;
	v43 =	vld [tilespmem:$0x1FCC0]  }
0x33f: {  	v7 =	vadd.s32 v32, v7;
	v32 =	vld [tilespmem:$0x1D50]  }
0x340: {  	v24 =	vadd.s32 v45, v24;
	v45 =	vld [tilespmem:$0x1FCE0]  }
0x341: {  	[tilespmem:$0x1FE40] =	vst v63;
	v63 =	vld [tilespmem:$0x2090]  }
0x342: {  	v25 =	vadd.s32 v46, v47;
	v46 =	vld [tilespmem:$0x1FCF0]  }
0x343: {  	v24 =	vadd.s32 v48, v24;
	v48 =	vld [tilespmem:$0x1FD10]  }
0x344: {  	v25 =	vadd.s32 v49, v25;
	v49 =	vld [tilespmem:$0x1FD20]  }
0x345: {  	[tilespmem:$0x1FDB0] =	vst v39;
	v39 =	vld [tilespmem:$0x1510]  }
0x346: {  	[tilespmem:$0x1FE70] =	vst v63;
	v63 =	vld [tilespmem:$0x1520]  }
0x347: {  	[tilespmem:$0x1FDE0] =	vst v44;
	v44 =	vld [tilespmem:$0x1610]  }
0x348: {  	[tilespmem:$0x1FE10] =	vst v53;
	v53 =	vld [tilespmem:$0x1690]  }
0x349: {  	[tilespmem:$0x1FE30] =	vst v60;
	v60 =	vld [tilespmem:$0x1710]  }
0x34a: {  	v24 =	vadd.s32 v51, v24;
	v51 =	vld [tilespmem:$0x1FD40]  }
0x34b: {  	[tilespmem:$0x1FE50] =	vst v63;
	v63 =	vld [tilespmem:$0x15A0]  }
0x34c: {  	v25 =	vadd.s32 v52, v25;
	v52 =	vld [tilespmem:$0x1FD50]  }
0x34d: {  	v24 =	vadd.s32 v55, v24;
	v55 =	vld [tilespmem:$0x1FD70]  }
0x34e: {  	v25 =	vadd.s32 v56, v25;
	v56 =	vld [tilespmem:$0x1FD80]  }
0x34f: {  	v25 =	vadd.s32 v58, v25;
	v58 =	vld [tilespmem:$0x1FDA0]  }
0x350: {  	[tilespmem:$0x1FE60] =	vst v63;
	v63 =	vld [tilespmem:$0x1620]  }
0x351: {  	v50 =	vadd.s32 v39, v35;
	v35 =	vld [tilespmem:$0x1FC90]  }
0x352: {  	v39 =	vld [tilespmem:$0x1FCA0];
	v26 =	vadd.s32 v44, v50  }
0x353: {  	v44 =	vld [tilespmem:$0x1FCD0];
	v26 =	vadd.s32 v53, v26  }
0x354: {  	v26 =	vadd.s32 v60, v26;
	v60 =	vld [tilespmem:$0x1FC80]  }
0x355: {  	[tilespmem:$0x1FE80] =	vst v63;
	v63 =	vld [tilespmem:$0x16A0]  }
0x356: {  	v25 =	vadd.s32 v35, v25;
	v47 =	vld [tilespmem:$0x1FD00]  }
0x357: {  	v26 =	vadd.s32 v39, v26;
	v25 =	vadd.s32 v43, v25;
	v43 =	vld [tilespmem:$0x1560]  }
0x358: {  	v26 =	vadd.s32 v44, v26;
	v44 =	vld [tilespmem:$0x15E0]  }
0x359: {  	v39 =	vadd.s32 v46, v25;
	v25 =	vld [tilespmem:$0x2050]  }
0x35a: {  	[tilespmem:$0x1FEA0] =	vst v63;
	v63 =	vld [tilespmem:$0x1720]  }
0x35b: {  	v24 =	vadd.s32 v57, v24;
	v46 =	vld [tilespmem:$0x16E0]  }
0x35c: {  	v24 =	vadd.s32 v60, v24;
	v60 =	vld [tilespmem:$0x1FDB0]  }
0x35d: {  	v39 =	vadd.s32 v49, v39;
	v49 =	vld [tilespmem:$0x1FDD0]  }
0x35e: {  	v35 =	vadd.s32 v42, v24;
	v24 =	vld [tilespmem:$0x1FD0]  }
0x35f: {  	[tilespmem:$0x1FEB0] =	vst v63;
	v63 =	vld [tilespmem:$0x17A0]  }
0x360: {  	v39 =	vadd.s32 v52, v39;
	v52 =	vld [tilespmem:$0x1FE00]  }
0x361: {  	v35 =	vadd.s32 v45, v35;
	v45 =	vld [tilespmem:$0x1660]  }
0x362: {  	v35 =	vadd.s32 v48, v35;
	v50 =	vld [tilespmem:$0x1FD30]  }
0x363: {  	v39 =	vadd.s32 v56, v39;
	v56 =	vld [tilespmem:$0x1FE30];
	v35 =	vadd.s32 v51, v35  }
0x364: {  	v35 =	vadd.s32 v55, v35;
	[tilespmem:$0x1FED0] =	vst v63;
	v63 =	vld [tilespmem:$0x1820]  }
0x365: {  	v26 =	vadd.s32 v47, v26;
	v47 =	vld [tilespmem:$0x1760];
	v35 =	vadd.s32 v58, v35  }
0x366: {  	v35 =	vadd.s32 v49, v35;
	v49 =	vld [tilespmem:$0x17E0]  }
0x367: {  	v42 =	vadd.s32 v50, v26;
	v26 =	vld [tilespmem:$0x20D0]  }
0x368: {  	v53 =	vld [tilespmem:$0x1FD60]  }
0x369: {  	[tilespmem:$0x1FEF0] =	vst v63;
	v63 =	vld [tilespmem:$0x18A0]  }
0x36a: {  	v57 =	vld [tilespmem:$0x1FD90]  }
0x36b: {  	v48 =	vld [tilespmem:$0x1FDC0]  }
0x36c: {  	v51 =	vld [tilespmem:$0x1FDF0]  }
0x36d: {  	v50 =	vld [tilespmem:$0x1FDE0]  }
0x36e: {  	v42 =	vadd.s32 v53, v42;
	[tilespmem:$0x1FF10] =	vst v63;
	v63 =	vld [tilespmem:$0x1D20]  }
0x36f: {  	v42 =	vadd.s32 v57, v42;
	v55 =	vld [tilespmem:$0x1FE20]  }
0x370: {  	v53 =	vld [tilespmem:$0x1FE10];
	v42 =	vadd.s32 v48, v42  }
0x371: {  	v42 =	vadd.s32 v51, v42;
	v51 =	vld [tilespmem:$0x1860]  }
0x372: {  	v57 =	vld [tilespmem:$0x1FE40]  }
0x373: {  	[tilespmem:$0x1FF30] =	vst v63;
	v63 =	vld [tilespmem:$0x1DA0]  }
0x374: {  	v42 =	vadd.s32 v55, v42;
	v55 =	vld [tilespmem:$0x1FE90]  }
0x375: {  	v58 =	vld [tilespmem:$0x1FE50]  }
0x376: {  	v39 =	vadd.s32 v60, v39;
	v60 =	vld [tilespmem:$0x1FE60]  }
0x377: {  	v35 =	vadd.s32 v52, v35;
	v52 =	vld [tilespmem:$0x1FE70]  }
0x378: {  	[tilespmem:$0x1FF50] =	vst v63;
	v63 =	vld [tilespmem:$0x1E20]  }
0x379: {  	v39 =	vadd.s32 v50, v39;
	v50 =	vadd.s32 v55, v59;
	v55 =	vld [tilespmem:$0x1670]  }
0x37a: {  	v39 =	vadd.s32 v53, v39;
	v53 =	vld [tilespmem:$0x1FE80]  }
0x37b: {  	v48 =	vadd.s32 v58, v60;
	v58 =	vld [tilespmem:$0x1FEC0]  }
0x37c: {  	v60 =	vld [tilespmem:$0x1FEE0]  }
0x37d: {  	[tilespmem:$0x1FF60] =	vst v63;
	v63 =	vld [tilespmem:$0x1EA0]  }
0x37e: {  	v39 =	vadd.s32 v56, v39;
	v56 =	vld [tilespmem:$0x1FEA0]  }
0x37f: {  	v42 =	vadd.s32 v57, v42;
	v50 =	vadd.s32 v62, v50;
	v57 =	vld [tilespmem:$0x1FEB0]  }
0x380: {  	v50 =	vadd.s32 v58, v50;
	v58 =	vld [tilespmem:$0x1FF20]  }
0x381: {  	v59 =	vld [tilespmem:$0x1FED0]  }
0x382: {  	v48 =	vadd.s32 v53, v48;
	[tilespmem:$0x1FF80] =	vst v63;
	v63 =	vld [tilespmem:$0x1F20]  }
0x383: {  	v48 =	vadd.s32 v56, v48;
	v62 =	vld [tilespmem:$0x1FEF0]  }
0x384: {  	v48 =	vadd.s32 v57, v48;
	v57 =	vld [tilespmem:$0x1FF10]  }
0x385: {  	v50 =	vadd.s32 v60, v50;
	v60 =	vld [tilespmem:$0x1FF40]  }
0x386: {  	v48 =	vadd.s32 v59, v48;
	v59 =	vld [tilespmem:$0x1FF30]  }
0x387: {  	[tilespmem:$0x1FFA0] =	vst v63;
	v63 =	vld [tilespmem:$0x1FA0]  }
0x388: {  	v56 =	vld [tilespmem:$0x1FF00];
	v48 =	vadd.s32 v62, v48  }
0x389: {  	v48 =	vadd.s32 v57, v48;
	v57 =	vld [tilespmem:$0x1FF70]  }
0x38a: {  	v62 =	vld [tilespmem:$0x1FF50]  }
0x38b: {  	v48 =	vadd.s32 v59, v48;
	v59 =	vld [tilespmem:$0x1FF90]  }
0x38c: {  	[tilespmem:$0x1FFB0] =	vst v63;
	v63 =	vld [tilespmem:$0x1D30]  }
0x38d: {  	v50 =	vadd.s32 v56, v50;
	v56 =	vld [tilespmem:$0x1FF60]  }
0x38e: {  	v50 =	vadd.s32 v58, v50;
	v58 =	vld [tilespmem:$0x1FF80]  }
0x38f: {  	v4 =	vadd.s32 v20, v4;
	v50 =	vadd.s32 v60, v50;
	v60 =	vld [tilespmem:$0x1FFA0]  }
0x390: {  	v4 =	vadd.s32 v21, v4;
	v48 =	vadd.s32 v62, v48;
	v62 =	vld [tilespmem:$0x1FFB0]  }
0x391: {  	v4 =	vadd.s32 v22, v4;
	v50 =	vadd.s32 v63, v50;
	v63 =	vld [tilespmem:$0x1FFC0]  }
0x392: {  	v14 =	vadd.s32 v14, v19;
	v48 =	vadd.s32 v56, v48;
	v50 =	vadd.s32 v57, v50;
	v57 =	vld [tilespmem:$0x1FFE0]  }
0x393: {  	v14 =	vadd.s32 v55, v14;
	v55 =	vld [tilespmem:$0x1EF0];
	v48 =	vadd.s32 v58, v48;
	v50 =	vadd.s32 v59, v50  }
0x394: {  	v4 =	vadd.s32 v23, v4;
	v58 =	vld [tilespmem:$0x16F0];
	v48 =	vadd.s32 v60, v48;
	v50 =	vadd.s32 v54, v50  }
0x395: {  	v42 =	vadd.s32 v52, v42;
	v56 =	vld [tilespmem:$0x1FFD0];
	v48 =	vadd.s32 v62, v48;
	v50 =	vadd.s32 v61, v50  }
0x396: {  	v60 =	vld [tilespmem:$0x1770];
	v59 =	vadd.s32 v31, v37;
	v61 =	vadd.s32 v43, v44;
	v2 =	vadd.s32 v2, v50  }
0x397: {  	v62 =	vld [tilespmem:$0x17F0];
	v48 =	vadd.s32 v63, v48;
	v23 =	vadd.s32 v45, v61;
	v2 =	vadd.s32 v57, v2  }
0x398: {  	[tilespmem:$0x2130] =	vst v0;
	v37 =	vld [tilespmem:$0x1870];
	v2 =	vadd.s32 v6, v2;
	v6 =	vadd.s32 v40, v59;
	v40 =	vadd.s32 v46, v23  }
0x399: {  	[tilespmem:$0x2110] =	vst v3;
	v45 =	vadd.s32 v58, v14;
	v6 =	vadd.s32 v41, v6;
	v41 =	vld [tilespmem:$0x18F0];
	v44 =	vadd.s32 v47, v40  }
0x39a: {  	[tilespmem:$0x2120] =	vst v1;
	v48 =	vadd.s32 v56, v48;
	v46 =	vld [tilespmem:$0x1D70];
	v38 =	vadd.s32 v38, v6;
	v50 =	vadd.s32 v49, v44  }
0x39b: {  	[tilespmem:$0x2140] =	vst v8;
	v53 =	vld [tilespmem:$0x1DF0];
	v52 =	vadd.s32 v60, v45;
	v43 =	vadd.s32 v36, v38;
	v1 =	vadd.s32 v51, v50  }
0x39c: {  	[tilespmem:$0x2160] =	vst v5;
	v54 =	vld [tilespmem:$0x1E70];
	v3 =	vadd.s32 v62, v52;
	v47 =	vadd.s32 v34, v43;
	v1 =	vadd.s32 v9, v1  }
0x39d: {  	[tilespmem:$0x21C0] =	vst v4;
	v63 =	vld [tilespmem:$0x1FFF0];
	v3 =	vadd.s32 v37, v3;
	v0 =	vadd.s32 v33, v47;
	v1 =	vadd.s32 v10, v1  }
0x39e: {  	[tilespmem:$0x2150] =	vst v7;
	v56 =	vld [tilespmem:$0x1F70];
	v0 =	vadd.s32 v32, v0;
	v3 =	vadd.s32 v41, v3;
	v1 =	vadd.s32 v11, v1  }
0x39f: {  	[tilespmem:$0x2170] =	vst v35;
	v57 =	vld [tilespmem:$0x1FF0];
	v0 =	vadd.s32 v30, v0;
	v3 =	vadd.s32 v46, v3;
	v1 =	vadd.s32 v12, v1  }
0x3a0: {  	[tilespmem:$0x2180] =	vst v39;
	v58 =	vld [tilespmem:$0x2070];
	v0 =	vadd.s32 v29, v0;
	v3 =	vadd.s32 v53, v3;
	v1 =	vadd.s32 v13, v1  }
0x3a1: {  	[tilespmem:$0x2190] =	vst v42;
	v59 =	vld [tilespmem:$0x20F0];
	v0 =	vadd.s32 v28, v0;
	v3 =	vadd.s32 v54, v3;
	v1 =	vadd.s32 v15, v1  }
0x3a2: {  	[tilespmem:$0x21A0] =	vst v48;
	v0 =	vadd.s32 v27, v0;
	v3 =	vadd.s32 v55, v3;
	v1 =	vadd.s32 v16, v1  }
0x3a3: {  	[tilespmem:$0x21B0] =	vst v2;
	v0 =	vadd.s32 v24, v0;
	v60 =	vadd.s32 v56, v3;
	v1 =	vadd.s32 v17, v1  }
0x3a4: {  	[tilespmem:$0x2100] =	vst v63;
	v0 =	vadd.s32 v25, v0;
	v2 =	vadd.s32 v57, v60;
	v61 =	vadd.s32 v18, v1  }
0x3a5: {  	v0 =	vadd.s32 v26, v0;
	v62 =	vadd.s32 v58, v2;
	[tilespmem:$0x21E0] =	vst v61  }
0x3a6: {  	[tilespmem:$0x21D0] =	vst v0;
	v63 =	vadd.s32 v59, v62  }
0x3a7: {  	s31 =	simm.s32 $0x2100;
	s1 =	sadd.s32 s1, s4;
	[tilespmem:$0x21F0] =	vst v63  }
0x3a8: {  	[hbm4b:s1+s2] =	stream.linear.scatter [tilespmem:s31], [sflag:$0x1], $0x100, $0x38;
	[tilespmem:$0x3200] =	vst v63  }
0x3a9: {  	_ =	swait.ge [sflag:s24], $0x100  }
0x3aa: {  	[sflag:s24] =	ssyncset.done $0x0  }
0x3ab: {  	[sflag:s24] =	ssyncadd.s32 $0xFFFFFF00  }
0x3ac: {  	_ =	sfence.sel $0x180000  }
0x3ad: {  	[bflag:$0x0] =	sbarrier.arrive $0xFFFF  }
0x3ae: {  	p0 =	sne.s32 s3, $0x0;
	_ =	strace $0x90000047  }
0x3af: {  	s0 =	sadd.s32 @!p0 $0x100000, s0;
	[bflag:$0x2] =	sbarrier.arrive $0xFFFF  }
0x3b0: {  	[sflag:s0] =	ssyncadd.tile.s32 @!p0 $0x1;
	_ =	shalt  }
.Lfunc_end2:
_tile_overlayer_lowered:
.L_overlay_start_2:
0x3b1: {  	(tag) =	ssettag $0x2  }
0x3b2: {  	s0 =	rddreg [dreg:$0x0];
	s2 =	stileid.u32  }
0x3b3: {  	s1 =	rddreg [dreg:$0x1];
	p0 =	sne.s32 s2, $0x0  }
0x3b4: {  	s3 =	rddreg [dreg:$0x2];
	[bflag:$0x3] =	sbarrier.arrive $0xFFFF;
	s2 =	simm.s32 @!p0 $0x1C01  }
0x3b5: {  	[timem:s3], [sflag:s2] =	dma.local @!p0 [hbm:s0], s1  }
0x3b6: {  	s0 =	simm.s32 @!p0 $0x1  }
0x3b7: {  	_ =	swait.ge @!p0 [sflag:s0], s1  }
0x3b8: {  	s1 =	ssub.s32 @!p0 $0x0, s1;
	[sflag:s0] =	ssyncset.done @!p0 $0x0  }
0x3b9: {  	[sflag:s0] =	ssyncadd.s32 @!p0 s1  }
0x3ba: {  	[bflag:$0x3] =	sbarrier.arrive $0xFFFF  }
0x3bb: {  	_ =	shalt  }

</sc_bundles>
